<compile_context>
chip_gen: v7x
topology: tpu7x:2x2x1
jax: 0.10.2.dev20260603
libtpu: 0.0.44.dev20260713+nightly
codegen_flags: <defaults>
</compile_context>

<pallas_src>
import jax
import jax.numpy as jnp
from jax import lax
from jax.experimental import pallas as pl
from jax.experimental.pallas import tpu as pltpu
from jax.experimental.pallas import tpu_sc as plsc

N_ROWS = 8192
N_COLS = 4096
BLK = 8
KEEP = 4

NC = 2
NS = 16
NW = NC * NS
PER_W = N_ROWS * N_COLS // NW
CHUNK = 16384
CW = CHUNK // 8
N_CHUNKS = PER_W // CHUNK
PANEL = 128
N_PANELS = CHUNK // PANEL


def _sc_body(x2_hbm, s2_hbm, o2_hbm,
             sb0, sb1, sb2, ob0, ob1, ob2,
             sx0, sx1, sx2, ss0, ss1, ss2, so0, so1, so2):
    x_hbm = x2_hbm.reshape(N_ROWS // 8, 8, N_COLS)
    s_hbm = s2_hbm.reshape(N_ROWS // 8, 8, N_COLS)
    o_hbm = o2_hbm.reshape(N_ROWS // 8, 8, N_COLS)
    wid = lax.axis_index("s") * NC + lax.axis_index("c")
    base_rc = wid * (N_CHUNKS // 2)

    lane8 = lax.iota(jnp.int32, 16) * 8

    sbufs, obufs = (sb0, sb1, sb2), (ob0, ob1, ob2)
    sxs, sss, sos = (sx0, sx1, sx2), (ss0, ss1, ss2), (so0, so1, so2)

    def in_copies(c, b):
        rc = base_rc + (c >> 1)
        ch = (c & 1) * CW
        return (
            pltpu.make_async_copy(
                x_hbm.at[rc, :, pl.ds(ch, CW)], obufs[b], sxs[b]),
            pltpu.make_async_copy(
                s_hbm.at[rc, :, pl.ds(ch, CW)], sbufs[b], sss[b]),
        )

    def out_copy(c, b):
        rc = base_rc + (c >> 1)
        ch = (c & 1) * CW
        return pltpu.make_async_copy(
            obufs[b], o_hbm.at[rc, :, pl.ds(ch, CW)], sos[b])

    def do_chunk(c, b):
        sb, ob = sbufs[b], obufs[b]

        cx, cs = in_copies(c, b)
        cx.wait()
        cs.wait()

        idx = [lane8 + k for k in range(BLK)]

        @plsc.parallel_loop(0, N_PANELS, unroll=2)
        def do_panel(p):
            r = p >> 4
            pbase = (p & 15) * PANEL
            sp = sb.at[r, pl.ds(pbase, PANEL)]
            op = ob.at[r, pl.ds(pbase, PANEL)]
            s = [plsc.load_gather(sp, [idx[k]]) for k in range(BLK)]
            terms = []
            for i in range(BLK):
                for j in range(i + 1, BLK):
                    kc = (1 << (4 * i)) - (1 << (4 * j))
                    terms.append(
                        jnp.where(s[j] < s[i], jnp.int32(kc), jnp.int32(0))
                    )
            while len(terms) > 1:
                terms = [
                    terms[t] + terms[t + 1] if t + 1 < len(terms) else terms[t]
                    for t in range(0, len(terms), 2)
                ]
            init = sum(k << (4 * k) for k in range(BLK))
            packed = jnp.full((16,), init, jnp.int32) + terms[0]
            zeros = jnp.zeros((16,), jnp.float32)
            for k in range(BLK):
                drop = (packed & (KEEP << (4 * k))) == 0
                plsc.store_scatter(op, [idx[k]], zeros, mask=drop)

        out_copy(c, b).start()

        b2 = (b + 2) % 3

        @pl.when(c + 2 < N_CHUNKS)
        def _():
            @pl.when(c >= 1)
            def _():
                out_copy(c - 1, b2).wait()
            nx, ns = in_copies(c + 2, b2)
            nx.start()
            ns.start()

    nx0, ns0 = in_copies(0, 0)
    nx0.start()
    ns0.start()
    nx1, ns1 = in_copies(1, 1)
    nx1.start()
    ns1.start()

    def tri_body(i, _):
        do_chunk(3 * i, 0)
        do_chunk(3 * i + 1, 1)
        do_chunk(3 * i + 2, 2)
        return ()

    lax.fori_loop(0, N_CHUNKS // 3, tri_body, ())
    for c in range((N_CHUNKS // 3) * 3, N_CHUNKS):
        do_chunk(c, c % 3)
    out_copy(N_CHUNKS - 3, (N_CHUNKS - 3) % 3).wait()
    out_copy(N_CHUNKS - 2, (N_CHUNKS - 2) % 3).wait()
    out_copy(N_CHUNKS - 1, (N_CHUNKS - 1) % 3).wait()


@jax.jit
def _sparsify(x, s):
    mesh = plsc.VectorSubcoreMesh(core_axis_name="c", subcore_axis_name="s")
    run = pl.kernel(
        _sc_body,
        mesh=mesh,
        out_type=jax.ShapeDtypeStruct((N_ROWS, N_COLS), jnp.float32),
        scratch_types=(
            [pltpu.VMEM((8, CW), jnp.float32)] * 6
            + [pltpu.SemaphoreType.DMA] * 9
        ),
        compiler_params=pltpu.CompilerParams(needs_layout_passes=False),
    )
    return run(x, s)


def kernel(x, score):
    return _sparsify(x, score)

# --- scband reference (transcript-rebuilt; emitter-appended) ---
"""Pipeline reference for scband-sparsify-111669149795 (READ-ONLY COPY).

The authoritative reference and input builder live on the scoring server;
editing this copy changes nothing except your own understanding.
"""

import jax, jax.numpy as jnp
import numpy as np

K = 4
BLOCK_SIZE = 8


def setup_inputs(seed: int = 0) -> dict:
    key = jax.random.key(seed)
    k1, k2 = jax.random.split(key)
    x = jax.random.normal(k1, (8192, 4096), dtype=jnp.float32)
    # learned score parameter, initialized like torch.rand (uniform [0,1))
    score = jax.random.uniform(k2, (8192, 4096), dtype=jnp.float32)
    return {"x": x, "score": score}


def _block_topk_mask(score):
    # BlockTopK: K=4 nonzeros out of block_size=8 along last dim (block_dim=-1)
    orig_shape = score.shape
    blocks = score.reshape(-1, BLOCK_SIZE)
    n_blocks = blocks.shape[0]
    # argsort ascending; zero out the smallest (block_size - K) entries per block
    idx = jnp.argsort(blocks, axis=1)[:, : BLOCK_SIZE - K]
    mask = jnp.ones_like(blocks)
    rows = jnp.arange(n_blocks)[:, None]
    mask = mask.at[rows, idx].set(0.0)
    return mask.reshape(orig_shape)


def reference(x, score):
    # Sparsify.forward with BlockTopK sparseness: recompute mask from score, apply to x
    mask = _block_topk_mask(score)
    return x * mask

if __name__ == "__main__":
    import jax
    _d = setup_inputs()
    print(jax.jit(kernel)(*tuple(_d.values())))

</pallas_src>

<mosaic_0001>
#map = affine_map<(d0, d1) -> (0, 0)>
module attributes {stable_mosaic.version = 14 : i64} {
  func.func @_sc_body(%arg0: i32, %arg1: i32, %arg2: memref<8192x4096xf32, #tpu.memory_space<hbm>>, %arg3: memref<8192x4096xf32, #tpu.memory_space<hbm>>, %arg4: memref<8192x4096xf32, #tpu.memory_space<hbm>>, %arg5: memref<8x2048xf32, #tpu.memory_space<vmem>>, %arg6: memref<8x2048xf32, #tpu.memory_space<vmem>>, %arg7: memref<8x2048xf32, #tpu.memory_space<vmem>>, %arg8: memref<8x2048xf32, #tpu.memory_space<vmem>>, %arg9: memref<8x2048xf32, #tpu.memory_space<vmem>>, %arg10: memref<8x2048xf32, #tpu.memory_space<vmem>>, %arg11: memref<!tpu.dma_semaphore, #tpu.memory_space<semaphore_mem>>, %arg12: memref<!tpu.dma_semaphore, #tpu.memory_space<semaphore_mem>>, %arg13: memref<!tpu.dma_semaphore, #tpu.memory_space<semaphore_mem>>, %arg14: memref<!tpu.dma_semaphore, #tpu.memory_space<semaphore_mem>>, %arg15: memref<!tpu.dma_semaphore, #tpu.memory_space<semaphore_mem>>, %arg16: memref<!tpu.dma_semaphore, #tpu.memory_space<semaphore_mem>>, %arg17: memref<!tpu.dma_semaphore, #tpu.memory_space<semaphore_mem>>, %arg18: memref<!tpu.dma_semaphore, #tpu.memory_space<semaphore_mem>>, %arg19: memref<!tpu.dma_semaphore, #tpu.memory_space<semaphore_mem>>) attributes {dimension_semantics = [#tpu.dimension_semantics<core_parallel>, #tpu.dimension_semantics<subcore_parallel>], iteration_bounds = array<i64: 2, 16>, scalar_prefetch = 0 : i64, scratch_operands = 15 : i64, tpu.core_type = #tpu.core_type<sc_vector_subcore>, window_params = [{transform_indices = #map}, {transform_indices = #map}, {transform_indices = #map}]} {
    %mul3A = arith.constant 2 : i32
    %mul3A_0 = arith.muli %arg1, %mul3A : i32
    %add3A = arith.addi %mul3A_0, %arg0 : i32
    %mul3A_1 = arith.constant 32 : i32
    %mul3A_2 = arith.muli %add3A, %mul3A_1 : i32
    %iota3A = tpu.iota {dimensions = array<i32: 0>} : vector<16xi32>
    %mul3A_3 = arith.constant 8 : i32
    %mul3A_4 = vector.broadcast %mul3A_3 : i32 to vector<16xi32>
    %mul3A_5 = arith.muli %iota3A, %mul3A_4 : vector<16xi32>
    %add3A_6 = arith.constant 0 : i32
    %add3A_7 = arith.addi %mul3A_2, %add3A_6 : i32
    %dma_start3A = tpu.memref_reshape %arg2 : memref<8192x4096xf32, #tpu.memory_space<hbm>> -> memref<1024x8x4096xf32, #tpu.memory_space<hbm>>
    %dma_start3A_8 = arith.constant 0 : i32
    %dma_start3A_9 = arith.constant 0 : i32
    %dma_start3A_10 = tpu.memref_slice %dma_start3A[%add3A_7, %dma_start3A_8, %dma_start3A_9] : memref<1024x8x4096xf32, #tpu.memory_space<hbm>> -> memref<1x8x2048xf32, #tpu.memory_space<hbm>>
    %dma_start3A_11 = tpu.memref_squeeze %dma_start3A_10 : memref<1x8x2048xf32, #tpu.memory_space<hbm>> -> memref<8x2048xf32, #tpu.memory_space<hbm>>
    %dma_start3A_12 = tpu.memref_reshape %arg2 : memref<8192x4096xf32, #tpu.memory_space<hbm>> -> memref<1024x8x4096xf32, #tpu.memory_space<hbm>>
    %dma_start3A_13 = arith.constant 0 : i32
    %dma_start3A_14 = arith.constant 0 : i32
    %dma_start3A_15 = tpu.memref_slice %dma_start3A_12[%add3A_7, %dma_start3A_13, %dma_start3A_14] : memref<1024x8x4096xf32, #tpu.memory_space<hbm>> -> memref<1x8x2048xf32, #tpu.memory_space<hbm>>
    %dma_start3A_16 = tpu.memref_squeeze %dma_start3A_15 : memref<1x8x2048xf32, #tpu.memory_space<hbm>> -> memref<8x2048xf32, #tpu.memory_space<hbm>>
    tpu.enqueue_dma source(%dma_start3A_16 : memref<8x2048xf32, #tpu.memory_space<hbm>>) target(%arg8 : memref<8x2048xf32, #tpu.memory_space<vmem>>) target_semaphore(%arg11 : memref<!tpu.dma_semaphore, #tpu.memory_space<semaphore_mem>>)
    %dma_start3A_17 = tpu.memref_reshape %arg3 : memref<8192x4096xf32, #tpu.memory_space<hbm>> -> memref<1024x8x4096xf32, #tpu.memory_space<hbm>>
    %dma_start3A_18 = arith.constant 0 : i32
    %dma_start3A_19 = arith.constant 0 : i32
    %dma_start3A_20 = tpu.memref_slice %dma_start3A_17[%add3A_7, %dma_start3A_18, %dma_start3A_19] : memref<1024x8x4096xf32, #tpu.memory_space<hbm>> -> memref<1x8x2048xf32, #tpu.memory_space<hbm>>
    %dma_start3A_21 = tpu.memref_squeeze %dma_start3A_20 : memref<1x8x2048xf32, #tpu.memory_space<hbm>> -> memref<8x2048xf32, #tpu.memory_space<hbm>>
    %dma_start3A_22 = tpu.memref_reshape %arg3 : memref<8192x4096xf32, #tpu.memory_space<hbm>> -> memref<1024x8x4096xf32, #tpu.memory_space<hbm>>
    %dma_start3A_23 = arith.constant 0 : i32
    %dma_start3A_24 = arith.constant 0 : i32
    %dma_start3A_25 = tpu.memref_slice %dma_start3A_22[%add3A_7, %dma_start3A_23, %dma_start3A_24] : memref<1024x8x4096xf32, #tpu.memory_space<hbm>> -> memref<1x8x2048xf32, #tpu.memory_space<hbm>>
    %dma_start3A_26 = tpu.memref_squeeze %dma_start3A_25 : memref<1x8x2048xf32, #tpu.memory_space<hbm>> -> memref<8x2048xf32, #tpu.memory_space<hbm>>
    tpu.enqueue_dma source(%dma_start3A_26 : memref<8x2048xf32, #tpu.memory_space<hbm>>) target(%arg5 : memref<8x2048xf32, #tpu.memory_space<vmem>>) target_semaphore(%arg14 : memref<!tpu.dma_semaphore, #tpu.memory_space<semaphore_mem>>)
    %add3A_27 = arith.constant 0 : i32
    %add3A_28 = arith.addi %mul3A_2, %add3A_27 : i32
    %dma_start3A_29 = tpu.memref_reshape %arg2 : memref<8192x4096xf32, #tpu.memory_space<hbm>> -> memref<1024x8x4096xf32, #tpu.memory_space<hbm>>
    %dma_start3A_30 = arith.constant 0 : i32
    %dma_start3A_31 = arith.constant 2048 : i32
    %dma_start3A_32 = tpu.memref_slice %dma_start3A_29[%add3A_28, %dma_start3A_30, %dma_start3A_31] : memref<1024x8x4096xf32, #tpu.memory_space<hbm>> -> memref<1x8x2048xf32, #tpu.memory_space<hbm>>
    %dma_start3A_33 = tpu.memref_squeeze %dma_start3A_32 : memref<1x8x2048xf32, #tpu.memory_space<hbm>> -> memref<8x2048xf32, #tpu.memory_space<hbm>>
    %dma_start3A_34 = tpu.memref_reshape %arg2 : memref<8192x4096xf32, #tpu.memory_space<hbm>> -> memref<1024x8x4096xf32, #tpu.memory_space<hbm>>
    %dma_start3A_35 = arith.constant 0 : i32
    %dma_start3A_36 = arith.constant 2048 : i32
    %dma_start3A_37 = tpu.memref_slice %dma_start3A_34[%add3A_28, %dma_start3A_35, %dma_start3A_36] : memref<1024x8x4096xf32, #tpu.memory_space<hbm>> -> memref<1x8x2048xf32, #tpu.memory_space<hbm>>
    %dma_start3A_38 = tpu.memref_squeeze %dma_start3A_37 : memref<1x8x2048xf32, #tpu.memory_space<hbm>> -> memref<8x2048xf32, #tpu.memory_space<hbm>>
    tpu.enqueue_dma source(%dma_start3A_38 : memref<8x2048xf32, #tpu.memory_space<hbm>>) target(%arg9 : memref<8x2048xf32, #tpu.memory_space<vmem>>) target_semaphore(%arg12 : memref<!tpu.dma_semaphore, #tpu.memory_space<semaphore_mem>>)
    %dma_start3A_39 = tpu.memref_reshape %arg3 : memref<8192x4096xf32, #tpu.memory_space<hbm>> -> memref<1024x8x4096xf32, #tpu.memory_space<hbm>>
    %dma_start3A_40 = arith.constant 0 : i32
    %dma_start3A_41 = arith.constant 2048 : i32
    %dma_start3A_42 = tpu.memref_slice %dma_start3A_39[%add3A_28, %dma_start3A_40, %dma_start3A_41] : memref<1024x8x4096xf32, #tpu.memory_space<hbm>> -> memref<1x8x2048xf32, #tpu.memory_space<hbm>>
    %dma_start3A_43 = tpu.memref_squeeze %dma_start3A_42 : memref<1x8x2048xf32, #tpu.memory_space<hbm>> -> memref<8x2048xf32, #tpu.memory_space<hbm>>
    %dma_start3A_44 = tpu.memref_reshape %arg3 : memref<8192x4096xf32, #tpu.memory_space<hbm>> -> memref<1024x8x4096xf32, #tpu.memory_space<hbm>>
    %dma_start3A_45 = arith.constant 0 : i32
    %dma_start3A_46 = arith.constant 2048 : i32
    %dma_start3A_47 = tpu.memref_slice %dma_start3A_44[%add3A_28, %dma_start3A_45, %dma_start3A_46] : memref<1024x8x4096xf32, #tpu.memory_space<hbm>> -> memref<1x8x2048xf32, #tpu.memory_space<hbm>>
    %dma_start3A_48 = tpu.memref_squeeze %dma_start3A_47 : memref<1x8x2048xf32, #tpu.memory_space<hbm>> -> memref<8x2048xf32, #tpu.memory_space<hbm>>
    tpu.enqueue_dma source(%dma_start3A_48 : memref<8x2048xf32, #tpu.memory_space<hbm>>) target(%arg6 : memref<8x2048xf32, #tpu.memory_space<vmem>>) target_semaphore(%arg15 : memref<!tpu.dma_semaphore, #tpu.memory_space<semaphore_mem>>)
    %scan3A = arith.constant 0 : i32
    %scan3A_49 = arith.constant 21 : i32
    %scan3A_50 = arith.addi %scan3A, %scan3A_49 : i32
    %scan3A_51 = arith.constant 1 : i32
    scf.for %scan3A_148 = %scan3A to %scan3A_50 step %scan3A_51  : i32 {
      %mul3A_149 = arith.constant 3 : i32
      %mul3A_150 = arith.muli %mul3A_149, %scan3A_148 : i32
      %shift_right_arithmetic3A = arith.constant 1 : i32
      %shift_right_arithmetic3A_151 = arith.shrsi %mul3A_150, %shift_right_arithmetic3A : i32
      %add3A_152 = arith.addi %mul3A_2, %shift_right_arithmetic3A_151 : i32
      %and3A = arith.constant 1 : i32
      %and3A_153 = arith.andi %mul3A_150, %and3A : i32
      %mul3A_154 = arith.constant 2048 : i32
      %mul3A_155 = arith.muli %and3A_153, %mul3A_154 : i32
      %dma_wait3A_156 = tpu.memref_reshape %arg2 : memref<8192x4096xf32, #tpu.memory_space<hbm>> -> memref<1024x8x4096xf32, #tpu.memory_space<hbm>>
      %dma_wait3A_157 = arith.constant 0 : i32
      %dma_wait3A_158 = tpu.memref_slice %dma_wait3A_156[%add3A_152, %dma_wait3A_157, %mul3A_155] : memref<1024x8x4096xf32, #tpu.memory_space<hbm>> -> memref<1x8x2048xf32, #tpu.memory_space<hbm>>
      %dma_wait3A_159 = tpu.memref_squeeze %dma_wait3A_158 : memref<1x8x2048xf32, #tpu.memory_space<hbm>> -> memref<8x2048xf32, #tpu.memory_space<hbm>>
      %dma_wait3A_160 = tpu.memref_reshape %arg2 : memref<8192x4096xf32, #tpu.memory_space<hbm>> -> memref<1024x8x4096xf32, #tpu.memory_space<hbm>>
      %dma_wait3A_161 = arith.constant 0 : i32
      %dma_wait3A_162 = tpu.memref_slice %dma_wait3A_160[%add3A_152, %dma_wait3A_161, %mul3A_155] : memref<1024x8x4096xf32, #tpu.memory_space<hbm>> -> memref<1x8x2048xf32, #tpu.memory_space<hbm>>
      %dma_wait3A_163 = tpu.memref_squeeze %dma_wait3A_162 : memref<1x8x2048xf32, #tpu.memory_space<hbm>> -> memref<8x2048xf32, #tpu.memory_space<hbm>>
      tpu.wait_dma2 semaphore(%arg11 : memref<!tpu.dma_semaphore, #tpu.memory_space<semaphore_mem>>) src(%dma_wait3A_163 : memref<8x2048xf32, #tpu.memory_space<hbm>>) dst(%arg8 : memref<8x2048xf32, #tpu.memory_space<vmem>>)
      %dma_wait3A_164 = tpu.memref_reshape %arg3 : memref<8192x4096xf32, #tpu.memory_space<hbm>> -> memref<1024x8x4096xf32, #tpu.memory_space<hbm>>
      %dma_wait3A_165 = arith.constant 0 : i32
      %dma_wait3A_166 = tpu.memref_slice %dma_wait3A_164[%add3A_152, %dma_wait3A_165, %mul3A_155] : memref<1024x8x4096xf32, #tpu.memory_space<hbm>> -> memref<1x8x2048xf32, #tpu.memory_space<hbm>>
      %dma_wait3A_167 = tpu.memref_squeeze %dma_wait3A_166 : memref<1x8x2048xf32, #tpu.memory_space<hbm>> -> memref<8x2048xf32, #tpu.memory_space<hbm>>
      %dma_wait3A_168 = tpu.memref_reshape %arg3 : memref<8192x4096xf32, #tpu.memory_space<hbm>> -> memref<1024x8x4096xf32, #tpu.memory_space<hbm>>
      %dma_wait3A_169 = arith.constant 0 : i32
      %dma_wait3A_170 = tpu.memref_slice %dma_wait3A_168[%add3A_152, %dma_wait3A_169, %mul3A_155] : memref<1024x8x4096xf32, #tpu.memory_space<hbm>> -> memref<1x8x2048xf32, #tpu.memory_space<hbm>>
      %dma_wait3A_171 = tpu.memref_squeeze %dma_wait3A_170 : memref<1x8x2048xf32, #tpu.memory_space<hbm>> -> memref<8x2048xf32, #tpu.memory_space<hbm>>
      tpu.wait_dma2 semaphore(%arg14 : memref<!tpu.dma_semaphore, #tpu.memory_space<semaphore_mem>>) src(%dma_wait3A_171 : memref<8x2048xf32, #tpu.memory_space<hbm>>) dst(%arg5 : memref<8x2048xf32, #tpu.memory_space<vmem>>)
      %add3A_172 = arith.constant 0 : i32
      %add3A_173 = vector.broadcast %add3A_172 : i32 to vector<16xi32>
      %add3A_174 = arith.addi %mul3A_5, %add3A_173 : vector<16xi32>
      %add3A_175 = arith.constant 1 : i32
      %add3A_176 = vector.broadcast %add3A_175 : i32 to vector<16xi32>
      %add3A_177 = arith.addi %mul3A_5, %add3A_176 : vector<16xi32>
      %add3A_178 = arith.constant 2 : i32
      %add3A_179 = vector.broadcast %add3A_178 : i32 to vector<16xi32>
      %add3A_180 = arith.addi %mul3A_5, %add3A_179 : vector<16xi32>
      %add3A_181 = arith.constant 3 : i32
      %add3A_182 = vector.broadcast %add3A_181 : i32 to vector<16xi32>
      %add3A_183 = arith.addi %mul3A_5, %add3A_182 : vector<16xi32>
      %add3A_184 = arith.constant 4 : i32
      %add3A_185 = vector.broadcast %add3A_184 : i32 to vector<16xi32>
      %add3A_186 = arith.addi %mul3A_5, %add3A_185 : vector<16xi32>
      %add3A_187 = arith.constant 5 : i32
      %add3A_188 = vector.broadcast %add3A_187 : i32 to vector<16xi32>
      %add3A_189 = arith.addi %mul3A_5, %add3A_188 : vector<16xi32>
      %add3A_190 = arith.constant 6 : i32
      %add3A_191 = vector.broadcast %add3A_190 : i32 to vector<16xi32>
      %add3A_192 = arith.addi %mul3A_5, %add3A_191 : vector<16xi32>
      %add3A_193 = arith.constant 7 : i32
      %add3A_194 = vector.broadcast %add3A_193 : i32 to vector<16xi32>
      %add3A_195 = arith.addi %mul3A_5, %add3A_194 : vector<16xi32>
      %parallel_loop3A_196 = arith.constant 0 : i32
      %parallel_loop3A_197 = arith.constant 128 : i32
      %parallel_loop3A_198 = arith.constant 1 : i32
      scf.for %parallel_loop3A_370 = %parallel_loop3A_196 to %parallel_loop3A_197 step %parallel_loop3A_198  : i32 {
        %parallel_loop3A_371 = arith.constant 4 : i32
        %parallel_loop3A_372 = arith.shrsi %parallel_loop3A_370, %parallel_loop3A_371 : i32
        %parallel_loop3A_373 = arith.constant 15 : i32
        %parallel_loop3A_374 = arith.andi %parallel_loop3A_370, %parallel_loop3A_373 : i32
        %parallel_loop3A_375 = arith.constant 128 : i32
        %parallel_loop3A_376 = arith.muli %parallel_loop3A_374, %parallel_loop3A_375 : i32
        %parallel_loop3A_377 = tpu.memref_slice %arg5[%parallel_loop3A_372, %parallel_loop3A_376] : memref<8x2048xf32, #tpu.memory_space<vmem>> -> memref<1x128xf32, #tpu.memory_space<vmem>>
        %parallel_loop3A_378 = tpu.memref_squeeze %parallel_loop3A_377 : memref<1x128xf32, #tpu.memory_space<vmem>> -> memref<128xf32, #tpu.memory_space<vmem>>
        %parallel_loop3A_379 = tpu.vector_load_idx %parallel_loop3A_378[%add3A_174] : memref<128xf32, #tpu.memory_space<vmem>>[vector<16xi32>], vector<16xf32>,
        %parallel_loop3A_380 = tpu.memref_slice %arg5[%parallel_loop3A_372, %parallel_loop3A_376] : memref<8x2048xf32, #tpu.memory_space<vmem>> -> memref<1x128xf32, #tpu.memory_space<vmem>>
        %parallel_loop3A_381 = tpu.memref_squeeze %parallel_loop3A_380 : memref<1x128xf32, #tpu.memory_space<vmem>> -> memref<128xf32, #tpu.memory_space<vmem>>
        %parallel_loop3A_382 = tpu.vector_load_idx %parallel_loop3A_381[%add3A_177] : memref<128xf32, #tpu.memory_space<vmem>>[vector<16xi32>], vector<16xf32>,
        %parallel_loop3A_383 = tpu.memref_slice %arg5[%parallel_loop3A_372, %parallel_loop3A_376] : memref<8x2048xf32, #tpu.memory_space<vmem>> -> memref<1x128xf32, #tpu.memory_space<vmem>>
        %parallel_loop3A_384 = tpu.memref_squeeze %parallel_loop3A_383 : memref<1x128xf32, #tpu.memory_space<vmem>> -> memref<128xf32, #tpu.memory_space<vmem>>
        %parallel_loop3A_385 = tpu.vector_load_idx %parallel_loop3A_384[%add3A_180] : memref<128xf32, #tpu.memory_space<vmem>>[vector<16xi32>], vector<16xf32>,
        %parallel_loop3A_386 = tpu.memref_slice %arg5[%parallel_loop3A_372, %parallel_loop3A_376] : memref<8x2048xf32, #tpu.memory_space<vmem>> -> memref<1x128xf32, #tpu.memory_space<vmem>>
        %parallel_loop3A_387 = tpu.memref_squeeze %parallel_loop3A_386 : memref<1x128xf32, #tpu.memory_space<vmem>> -> memref<128xf32, #tpu.memory_space<vmem>>
        %parallel_loop3A_388 = tpu.vector_load_idx %parallel_loop3A_387[%add3A_183] : memref<128xf32, #tpu.memory_space<vmem>>[vector<16xi32>], vector<16xf32>,
        %parallel_loop3A_389 = tpu.memref_slice %arg5[%parallel_loop3A_372, %parallel_loop3A_376] : memref<8x2048xf32, #tpu.memory_space<vmem>> -> memref<1x128xf32, #tpu.memory_space<vmem>>
        %parallel_loop3A_390 = tpu.memref_squeeze %parallel_loop3A_389 : memref<1x128xf32, #tpu.memory_space<vmem>> -> memref<128xf32, #tpu.memory_space<vmem>>
        %parallel_loop3A_391 = tpu.vector_load_idx %parallel_loop3A_390[%add3A_186] : memref<128xf32, #tpu.memory_space<vmem>>[vector<16xi32>], vector<16xf32>,
        %parallel_loop3A_392 = tpu.memref_slice %arg5[%parallel_loop3A_372, %parallel_loop3A_376] : memref<8x2048xf32, #tpu.memory_space<vmem>> -> memref<1x128xf32, #tpu.memory_space<vmem>>
        %parallel_loop3A_393 = tpu.memref_squeeze %parallel_loop3A_392 : memref<1x128xf32, #tpu.memory_space<vmem>> -> memref<128xf32, #tpu.memory_space<vmem>>
        %parallel_loop3A_394 = tpu.vector_load_idx %parallel_loop3A_393[%add3A_189] : memref<128xf32, #tpu.memory_space<vmem>>[vector<16xi32>], vector<16xf32>,
        %parallel_loop3A_395 = tpu.memref_slice %arg5[%parallel_loop3A_372, %parallel_loop3A_376] : memref<8x2048xf32, #tpu.memory_space<vmem>> -> memref<1x128xf32, #tpu.memory_space<vmem>>
        %parallel_loop3A_396 = tpu.memref_squeeze %parallel_loop3A_395 : memref<1x128xf32, #tpu.memory_space<vmem>> -> memref<128xf32, #tpu.memory_space<vmem>>
        %parallel_loop3A_397 = tpu.vector_load_idx %parallel_loop3A_396[%add3A_192] : memref<128xf32, #tpu.memory_space<vmem>>[vector<16xi32>], vector<16xf32>,
        %parallel_loop3A_398 = tpu.memref_slice %arg5[%parallel_loop3A_372, %parallel_loop3A_376] : memref<8x2048xf32, #tpu.memory_space<vmem>> -> memref<1x128xf32, #tpu.memory_space<vmem>>
        %parallel_loop3A_399 = tpu.memref_squeeze %parallel_loop3A_398 : memref<1x128xf32, #tpu.memory_space<vmem>> -> memref<128xf32, #tpu.memory_space<vmem>>
        %parallel_loop3A_400 = tpu.vector_load_idx %parallel_loop3A_399[%add3A_195] : memref<128xf32, #tpu.memory_space<vmem>>[vector<16xi32>], vector<16xf32>,
        %parallel_loop3A_401 = arith.cmpf olt, %parallel_loop3A_382, %parallel_loop3A_379 : vector<16xf32>
        %parallel_loop3A_402 = arith.constant -15 : i32
        %parallel_loop3A_403 = arith.constant 0 : i32
        %parallel_loop3A_404 = vector.broadcast %parallel_loop3A_402 : i32 to vector<16xi32>
        %parallel_loop3A_405 = vector.broadcast %parallel_loop3A_403 : i32 to vector<16xi32>
        %parallel_loop3A_406 = arith.select %parallel_loop3A_401, %parallel_loop3A_404, %parallel_loop3A_405 : vector<16xi1>, vector<16xi32>
        %parallel_loop3A_407 = arith.cmpf olt, %parallel_loop3A_385, %parallel_loop3A_379 : vector<16xf32>
        %parallel_loop3A_408 = arith.constant -255 : i32
        %parallel_loop3A_409 = arith.constant 0 : i32
        %parallel_loop3A_410 = vector.broadcast %parallel_loop3A_408 : i32 to vector<16xi32>
        %parallel_loop3A_411 = vector.broadcast %parallel_loop3A_409 : i32 to vector<16xi32>
        %parallel_loop3A_412 = arith.select %parallel_loop3A_407, %parallel_loop3A_410, %parallel_loop3A_411 : vector<16xi1>, vector<16xi32>
        %parallel_loop3A_413 = arith.cmpf olt, %parallel_loop3A_388, %parallel_loop3A_379 : vector<16xf32>
        %parallel_loop3A_414 = arith.constant -4095 : i32
        %parallel_loop3A_415 = arith.constant 0 : i32
        %parallel_loop3A_416 = vector.broadcast %parallel_loop3A_414 : i32 to vector<16xi32>
        %parallel_loop3A_417 = vector.broadcast %parallel_loop3A_415 : i32 to vector<16xi32>
        %parallel_loop3A_418 = arith.select %parallel_loop3A_413, %parallel_loop3A_416, %parallel_loop3A_417 : vector<16xi1>, vector<16xi32>
        %parallel_loop3A_419 = arith.cmpf olt, %parallel_loop3A_391, %parallel_loop3A_379 : vector<16xf32>
        %parallel_loop3A_420 = arith.constant -65535 : i32
        %parallel_loop3A_421 = arith.constant 0 : i32
        %parallel_loop3A_422 = vector.broadcast %parallel_loop3A_420 : i32 to vector<16xi32>
        %parallel_loop3A_423 = vector.broadcast %parallel_loop3A_421 : i32 to vector<16xi32>
        %parallel_loop3A_424 = arith.select %parallel_loop3A_419, %parallel_loop3A_422, %parallel_loop3A_423 : vector<16xi1>, vector<16xi32>
        %parallel_loop3A_425 = arith.cmpf olt, %parallel_loop3A_394, %parallel_loop3A_379 : vector<16xf32>
        %parallel_loop3A_426 = arith.constant -1048575 : i32
        %parallel_loop3A_427 = arith.constant 0 : i32
        %parallel_loop3A_428 = vector.broadcast %parallel_loop3A_426 : i32 to vector<16xi32>
        %parallel_loop3A_429 = vector.broadcast %parallel_loop3A_427 : i32 to vector<16xi32>
        %parallel_loop3A_430 = arith.select %parallel_loop3A_425, %parallel_loop3A_428, %parallel_loop3A_429 : vector<16xi1>, vector<16xi32>
        %parallel_loop3A_431 = arith.cmpf olt, %parallel_loop3A_397, %parallel_loop3A_379 : vector<16xf32>
        %parallel_loop3A_432 = arith.constant -16777215 : i32
        %parallel_loop3A_433 = arith.constant 0 : i32
        %parallel_loop3A_434 = vector.broadcast %parallel_loop3A_432 : i32 to vector<16xi32>
        %parallel_loop3A_435 = vector.broadcast %parallel_loop3A_433 : i32 to vector<16xi32>
        %parallel_loop3A_436 = arith.select %parallel_loop3A_431, %parallel_loop3A_434, %parallel_loop3A_435 : vector<16xi1>, vector<16xi32>
        %parallel_loop3A_437 = arith.cmpf olt, %parallel_loop3A_400, %parallel_loop3A_379 : vector<16xf32>
        %parallel_loop3A_438 = arith.constant -268435455 : i32
        %parallel_loop3A_439 = arith.constant 0 : i32
        %parallel_loop3A_440 = vector.broadcast %parallel_loop3A_438 : i32 to vector<16xi32>
        %parallel_loop3A_441 = vector.broadcast %parallel_loop3A_439 : i32 to vector<16xi32>
        %parallel_loop3A_442 = arith.select %parallel_loop3A_437, %parallel_loop3A_440, %parallel_loop3A_441 : vector<16xi1>, vector<16xi32>
        %parallel_loop3A_443 = arith.cmpf olt, %parallel_loop3A_385, %parallel_loop3A_382 : vector<16xf32>
        %parallel_loop3A_444 = arith.constant -240 : i32
        %parallel_loop3A_445 = arith.constant 0 : i32
        %parallel_loop3A_446 = vector.broadcast %parallel_loop3A_444 : i32 to vector<16xi32>
        %parallel_loop3A_447 = vector.broadcast %parallel_loop3A_445 : i32 to vector<16xi32>
        %parallel_loop3A_448 = arith.select %parallel_loop3A_443, %parallel_loop3A_446, %parallel_loop3A_447 : vector<16xi1>, vector<16xi32>
        %parallel_loop3A_449 = arith.cmpf olt, %parallel_loop3A_388, %parallel_loop3A_382 : vector<16xf32>
        %parallel_loop3A_450 = arith.constant -4080 : i32
        %parallel_loop3A_451 = arith.constant 0 : i32
        %parallel_loop3A_452 = vector.broadcast %parallel_loop3A_450 : i32 to vector<16xi32>
        %parallel_loop3A_453 = vector.broadcast %parallel_loop3A_451 : i32 to vector<16xi32>
        %parallel_loop3A_454 = arith.select %parallel_loop3A_449, %parallel_loop3A_452, %parallel_loop3A_453 : vector<16xi1>, vector<16xi32>
        %parallel_loop3A_455 = arith.cmpf olt, %parallel_loop3A_391, %parallel_loop3A_382 : vector<16xf32>
        %parallel_loop3A_456 = arith.constant -65520 : i32
        %parallel_loop3A_457 = arith.constant 0 : i32
        %parallel_loop3A_458 = vector.broadcast %parallel_loop3A_456 : i32 to vector<16xi32>
        %parallel_loop3A_459 = vector.broadcast %parallel_loop3A_457 : i32 to vector<16xi32>
        %parallel_loop3A_460 = arith.select %parallel_loop3A_455, %parallel_loop3A_458, %parallel_loop3A_459 : vector<16xi1>, vector<16xi32>
        %parallel_loop3A_461 = arith.cmpf olt, %parallel_loop3A_394, %parallel_loop3A_382 : vector<16xf32>
        %parallel_loop3A_462 = arith.constant -1048560 : i32
        %parallel_loop3A_463 = arith.constant 0 : i32
        %parallel_loop3A_464 = vector.broadcast %parallel_loop3A_462 : i32 to vector<16xi32>
        %parallel_loop3A_465 = vector.broadcast %parallel_loop3A_463 : i32 to vector<16xi32>
        %parallel_loop3A_466 = arith.select %parallel_loop3A_461, %parallel_loop3A_464, %parallel_loop3A_465 : vector<16xi1>, vector<16xi32>
        %parallel_loop3A_467 = arith.cmpf olt, %parallel_loop3A_397, %parallel_loop3A_382 : vector<16xf32>
        %parallel_loop3A_468 = arith.constant -16777200 : i32
        %parallel_loop3A_469 = arith.constant 0 : i32
        %parallel_loop3A_470 = vector.broadcast %parallel_loop3A_468 : i32 to vector<16xi32>
        %parallel_loop3A_471 = vector.broadcast %parallel_loop3A_469 : i32 to vector<16xi32>
        %parallel_loop3A_472 = arith.select %parallel_loop3A_467, %parallel_loop3A_470, %parallel_loop3A_471 : vector<16xi1>, vector<16xi32>
        %parallel_loop3A_473 = arith.cmpf olt, %parallel_loop3A_400, %parallel_loop3A_382 : vector<16xf32>
        %parallel_loop3A_474 = arith.constant -268435440 : i32
        %parallel_loop3A_475 = arith.constant 0 : i32
        %parallel_loop3A_476 = vector.broadcast %parallel_loop3A_474 : i32 to vector<16xi32>
        %parallel_loop3A_477 = vector.broadcast %parallel_loop3A_475 : i32 to vector<16xi32>
        %parallel_loop3A_478 = arith.select %parallel_loop3A_473, %parallel_loop3A_476, %parallel_loop3A_477 : vector<16xi1>, vector<16xi32>
        %parallel_loop3A_479 = arith.cmpf olt, %parallel_loop3A_388, %parallel_loop3A_385 : vector<16xf32>
        %parallel_loop3A_480 = arith.constant -3840 : i32
        %parallel_loop3A_481 = arith.constant 0 : i32
        %parallel_loop3A_482 = vector.broadcast %parallel_loop3A_480 : i32 to vector<16xi32>
        %parallel_loop3A_483 = vector.broadcast %parallel_loop3A_481 : i32 to vector<16xi32>
        %parallel_loop3A_484 = arith.select %parallel_loop3A_479, %parallel_loop3A_482, %parallel_loop3A_483 : vector<16xi1>, vector<16xi32>
        %parallel_loop3A_485 = arith.cmpf olt, %parallel_loop3A_391, %parallel_loop3A_385 : vector<16xf32>
        %parallel_loop3A_486 = arith.constant -65280 : i32
        %parallel_loop3A_487 = arith.constant 0 : i32
        %parallel_loop3A_488 = vector.broadcast %parallel_loop3A_486 : i32 to vector<16xi32>
        %parallel_loop3A_489 = vector.broadcast %parallel_loop3A_487 : i32 to vector<16xi32>
        %parallel_loop3A_490 = arith.select %parallel_loop3A_485, %parallel_loop3A_488, %parallel_loop3A_489 : vector<16xi1>, vector<16xi32>
        %parallel_loop3A_491 = arith.cmpf olt, %parallel_loop3A_394, %parallel_loop3A_385 : vector<16xf32>
        %parallel_loop3A_492 = arith.constant -1048320 : i32
        %parallel_loop3A_493 = arith.constant 0 : i32
        %parallel_loop3A_494 = vector.broadcast %parallel_loop3A_492 : i32 to vector<16xi32>
        %parallel_loop3A_495 = vector.broadcast %parallel_loop3A_493 : i32 to vector<16xi32>
        %parallel_loop3A_496 = arith.select %parallel_loop3A_491, %parallel_loop3A_494, %parallel_loop3A_495 : vector<16xi1>, vector<16xi32>
        %parallel_loop3A_497 = arith.cmpf olt, %parallel_loop3A_397, %parallel_loop3A_385 : vector<16xf32>
        %parallel_loop3A_498 = arith.constant -16776960 : i32
        %parallel_loop3A_499 = arith.constant 0 : i32
        %parallel_loop3A_500 = vector.broadcast %parallel_loop3A_498 : i32 to vector<16xi32>
        %parallel_loop3A_501 = vector.broadcast %parallel_loop3A_499 : i32 to vector<16xi32>
        %parallel_loop3A_502 = arith.select %parallel_loop3A_497, %parallel_loop3A_500, %parallel_loop3A_501 : vector<16xi1>, vector<16xi32>
        %parallel_loop3A_503 = arith.cmpf olt, %parallel_loop3A_400, %parallel_loop3A_385 : vector<16xf32>
        %parallel_loop3A_504 = arith.constant -268435200 : i32
        %parallel_loop3A_505 = arith.constant 0 : i32
        %parallel_loop3A_506 = vector.broadcast %parallel_loop3A_504 : i32 to vector<16xi32>
        %parallel_loop3A_507 = vector.broadcast %parallel_loop3A_505 : i32 to vector<16xi32>
        %parallel_loop3A_508 = arith.select %parallel_loop3A_503, %parallel_loop3A_506, %parallel_loop3A_507 : vector<16xi1>, vector<16xi32>
        %parallel_loop3A_509 = arith.cmpf olt, %parallel_loop3A_391, %parallel_loop3A_388 : vector<16xf32>
        %parallel_loop3A_510 = arith.constant -61440 : i32
        %parallel_loop3A_511 = arith.constant 0 : i32
        %parallel_loop3A_512 = vector.broadcast %parallel_loop3A_510 : i32 to vector<16xi32>
        %parallel_loop3A_513 = vector.broadcast %parallel_loop3A_511 : i32 to vector<16xi32>
        %parallel_loop3A_514 = arith.select %parallel_loop3A_509, %parallel_loop3A_512, %parallel_loop3A_513 : vector<16xi1>, vector<16xi32>
        %parallel_loop3A_515 = arith.cmpf olt, %parallel_loop3A_394, %parallel_loop3A_388 : vector<16xf32>
        %parallel_loop3A_516 = arith.constant -1044480 : i32
        %parallel_loop3A_517 = arith.constant 0 : i32
        %parallel_loop3A_518 = vector.broadcast %parallel_loop3A_516 : i32 to vector<16xi32>
        %parallel_loop3A_519 = vector.broadcast %parallel_loop3A_517 : i32 to vector<16xi32>
        %parallel_loop3A_520 = arith.select %parallel_loop3A_515, %parallel_loop3A_518, %parallel_loop3A_519 : vector<16xi1>, vector<16xi32>
        %parallel_loop3A_521 = arith.cmpf olt, %parallel_loop3A_397, %parallel_loop3A_388 : vector<16xf32>
        %parallel_loop3A_522 = arith.constant -16773120 : i32
        %parallel_loop3A_523 = arith.constant 0 : i32
        %parallel_loop3A_524 = vector.broadcast %parallel_loop3A_522 : i32 to vector<16xi32>
        %parallel_loop3A_525 = vector.broadcast %parallel_loop3A_523 : i32 to vector<16xi32>
        %parallel_loop3A_526 = arith.select %parallel_loop3A_521, %parallel_loop3A_524, %parallel_loop3A_525 : vector<16xi1>, vector<16xi32>
        %parallel_loop3A_527 = arith.cmpf olt, %parallel_loop3A_400, %parallel_loop3A_388 : vector<16xf32>
        %parallel_loop3A_528 = arith.constant -268431360 : i32
        %parallel_loop3A_529 = arith.constant 0 : i32
        %parallel_loop3A_530 = vector.broadcast %parallel_loop3A_528 : i32 to vector<16xi32>
        %parallel_loop3A_531 = vector.broadcast %parallel_loop3A_529 : i32 to vector<16xi32>
        %parallel_loop3A_532 = arith.select %parallel_loop3A_527, %parallel_loop3A_530, %parallel_loop3A_531 : vector<16xi1>, vector<16xi32>
        %parallel_loop3A_533 = arith.cmpf olt, %parallel_loop3A_394, %parallel_loop3A_391 : vector<16xf32>
        %parallel_loop3A_534 = arith.constant -983040 : i32
        %parallel_loop3A_535 = arith.constant 0 : i32
        %parallel_loop3A_536 = vector.broadcast %parallel_loop3A_534 : i32 to vector<16xi32>
        %parallel_loop3A_537 = vector.broadcast %parallel_loop3A_535 : i32 to vector<16xi32>
        %parallel_loop3A_538 = arith.select %parallel_loop3A_533, %parallel_loop3A_536, %parallel_loop3A_537 : vector<16xi1>, vector<16xi32>
        %parallel_loop3A_539 = arith.cmpf olt, %parallel_loop3A_397, %parallel_loop3A_391 : vector<16xf32>
        %parallel_loop3A_540 = arith.constant -16711680 : i32
        %parallel_loop3A_541 = arith.constant 0 : i32
        %parallel_loop3A_542 = vector.broadcast %parallel_loop3A_540 : i32 to vector<16xi32>
        %parallel_loop3A_543 = vector.broadcast %parallel_loop3A_541 : i32 to vector<16xi32>
        %parallel_loop3A_544 = arith.select %parallel_loop3A_539, %parallel_loop3A_542, %parallel_loop3A_543 : vector<16xi1>, vector<16xi32>
        %parallel_loop3A_545 = arith.cmpf olt, %parallel_loop3A_400, %parallel_loop3A_391 : vector<16xf32>
        %parallel_loop3A_546 = arith.constant -268369920 : i32
        %parallel_loop3A_547 = arith.constant 0 : i32
        %parallel_loop3A_548 = vector.broadcast %parallel_loop3A_546 : i32 to vector<16xi32>
        %parallel_loop3A_549 = vector.broadcast %parallel_loop3A_547 : i32 to vector<16xi32>
        %parallel_loop3A_550 = arith.select %parallel_loop3A_545, %parallel_loop3A_548, %parallel_loop3A_549 : vector<16xi1>, vector<16xi32>
        %parallel_loop3A_551 = arith.cmpf olt, %parallel_loop3A_397, %parallel_loop3A_394 : vector<16xf32>
        %parallel_loop3A_552 = arith.constant -15728640 : i32
        %parallel_loop3A_553 = arith.constant 0 : i32
        %parallel_loop3A_554 = vector.broadcast %parallel_loop3A_552 : i32 to vector<16xi32>
        %parallel_loop3A_555 = vector.broadcast %parallel_loop3A_553 : i32 to vector<16xi32>
        %parallel_loop3A_556 = arith.select %parallel_loop3A_551, %parallel_loop3A_554, %parallel_loop3A_555 : vector<16xi1>, vector<16xi32>
        %parallel_loop3A_557 = arith.cmpf olt, %parallel_loop3A_400, %parallel_loop3A_394 : vector<16xf32>
        %parallel_loop3A_558 = arith.constant -267386880 : i32
        %parallel_loop3A_559 = arith.constant 0 : i32
        %parallel_loop3A_560 = vector.broadcast %parallel_loop3A_558 : i32 to vector<16xi32>
        %parallel_loop3A_561 = vector.broadcast %parallel_loop3A_559 : i32 to vector<16xi32>
        %parallel_loop3A_562 = arith.select %parallel_loop3A_557, %parallel_loop3A_560, %parallel_loop3A_561 : vector<16xi1>, vector<16xi32>
        %parallel_loop3A_563 = arith.cmpf olt, %parallel_loop3A_400, %parallel_loop3A_397 : vector<16xf32>
        %parallel_loop3A_564 = arith.constant -251658240 : i32
        %parallel_loop3A_565 = arith.constant 0 : i32
        %parallel_loop3A_566 = vector.broadcast %parallel_loop3A_564 : i32 to vector<16xi32>
        %parallel_loop3A_567 = vector.broadcast %parallel_loop3A_565 : i32 to vector<16xi32>
        %parallel_loop3A_568 = arith.select %parallel_loop3A_563, %parallel_loop3A_566, %parallel_loop3A_567 : vector<16xi1>, vector<16xi32>
        %parallel_loop3A_569 = arith.addi %parallel_loop3A_406, %parallel_loop3A_412 : vector<16xi32>
        %parallel_loop3A_570 = arith.addi %parallel_loop3A_418, %parallel_loop3A_424 : vector<16xi32>
        %parallel_loop3A_571 = arith.addi %parallel_loop3A_430, %parallel_loop3A_436 : vector<16xi32>
        %parallel_loop3A_572 = arith.addi %parallel_loop3A_442, %parallel_loop3A_448 : vector<16xi32>
        %parallel_loop3A_573 = arith.addi %parallel_loop3A_454, %parallel_loop3A_460 : vector<16xi32>
        %parallel_loop3A_574 = arith.addi %parallel_loop3A_466, %parallel_loop3A_472 : vector<16xi32>
        %parallel_loop3A_575 = arith.addi %parallel_loop3A_478, %parallel_loop3A_484 : vector<16xi32>
        %parallel_loop3A_576 = arith.addi %parallel_loop3A_490, %parallel_loop3A_496 : vector<16xi32>
        %parallel_loop3A_577 = arith.addi %parallel_loop3A_502, %parallel_loop3A_508 : vector<16xi32>
        %parallel_loop3A_578 = arith.addi %parallel_loop3A_514, %parallel_loop3A_520 : vector<16xi32>
        %parallel_loop3A_579 = arith.addi %parallel_loop3A_526, %parallel_loop3A_532 : vector<16xi32>
        %parallel_loop3A_580 = arith.addi %parallel_loop3A_538, %parallel_loop3A_544 : vector<16xi32>
        %parallel_loop3A_581 = arith.addi %parallel_loop3A_550, %parallel_loop3A_556 : vector<16xi32>
        %parallel_loop3A_582 = arith.addi %parallel_loop3A_562, %parallel_loop3A_568 : vector<16xi32>
        %parallel_loop3A_583 = arith.addi %parallel_loop3A_569, %parallel_loop3A_570 : vector<16xi32>
        %parallel_loop3A_584 = arith.addi %parallel_loop3A_571, %parallel_loop3A_572 : vector<16xi32>
        %parallel_loop3A_585 = arith.addi %parallel_loop3A_573, %parallel_loop3A_574 : vector<16xi32>
        %parallel_loop3A_586 = arith.addi %parallel_loop3A_575, %parallel_loop3A_576 : vector<16xi32>
        %parallel_loop3A_587 = arith.addi %parallel_loop3A_577, %parallel_loop3A_578 : vector<16xi32>
        %parallel_loop3A_588 = arith.addi %parallel_loop3A_579, %parallel_loop3A_580 : vector<16xi32>
        %parallel_loop3A_589 = arith.addi %parallel_loop3A_581, %parallel_loop3A_582 : vector<16xi32>
        %parallel_loop3A_590 = arith.addi %parallel_loop3A_583, %parallel_loop3A_584 : vector<16xi32>
        %parallel_loop3A_591 = arith.addi %parallel_loop3A_585, %parallel_loop3A_586 : vector<16xi32>
        %parallel_loop3A_592 = arith.addi %parallel_loop3A_587, %parallel_loop3A_588 : vector<16xi32>
        %parallel_loop3A_593 = arith.addi %parallel_loop3A_590, %parallel_loop3A_591 : vector<16xi32>
        %parallel_loop3A_594 = arith.addi %parallel_loop3A_592, %parallel_loop3A_589 : vector<16xi32>
        %parallel_loop3A_595 = arith.addi %parallel_loop3A_593, %parallel_loop3A_594 : vector<16xi32>
        %parallel_loop3A_596 = arith.constant 1985229328 : i32
        %parallel_loop3A_597 = vector.broadcast %parallel_loop3A_596 : i32 to vector<16xi32>
        %parallel_loop3A_598 = arith.addi %parallel_loop3A_597, %parallel_loop3A_595 : vector<16xi32>
        %parallel_loop3A_599 = arith.constant 0.000000e+00 : f32
        %parallel_loop3A_600 = vector.broadcast %parallel_loop3A_599 : f32 to vector<16xf32>
        %parallel_loop3A_601 = arith.constant 4 : i32
        %parallel_loop3A_602 = vector.broadcast %parallel_loop3A_601 : i32 to vector<16xi32>
        %parallel_loop3A_603 = arith.andi %parallel_loop3A_598, %parallel_loop3A_602 : vector<16xi32>
        %parallel_loop3A_604 = arith.constant 0 : i32
        %parallel_loop3A_605 = vector.broadcast %parallel_loop3A_604 : i32 to vector<16xi32>
        %parallel_loop3A_606 = arith.cmpi eq, %parallel_loop3A_603, %parallel_loop3A_605 : vector<16xi32>
        %parallel_loop3A_607 = tpu.memref_slice %arg8[%parallel_loop3A_372, %parallel_loop3A_376] : memref<8x2048xf32, #tpu.memory_space<vmem>> -> memref<1x128xf32, #tpu.memory_space<vmem>>
        %parallel_loop3A_608 = tpu.memref_squeeze %parallel_loop3A_607 : memref<1x128xf32, #tpu.memory_space<vmem>> -> memref<128xf32, #tpu.memory_space<vmem>>
        tpu.vector_store_idx %parallel_loop3A_608[%add3A_174], %parallel_loop3A_600 masked %parallel_loop3A_606 : memref<128xf32, #tpu.memory_space<vmem>>[vector<16xi32>], vector<16xf32>, vector<16xi1>
        %parallel_loop3A_609 = arith.constant 64 : i32
        %parallel_loop3A_610 = vector.broadcast %parallel_loop3A_609 : i32 to vector<16xi32>
        %parallel_loop3A_611 = arith.andi %parallel_loop3A_598, %parallel_loop3A_610 : vector<16xi32>
        %parallel_loop3A_612 = arith.constant 0 : i32
        %parallel_loop3A_613 = vector.broadcast %parallel_loop3A_612 : i32 to vector<16xi32>
        %parallel_loop3A_614 = arith.cmpi eq, %parallel_loop3A_611, %parallel_loop3A_613 : vector<16xi32>
        %parallel_loop3A_615 = tpu.memref_slice %arg8[%parallel_loop3A_372, %parallel_loop3A_376] : memref<8x2048xf32, #tpu.memory_space<vmem>> -> memref<1x128xf32, #tpu.memory_space<vmem>>
        %parallel_loop3A_616 = tpu.memref_squeeze %parallel_loop3A_615 : memref<1x128xf32, #tpu.memory_space<vmem>> -> memref<128xf32, #tpu.memory_space<vmem>>
        tpu.vector_store_idx %parallel_loop3A_616[%add3A_177], %parallel_loop3A_600 masked %parallel_loop3A_614 : memref<128xf32, #tpu.memory_space<vmem>>[vector<16xi32>], vector<16xf32>, vector<16xi1>
        %parallel_loop3A_617 = arith.constant 1024 : i32
        %parallel_loop3A_618 = vector.broadcast %parallel_loop3A_617 : i32 to vector<16xi32>
        %parallel_loop3A_619 = arith.andi %parallel_loop3A_598, %parallel_loop3A_618 : vector<16xi32>
        %parallel_loop3A_620 = arith.constant 0 : i32
        %parallel_loop3A_621 = vector.broadcast %parallel_loop3A_620 : i32 to vector<16xi32>
        %parallel_loop3A_622 = arith.cmpi eq, %parallel_loop3A_619, %parallel_loop3A_621 : vector<16xi32>
        %parallel_loop3A_623 = tpu.memref_slice %arg8[%parallel_loop3A_372, %parallel_loop3A_376] : memref<8x2048xf32, #tpu.memory_space<vmem>> -> memref<1x128xf32, #tpu.memory_space<vmem>>
        %parallel_loop3A_624 = tpu.memref_squeeze %parallel_loop3A_623 : memref<1x128xf32, #tpu.memory_space<vmem>> -> memref<128xf32, #tpu.memory_space<vmem>>
        tpu.vector_store_idx %parallel_loop3A_624[%add3A_180], %parallel_loop3A_600 masked %parallel_loop3A_622 : memref<128xf32, #tpu.memory_space<vmem>>[vector<16xi32>], vector<16xf32>, vector<16xi1>
        %parallel_loop3A_625 = arith.constant 16384 : i32
        %parallel_loop3A_626 = vector.broadcast %parallel_loop3A_625 : i32 to vector<16xi32>
        %parallel_loop3A_627 = arith.andi %parallel_loop3A_598, %parallel_loop3A_626 : vector<16xi32>
        %parallel_loop3A_628 = arith.constant 0 : i32
        %parallel_loop3A_629 = vector.broadcast %parallel_loop3A_628 : i32 to vector<16xi32>
        %parallel_loop3A_630 = arith.cmpi eq, %parallel_loop3A_627, %parallel_loop3A_629 : vector<16xi32>
        %parallel_loop3A_631 = tpu.memref_slice %arg8[%parallel_loop3A_372, %parallel_loop3A_376] : memref<8x2048xf32, #tpu.memory_space<vmem>> -> memref<1x128xf32, #tpu.memory_space<vmem>>
        %parallel_loop3A_632 = tpu.memref_squeeze %parallel_loop3A_631 : memref<1x128xf32, #tpu.memory_space<vmem>> -> memref<128xf32, #tpu.memory_space<vmem>>
        tpu.vector_store_idx %parallel_loop3A_632[%add3A_183], %parallel_loop3A_600 masked %parallel_loop3A_630 : memref<128xf32, #tpu.memory_space<vmem>>[vector<16xi32>], vector<16xf32>, vector<16xi1>
        %parallel_loop3A_633 = arith.constant 262144 : i32
        %parallel_loop3A_634 = vector.broadcast %parallel_loop3A_633 : i32 to vector<16xi32>
        %parallel_loop3A_635 = arith.andi %parallel_loop3A_598, %parallel_loop3A_634 : vector<16xi32>
        %parallel_loop3A_636 = arith.constant 0 : i32
        %parallel_loop3A_637 = vector.broadcast %parallel_loop3A_636 : i32 to vector<16xi32>
        %parallel_loop3A_638 = arith.cmpi eq, %parallel_loop3A_635, %parallel_loop3A_637 : vector<16xi32>
        %parallel_loop3A_639 = tpu.memref_slice %arg8[%parallel_loop3A_372, %parallel_loop3A_376] : memref<8x2048xf32, #tpu.memory_space<vmem>> -> memref<1x128xf32, #tpu.memory_space<vmem>>
        %parallel_loop3A_640 = tpu.memref_squeeze %parallel_loop3A_639 : memref<1x128xf32, #tpu.memory_space<vmem>> -> memref<128xf32, #tpu.memory_space<vmem>>
        tpu.vector_store_idx %parallel_loop3A_640[%add3A_186], %parallel_loop3A_600 masked %parallel_loop3A_638 : memref<128xf32, #tpu.memory_space<vmem>>[vector<16xi32>], vector<16xf32>, vector<16xi1>
        %parallel_loop3A_641 = arith.constant 4194304 : i32
        %parallel_loop3A_642 = vector.broadcast %parallel_loop3A_641 : i32 to vector<16xi32>
        %parallel_loop3A_643 = arith.andi %parallel_loop3A_598, %parallel_loop3A_642 : vector<16xi32>
        %parallel_loop3A_644 = arith.constant 0 : i32
        %parallel_loop3A_645 = vector.broadcast %parallel_loop3A_644 : i32 to vector<16xi32>
        %parallel_loop3A_646 = arith.cmpi eq, %parallel_loop3A_643, %parallel_loop3A_645 : vector<16xi32>
        %parallel_loop3A_647 = tpu.memref_slice %arg8[%parallel_loop3A_372, %parallel_loop3A_376] : memref<8x2048xf32, #tpu.memory_space<vmem>> -> memref<1x128xf32, #tpu.memory_space<vmem>>
        %parallel_loop3A_648 = tpu.memref_squeeze %parallel_loop3A_647 : memref<1x128xf32, #tpu.memory_space<vmem>> -> memref<128xf32, #tpu.memory_space<vmem>>
        tpu.vector_store_idx %parallel_loop3A_648[%add3A_189], %parallel_loop3A_600 masked %parallel_loop3A_646 : memref<128xf32, #tpu.memory_space<vmem>>[vector<16xi32>], vector<16xf32>, vector<16xi1>
        %parallel_loop3A_649 = arith.constant 67108864 : i32
        %parallel_loop3A_650 = vector.broadcast %parallel_loop3A_649 : i32 to vector<16xi32>
        %parallel_loop3A_651 = arith.andi %parallel_loop3A_598, %parallel_loop3A_650 : vector<16xi32>
        %parallel_loop3A_652 = arith.constant 0 : i32
        %parallel_loop3A_653 = vector.broadcast %parallel_loop3A_652 : i32 to vector<16xi32>
        %parallel_loop3A_654 = arith.cmpi eq, %parallel_loop3A_651, %parallel_loop3A_653 : vector<16xi32>
        %parallel_loop3A_655 = tpu.memref_slice %arg8[%parallel_loop3A_372, %parallel_loop3A_376] : memref<8x2048xf32, #tpu.memory_space<vmem>> -> memref<1x128xf32, #tpu.memory_space<vmem>>
        %parallel_loop3A_656 = tpu.memref_squeeze %parallel_loop3A_655 : memref<1x128xf32, #tpu.memory_space<vmem>> -> memref<128xf32, #tpu.memory_space<vmem>>
        tpu.vector_store_idx %parallel_loop3A_656[%add3A_192], %parallel_loop3A_600 masked %parallel_loop3A_654 : memref<128xf32, #tpu.memory_space<vmem>>[vector<16xi32>], vector<16xf32>, vector<16xi1>
        %parallel_loop3A_657 = arith.constant 1073741824 : i32
        %parallel_loop3A_658 = vector.broadcast %parallel_loop3A_657 : i32 to vector<16xi32>
        %parallel_loop3A_659 = arith.andi %parallel_loop3A_598, %parallel_loop3A_658 : vector<16xi32>
        %parallel_loop3A_660 = arith.constant 0 : i32
        %parallel_loop3A_661 = vector.broadcast %parallel_loop3A_660 : i32 to vector<16xi32>
        %parallel_loop3A_662 = arith.cmpi eq, %parallel_loop3A_659, %parallel_loop3A_661 : vector<16xi32>
        %parallel_loop3A_663 = tpu.memref_slice %arg8[%parallel_loop3A_372, %parallel_loop3A_376] : memref<8x2048xf32, #tpu.memory_space<vmem>> -> memref<1x128xf32, #tpu.memory_space<vmem>>
        %parallel_loop3A_664 = tpu.memref_squeeze %parallel_loop3A_663 : memref<1x128xf32, #tpu.memory_space<vmem>> -> memref<128xf32, #tpu.memory_space<vmem>>
        tpu.vector_store_idx %parallel_loop3A_664[%add3A_195], %parallel_loop3A_600 masked %parallel_loop3A_662 : memref<128xf32, #tpu.memory_space<vmem>>[vector<16xi32>], vector<16xf32>, vector<16xi1>
      } {sc.loop_unroll_factor = 2 : i64, sc.parallel_access}
      %shift_right_arithmetic3A_199 = arith.constant 1 : i32
      %shift_right_arithmetic3A_200 = arith.shrsi %mul3A_150, %shift_right_arithmetic3A_199 : i32
      %add3A_201 = arith.addi %mul3A_2, %shift_right_arithmetic3A_200 : i32
      %and3A_202 = arith.constant 1 : i32
      %and3A_203 = arith.andi %mul3A_150, %and3A_202 : i32
      %mul3A_204 = arith.constant 2048 : i32
      %mul3A_205 = arith.muli %and3A_203, %mul3A_204 : i32
      %dma_start3A_206 = tpu.memref_reshape %arg4 : memref<8192x4096xf32, #tpu.memory_space<hbm>> -> memref<1024x8x4096xf32, #tpu.memory_space<hbm>>
      %dma_start3A_207 = arith.constant 0 : i32
      %dma_start3A_208 = tpu.memref_slice %dma_start3A_206[%add3A_201, %dma_start3A_207, %mul3A_205] : memref<1024x8x4096xf32, #tpu.memory_space<hbm>> -> memref<1x8x2048xf32, #tpu.memory_space<hbm>>
      %dma_start3A_209 = tpu.memref_squeeze %dma_start3A_208 : memref<1x8x2048xf32, #tpu.memory_space<hbm>> -> memref<8x2048xf32, #tpu.memory_space<hbm>>
      %dma_start3A_210 = tpu.memref_reshape %arg4 : memref<8192x4096xf32, #tpu.memory_space<hbm>> -> memref<1024x8x4096xf32, #tpu.memory_space<hbm>>
      %dma_start3A_211 = arith.constant 0 : i32
      %dma_start3A_212 = tpu.memref_slice %dma_start3A_210[%add3A_201, %dma_start3A_211, %mul3A_205] : memref<1024x8x4096xf32, #tpu.memory_space<hbm>> -> memref<1x8x2048xf32, #tpu.memory_space<hbm>>
      %dma_start3A_213 = tpu.memref_squeeze %dma_start3A_212 : memref<1x8x2048xf32, #tpu.memory_space<hbm>> -> memref<8x2048xf32, #tpu.memory_space<hbm>>
      tpu.enqueue_dma source(%arg8 : memref<8x2048xf32, #tpu.memory_space<vmem>>) target(%dma_start3A_213 : memref<8x2048xf32, #tpu.memory_space<hbm>>) target_semaphore(%arg17 : memref<!tpu.dma_semaphore, #tpu.memory_space<semaphore_mem>>)
      %add3A_214 = arith.constant 2 : i32
      %add3A_215 = arith.addi %mul3A_150, %add3A_214 : i32
      %lt3A = arith.constant 64 : i32
      %lt3A_216 = arith.cmpi slt, %add3A_215, %lt3A : i32
      %convert_element_type3A = arith.extui %lt3A_216 : i1 to i32
      %cond3A = arith.constant 0 : i32
      %cond3A_217 = arith.cmpi ne, %convert_element_type3A, %cond3A : i32
      scf.if %cond3A_217 {
        %ge3A = arith.constant 1 : i32
        %ge3A_370 = arith.cmpi sge, %mul3A_150, %ge3A : i32
        %convert_element_type3A_371 = arith.extui %ge3A_370 : i1 to i32
        %cond3A_372 = arith.constant 0 : i32
        %cond3A_373 = arith.cmpi ne, %convert_element_type3A_371, %cond3A_372 : i32
        scf.if %cond3A_373 {
          %sub3A = arith.constant 1 : i32
          %sub3A_399 = arith.subi %mul3A_150, %sub3A : i32
          %shift_right_arithmetic3A_400 = arith.constant 1 : i32
          %shift_right_arithmetic3A_401 = arith.shrsi %sub3A_399, %shift_right_arithmetic3A_400 : i32
          %add3A_402 = arith.addi %mul3A_2, %shift_right_arithmetic3A_401 : i32
          %and3A_403 = arith.constant 1 : i32
          %and3A_404 = arith.andi %sub3A_399, %and3A_403 : i32
          %mul3A_405 = arith.constant 2048 : i32
          %mul3A_406 = arith.muli %and3A_404, %mul3A_405 : i32
          %dma_wait3A_407 = tpu.memref_reshape %arg4 : memref<8192x4096xf32, #tpu.memory_space<hbm>> -> memref<1024x8x4096xf32, #tpu.memory_space<hbm>>
          %dma_wait3A_408 = arith.constant 0 : i32
          %dma_wait3A_409 = tpu.memref_slice %dma_wait3A_407[%add3A_402, %dma_wait3A_408, %mul3A_406] : memref<1024x8x4096xf32, #tpu.memory_space<hbm>> -> memref<1x8x2048xf32, #tpu.memory_space<hbm>>
          %dma_wait3A_410 = tpu.memref_squeeze %dma_wait3A_409 : memref<1x8x2048xf32, #tpu.memory_space<hbm>> -> memref<8x2048xf32, #tpu.memory_space<hbm>>
          %dma_wait3A_411 = tpu.memref_reshape %arg4 : memref<8192x4096xf32, #tpu.memory_space<hbm>> -> memref<1024x8x4096xf32, #tpu.memory_space<hbm>>
          %dma_wait3A_412 = arith.constant 0 : i32
          %dma_wait3A_413 = tpu.memref_slice %dma_wait3A_411[%add3A_402, %dma_wait3A_412, %mul3A_406] : memref<1024x8x4096xf32, #tpu.memory_space<hbm>> -> memref<1x8x2048xf32, #tpu.memory_space<hbm>>
          %dma_wait3A_414 = tpu.memref_squeeze %dma_wait3A_413 : memref<1x8x2048xf32, #tpu.memory_space<hbm>> -> memref<8x2048xf32, #tpu.memory_space<hbm>>
          tpu.wait_dma2 semaphore(%arg19 : memref<!tpu.dma_semaphore, #tpu.memory_space<semaphore_mem>>) src(%arg10 : memref<8x2048xf32, #tpu.memory_space<vmem>>) dst(%dma_wait3A_414 : memref<8x2048xf32, #tpu.memory_space<hbm>>)
        } else {
        }
        %add3A_374 = arith.constant 2 : i32
        %add3A_375 = arith.addi %mul3A_150, %add3A_374 : i32
        %shift_right_arithmetic3A_376 = arith.constant 1 : i32
        %shift_right_arithmetic3A_377 = arith.shrsi %add3A_375, %shift_right_arithmetic3A_376 : i32
        %add3A_378 = arith.addi %mul3A_2, %shift_right_arithmetic3A_377 : i32
        %and3A_379 = arith.constant 1 : i32
        %and3A_380 = arith.andi %add3A_375, %and3A_379 : i32
        %mul3A_381 = arith.constant 2048 : i32
        %mul3A_382 = arith.muli %and3A_380, %mul3A_381 : i32
        %dma_start3A_383 = tpu.memref_reshape %arg2 : memref<8192x4096xf32, #tpu.memory_space<hbm>> -> memref<1024x8x4096xf32, #tpu.memory_space<hbm>>
        %dma_start3A_384 = arith.constant 0 : i32
        %dma_start3A_385 = tpu.memref_slice %dma_start3A_383[%add3A_378, %dma_start3A_384, %mul3A_382] : memref<1024x8x4096xf32, #tpu.memory_space<hbm>> -> memref<1x8x2048xf32, #tpu.memory_space<hbm>>
        %dma_start3A_386 = tpu.memref_squeeze %dma_start3A_385 : memref<1x8x2048xf32, #tpu.memory_space<hbm>> -> memref<8x2048xf32, #tpu.memory_space<hbm>>
        %dma_start3A_387 = tpu.memref_reshape %arg2 : memref<8192x4096xf32, #tpu.memory_space<hbm>> -> memref<1024x8x4096xf32, #tpu.memory_space<hbm>>
        %dma_start3A_388 = arith.constant 0 : i32
        %dma_start3A_389 = tpu.memref_slice %dma_start3A_387[%add3A_378, %dma_start3A_388, %mul3A_382] : memref<1024x8x4096xf32, #tpu.memory_space<hbm>> -> memref<1x8x2048xf32, #tpu.memory_space<hbm>>
        %dma_start3A_390 = tpu.memref_squeeze %dma_start3A_389 : memref<1x8x2048xf32, #tpu.memory_space<hbm>> -> memref<8x2048xf32, #tpu.memory_space<hbm>>
        tpu.enqueue_dma source(%dma_start3A_390 : memref<8x2048xf32, #tpu.memory_space<hbm>>) target(%arg10 : memref<8x2048xf32, #tpu.memory_space<vmem>>) target_semaphore(%arg13 : memref<!tpu.dma_semaphore, #tpu.memory_space<semaphore_mem>>)
        %dma_start3A_391 = tpu.memref_reshape %arg3 : memref<8192x4096xf32, #tpu.memory_space<hbm>> -> memref<1024x8x4096xf32, #tpu.memory_space<hbm>>
        %dma_start3A_392 = arith.constant 0 : i32
        %dma_start3A_393 = tpu.memref_slice %dma_start3A_391[%add3A_378, %dma_start3A_392, %mul3A_382] : memref<1024x8x4096xf32, #tpu.memory_space<hbm>> -> memref<1x8x2048xf32, #tpu.memory_space<hbm>>
        %dma_start3A_394 = tpu.memref_squeeze %dma_start3A_393 : memref<1x8x2048xf32, #tpu.memory_space<hbm>> -> memref<8x2048xf32, #tpu.memory_space<hbm>>
        %dma_start3A_395 = tpu.memref_reshape %arg3 : memref<8192x4096xf32, #tpu.memory_space<hbm>> -> memref<1024x8x4096xf32, #tpu.memory_space<hbm>>
        %dma_start3A_396 = arith.constant 0 : i32
        %dma_start3A_397 = tpu.memref_slice %dma_start3A_395[%add3A_378, %dma_start3A_396, %mul3A_382] : memref<1024x8x4096xf32, #tpu.memory_space<hbm>> -> memref<1x8x2048xf32, #tpu.memory_space<hbm>>
        %dma_start3A_398 = tpu.memref_squeeze %dma_start3A_397 : memref<1x8x2048xf32, #tpu.memory_space<hbm>> -> memref<8x2048xf32, #tpu.memory_space<hbm>>
        tpu.enqueue_dma source(%dma_start3A_398 : memref<8x2048xf32, #tpu.memory_space<hbm>>) target(%arg7 : memref<8x2048xf32, #tpu.memory_space<vmem>>) target_semaphore(%arg16 : memref<!tpu.dma_semaphore, #tpu.memory_space<semaphore_mem>>)
      } else {
      }
      %mul3A_218 = arith.constant 3 : i32
      %mul3A_219 = arith.muli %mul3A_218, %scan3A_148 : i32
      %add3A_220 = arith.constant 1 : i32
      %add3A_221 = arith.addi %mul3A_219, %add3A_220 : i32
      %shift_right_arithmetic3A_222 = arith.constant 1 : i32
      %shift_right_arithmetic3A_223 = arith.shrsi %add3A_221, %shift_right_arithmetic3A_222 : i32
      %add3A_224 = arith.addi %mul3A_2, %shift_right_arithmetic3A_223 : i32
      %and3A_225 = arith.constant 1 : i32
      %and3A_226 = arith.andi %add3A_221, %and3A_225 : i32
      %mul3A_227 = arith.constant 2048 : i32
      %mul3A_228 = arith.muli %and3A_226, %mul3A_227 : i32
      %dma_wait3A_229 = tpu.memref_reshape %arg2 : memref<8192x4096xf32, #tpu.memory_space<hbm>> -> memref<1024x8x4096xf32, #tpu.memory_space<hbm>>
      %dma_wait3A_230 = arith.constant 0 : i32
      %dma_wait3A_231 = tpu.memref_slice %dma_wait3A_229[%add3A_224, %dma_wait3A_230, %mul3A_228] : memref<1024x8x4096xf32, #tpu.memory_space<hbm>> -> memref<1x8x2048xf32, #tpu.memory_space<hbm>>
      %dma_wait3A_232 = tpu.memref_squeeze %dma_wait3A_231 : memref<1x8x2048xf32, #tpu.memory_space<hbm>> -> memref<8x2048xf32, #tpu.memory_space<hbm>>
      %dma_wait3A_233 = tpu.memref_reshape %arg2 : memref<8192x4096xf32, #tpu.memory_space<hbm>> -> memref<1024x8x4096xf32, #tpu.memory_space<hbm>>
      %dma_wait3A_234 = arith.constant 0 : i32
      %dma_wait3A_235 = tpu.memref_slice %dma_wait3A_233[%add3A_224, %dma_wait3A_234, %mul3A_228] : memref<1024x8x4096xf32, #tpu.memory_space<hbm>> -> memref<1x8x2048xf32, #tpu.memory_space<hbm>>
      %dma_wait3A_236 = tpu.memref_squeeze %dma_wait3A_235 : memref<1x8x2048xf32, #tpu.memory_space<hbm>> -> memref<8x2048xf32, #tpu.memory_space<hbm>>
      tpu.wait_dma2 semaphore(%arg12 : memref<!tpu.dma_semaphore, #tpu.memory_space<semaphore_mem>>) src(%dma_wait3A_236 : memref<8x2048xf32, #tpu.memory_space<hbm>>) dst(%arg9 : memref<8x2048xf32, #tpu.memory_space<vmem>>)
      %dma_wait3A_237 = tpu.memref_reshape %arg3 : memref<8192x4096xf32, #tpu.memory_space<hbm>> -> memref<1024x8x4096xf32, #tpu.memory_space<hbm>>
      %dma_wait3A_238 = arith.constant 0 : i32
      %dma_wait3A_239 = tpu.memref_slice %dma_wait3A_237[%add3A_224, %dma_wait3A_238, %mul3A_228] : memref<1024x8x4096xf32, #tpu.memory_space<hbm>> -> memref<1x8x2048xf32, #tpu.memory_space<hbm>>
      %dma_wait3A_240 = tpu.memref_squeeze %dma_wait3A_239 : memref<1x8x2048xf32, #tpu.memory_space<hbm>> -> memref<8x2048xf32, #tpu.memory_space<hbm>>
      %dma_wait3A_241 = tpu.memref_reshape %arg3 : memref<8192x4096xf32, #tpu.memory_space<hbm>> -> memref<1024x8x4096xf32, #tpu.memory_space<hbm>>
      %dma_wait3A_242 = arith.constant 0 : i32
      %dma_wait3A_243 = tpu.memref_slice %dma_wait3A_241[%add3A_224, %dma_wait3A_242, %mul3A_228] : memref<1024x8x4096xf32, #tpu.memory_space<hbm>> -> memref<1x8x2048xf32, #tpu.memory_space<hbm>>
      %dma_wait3A_244 = tpu.memref_squeeze %dma_wait3A_243 : memref<1x8x2048xf32, #tpu.memory_space<hbm>> -> memref<8x2048xf32, #tpu.memory_space<hbm>>
      tpu.wait_dma2 semaphore(%arg15 : memref<!tpu.dma_semaphore, #tpu.memory_space<semaphore_mem>>) src(%dma_wait3A_244 : memref<8x2048xf32, #tpu.memory_space<hbm>>) dst(%arg6 : memref<8x2048xf32, #tpu.memory_space<vmem>>)
      %add3A_245 = arith.constant 0 : i32
      %add3A_246 = vector.broadcast %add3A_245 : i32 to vector<16xi32>
      %add3A_247 = arith.addi %mul3A_5, %add3A_246 : vector<16xi32>
      %add3A_248 = arith.constant 1 : i32
      %add3A_249 = vector.broadcast %add3A_248 : i32 to vector<16xi32>
      %add3A_250 = arith.addi %mul3A_5, %add3A_249 : vector<16xi32>
      %add3A_251 = arith.constant 2 : i32
      %add3A_252 = vector.broadcast %add3A_251 : i32 to vector<16xi32>
      %add3A_253 = arith.addi %mul3A_5, %add3A_252 : vector<16xi32>
      %add3A_254 = arith.constant 3 : i32
      %add3A_255 = vector.broadcast %add3A_254 : i32 to vector<16xi32>
      %add3A_256 = arith.addi %mul3A_5, %add3A_255 : vector<16xi32>
      %add3A_257 = arith.constant 4 : i32
      %add3A_258 = vector.broadcast %add3A_257 : i32 to vector<16xi32>
      %add3A_259 = arith.addi %mul3A_5, %add3A_258 : vector<16xi32>
      %add3A_260 = arith.constant 5 : i32
      %add3A_261 = vector.broadcast %add3A_260 : i32 to vector<16xi32>
      %add3A_262 = arith.addi %mul3A_5, %add3A_261 : vector<16xi32>
      %add3A_263 = arith.constant 6 : i32
      %add3A_264 = vector.broadcast %add3A_263 : i32 to vector<16xi32>
      %add3A_265 = arith.addi %mul3A_5, %add3A_264 : vector<16xi32>
      %add3A_266 = arith.constant 7 : i32
      %add3A_267 = vector.broadcast %add3A_266 : i32 to vector<16xi32>
      %add3A_268 = arith.addi %mul3A_5, %add3A_267 : vector<16xi32>
      %parallel_loop3A_269 = arith.constant 0 : i32
      %parallel_loop3A_270 = arith.constant 128 : i32
      %parallel_loop3A_271 = arith.constant 1 : i32
      scf.for %parallel_loop3A_370 = %parallel_loop3A_269 to %parallel_loop3A_270 step %parallel_loop3A_271  : i32 {
        %parallel_loop3A_371 = arith.constant 4 : i32
        %parallel_loop3A_372 = arith.shrsi %parallel_loop3A_370, %parallel_loop3A_371 : i32
        %parallel_loop3A_373 = arith.constant 15 : i32
        %parallel_loop3A_374 = arith.andi %parallel_loop3A_370, %parallel_loop3A_373 : i32
        %parallel_loop3A_375 = arith.constant 128 : i32
        %parallel_loop3A_376 = arith.muli %parallel_loop3A_374, %parallel_loop3A_375 : i32
        %parallel_loop3A_377 = tpu.memref_slice %arg6[%parallel_loop3A_372, %parallel_loop3A_376] : memref<8x2048xf32, #tpu.memory_space<vmem>> -> memref<1x128xf32, #tpu.memory_space<vmem>>
        %parallel_loop3A_378 = tpu.memref_squeeze %parallel_loop3A_377 : memref<1x128xf32, #tpu.memory_space<vmem>> -> memref<128xf32, #tpu.memory_space<vmem>>
        %parallel_loop3A_379 = tpu.vector_load_idx %parallel_loop3A_378[%add3A_247] : memref<128xf32, #tpu.memory_space<vmem>>[vector<16xi32>], vector<16xf32>,
        %parallel_loop3A_380 = tpu.memref_slice %arg6[%parallel_loop3A_372, %parallel_loop3A_376] : memref<8x2048xf32, #tpu.memory_space<vmem>> -> memref<1x128xf32, #tpu.memory_space<vmem>>
        %parallel_loop3A_381 = tpu.memref_squeeze %parallel_loop3A_380 : memref<1x128xf32, #tpu.memory_space<vmem>> -> memref<128xf32, #tpu.memory_space<vmem>>
        %parallel_loop3A_382 = tpu.vector_load_idx %parallel_loop3A_381[%add3A_250] : memref<128xf32, #tpu.memory_space<vmem>>[vector<16xi32>], vector<16xf32>,
        %parallel_loop3A_383 = tpu.memref_slice %arg6[%parallel_loop3A_372, %parallel_loop3A_376] : memref<8x2048xf32, #tpu.memory_space<vmem>> -> memref<1x128xf32, #tpu.memory_space<vmem>>
        %parallel_loop3A_384 = tpu.memref_squeeze %parallel_loop3A_383 : memref<1x128xf32, #tpu.memory_space<vmem>> -> memref<128xf32, #tpu.memory_space<vmem>>
        %parallel_loop3A_385 = tpu.vector_load_idx %parallel_loop3A_384[%add3A_253] : memref<128xf32, #tpu.memory_space<vmem>>[vector<16xi32>], vector<16xf32>,
        %parallel_loop3A_386 = tpu.memref_slice %arg6[%parallel_loop3A_372, %parallel_loop3A_376] : memref<8x2048xf32, #tpu.memory_space<vmem>> -> memref<1x128xf32, #tpu.memory_space<vmem>>
        %parallel_loop3A_387 = tpu.memref_squeeze %parallel_loop3A_386 : memref<1x128xf32, #tpu.memory_space<vmem>> -> memref<128xf32, #tpu.memory_space<vmem>>
        %parallel_loop3A_388 = tpu.vector_load_idx %parallel_loop3A_387[%add3A_256] : memref<128xf32, #tpu.memory_space<vmem>>[vector<16xi32>], vector<16xf32>,
        %parallel_loop3A_389 = tpu.memref_slice %arg6[%parallel_loop3A_372, %parallel_loop3A_376] : memref<8x2048xf32, #tpu.memory_space<vmem>> -> memref<1x128xf32, #tpu.memory_space<vmem>>
        %parallel_loop3A_390 = tpu.memref_squeeze %parallel_loop3A_389 : memref<1x128xf32, #tpu.memory_space<vmem>> -> memref<128xf32, #tpu.memory_space<vmem>>
        %parallel_loop3A_391 = tpu.vector_load_idx %parallel_loop3A_390[%add3A_259] : memref<128xf32, #tpu.memory_space<vmem>>[vector<16xi32>], vector<16xf32>,
        %parallel_loop3A_392 = tpu.memref_slice %arg6[%parallel_loop3A_372, %parallel_loop3A_376] : memref<8x2048xf32, #tpu.memory_space<vmem>> -> memref<1x128xf32, #tpu.memory_space<vmem>>
        %parallel_loop3A_393 = tpu.memref_squeeze %parallel_loop3A_392 : memref<1x128xf32, #tpu.memory_space<vmem>> -> memref<128xf32, #tpu.memory_space<vmem>>
        %parallel_loop3A_394 = tpu.vector_load_idx %parallel_loop3A_393[%add3A_262] : memref<128xf32, #tpu.memory_space<vmem>>[vector<16xi32>], vector<16xf32>,
        %parallel_loop3A_395 = tpu.memref_slice %arg6[%parallel_loop3A_372, %parallel_loop3A_376] : memref<8x2048xf32, #tpu.memory_space<vmem>> -> memref<1x128xf32, #tpu.memory_space<vmem>>
        %parallel_loop3A_396 = tpu.memref_squeeze %parallel_loop3A_395 : memref<1x128xf32, #tpu.memory_space<vmem>> -> memref<128xf32, #tpu.memory_space<vmem>>
        %parallel_loop3A_397 = tpu.vector_load_idx %parallel_loop3A_396[%add3A_265] : memref<128xf32, #tpu.memory_space<vmem>>[vector<16xi32>], vector<16xf32>,
        %parallel_loop3A_398 = tpu.memref_slice %arg6[%parallel_loop3A_372, %parallel_loop3A_376] : memref<8x2048xf32, #tpu.memory_space<vmem>> -> memref<1x128xf32, #tpu.memory_space<vmem>>
        %parallel_loop3A_399 = tpu.memref_squeeze %parallel_loop3A_398 : memref<1x128xf32, #tpu.memory_space<vmem>> -> memref<128xf32, #tpu.memory_space<vmem>>
        %parallel_loop3A_400 = tpu.vector_load_idx %parallel_loop3A_399[%add3A_268] : memref<128xf32, #tpu.memory_space<vmem>>[vector<16xi32>], vector<16xf32>,
        %parallel_loop3A_401 = arith.cmpf olt, %parallel_loop3A_382, %parallel_loop3A_379 : vector<16xf32>
        %parallel_loop3A_402 = arith.constant -15 : i32
        %parallel_loop3A_403 = arith.constant 0 : i32
        %parallel_loop3A_404 = vector.broadcast %parallel_loop3A_402 : i32 to vector<16xi32>
        %parallel_loop3A_405 = vector.broadcast %parallel_loop3A_403 : i32 to vector<16xi32>
        %parallel_loop3A_406 = arith.select %parallel_loop3A_401, %parallel_loop3A_404, %parallel_loop3A_405 : vector<16xi1>, vector<16xi32>
        %parallel_loop3A_407 = arith.cmpf olt, %parallel_loop3A_385, %parallel_loop3A_379 : vector<16xf32>
        %parallel_loop3A_408 = arith.constant -255 : i32
        %parallel_loop3A_409 = arith.constant 0 : i32
        %parallel_loop3A_410 = vector.broadcast %parallel_loop3A_408 : i32 to vector<16xi32>
        %parallel_loop3A_411 = vector.broadcast %parallel_loop3A_409 : i32 to vector<16xi32>
        %parallel_loop3A_412 = arith.select %parallel_loop3A_407, %parallel_loop3A_410, %parallel_loop3A_411 : vector<16xi1>, vector<16xi32>
        %parallel_loop3A_413 = arith.cmpf olt, %parallel_loop3A_388, %parallel_loop3A_379 : vector<16xf32>
        %parallel_loop3A_414 = arith.constant -4095 : i32
        %parallel_loop3A_415 = arith.constant 0 : i32
        %parallel_loop3A_416 = vector.broadcast %parallel_loop3A_414 : i32 to vector<16xi32>
        %parallel_loop3A_417 = vector.broadcast %parallel_loop3A_415 : i32 to vector<16xi32>
        %parallel_loop3A_418 = arith.select %parallel_loop3A_413, %parallel_loop3A_416, %parallel_loop3A_417 : vector<16xi1>, vector<16xi32>
        %parallel_loop3A_419 = arith.cmpf olt, %parallel_loop3A_391, %parallel_loop3A_379 : vector<16xf32>
        %parallel_loop3A_420 = arith.constant -65535 : i32
        %parallel_loop3A_421 = arith.constant 0 : i32
        %parallel_loop3A_422 = vector.broadcast %parallel_loop3A_420 : i32 to vector<16xi32>
        %parallel_loop3A_423 = vector.broadcast %parallel_loop3A_421 : i32 to vector<16xi32>
        %parallel_loop3A_424 = arith.select %parallel_loop3A_419, %parallel_loop3A_422, %parallel_loop3A_423 : vector<16xi1>, vector<16xi32>
        %parallel_loop3A_425 = arith.cmpf olt, %parallel_loop3A_394, %parallel_loop3A_379 : vector<16xf32>
        %parallel_loop3A_426 = arith.constant -1048575 : i32
        %parallel_loop3A_427 = arith.constant 0 : i32
        %parallel_loop3A_428 = vector.broadcast %parallel_loop3A_426 : i32 to vector<16xi32>
        %parallel_loop3A_429 = vector.broadcast %parallel_loop3A_427 : i32 to vector<16xi32>
        %parallel_loop3A_430 = arith.select %parallel_loop3A_425, %parallel_loop3A_428, %parallel_loop3A_429 : vector<16xi1>, vector<16xi32>
        %parallel_loop3A_431 = arith.cmpf olt, %parallel_loop3A_397, %parallel_loop3A_379 : vector<16xf32>
        %parallel_loop3A_432 = arith.constant -16777215 : i32
        %parallel_loop3A_433 = arith.constant 0 : i32
        %parallel_loop3A_434 = vector.broadcast %parallel_loop3A_432 : i32 to vector<16xi32>
        %parallel_loop3A_435 = vector.broadcast %parallel_loop3A_433 : i32 to vector<16xi32>
        %parallel_loop3A_436 = arith.select %parallel_loop3A_431, %parallel_loop3A_434, %parallel_loop3A_435 : vector<16xi1>, vector<16xi32>
        %parallel_loop3A_437 = arith.cmpf olt, %parallel_loop3A_400, %parallel_loop3A_379 : vector<16xf32>
        %parallel_loop3A_438 = arith.constant -268435455 : i32
        %parallel_loop3A_439 = arith.constant 0 : i32
        %parallel_loop3A_440 = vector.broadcast %parallel_loop3A_438 : i32 to vector<16xi32>
        %parallel_loop3A_441 = vector.broadcast %parallel_loop3A_439 : i32 to vector<16xi32>
        %parallel_loop3A_442 = arith.select %parallel_loop3A_437, %parallel_loop3A_440, %parallel_loop3A_441 : vector<16xi1>, vector<16xi32>
        %parallel_loop3A_443 = arith.cmpf olt, %parallel_loop3A_385, %parallel_loop3A_382 : vector<16xf32>
        %parallel_loop3A_444 = arith.constant -240 : i32
        %parallel_loop3A_445 = arith.constant 0 : i32
        %parallel_loop3A_446 = vector.broadcast %parallel_loop3A_444 : i32 to vector<16xi32>
        %parallel_loop3A_447 = vector.broadcast %parallel_loop3A_445 : i32 to vector<16xi32>
        %parallel_loop3A_448 = arith.select %parallel_loop3A_443, %parallel_loop3A_446, %parallel_loop3A_447 : vector<16xi1>, vector<16xi32>
        %parallel_loop3A_449 = arith.cmpf olt, %parallel_loop3A_388, %parallel_loop3A_382 : vector<16xf32>
        %parallel_loop3A_450 = arith.constant -4080 : i32
        %parallel_loop3A_451 = arith.constant 0 : i32
        %parallel_loop3A_452 = vector.broadcast %parallel_loop3A_450 : i32 to vector<16xi32>
        %parallel_loop3A_453 = vector.broadcast %parallel_loop3A_451 : i32 to vector<16xi32>
        %parallel_loop3A_454 = arith.select %parallel_loop3A_449, %parallel_loop3A_452, %parallel_loop3A_453 : vector<16xi1>, vector<16xi32>
        %parallel_loop3A_455 = arith.cmpf olt, %parallel_loop3A_391, %parallel_loop3A_382 : vector<16xf32>
        %parallel_loop3A_456 = arith.constant -65520 : i32
        %parallel_loop3A_457 = arith.constant 0 : i32
        %parallel_loop3A_458 = vector.broadcast %parallel_loop3A_456 : i32 to vector<16xi32>
        %parallel_loop3A_459 = vector.broadcast %parallel_loop3A_457 : i32 to vector<16xi32>
        %parallel_loop3A_460 = arith.select %parallel_loop3A_455, %parallel_loop3A_458, %parallel_loop3A_459 : vector<16xi1>, vector<16xi32>
        %parallel_loop3A_461 = arith.cmpf olt, %parallel_loop3A_394, %parallel_loop3A_382 : vector<16xf32>
        %parallel_loop3A_462 = arith.constant -1048560 : i32
        %parallel_loop3A_463 = arith.constant 0 : i32
        %parallel_loop3A_464 = vector.broadcast %parallel_loop3A_462 : i32 to vector<16xi32>
        %parallel_loop3A_465 = vector.broadcast %parallel_loop3A_463 : i32 to vector<16xi32>
        %parallel_loop3A_466 = arith.select %parallel_loop3A_461, %parallel_loop3A_464, %parallel_loop3A_465 : vector<16xi1>, vector<16xi32>
        %parallel_loop3A_467 = arith.cmpf olt, %parallel_loop3A_397, %parallel_loop3A_382 : vector<16xf32>
        %parallel_loop3A_468 = arith.constant -16777200 : i32
        %parallel_loop3A_469 = arith.constant 0 : i32
        %parallel_loop3A_470 = vector.broadcast %parallel_loop3A_468 : i32 to vector<16xi32>
        %parallel_loop3A_471 = vector.broadcast %parallel_loop3A_469 : i32 to vector<16xi32>
        %parallel_loop3A_472 = arith.select %parallel_loop3A_467, %parallel_loop3A_470, %parallel_loop3A_471 : vector<16xi1>, vector<16xi32>
        %parallel_loop3A_473 = arith.cmpf olt, %parallel_loop3A_400, %parallel_loop3A_382 : vector<16xf32>
        %parallel_loop3A_474 = arith.constant -268435440 : i32
        %parallel_loop3A_475 = arith.constant 0 : i32
        %parallel_loop3A_476 = vector.broadcast %parallel_loop3A_474 : i32 to vector<16xi32>
        %parallel_loop3A_477 = vector.broadcast %parallel_loop3A_475 : i32 to vector<16xi32>
        %parallel_loop3A_478 = arith.select %parallel_loop3A_473, %parallel_loop3A_476, %parallel_loop3A_477 : vector<16xi1>, vector<16xi32>
        %parallel_loop3A_479 = arith.cmpf olt, %parallel_loop3A_388, %parallel_loop3A_385 : vector<16xf32>
        %parallel_loop3A_480 = arith.constant -3840 : i32
        %parallel_loop3A_481 = arith.constant 0 : i32
        %parallel_loop3A_482 = vector.broadcast %parallel_loop3A_480 : i32 to vector<16xi32>
        %parallel_loop3A_483 = vector.broadcast %parallel_loop3A_481 : i32 to vector<16xi32>
        %parallel_loop3A_484 = arith.select %parallel_loop3A_479, %parallel_loop3A_482, %parallel_loop3A_483 : vector<16xi1>, vector<16xi32>
        %parallel_loop3A_485 = arith.cmpf olt, %parallel_loop3A_391, %parallel_loop3A_385 : vector<16xf32>
        %parallel_loop3A_486 = arith.constant -65280 : i32
        %parallel_loop3A_487 = arith.constant 0 : i32
        %parallel_loop3A_488 = vector.broadcast %parallel_loop3A_486 : i32 to vector<16xi32>
        %parallel_loop3A_489 = vector.broadcast %parallel_loop3A_487 : i32 to vector<16xi32>
        %parallel_loop3A_490 = arith.select %parallel_loop3A_485, %parallel_loop3A_488, %parallel_loop3A_489 : vector<16xi1>, vector<16xi32>
        %parallel_loop3A_491 = arith.cmpf olt, %parallel_loop3A_394, %parallel_loop3A_385 : vector<16xf32>
        %parallel_loop3A_492 = arith.constant -1048320 : i32
        %parallel_loop3A_493 = arith.constant 0 : i32
        %parallel_loop3A_494 = vector.broadcast %parallel_loop3A_492 : i32 to vector<16xi32>
        %parallel_loop3A_495 = vector.broadcast %parallel_loop3A_493 : i32 to vector<16xi32>
        %parallel_loop3A_496 = arith.select %parallel_loop3A_491, %parallel_loop3A_494, %parallel_loop3A_495 : vector<16xi1>, vector<16xi32>
        %parallel_loop3A_497 = arith.cmpf olt, %parallel_loop3A_397, %parallel_loop3A_385 : vector<16xf32>
        %parallel_loop3A_498 = arith.constant -16776960 : i32
        %parallel_loop3A_499 = arith.constant 0 : i32
        %parallel_loop3A_500 = vector.broadcast %parallel_loop3A_498 : i32 to vector<16xi32>
        %parallel_loop3A_501 = vector.broadcast %parallel_loop3A_499 : i32 to vector<16xi32>
        %parallel_loop3A_502 = arith.select %parallel_loop3A_497, %parallel_loop3A_500, %parallel_loop3A_501 : vector<16xi1>, vector<16xi32>
        %parallel_loop3A_503 = arith.cmpf olt, %parallel_loop3A_400, %parallel_loop3A_385 : vector<16xf32>
        %parallel_loop3A_504 = arith.constant -268435200 : i32
        %parallel_loop3A_505 = arith.constant 0 : i32
        %parallel_loop3A_506 = vector.broadcast %parallel_loop3A_504 : i32 to vector<16xi32>
        %parallel_loop3A_507 = vector.broadcast %parallel_loop3A_505 : i32 to vector<16xi32>
        %parallel_loop3A_508 = arith.select %parallel_loop3A_503, %parallel_loop3A_506, %parallel_loop3A_507 : vector<16xi1>, vector<16xi32>
        %parallel_loop3A_509 = arith.cmpf olt, %parallel_loop3A_391, %parallel_loop3A_388 : vector<16xf32>
        %parallel_loop3A_510 = arith.constant -61440 : i32
        %parallel_loop3A_511 = arith.constant 0 : i32
        %parallel_loop3A_512 = vector.broadcast %parallel_loop3A_510 : i32 to vector<16xi32>
        %parallel_loop3A_513 = vector.broadcast %parallel_loop3A_511 : i32 to vector<16xi32>
        %parallel_loop3A_514 = arith.select %parallel_loop3A_509, %parallel_loop3A_512, %parallel_loop3A_513 : vector<16xi1>, vector<16xi32>
        %parallel_loop3A_515 = arith.cmpf olt, %parallel_loop3A_394, %parallel_loop3A_388 : vector<16xf32>
        %parallel_loop3A_516 = arith.constant -1044480 : i32
        %parallel_loop3A_517 = arith.constant 0 : i32
        %parallel_loop3A_518 = vector.broadcast %parallel_loop3A_516 : i32 to vector<16xi32>
        %parallel_loop3A_519 = vector.broadcast %parallel_loop3A_517 : i32 to vector<16xi32>
        %parallel_loop3A_520 = arith.select %parallel_loop3A_515, %parallel_loop3A_518, %parallel_loop3A_519 : vector<16xi1>, vector<16xi32>
        %parallel_loop3A_521 = arith.cmpf olt, %parallel_loop3A_397, %parallel_loop3A_388 : vector<16xf32>
        %parallel_loop3A_522 = arith.constant -16773120 : i32
        %parallel_loop3A_523 = arith.constant 0 : i32
        %parallel_loop3A_524 = vector.broadcast %parallel_loop3A_522 : i32 to vector<16xi32>
        %parallel_loop3A_525 = vector.broadcast %parallel_loop3A_523 : i32 to vector<16xi32>
        %parallel_loop3A_526 = arith.select %parallel_loop3A_521, %parallel_loop3A_524, %parallel_loop3A_525 : vector<16xi1>, vector<16xi32>
        %parallel_loop3A_527 = arith.cmpf olt, %parallel_loop3A_400, %parallel_loop3A_388 : vector<16xf32>
        %parallel_loop3A_528 = arith.constant -268431360 : i32
        %parallel_loop3A_529 = arith.constant 0 : i32
        %parallel_loop3A_530 = vector.broadcast %parallel_loop3A_528 : i32 to vector<16xi32>
        %parallel_loop3A_531 = vector.broadcast %parallel_loop3A_529 : i32 to vector<16xi32>
        %parallel_loop3A_532 = arith.select %parallel_loop3A_527, %parallel_loop3A_530, %parallel_loop3A_531 : vector<16xi1>, vector<16xi32>
        %parallel_loop3A_533 = arith.cmpf olt, %parallel_loop3A_394, %parallel_loop3A_391 : vector<16xf32>
        %parallel_loop3A_534 = arith.constant -983040 : i32
        %parallel_loop3A_535 = arith.constant 0 : i32
        %parallel_loop3A_536 = vector.broadcast %parallel_loop3A_534 : i32 to vector<16xi32>
        %parallel_loop3A_537 = vector.broadcast %parallel_loop3A_535 : i32 to vector<16xi32>
        %parallel_loop3A_538 = arith.select %parallel_loop3A_533, %parallel_loop3A_536, %parallel_loop3A_537 : vector<16xi1>, vector<16xi32>
        %parallel_loop3A_539 = arith.cmpf olt, %parallel_loop3A_397, %parallel_loop3A_391 : vector<16xf32>
        %parallel_loop3A_540 = arith.constant -16711680 : i32
        %parallel_loop3A_541 = arith.constant 0 : i32
        %parallel_loop3A_542 = vector.broadcast %parallel_loop3A_540 : i32 to vector<16xi32>
        %parallel_loop3A_543 = vector.broadcast %parallel_loop3A_541 : i32 to vector<16xi32>
        %parallel_loop3A_544 = arith.select %parallel_loop3A_539, %parallel_loop3A_542, %parallel_loop3A_543 : vector<16xi1>, vector<16xi32>
        %parallel_loop3A_545 = arith.cmpf olt, %parallel_loop3A_400, %parallel_loop3A_391 : vector<16xf32>
        %parallel_loop3A_546 = arith.constant -268369920 : i32
        %parallel_loop3A_547 = arith.constant 0 : i32
        %parallel_loop3A_548 = vector.broadcast %parallel_loop3A_546 : i32 to vector<16xi32>
        %parallel_loop3A_549 = vector.broadcast %parallel_loop3A_547 : i32 to vector<16xi32>
        %parallel_loop3A_550 = arith.select %parallel_loop3A_545, %parallel_loop3A_548, %parallel_loop3A_549 : vector<16xi1>, vector<16xi32>
        %parallel_loop3A_551 = arith.cmpf olt, %parallel_loop3A_397, %parallel_loop3A_394 : vector<16xf32>
        %parallel_loop3A_552 = arith.constant -15728640 : i32
        %parallel_loop3A_553 = arith.constant 0 : i32
        %parallel_loop3A_554 = vector.broadcast %parallel_loop3A_552 : i32 to vector<16xi32>
        %parallel_loop3A_555 = vector.broadcast %parallel_loop3A_553 : i32 to vector<16xi32>
        %parallel_loop3A_556 = arith.select %parallel_loop3A_551, %parallel_loop3A_554, %parallel_loop3A_555 : vector<16xi1>, vector<16xi32>
        %parallel_loop3A_557 = arith.cmpf olt, %parallel_loop3A_400, %parallel_loop3A_394 : vector<16xf32>
        %parallel_loop3A_558 = arith.constant -267386880 : i32
        %parallel_loop3A_559 = arith.constant 0 : i32
        %parallel_loop3A_560 = vector.broadcast %parallel_loop3A_558 : i32 to vector<16xi32>
        %parallel_loop3A_561 = vector.broadcast %parallel_loop3A_559 : i32 to vector<16xi32>
        %parallel_loop3A_562 = arith.select %parallel_loop3A_557, %parallel_loop3A_560, %parallel_loop3A_561 : vector<16xi1>, vector<16xi32>
        %parallel_loop3A_563 = arith.cmpf olt, %parallel_loop3A_400, %parallel_loop3A_397 : vector<16xf32>
        %parallel_loop3A_564 = arith.constant -251658240 : i32
        %parallel_loop3A_565 = arith.constant 0 : i32
        %parallel_loop3A_566 = vector.broadcast %parallel_loop3A_564 : i32 to vector<16xi32>
        %parallel_loop3A_567 = vector.broadcast %parallel_loop3A_565 : i32 to vector<16xi32>
        %parallel_loop3A_568 = arith.select %parallel_loop3A_563, %parallel_loop3A_566, %parallel_loop3A_567 : vector<16xi1>, vector<16xi32>
        %parallel_loop3A_569 = arith.addi %parallel_loop3A_406, %parallel_loop3A_412 : vector<16xi32>
        %parallel_loop3A_570 = arith.addi %parallel_loop3A_418, %parallel_loop3A_424 : vector<16xi32>
        %parallel_loop3A_571 = arith.addi %parallel_loop3A_430, %parallel_loop3A_436 : vector<16xi32>
        %parallel_loop3A_572 = arith.addi %parallel_loop3A_442, %parallel_loop3A_448 : vector<16xi32>
        %parallel_loop3A_573 = arith.addi %parallel_loop3A_454, %parallel_loop3A_460 : vector<16xi32>
        %parallel_loop3A_574 = arith.addi %parallel_loop3A_466, %parallel_loop3A_472 : vector<16xi32>
        %parallel_loop3A_575 = arith.addi %parallel_loop3A_478, %parallel_loop3A_484 : vector<16xi32>
        %parallel_loop3A_576 = arith.addi %parallel_loop3A_490, %parallel_loop3A_496 : vector<16xi32>
        %parallel_loop3A_577 = arith.addi %parallel_loop3A_502, %parallel_loop3A_508 : vector<16xi32>
        %parallel_loop3A_578 = arith.addi %parallel_loop3A_514, %parallel_loop3A_520 : vector<16xi32>
        %parallel_loop3A_579 = arith.addi %parallel_loop3A_526, %parallel_loop3A_532 : vector<16xi32>
        %parallel_loop3A_580 = arith.addi %parallel_loop3A_538, %parallel_loop3A_544 : vector<16xi32>
        %parallel_loop3A_581 = arith.addi %parallel_loop3A_550, %parallel_loop3A_556 : vector<16xi32>
        %parallel_loop3A_582 = arith.addi %parallel_loop3A_562, %parallel_loop3A_568 : vector<16xi32>
        %parallel_loop3A_583 = arith.addi %parallel_loop3A_569, %parallel_loop3A_570 : vector<16xi32>
        %parallel_loop3A_584 = arith.addi %parallel_loop3A_571, %parallel_loop3A_572 : vector<16xi32>
        %parallel_loop3A_585 = arith.addi %parallel_loop3A_573, %parallel_loop3A_574 : vector<16xi32>
        %parallel_loop3A_586 = arith.addi %parallel_loop3A_575, %parallel_loop3A_576 : vector<16xi32>
        %parallel_loop3A_587 = arith.addi %parallel_loop3A_577, %parallel_loop3A_578 : vector<16xi32>
        %parallel_loop3A_588 = arith.addi %parallel_loop3A_579, %parallel_loop3A_580 : vector<16xi32>
        %parallel_loop3A_589 = arith.addi %parallel_loop3A_581, %parallel_loop3A_582 : vector<16xi32>
        %parallel_loop3A_590 = arith.addi %parallel_loop3A_583, %parallel_loop3A_584 : vector<16xi32>
        %parallel_loop3A_591 = arith.addi %parallel_loop3A_585, %parallel_loop3A_586 : vector<16xi32>
        %parallel_loop3A_592 = arith.addi %parallel_loop3A_587, %parallel_loop3A_588 : vector<16xi32>
        %parallel_loop3A_593 = arith.addi %parallel_loop3A_590, %parallel_loop3A_591 : vector<16xi32>
        %parallel_loop3A_594 = arith.addi %parallel_loop3A_592, %parallel_loop3A_589 : vector<16xi32>
        %parallel_loop3A_595 = arith.addi %parallel_loop3A_593, %parallel_loop3A_594 : vector<16xi32>
        %parallel_loop3A_596 = arith.constant 1985229328 : i32
        %parallel_loop3A_597 = vector.broadcast %parallel_loop3A_596 : i32 to vector<16xi32>
        %parallel_loop3A_598 = arith.addi %parallel_loop3A_597, %parallel_loop3A_595 : vector<16xi32>
        %parallel_loop3A_599 = arith.constant 0.000000e+00 : f32
        %parallel_loop3A_600 = vector.broadcast %parallel_loop3A_599 : f32 to vector<16xf32>
        %parallel_loop3A_601 = arith.constant 4 : i32
        %parallel_loop3A_602 = vector.broadcast %parallel_loop3A_601 : i32 to vector<16xi32>
        %parallel_loop3A_603 = arith.andi %parallel_loop3A_598, %parallel_loop3A_602 : vector<16xi32>
        %parallel_loop3A_604 = arith.constant 0 : i32
        %parallel_loop3A_605 = vector.broadcast %parallel_loop3A_604 : i32 to vector<16xi32>
        %parallel_loop3A_606 = arith.cmpi eq, %parallel_loop3A_603, %parallel_loop3A_605 : vector<16xi32>
        %parallel_loop3A_607 = tpu.memref_slice %arg9[%parallel_loop3A_372, %parallel_loop3A_376] : memref<8x2048xf32, #tpu.memory_space<vmem>> -> memref<1x128xf32, #tpu.memory_space<vmem>>
        %parallel_loop3A_608 = tpu.memref_squeeze %parallel_loop3A_607 : memref<1x128xf32, #tpu.memory_space<vmem>> -> memref<128xf32, #tpu.memory_space<vmem>>
        tpu.vector_store_idx %parallel_loop3A_608[%add3A_247], %parallel_loop3A_600 masked %parallel_loop3A_606 : memref<128xf32, #tpu.memory_space<vmem>>[vector<16xi32>], vector<16xf32>, vector<16xi1>
        %parallel_loop3A_609 = arith.constant 64 : i32
        %parallel_loop3A_610 = vector.broadcast %parallel_loop3A_609 : i32 to vector<16xi32>
        %parallel_loop3A_611 = arith.andi %parallel_loop3A_598, %parallel_loop3A_610 : vector<16xi32>
        %parallel_loop3A_612 = arith.constant 0 : i32
        %parallel_loop3A_613 = vector.broadcast %parallel_loop3A_612 : i32 to vector<16xi32>
        %parallel_loop3A_614 = arith.cmpi eq, %parallel_loop3A_611, %parallel_loop3A_613 : vector<16xi32>
        %parallel_loop3A_615 = tpu.memref_slice %arg9[%parallel_loop3A_372, %parallel_loop3A_376] : memref<8x2048xf32, #tpu.memory_space<vmem>> -> memref<1x128xf32, #tpu.memory_space<vmem>>
        %parallel_loop3A_616 = tpu.memref_squeeze %parallel_loop3A_615 : memref<1x128xf32, #tpu.memory_space<vmem>> -> memref<128xf32, #tpu.memory_space<vmem>>
        tpu.vector_store_idx %parallel_loop3A_616[%add3A_250], %parallel_loop3A_600 masked %parallel_loop3A_614 : memref<128xf32, #tpu.memory_space<vmem>>[vector<16xi32>], vector<16xf32>, vector<16xi1>
        %parallel_loop3A_617 = arith.constant 1024 : i32
        %parallel_loop3A_618 = vector.broadcast %parallel_loop3A_617 : i32 to vector<16xi32>
        %parallel_loop3A_619 = arith.andi %parallel_loop3A_598, %parallel_loop3A_618 : vector<16xi32>
        %parallel_loop3A_620 = arith.constant 0 : i32
        %parallel_loop3A_621 = vector.broadcast %parallel_loop3A_620 : i32 to vector<16xi32>
        %parallel_loop3A_622 = arith.cmpi eq, %parallel_loop3A_619, %parallel_loop3A_621 : vector<16xi32>
        %parallel_loop3A_623 = tpu.memref_slice %arg9[%parallel_loop3A_372, %parallel_loop3A_376] : memref<8x2048xf32, #tpu.memory_space<vmem>> -> memref<1x128xf32, #tpu.memory_space<vmem>>
        %parallel_loop3A_624 = tpu.memref_squeeze %parallel_loop3A_623 : memref<1x128xf32, #tpu.memory_space<vmem>> -> memref<128xf32, #tpu.memory_space<vmem>>
        tpu.vector_store_idx %parallel_loop3A_624[%add3A_253], %parallel_loop3A_600 masked %parallel_loop3A_622 : memref<128xf32, #tpu.memory_space<vmem>>[vector<16xi32>], vector<16xf32>, vector<16xi1>
        %parallel_loop3A_625 = arith.constant 16384 : i32
        %parallel_loop3A_626 = vector.broadcast %parallel_loop3A_625 : i32 to vector<16xi32>
        %parallel_loop3A_627 = arith.andi %parallel_loop3A_598, %parallel_loop3A_626 : vector<16xi32>
        %parallel_loop3A_628 = arith.constant 0 : i32
        %parallel_loop3A_629 = vector.broadcast %parallel_loop3A_628 : i32 to vector<16xi32>
        %parallel_loop3A_630 = arith.cmpi eq, %parallel_loop3A_627, %parallel_loop3A_629 : vector<16xi32>
        %parallel_loop3A_631 = tpu.memref_slice %arg9[%parallel_loop3A_372, %parallel_loop3A_376] : memref<8x2048xf32, #tpu.memory_space<vmem>> -> memref<1x128xf32, #tpu.memory_space<vmem>>
        %parallel_loop3A_632 = tpu.memref_squeeze %parallel_loop3A_631 : memref<1x128xf32, #tpu.memory_space<vmem>> -> memref<128xf32, #tpu.memory_space<vmem>>
        tpu.vector_store_idx %parallel_loop3A_632[%add3A_256], %parallel_loop3A_600 masked %parallel_loop3A_630 : memref<128xf32, #tpu.memory_space<vmem>>[vector<16xi32>], vector<16xf32>, vector<16xi1>
        %parallel_loop3A_633 = arith.constant 262144 : i32
        %parallel_loop3A_634 = vector.broadcast %parallel_loop3A_633 : i32 to vector<16xi32>
        %parallel_loop3A_635 = arith.andi %parallel_loop3A_598, %parallel_loop3A_634 : vector<16xi32>
        %parallel_loop3A_636 = arith.constant 0 : i32
        %parallel_loop3A_637 = vector.broadcast %parallel_loop3A_636 : i32 to vector<16xi32>
        %parallel_loop3A_638 = arith.cmpi eq, %parallel_loop3A_635, %parallel_loop3A_637 : vector<16xi32>
        %parallel_loop3A_639 = tpu.memref_slice %arg9[%parallel_loop3A_372, %parallel_loop3A_376] : memref<8x2048xf32, #tpu.memory_space<vmem>> -> memref<1x128xf32, #tpu.memory_space<vmem>>
        %parallel_loop3A_640 = tpu.memref_squeeze %parallel_loop3A_639 : memref<1x128xf32, #tpu.memory_space<vmem>> -> memref<128xf32, #tpu.memory_space<vmem>>
        tpu.vector_store_idx %parallel_loop3A_640[%add3A_259], %parallel_loop3A_600 masked %parallel_loop3A_638 : memref<128xf32, #tpu.memory_space<vmem>>[vector<16xi32>], vector<16xf32>, vector<16xi1>
        %parallel_loop3A_641 = arith.constant 4194304 : i32
        %parallel_loop3A_642 = vector.broadcast %parallel_loop3A_641 : i32 to vector<16xi32>
        %parallel_loop3A_643 = arith.andi %parallel_loop3A_598, %parallel_loop3A_642 : vector<16xi32>
        %parallel_loop3A_644 = arith.constant 0 : i32
        %parallel_loop3A_645 = vector.broadcast %parallel_loop3A_644 : i32 to vector<16xi32>
        %parallel_loop3A_646 = arith.cmpi eq, %parallel_loop3A_643, %parallel_loop3A_645 : vector<16xi32>
        %parallel_loop3A_647 = tpu.memref_slice %arg9[%parallel_loop3A_372, %parallel_loop3A_376] : memref<8x2048xf32, #tpu.memory_space<vmem>> -> memref<1x128xf32, #tpu.memory_space<vmem>>
        %parallel_loop3A_648 = tpu.memref_squeeze %parallel_loop3A_647 : memref<1x128xf32, #tpu.memory_space<vmem>> -> memref<128xf32, #tpu.memory_space<vmem>>
        tpu.vector_store_idx %parallel_loop3A_648[%add3A_262], %parallel_loop3A_600 masked %parallel_loop3A_646 : memref<128xf32, #tpu.memory_space<vmem>>[vector<16xi32>], vector<16xf32>, vector<16xi1>
        %parallel_loop3A_649 = arith.constant 67108864 : i32
        %parallel_loop3A_650 = vector.broadcast %parallel_loop3A_649 : i32 to vector<16xi32>
        %parallel_loop3A_651 = arith.andi %parallel_loop3A_598, %parallel_loop3A_650 : vector<16xi32>
        %parallel_loop3A_652 = arith.constant 0 : i32
        %parallel_loop3A_653 = vector.broadcast %parallel_loop3A_652 : i32 to vector<16xi32>
        %parallel_loop3A_654 = arith.cmpi eq, %parallel_loop3A_651, %parallel_loop3A_653 : vector<16xi32>
        %parallel_loop3A_655 = tpu.memref_slice %arg9[%parallel_loop3A_372, %parallel_loop3A_376] : memref<8x2048xf32, #tpu.memory_space<vmem>> -> memref<1x128xf32, #tpu.memory_space<vmem>>
        %parallel_loop3A_656 = tpu.memref_squeeze %parallel_loop3A_655 : memref<1x128xf32, #tpu.memory_space<vmem>> -> memref<128xf32, #tpu.memory_space<vmem>>
        tpu.vector_store_idx %parallel_loop3A_656[%add3A_265], %parallel_loop3A_600 masked %parallel_loop3A_654 : memref<128xf32, #tpu.memory_space<vmem>>[vector<16xi32>], vector<16xf32>, vector<16xi1>
        %parallel_loop3A_657 = arith.constant 1073741824 : i32
        %parallel_loop3A_658 = vector.broadcast %parallel_loop3A_657 : i32 to vector<16xi32>
        %parallel_loop3A_659 = arith.andi %parallel_loop3A_598, %parallel_loop3A_658 : vector<16xi32>
        %parallel_loop3A_660 = arith.constant 0 : i32
        %parallel_loop3A_661 = vector.broadcast %parallel_loop3A_660 : i32 to vector<16xi32>
        %parallel_loop3A_662 = arith.cmpi eq, %parallel_loop3A_659, %parallel_loop3A_661 : vector<16xi32>
        %parallel_loop3A_663 = tpu.memref_slice %arg9[%parallel_loop3A_372, %parallel_loop3A_376] : memref<8x2048xf32, #tpu.memory_space<vmem>> -> memref<1x128xf32, #tpu.memory_space<vmem>>
        %parallel_loop3A_664 = tpu.memref_squeeze %parallel_loop3A_663 : memref<1x128xf32, #tpu.memory_space<vmem>> -> memref<128xf32, #tpu.memory_space<vmem>>
        tpu.vector_store_idx %parallel_loop3A_664[%add3A_268], %parallel_loop3A_600 masked %parallel_loop3A_662 : memref<128xf32, #tpu.memory_space<vmem>>[vector<16xi32>], vector<16xf32>, vector<16xi1>
      } {sc.loop_unroll_factor = 2 : i64, sc.parallel_access}
      %shift_right_arithmetic3A_272 = arith.constant 1 : i32
      %shift_right_arithmetic3A_273 = arith.shrsi %add3A_221, %shift_right_arithmetic3A_272 : i32
      %add3A_274 = arith.addi %mul3A_2, %shift_right_arithmetic3A_273 : i32
      %and3A_275 = arith.constant 1 : i32
      %and3A_276 = arith.andi %add3A_221, %and3A_275 : i32
      %mul3A_277 = arith.constant 2048 : i32
      %mul3A_278 = arith.muli %and3A_276, %mul3A_277 : i32
      %dma_start3A_279 = tpu.memref_reshape %arg4 : memref<8192x4096xf32, #tpu.memory_space<hbm>> -> memref<1024x8x4096xf32, #tpu.memory_space<hbm>>
      %dma_start3A_280 = arith.constant 0 : i32
      %dma_start3A_281 = tpu.memref_slice %dma_start3A_279[%add3A_274, %dma_start3A_280, %mul3A_278] : memref<1024x8x4096xf32, #tpu.memory_space<hbm>> -> memref<1x8x2048xf32, #tpu.memory_space<hbm>>
      %dma_start3A_282 = tpu.memref_squeeze %dma_start3A_281 : memref<1x8x2048xf32, #tpu.memory_space<hbm>> -> memref<8x2048xf32, #tpu.memory_space<hbm>>
      %dma_start3A_283 = tpu.memref_reshape %arg4 : memref<8192x4096xf32, #tpu.memory_space<hbm>> -> memref<1024x8x4096xf32, #tpu.memory_space<hbm>>
      %dma_start3A_284 = arith.constant 0 : i32
      %dma_start3A_285 = tpu.memref_slice %dma_start3A_283[%add3A_274, %dma_start3A_284, %mul3A_278] : memref<1024x8x4096xf32, #tpu.memory_space<hbm>> -> memref<1x8x2048xf32, #tpu.memory_space<hbm>>
      %dma_start3A_286 = tpu.memref_squeeze %dma_start3A_285 : memref<1x8x2048xf32, #tpu.memory_space<hbm>> -> memref<8x2048xf32, #tpu.memory_space<hbm>>
      tpu.enqueue_dma source(%arg9 : memref<8x2048xf32, #tpu.memory_space<vmem>>) target(%dma_start3A_286 : memref<8x2048xf32, #tpu.memory_space<hbm>>) target_semaphore(%arg18 : memref<!tpu.dma_semaphore, #tpu.memory_space<semaphore_mem>>)
      %add3A_287 = arith.constant 2 : i32
      %add3A_288 = arith.addi %add3A_221, %add3A_287 : i32
      %lt3A_289 = arith.constant 64 : i32
      %lt3A_290 = arith.cmpi slt, %add3A_288, %lt3A_289 : i32
      %convert_element_type3A_291 = arith.extui %lt3A_290 : i1 to i32
      %cond3A_292 = arith.constant 0 : i32
      %cond3A_293 = arith.cmpi ne, %convert_element_type3A_291, %cond3A_292 : i32
      scf.if %cond3A_293 {
        %ge3A = arith.constant 1 : i32
        %ge3A_370 = arith.cmpi sge, %add3A_221, %ge3A : i32
        %convert_element_type3A_371 = arith.extui %ge3A_370 : i1 to i32
        %cond3A_372 = arith.constant 0 : i32
        %cond3A_373 = arith.cmpi ne, %convert_element_type3A_371, %cond3A_372 : i32
        scf.if %cond3A_373 {
          %sub3A = arith.constant 1 : i32
          %sub3A_399 = arith.subi %add3A_221, %sub3A : i32
          %shift_right_arithmetic3A_400 = arith.constant 1 : i32
          %shift_right_arithmetic3A_401 = arith.shrsi %sub3A_399, %shift_right_arithmetic3A_400 : i32
          %add3A_402 = arith.addi %mul3A_2, %shift_right_arithmetic3A_401 : i32
          %and3A_403 = arith.constant 1 : i32
          %and3A_404 = arith.andi %sub3A_399, %and3A_403 : i32
          %mul3A_405 = arith.constant 2048 : i32
          %mul3A_406 = arith.muli %and3A_404, %mul3A_405 : i32
          %dma_wait3A_407 = tpu.memref_reshape %arg4 : memref<8192x4096xf32, #tpu.memory_space<hbm>> -> memref<1024x8x4096xf32, #tpu.memory_space<hbm>>
          %dma_wait3A_408 = arith.constant 0 : i32
          %dma_wait3A_409 = tpu.memref_slice %dma_wait3A_407[%add3A_402, %dma_wait3A_408, %mul3A_406] : memref<1024x8x4096xf32, #tpu.memory_space<hbm>> -> memref<1x8x2048xf32, #tpu.memory_space<hbm>>
          %dma_wait3A_410 = tpu.memref_squeeze %dma_wait3A_409 : memref<1x8x2048xf32, #tpu.memory_space<hbm>> -> memref<8x2048xf32, #tpu.memory_space<hbm>>
          %dma_wait3A_411 = tpu.memref_reshape %arg4 : memref<8192x4096xf32, #tpu.memory_space<hbm>> -> memref<1024x8x4096xf32, #tpu.memory_space<hbm>>
          %dma_wait3A_412 = arith.constant 0 : i32
          %dma_wait3A_413 = tpu.memref_slice %dma_wait3A_411[%add3A_402, %dma_wait3A_412, %mul3A_406] : memref<1024x8x4096xf32, #tpu.memory_space<hbm>> -> memref<1x8x2048xf32, #tpu.memory_space<hbm>>
          %dma_wait3A_414 = tpu.memref_squeeze %dma_wait3A_413 : memref<1x8x2048xf32, #tpu.memory_space<hbm>> -> memref<8x2048xf32, #tpu.memory_space<hbm>>
          tpu.wait_dma2 semaphore(%arg17 : memref<!tpu.dma_semaphore, #tpu.memory_space<semaphore_mem>>) src(%arg8 : memref<8x2048xf32, #tpu.memory_space<vmem>>) dst(%dma_wait3A_414 : memref<8x2048xf32, #tpu.memory_space<hbm>>)
        } else {
        }
        %add3A_374 = arith.constant 2 : i32
        %add3A_375 = arith.addi %add3A_221, %add3A_374 : i32
        %shift_right_arithmetic3A_376 = arith.constant 1 : i32
        %shift_right_arithmetic3A_377 = arith.shrsi %add3A_375, %shift_right_arithmetic3A_376 : i32
        %add3A_378 = arith.addi %mul3A_2, %shift_right_arithmetic3A_377 : i32
        %and3A_379 = arith.constant 1 : i32
        %and3A_380 = arith.andi %add3A_375, %and3A_379 : i32
        %mul3A_381 = arith.constant 2048 : i32
        %mul3A_382 = arith.muli %and3A_380, %mul3A_381 : i32
        %dma_start3A_383 = tpu.memref_reshape %arg2 : memref<8192x4096xf32, #tpu.memory_space<hbm>> -> memref<1024x8x4096xf32, #tpu.memory_space<hbm>>
        %dma_start3A_384 = arith.constant 0 : i32
        %dma_start3A_385 = tpu.memref_slice %dma_start3A_383[%add3A_378, %dma_start3A_384, %mul3A_382] : memref<1024x8x4096xf32, #tpu.memory_space<hbm>> -> memref<1x8x2048xf32, #tpu.memory_space<hbm>>
        %dma_start3A_386 = tpu.memref_squeeze %dma_start3A_385 : memref<1x8x2048xf32, #tpu.memory_space<hbm>> -> memref<8x2048xf32, #tpu.memory_space<hbm>>
        %dma_start3A_387 = tpu.memref_reshape %arg2 : memref<8192x4096xf32, #tpu.memory_space<hbm>> -> memref<1024x8x4096xf32, #tpu.memory_space<hbm>>
        %dma_start3A_388 = arith.constant 0 : i32
        %dma_start3A_389 = tpu.memref_slice %dma_start3A_387[%add3A_378, %dma_start3A_388, %mul3A_382] : memref<1024x8x4096xf32, #tpu.memory_space<hbm>> -> memref<1x8x2048xf32, #tpu.memory_space<hbm>>
        %dma_start3A_390 = tpu.memref_squeeze %dma_start3A_389 : memref<1x8x2048xf32, #tpu.memory_space<hbm>> -> memref<8x2048xf32, #tpu.memory_space<hbm>>
        tpu.enqueue_dma source(%dma_start3A_390 : memref<8x2048xf32, #tpu.memory_space<hbm>>) target(%arg8 : memref<8x2048xf32, #tpu.memory_space<vmem>>) target_semaphore(%arg11 : memref<!tpu.dma_semaphore, #tpu.memory_space<semaphore_mem>>)
        %dma_start3A_391 = tpu.memref_reshape %arg3 : memref<8192x4096xf32, #tpu.memory_space<hbm>> -> memref<1024x8x4096xf32, #tpu.memory_space<hbm>>
        %dma_start3A_392 = arith.constant 0 : i32
        %dma_start3A_393 = tpu.memref_slice %dma_start3A_391[%add3A_378, %dma_start3A_392, %mul3A_382] : memref<1024x8x4096xf32, #tpu.memory_space<hbm>> -> memref<1x8x2048xf32, #tpu.memory_space<hbm>>
        %dma_start3A_394 = tpu.memref_squeeze %dma_start3A_393 : memref<1x8x2048xf32, #tpu.memory_space<hbm>> -> memref<8x2048xf32, #tpu.memory_space<hbm>>
        %dma_start3A_395 = tpu.memref_reshape %arg3 : memref<8192x4096xf32, #tpu.memory_space<hbm>> -> memref<1024x8x4096xf32, #tpu.memory_space<hbm>>
        %dma_start3A_396 = arith.constant 0 : i32
        %dma_start3A_397 = tpu.memref_slice %dma_start3A_395[%add3A_378, %dma_start3A_396, %mul3A_382] : memref<1024x8x4096xf32, #tpu.memory_space<hbm>> -> memref<1x8x2048xf32, #tpu.memory_space<hbm>>
        %dma_start3A_398 = tpu.memref_squeeze %dma_start3A_397 : memref<1x8x2048xf32, #tpu.memory_space<hbm>> -> memref<8x2048xf32, #tpu.memory_space<hbm>>
        tpu.enqueue_dma source(%dma_start3A_398 : memref<8x2048xf32, #tpu.memory_space<hbm>>) target(%arg5 : memref<8x2048xf32, #tpu.memory_space<vmem>>) target_semaphore(%arg14 : memref<!tpu.dma_semaphore, #tpu.memory_space<semaphore_mem>>)
      } else {
      }
      %mul3A_294 = arith.constant 3 : i32
      %mul3A_295 = arith.muli %mul3A_294, %scan3A_148 : i32
      %add3A_296 = arith.constant 2 : i32
      %add3A_297 = arith.addi %mul3A_295, %add3A_296 : i32
      %shift_right_arithmetic3A_298 = arith.constant 1 : i32
      %shift_right_arithmetic3A_299 = arith.shrsi %add3A_297, %shift_right_arithmetic3A_298 : i32
      %add3A_300 = arith.addi %mul3A_2, %shift_right_arithmetic3A_299 : i32
      %and3A_301 = arith.constant 1 : i32
      %and3A_302 = arith.andi %add3A_297, %and3A_301 : i32
      %mul3A_303 = arith.constant 2048 : i32
      %mul3A_304 = arith.muli %and3A_302, %mul3A_303 : i32
      %dma_wait3A_305 = tpu.memref_reshape %arg2 : memref<8192x4096xf32, #tpu.memory_space<hbm>> -> memref<1024x8x4096xf32, #tpu.memory_space<hbm>>
      %dma_wait3A_306 = arith.constant 0 : i32
      %dma_wait3A_307 = tpu.memref_slice %dma_wait3A_305[%add3A_300, %dma_wait3A_306, %mul3A_304] : memref<1024x8x4096xf32, #tpu.memory_space<hbm>> -> memref<1x8x2048xf32, #tpu.memory_space<hbm>>
      %dma_wait3A_308 = tpu.memref_squeeze %dma_wait3A_307 : memref<1x8x2048xf32, #tpu.memory_space<hbm>> -> memref<8x2048xf32, #tpu.memory_space<hbm>>
      %dma_wait3A_309 = tpu.memref_reshape %arg2 : memref<8192x4096xf32, #tpu.memory_space<hbm>> -> memref<1024x8x4096xf32, #tpu.memory_space<hbm>>
      %dma_wait3A_310 = arith.constant 0 : i32
      %dma_wait3A_311 = tpu.memref_slice %dma_wait3A_309[%add3A_300, %dma_wait3A_310, %mul3A_304] : memref<1024x8x4096xf32, #tpu.memory_space<hbm>> -> memref<1x8x2048xf32, #tpu.memory_space<hbm>>
      %dma_wait3A_312 = tpu.memref_squeeze %dma_wait3A_311 : memref<1x8x2048xf32, #tpu.memory_space<hbm>> -> memref<8x2048xf32, #tpu.memory_space<hbm>>
      tpu.wait_dma2 semaphore(%arg13 : memref<!tpu.dma_semaphore, #tpu.memory_space<semaphore_mem>>) src(%dma_wait3A_312 : memref<8x2048xf32, #tpu.memory_space<hbm>>) dst(%arg10 : memref<8x2048xf32, #tpu.memory_space<vmem>>)
      %dma_wait3A_313 = tpu.memref_reshape %arg3 : memref<8192x4096xf32, #tpu.memory_space<hbm>> -> memref<1024x8x4096xf32, #tpu.memory_space<hbm>>
      %dma_wait3A_314 = arith.constant 0 : i32
      %dma_wait3A_315 = tpu.memref_slice %dma_wait3A_313[%add3A_300, %dma_wait3A_314, %mul3A_304] : memref<1024x8x4096xf32, #tpu.memory_space<hbm>> -> memref<1x8x2048xf32, #tpu.memory_space<hbm>>
      %dma_wait3A_316 = tpu.memref_squeeze %dma_wait3A_315 : memref<1x8x2048xf32, #tpu.memory_space<hbm>> -> memref<8x2048xf32, #tpu.memory_space<hbm>>
      %dma_wait3A_317 = tpu.memref_reshape %arg3 : memref<8192x4096xf32, #tpu.memory_space<hbm>> -> memref<1024x8x4096xf32, #tpu.memory_space<hbm>>
      %dma_wait3A_318 = arith.constant 0 : i32
      %dma_wait3A_319 = tpu.memref_slice %dma_wait3A_317[%add3A_300, %dma_wait3A_318, %mul3A_304] : memref<1024x8x4096xf32, #tpu.memory_space<hbm>> -> memref<1x8x2048xf32, #tpu.memory_space<hbm>>
      %dma_wait3A_320 = tpu.memref_squeeze %dma_wait3A_319 : memref<1x8x2048xf32, #tpu.memory_space<hbm>> -> memref<8x2048xf32, #tpu.memory_space<hbm>>
      tpu.wait_dma2 semaphore(%arg16 : memref<!tpu.dma_semaphore, #tpu.memory_space<semaphore_mem>>) src(%dma_wait3A_320 : memref<8x2048xf32, #tpu.memory_space<hbm>>) dst(%arg7 : memref<8x2048xf32, #tpu.memory_space<vmem>>)
      %add3A_321 = arith.constant 0 : i32
      %add3A_322 = vector.broadcast %add3A_321 : i32 to vector<16xi32>
      %add3A_323 = arith.addi %mul3A_5, %add3A_322 : vector<16xi32>
      %add3A_324 = arith.constant 1 : i32
      %add3A_325 = vector.broadcast %add3A_324 : i32 to vector<16xi32>
      %add3A_326 = arith.addi %mul3A_5, %add3A_325 : vector<16xi32>
      %add3A_327 = arith.constant 2 : i32
      %add3A_328 = vector.broadcast %add3A_327 : i32 to vector<16xi32>
      %add3A_329 = arith.addi %mul3A_5, %add3A_328 : vector<16xi32>
      %add3A_330 = arith.constant 3 : i32
      %add3A_331 = vector.broadcast %add3A_330 : i32 to vector<16xi32>
      %add3A_332 = arith.addi %mul3A_5, %add3A_331 : vector<16xi32>
      %add3A_333 = arith.constant 4 : i32
      %add3A_334 = vector.broadcast %add3A_333 : i32 to vector<16xi32>
      %add3A_335 = arith.addi %mul3A_5, %add3A_334 : vector<16xi32>
      %add3A_336 = arith.constant 5 : i32
      %add3A_337 = vector.broadcast %add3A_336 : i32 to vector<16xi32>
      %add3A_338 = arith.addi %mul3A_5, %add3A_337 : vector<16xi32>
      %add3A_339 = arith.constant 6 : i32
      %add3A_340 = vector.broadcast %add3A_339 : i32 to vector<16xi32>
      %add3A_341 = arith.addi %mul3A_5, %add3A_340 : vector<16xi32>
      %add3A_342 = arith.constant 7 : i32
      %add3A_343 = vector.broadcast %add3A_342 : i32 to vector<16xi32>
      %add3A_344 = arith.addi %mul3A_5, %add3A_343 : vector<16xi32>
      %parallel_loop3A_345 = arith.constant 0 : i32
      %parallel_loop3A_346 = arith.constant 128 : i32
      %parallel_loop3A_347 = arith.constant 1 : i32
      scf.for %parallel_loop3A_370 = %parallel_loop3A_345 to %parallel_loop3A_346 step %parallel_loop3A_347  : i32 {
        %parallel_loop3A_371 = arith.constant 4 : i32
        %parallel_loop3A_372 = arith.shrsi %parallel_loop3A_370, %parallel_loop3A_371 : i32
        %parallel_loop3A_373 = arith.constant 15 : i32
        %parallel_loop3A_374 = arith.andi %parallel_loop3A_370, %parallel_loop3A_373 : i32
        %parallel_loop3A_375 = arith.constant 128 : i32
        %parallel_loop3A_376 = arith.muli %parallel_loop3A_374, %parallel_loop3A_375 : i32
        %parallel_loop3A_377 = tpu.memref_slice %arg7[%parallel_loop3A_372, %parallel_loop3A_376] : memref<8x2048xf32, #tpu.memory_space<vmem>> -> memref<1x128xf32, #tpu.memory_space<vmem>>
        %parallel_loop3A_378 = tpu.memref_squeeze %parallel_loop3A_377 : memref<1x128xf32, #tpu.memory_space<vmem>> -> memref<128xf32, #tpu.memory_space<vmem>>
        %parallel_loop3A_379 = tpu.vector_load_idx %parallel_loop3A_378[%add3A_323] : memref<128xf32, #tpu.memory_space<vmem>>[vector<16xi32>], vector<16xf32>,
        %parallel_loop3A_380 = tpu.memref_slice %arg7[%parallel_loop3A_372, %parallel_loop3A_376] : memref<8x2048xf32, #tpu.memory_space<vmem>> -> memref<1x128xf32, #tpu.memory_space<vmem>>
        %parallel_loop3A_381 = tpu.memref_squeeze %parallel_loop3A_380 : memref<1x128xf32, #tpu.memory_space<vmem>> -> memref<128xf32, #tpu.memory_space<vmem>>
        %parallel_loop3A_382 = tpu.vector_load_idx %parallel_loop3A_381[%add3A_326] : memref<128xf32, #tpu.memory_space<vmem>>[vector<16xi32>], vector<16xf32>,
        %parallel_loop3A_383 = tpu.memref_slice %arg7[%parallel_loop3A_372, %parallel_loop3A_376] : memref<8x2048xf32, #tpu.memory_space<vmem>> -> memref<1x128xf32, #tpu.memory_space<vmem>>
        %parallel_loop3A_384 = tpu.memref_squeeze %parallel_loop3A_383 : memref<1x128xf32, #tpu.memory_space<vmem>> -> memref<128xf32, #tpu.memory_space<vmem>>
        %parallel_loop3A_385 = tpu.vector_load_idx %parallel_loop3A_384[%add3A_329] : memref<128xf32, #tpu.memory_space<vmem>>[vector<16xi32>], vector<16xf32>,
        %parallel_loop3A_386 = tpu.memref_slice %arg7[%parallel_loop3A_372, %parallel_loop3A_376] : memref<8x2048xf32, #tpu.memory_space<vmem>> -> memref<1x128xf32, #tpu.memory_space<vmem>>
        %parallel_loop3A_387 = tpu.memref_squeeze %parallel_loop3A_386 : memref<1x128xf32, #tpu.memory_space<vmem>> -> memref<128xf32, #tpu.memory_space<vmem>>
        %parallel_loop3A_388 = tpu.vector_load_idx %parallel_loop3A_387[%add3A_332] : memref<128xf32, #tpu.memory_space<vmem>>[vector<16xi32>], vector<16xf32>,
        %parallel_loop3A_389 = tpu.memref_slice %arg7[%parallel_loop3A_372, %parallel_loop3A_376] : memref<8x2048xf32, #tpu.memory_space<vmem>> -> memref<1x128xf32, #tpu.memory_space<vmem>>
        %parallel_loop3A_390 = tpu.memref_squeeze %parallel_loop3A_389 : memref<1x128xf32, #tpu.memory_space<vmem>> -> memref<128xf32, #tpu.memory_space<vmem>>
        %parallel_loop3A_391 = tpu.vector_load_idx %parallel_loop3A_390[%add3A_335] : memref<128xf32, #tpu.memory_space<vmem>>[vector<16xi32>], vector<16xf32>,
        %parallel_loop3A_392 = tpu.memref_slice %arg7[%parallel_loop3A_372, %parallel_loop3A_376] : memref<8x2048xf32, #tpu.memory_space<vmem>> -> memref<1x128xf32, #tpu.memory_space<vmem>>
        %parallel_loop3A_393 = tpu.memref_squeeze %parallel_loop3A_392 : memref<1x128xf32, #tpu.memory_space<vmem>> -> memref<128xf32, #tpu.memory_space<vmem>>
        %parallel_loop3A_394 = tpu.vector_load_idx %parallel_loop3A_393[%add3A_338] : memref<128xf32, #tpu.memory_space<vmem>>[vector<16xi32>], vector<16xf32>,
        %parallel_loop3A_395 = tpu.memref_slice %arg7[%parallel_loop3A_372, %parallel_loop3A_376] : memref<8x2048xf32, #tpu.memory_space<vmem>> -> memref<1x128xf32, #tpu.memory_space<vmem>>
        %parallel_loop3A_396 = tpu.memref_squeeze %parallel_loop3A_395 : memref<1x128xf32, #tpu.memory_space<vmem>> -> memref<128xf32, #tpu.memory_space<vmem>>
        %parallel_loop3A_397 = tpu.vector_load_idx %parallel_loop3A_396[%add3A_341] : memref<128xf32, #tpu.memory_space<vmem>>[vector<16xi32>], vector<16xf32>,
        %parallel_loop3A_398 = tpu.memref_slice %arg7[%parallel_loop3A_372, %parallel_loop3A_376] : memref<8x2048xf32, #tpu.memory_space<vmem>> -> memref<1x128xf32, #tpu.memory_space<vmem>>
        %parallel_loop3A_399 = tpu.memref_squeeze %parallel_loop3A_398 : memref<1x128xf32, #tpu.memory_space<vmem>> -> memref<128xf32, #tpu.memory_space<vmem>>
        %parallel_loop3A_400 = tpu.vector_load_idx %parallel_loop3A_399[%add3A_344] : memref<128xf32, #tpu.memory_space<vmem>>[vector<16xi32>], vector<16xf32>,
        %parallel_loop3A_401 = arith.cmpf olt, %parallel_loop3A_382, %parallel_loop3A_379 : vector<16xf32>
        %parallel_loop3A_402 = arith.constant -15 : i32
        %parallel_loop3A_403 = arith.constant 0 : i32
        %parallel_loop3A_404 = vector.broadcast %parallel_loop3A_402 : i32 to vector<16xi32>
        %parallel_loop3A_405 = vector.broadcast %parallel_loop3A_403 : i32 to vector<16xi32>
        %parallel_loop3A_406 = arith.select %parallel_loop3A_401, %parallel_loop3A_404, %parallel_loop3A_405 : vector<16xi1>, vector<16xi32>
        %parallel_loop3A_407 = arith.cmpf olt, %parallel_loop3A_385, %parallel_loop3A_379 : vector<16xf32>
        %parallel_loop3A_408 = arith.constant -255 : i32
        %parallel_loop3A_409 = arith.constant 0 : i32
        %parallel_loop3A_410 = vector.broadcast %parallel_loop3A_408 : i32 to vector<16xi32>
        %parallel_loop3A_411 = vector.broadcast %parallel_loop3A_409 : i32 to vector<16xi32>
        %parallel_loop3A_412 = arith.select %parallel_loop3A_407, %parallel_loop3A_410, %parallel_loop3A_411 : vector<16xi1>, vector<16xi32>
        %parallel_loop3A_413 = arith.cmpf olt, %parallel_loop3A_388, %parallel_loop3A_379 : vector<16xf32>
        %parallel_loop3A_414 = arith.constant -4095 : i32
        %parallel_loop3A_415 = arith.constant 0 : i32
        %parallel_loop3A_416 = vector.broadcast %parallel_loop3A_414 : i32 to vector<16xi32>
        %parallel_loop3A_417 = vector.broadcast %parallel_loop3A_415 : i32 to vector<16xi32>
        %parallel_loop3A_418 = arith.select %parallel_loop3A_413, %parallel_loop3A_416, %parallel_loop3A_417 : vector<16xi1>, vector<16xi32>
        %parallel_loop3A_419 = arith.cmpf olt, %parallel_loop3A_391, %parallel_loop3A_379 : vector<16xf32>
        %parallel_loop3A_420 = arith.constant -65535 : i32
        %parallel_loop3A_421 = arith.constant 0 : i32
        %parallel_loop3A_422 = vector.broadcast %parallel_loop3A_420 : i32 to vector<16xi32>
        %parallel_loop3A_423 = vector.broadcast %parallel_loop3A_421 : i32 to vector<16xi32>
        %parallel_loop3A_424 = arith.select %parallel_loop3A_419, %parallel_loop3A_422, %parallel_loop3A_423 : vector<16xi1>, vector<16xi32>
        %parallel_loop3A_425 = arith.cmpf olt, %parallel_loop3A_394, %parallel_loop3A_379 : vector<16xf32>
        %parallel_loop3A_426 = arith.constant -1048575 : i32
        %parallel_loop3A_427 = arith.constant 0 : i32
        %parallel_loop3A_428 = vector.broadcast %parallel_loop3A_426 : i32 to vector<16xi32>
        %parallel_loop3A_429 = vector.broadcast %parallel_loop3A_427 : i32 to vector<16xi32>
        %parallel_loop3A_430 = arith.select %parallel_loop3A_425, %parallel_loop3A_428, %parallel_loop3A_429 : vector<16xi1>, vector<16xi32>
        %parallel_loop3A_431 = arith.cmpf olt, %parallel_loop3A_397, %parallel_loop3A_379 : vector<16xf32>
        %parallel_loop3A_432 = arith.constant -16777215 : i32
        %parallel_loop3A_433 = arith.constant 0 : i32
        %parallel_loop3A_434 = vector.broadcast %parallel_loop3A_432 : i32 to vector<16xi32>
        %parallel_loop3A_435 = vector.broadcast %parallel_loop3A_433 : i32 to vector<16xi32>
        %parallel_loop3A_436 = arith.select %parallel_loop3A_431, %parallel_loop3A_434, %parallel_loop3A_435 : vector<16xi1>, vector<16xi32>
        %parallel_loop3A_437 = arith.cmpf olt, %parallel_loop3A_400, %parallel_loop3A_379 : vector<16xf32>
        %parallel_loop3A_438 = arith.constant -268435455 : i32
        %parallel_loop3A_439 = arith.constant 0 : i32
        %parallel_loop3A_440 = vector.broadcast %parallel_loop3A_438 : i32 to vector<16xi32>
        %parallel_loop3A_441 = vector.broadcast %parallel_loop3A_439 : i32 to vector<16xi32>
        %parallel_loop3A_442 = arith.select %parallel_loop3A_437, %parallel_loop3A_440, %parallel_loop3A_441 : vector<16xi1>, vector<16xi32>
        %parallel_loop3A_443 = arith.cmpf olt, %parallel_loop3A_385, %parallel_loop3A_382 : vector<16xf32>
        %parallel_loop3A_444 = arith.constant -240 : i32
        %parallel_loop3A_445 = arith.constant 0 : i32
        %parallel_loop3A_446 = vector.broadcast %parallel_loop3A_444 : i32 to vector<16xi32>
        %parallel_loop3A_447 = vector.broadcast %parallel_loop3A_445 : i32 to vector<16xi32>
        %parallel_loop3A_448 = arith.select %parallel_loop3A_443, %parallel_loop3A_446, %parallel_loop3A_447 : vector<16xi1>, vector<16xi32>
        %parallel_loop3A_449 = arith.cmpf olt, %parallel_loop3A_388, %parallel_loop3A_382 : vector<16xf32>
        %parallel_loop3A_450 = arith.constant -4080 : i32
        %parallel_loop3A_451 = arith.constant 0 : i32
        %parallel_loop3A_452 = vector.broadcast %parallel_loop3A_450 : i32 to vector<16xi32>
        %parallel_loop3A_453 = vector.broadcast %parallel_loop3A_451 : i32 to vector<16xi32>
        %parallel_loop3A_454 = arith.select %parallel_loop3A_449, %parallel_loop3A_452, %parallel_loop3A_453 : vector<16xi1>, vector<16xi32>
        %parallel_loop3A_455 = arith.cmpf olt, %parallel_loop3A_391, %parallel_loop3A_382 : vector<16xf32>
        %parallel_loop3A_456 = arith.constant -65520 : i32
        %parallel_loop3A_457 = arith.constant 0 : i32
        %parallel_loop3A_458 = vector.broadcast %parallel_loop3A_456 : i32 to vector<16xi32>
        %parallel_loop3A_459 = vector.broadcast %parallel_loop3A_457 : i32 to vector<16xi32>
        %parallel_loop3A_460 = arith.select %parallel_loop3A_455, %parallel_loop3A_458, %parallel_loop3A_459 : vector<16xi1>, vector<16xi32>
        %parallel_loop3A_461 = arith.cmpf olt, %parallel_loop3A_394, %parallel_loop3A_382 : vector<16xf32>
        %parallel_loop3A_462 = arith.constant -1048560 : i32
        %parallel_loop3A_463 = arith.constant 0 : i32
        %parallel_loop3A_464 = vector.broadcast %parallel_loop3A_462 : i32 to vector<16xi32>
        %parallel_loop3A_465 = vector.broadcast %parallel_loop3A_463 : i32 to vector<16xi32>
        %parallel_loop3A_466 = arith.select %parallel_loop3A_461, %parallel_loop3A_464, %parallel_loop3A_465 : vector<16xi1>, vector<16xi32>
        %parallel_loop3A_467 = arith.cmpf olt, %parallel_loop3A_397, %parallel_loop3A_382 : vector<16xf32>
        %parallel_loop3A_468 = arith.constant -16777200 : i32
        %parallel_loop3A_469 = arith.constant 0 : i32
        %parallel_loop3A_470 = vector.broadcast %parallel_loop3A_468 : i32 to vector<16xi32>
        %parallel_loop3A_471 = vector.broadcast %parallel_loop3A_469 : i32 to vector<16xi32>
        %parallel_loop3A_472 = arith.select %parallel_loop3A_467, %parallel_loop3A_470, %parallel_loop3A_471 : vector<16xi1>, vector<16xi32>
        %parallel_loop3A_473 = arith.cmpf olt, %parallel_loop3A_400, %parallel_loop3A_382 : vector<16xf32>
        %parallel_loop3A_474 = arith.constant -268435440 : i32
        %parallel_loop3A_475 = arith.constant 0 : i32
        %parallel_loop3A_476 = vector.broadcast %parallel_loop3A_474 : i32 to vector<16xi32>
        %parallel_loop3A_477 = vector.broadcast %parallel_loop3A_475 : i32 to vector<16xi32>
        %parallel_loop3A_478 = arith.select %parallel_loop3A_473, %parallel_loop3A_476, %parallel_loop3A_477 : vector<16xi1>, vector<16xi32>
        %parallel_loop3A_479 = arith.cmpf olt, %parallel_loop3A_388, %parallel_loop3A_385 : vector<16xf32>
        %parallel_loop3A_480 = arith.constant -3840 : i32
        %parallel_loop3A_481 = arith.constant 0 : i32
        %parallel_loop3A_482 = vector.broadcast %parallel_loop3A_480 : i32 to vector<16xi32>
        %parallel_loop3A_483 = vector.broadcast %parallel_loop3A_481 : i32 to vector<16xi32>
        %parallel_loop3A_484 = arith.select %parallel_loop3A_479, %parallel_loop3A_482, %parallel_loop3A_483 : vector<16xi1>, vector<16xi32>
        %parallel_loop3A_485 = arith.cmpf olt, %parallel_loop3A_391, %parallel_loop3A_385 : vector<16xf32>
        %parallel_loop3A_486 = arith.constant -65280 : i32
        %parallel_loop3A_487 = arith.constant 0 : i32
        %parallel_loop3A_488 = vector.broadcast %parallel_loop3A_486 : i32 to vector<16xi32>
        %parallel_loop3A_489 = vector.broadcast %parallel_loop3A_487 : i32 to vector<16xi32>
        %parallel_loop3A_490 = arith.select %parallel_loop3A_485, %parallel_loop3A_488, %parallel_loop3A_489 : vector<16xi1>, vector<16xi32>
        %parallel_loop3A_491 = arith.cmpf olt, %parallel_loop3A_394, %parallel_loop3A_385 : vector<16xf32>
        %parallel_loop3A_492 = arith.constant -1048320 : i32
        %parallel_loop3A_493 = arith.constant 0 : i32
        %parallel_loop3A_494 = vector.broadcast %parallel_loop3A_492 : i32 to vector<16xi32>
        %parallel_loop3A_495 = vector.broadcast %parallel_loop3A_493 : i32 to vector<16xi32>
        %parallel_loop3A_496 = arith.select %parallel_loop3A_491, %parallel_loop3A_494, %parallel_loop3A_495 : vector<16xi1>, vector<16xi32>
        %parallel_loop3A_497 = arith.cmpf olt, %parallel_loop3A_397, %parallel_loop3A_385 : vector<16xf32>
        %parallel_loop3A_498 = arith.constant -16776960 : i32
        %parallel_loop3A_499 = arith.constant 0 : i32
        %parallel_loop3A_500 = vector.broadcast %parallel_loop3A_498 : i32 to vector<16xi32>
        %parallel_loop3A_501 = vector.broadcast %parallel_loop3A_499 : i32 to vector<16xi32>
        %parallel_loop3A_502 = arith.select %parallel_loop3A_497, %parallel_loop3A_500, %parallel_loop3A_501 : vector<16xi1>, vector<16xi32>
        %parallel_loop3A_503 = arith.cmpf olt, %parallel_loop3A_400, %parallel_loop3A_385 : vector<16xf32>
        %parallel_loop3A_504 = arith.constant -268435200 : i32
        %parallel_loop3A_505 = arith.constant 0 : i32
        %parallel_loop3A_506 = vector.broadcast %parallel_loop3A_504 : i32 to vector<16xi32>
        %parallel_loop3A_507 = vector.broadcast %parallel_loop3A_505 : i32 to vector<16xi32>
        %parallel_loop3A_508 = arith.select %parallel_loop3A_503, %parallel_loop3A_506, %parallel_loop3A_507 : vector<16xi1>, vector<16xi32>
        %parallel_loop3A_509 = arith.cmpf olt, %parallel_loop3A_391, %parallel_loop3A_388 : vector<16xf32>
        %parallel_loop3A_510 = arith.constant -61440 : i32
        %parallel_loop3A_511 = arith.constant 0 : i32
        %parallel_loop3A_512 = vector.broadcast %parallel_loop3A_510 : i32 to vector<16xi32>
        %parallel_loop3A_513 = vector.broadcast %parallel_loop3A_511 : i32 to vector<16xi32>
        %parallel_loop3A_514 = arith.select %parallel_loop3A_509, %parallel_loop3A_512, %parallel_loop3A_513 : vector<16xi1>, vector<16xi32>
        %parallel_loop3A_515 = arith.cmpf olt, %parallel_loop3A_394, %parallel_loop3A_388 : vector<16xf32>
        %parallel_loop3A_516 = arith.constant -1044480 : i32
        %parallel_loop3A_517 = arith.constant 0 : i32
        %parallel_loop3A_518 = vector.broadcast %parallel_loop3A_516 : i32 to vector<16xi32>
        %parallel_loop3A_519 = vector.broadcast %parallel_loop3A_517 : i32 to vector<16xi32>
        %parallel_loop3A_520 = arith.select %parallel_loop3A_515, %parallel_loop3A_518, %parallel_loop3A_519 : vector<16xi1>, vector<16xi32>
        %parallel_loop3A_521 = arith.cmpf olt, %parallel_loop3A_397, %parallel_loop3A_388 : vector<16xf32>
        %parallel_loop3A_522 = arith.constant -16773120 : i32
        %parallel_loop3A_523 = arith.constant 0 : i32
        %parallel_loop3A_524 = vector.broadcast %parallel_loop3A_522 : i32 to vector<16xi32>
        %parallel_loop3A_525 = vector.broadcast %parallel_loop3A_523 : i32 to vector<16xi32>
        %parallel_loop3A_526 = arith.select %parallel_loop3A_521, %parallel_loop3A_524, %parallel_loop3A_525 : vector<16xi1>, vector<16xi32>
        %parallel_loop3A_527 = arith.cmpf olt, %parallel_loop3A_400, %parallel_loop3A_388 : vector<16xf32>
        %parallel_loop3A_528 = arith.constant -268431360 : i32
        %parallel_loop3A_529 = arith.constant 0 : i32
        %parallel_loop3A_530 = vector.broadcast %parallel_loop3A_528 : i32 to vector<16xi32>
        %parallel_loop3A_531 = vector.broadcast %parallel_loop3A_529 : i32 to vector<16xi32>
        %parallel_loop3A_532 = arith.select %parallel_loop3A_527, %parallel_loop3A_530, %parallel_loop3A_531 : vector<16xi1>, vector<16xi32>
        %parallel_loop3A_533 = arith.cmpf olt, %parallel_loop3A_394, %parallel_loop3A_391 : vector<16xf32>
        %parallel_loop3A_534 = arith.constant -983040 : i32
        %parallel_loop3A_535 = arith.constant 0 : i32
        %parallel_loop3A_536 = vector.broadcast %parallel_loop3A_534 : i32 to vector<16xi32>
        %parallel_loop3A_537 = vector.broadcast %parallel_loop3A_535 : i32 to vector<16xi32>
        %parallel_loop3A_538 = arith.select %parallel_loop3A_533, %parallel_loop3A_536, %parallel_loop3A_537 : vector<16xi1>, vector<16xi32>
        %parallel_loop3A_539 = arith.cmpf olt, %parallel_loop3A_397, %parallel_loop3A_391 : vector<16xf32>
        %parallel_loop3A_540 = arith.constant -16711680 : i32
        %parallel_loop3A_541 = arith.constant 0 : i32
        %parallel_loop3A_542 = vector.broadcast %parallel_loop3A_540 : i32 to vector<16xi32>
        %parallel_loop3A_543 = vector.broadcast %parallel_loop3A_541 : i32 to vector<16xi32>
        %parallel_loop3A_544 = arith.select %parallel_loop3A_539, %parallel_loop3A_542, %parallel_loop3A_543 : vector<16xi1>, vector<16xi32>
        %parallel_loop3A_545 = arith.cmpf olt, %parallel_loop3A_400, %parallel_loop3A_391 : vector<16xf32>
        %parallel_loop3A_546 = arith.constant -268369920 : i32
        %parallel_loop3A_547 = arith.constant 0 : i32
        %parallel_loop3A_548 = vector.broadcast %parallel_loop3A_546 : i32 to vector<16xi32>
        %parallel_loop3A_549 = vector.broadcast %parallel_loop3A_547 : i32 to vector<16xi32>
        %parallel_loop3A_550 = arith.select %parallel_loop3A_545, %parallel_loop3A_548, %parallel_loop3A_549 : vector<16xi1>, vector<16xi32>
        %parallel_loop3A_551 = arith.cmpf olt, %parallel_loop3A_397, %parallel_loop3A_394 : vector<16xf32>
        %parallel_loop3A_552 = arith.constant -15728640 : i32
        %parallel_loop3A_553 = arith.constant 0 : i32
        %parallel_loop3A_554 = vector.broadcast %parallel_loop3A_552 : i32 to vector<16xi32>
        %parallel_loop3A_555 = vector.broadcast %parallel_loop3A_553 : i32 to vector<16xi32>
        %parallel_loop3A_556 = arith.select %parallel_loop3A_551, %parallel_loop3A_554, %parallel_loop3A_555 : vector<16xi1>, vector<16xi32>
        %parallel_loop3A_557 = arith.cmpf olt, %parallel_loop3A_400, %parallel_loop3A_394 : vector<16xf32>
        %parallel_loop3A_558 = arith.constant -267386880 : i32
        %parallel_loop3A_559 = arith.constant 0 : i32
        %parallel_loop3A_560 = vector.broadcast %parallel_loop3A_558 : i32 to vector<16xi32>
        %parallel_loop3A_561 = vector.broadcast %parallel_loop3A_559 : i32 to vector<16xi32>
        %parallel_loop3A_562 = arith.select %parallel_loop3A_557, %parallel_loop3A_560, %parallel_loop3A_561 : vector<16xi1>, vector<16xi32>
        %parallel_loop3A_563 = arith.cmpf olt, %parallel_loop3A_400, %parallel_loop3A_397 : vector<16xf32>
        %parallel_loop3A_564 = arith.constant -251658240 : i32
        %parallel_loop3A_565 = arith.constant 0 : i32
        %parallel_loop3A_566 = vector.broadcast %parallel_loop3A_564 : i32 to vector<16xi32>
        %parallel_loop3A_567 = vector.broadcast %parallel_loop3A_565 : i32 to vector<16xi32>
        %parallel_loop3A_568 = arith.select %parallel_loop3A_563, %parallel_loop3A_566, %parallel_loop3A_567 : vector<16xi1>, vector<16xi32>
        %parallel_loop3A_569 = arith.addi %parallel_loop3A_406, %parallel_loop3A_412 : vector<16xi32>
        %parallel_loop3A_570 = arith.addi %parallel_loop3A_418, %parallel_loop3A_424 : vector<16xi32>
        %parallel_loop3A_571 = arith.addi %parallel_loop3A_430, %parallel_loop3A_436 : vector<16xi32>
        %parallel_loop3A_572 = arith.addi %parallel_loop3A_442, %parallel_loop3A_448 : vector<16xi32>
        %parallel_loop3A_573 = arith.addi %parallel_loop3A_454, %parallel_loop3A_460 : vector<16xi32>
        %parallel_loop3A_574 = arith.addi %parallel_loop3A_466, %parallel_loop3A_472 : vector<16xi32>
        %parallel_loop3A_575 = arith.addi %parallel_loop3A_478, %parallel_loop3A_484 : vector<16xi32>
        %parallel_loop3A_576 = arith.addi %parallel_loop3A_490, %parallel_loop3A_496 : vector<16xi32>
        %parallel_loop3A_577 = arith.addi %parallel_loop3A_502, %parallel_loop3A_508 : vector<16xi32>
        %parallel_loop3A_578 = arith.addi %parallel_loop3A_514, %parallel_loop3A_520 : vector<16xi32>
        %parallel_loop3A_579 = arith.addi %parallel_loop3A_526, %parallel_loop3A_532 : vector<16xi32>
        %parallel_loop3A_580 = arith.addi %parallel_loop3A_538, %parallel_loop3A_544 : vector<16xi32>
        %parallel_loop3A_581 = arith.addi %parallel_loop3A_550, %parallel_loop3A_556 : vector<16xi32>
        %parallel_loop3A_582 = arith.addi %parallel_loop3A_562, %parallel_loop3A_568 : vector<16xi32>
        %parallel_loop3A_583 = arith.addi %parallel_loop3A_569, %parallel_loop3A_570 : vector<16xi32>
        %parallel_loop3A_584 = arith.addi %parallel_loop3A_571, %parallel_loop3A_572 : vector<16xi32>
        %parallel_loop3A_585 = arith.addi %parallel_loop3A_573, %parallel_loop3A_574 : vector<16xi32>
        %parallel_loop3A_586 = arith.addi %parallel_loop3A_575, %parallel_loop3A_576 : vector<16xi32>
        %parallel_loop3A_587 = arith.addi %parallel_loop3A_577, %parallel_loop3A_578 : vector<16xi32>
        %parallel_loop3A_588 = arith.addi %parallel_loop3A_579, %parallel_loop3A_580 : vector<16xi32>
        %parallel_loop3A_589 = arith.addi %parallel_loop3A_581, %parallel_loop3A_582 : vector<16xi32>
        %parallel_loop3A_590 = arith.addi %parallel_loop3A_583, %parallel_loop3A_584 : vector<16xi32>
        %parallel_loop3A_591 = arith.addi %parallel_loop3A_585, %parallel_loop3A_586 : vector<16xi32>
        %parallel_loop3A_592 = arith.addi %parallel_loop3A_587, %parallel_loop3A_588 : vector<16xi32>
        %parallel_loop3A_593 = arith.addi %parallel_loop3A_590, %parallel_loop3A_591 : vector<16xi32>
        %parallel_loop3A_594 = arith.addi %parallel_loop3A_592, %parallel_loop3A_589 : vector<16xi32>
        %parallel_loop3A_595 = arith.addi %parallel_loop3A_593, %parallel_loop3A_594 : vector<16xi32>
        %parallel_loop3A_596 = arith.constant 1985229328 : i32
        %parallel_loop3A_597 = vector.broadcast %parallel_loop3A_596 : i32 to vector<16xi32>
        %parallel_loop3A_598 = arith.addi %parallel_loop3A_597, %parallel_loop3A_595 : vector<16xi32>
        %parallel_loop3A_599 = arith.constant 0.000000e+00 : f32
        %parallel_loop3A_600 = vector.broadcast %parallel_loop3A_599 : f32 to vector<16xf32>
        %parallel_loop3A_601 = arith.constant 4 : i32
        %parallel_loop3A_602 = vector.broadcast %parallel_loop3A_601 : i32 to vector<16xi32>
        %parallel_loop3A_603 = arith.andi %parallel_loop3A_598, %parallel_loop3A_602 : vector<16xi32>
        %parallel_loop3A_604 = arith.constant 0 : i32
        %parallel_loop3A_605 = vector.broadcast %parallel_loop3A_604 : i32 to vector<16xi32>
        %parallel_loop3A_606 = arith.cmpi eq, %parallel_loop3A_603, %parallel_loop3A_605 : vector<16xi32>
        %parallel_loop3A_607 = tpu.memref_slice %arg10[%parallel_loop3A_372, %parallel_loop3A_376] : memref<8x2048xf32, #tpu.memory_space<vmem>> -> memref<1x128xf32, #tpu.memory_space<vmem>>
        %parallel_loop3A_608 = tpu.memref_squeeze %parallel_loop3A_607 : memref<1x128xf32, #tpu.memory_space<vmem>> -> memref<128xf32, #tpu.memory_space<vmem>>
        tpu.vector_store_idx %parallel_loop3A_608[%add3A_323], %parallel_loop3A_600 masked %parallel_loop3A_606 : memref<128xf32, #tpu.memory_space<vmem>>[vector<16xi32>], vector<16xf32>, vector<16xi1>
        %parallel_loop3A_609 = arith.constant 64 : i32
        %parallel_loop3A_610 = vector.broadcast %parallel_loop3A_609 : i32 to vector<16xi32>
        %parallel_loop3A_611 = arith.andi %parallel_loop3A_598, %parallel_loop3A_610 : vector<16xi32>
        %parallel_loop3A_612 = arith.constant 0 : i32
        %parallel_loop3A_613 = vector.broadcast %parallel_loop3A_612 : i32 to vector<16xi32>
        %parallel_loop3A_614 = arith.cmpi eq, %parallel_loop3A_611, %parallel_loop3A_613 : vector<16xi32>
        %parallel_loop3A_615 = tpu.memref_slice %arg10[%parallel_loop3A_372, %parallel_loop3A_376] : memref<8x2048xf32, #tpu.memory_space<vmem>> -> memref<1x128xf32, #tpu.memory_space<vmem>>
        %parallel_loop3A_616 = tpu.memref_squeeze %parallel_loop3A_615 : memref<1x128xf32, #tpu.memory_space<vmem>> -> memref<128xf32, #tpu.memory_space<vmem>>
        tpu.vector_store_idx %parallel_loop3A_616[%add3A_326], %parallel_loop3A_600 masked %parallel_loop3A_614 : memref<128xf32, #tpu.memory_space<vmem>>[vector<16xi32>], vector<16xf32>, vector<16xi1>
        %parallel_loop3A_617 = arith.constant 1024 : i32
        %parallel_loop3A_618 = vector.broadcast %parallel_loop3A_617 : i32 to vector<16xi32>
        %parallel_loop3A_619 = arith.andi %parallel_loop3A_598, %parallel_loop3A_618 : vector<16xi32>
        %parallel_loop3A_620 = arith.constant 0 : i32
        %parallel_loop3A_621 = vector.broadcast %parallel_loop3A_620 : i32 to vector<16xi32>
        %parallel_loop3A_622 = arith.cmpi eq, %parallel_loop3A_619, %parallel_loop3A_621 : vector<16xi32>
        %parallel_loop3A_623 = tpu.memref_slice %arg10[%parallel_loop3A_372, %parallel_loop3A_376] : memref<8x2048xf32, #tpu.memory_space<vmem>> -> memref<1x128xf32, #tpu.memory_space<vmem>>
        %parallel_loop3A_624 = tpu.memref_squeeze %parallel_loop3A_623 : memref<1x128xf32, #tpu.memory_space<vmem>> -> memref<128xf32, #tpu.memory_space<vmem>>
        tpu.vector_store_idx %parallel_loop3A_624[%add3A_329], %parallel_loop3A_600 masked %parallel_loop3A_622 : memref<128xf32, #tpu.memory_space<vmem>>[vector<16xi32>], vector<16xf32>, vector<16xi1>
        %parallel_loop3A_625 = arith.constant 16384 : i32
        %parallel_loop3A_626 = vector.broadcast %parallel_loop3A_625 : i32 to vector<16xi32>
        %parallel_loop3A_627 = arith.andi %parallel_loop3A_598, %parallel_loop3A_626 : vector<16xi32>
        %parallel_loop3A_628 = arith.constant 0 : i32
        %parallel_loop3A_629 = vector.broadcast %parallel_loop3A_628 : i32 to vector<16xi32>
        %parallel_loop3A_630 = arith.cmpi eq, %parallel_loop3A_627, %parallel_loop3A_629 : vector<16xi32>
        %parallel_loop3A_631 = tpu.memref_slice %arg10[%parallel_loop3A_372, %parallel_loop3A_376] : memref<8x2048xf32, #tpu.memory_space<vmem>> -> memref<1x128xf32, #tpu.memory_space<vmem>>
        %parallel_loop3A_632 = tpu.memref_squeeze %parallel_loop3A_631 : memref<1x128xf32, #tpu.memory_space<vmem>> -> memref<128xf32, #tpu.memory_space<vmem>>
        tpu.vector_store_idx %parallel_loop3A_632[%add3A_332], %parallel_loop3A_600 masked %parallel_loop3A_630 : memref<128xf32, #tpu.memory_space<vmem>>[vector<16xi32>], vector<16xf32>, vector<16xi1>
        %parallel_loop3A_633 = arith.constant 262144 : i32
        %parallel_loop3A_634 = vector.broadcast %parallel_loop3A_633 : i32 to vector<16xi32>
        %parallel_loop3A_635 = arith.andi %parallel_loop3A_598, %parallel_loop3A_634 : vector<16xi32>
        %parallel_loop3A_636 = arith.constant 0 : i32
        %parallel_loop3A_637 = vector.broadcast %parallel_loop3A_636 : i32 to vector<16xi32>
        %parallel_loop3A_638 = arith.cmpi eq, %parallel_loop3A_635, %parallel_loop3A_637 : vector<16xi32>
        %parallel_loop3A_639 = tpu.memref_slice %arg10[%parallel_loop3A_372, %parallel_loop3A_376] : memref<8x2048xf32, #tpu.memory_space<vmem>> -> memref<1x128xf32, #tpu.memory_space<vmem>>
        %parallel_loop3A_640 = tpu.memref_squeeze %parallel_loop3A_639 : memref<1x128xf32, #tpu.memory_space<vmem>> -> memref<128xf32, #tpu.memory_space<vmem>>
        tpu.vector_store_idx %parallel_loop3A_640[%add3A_335], %parallel_loop3A_600 masked %parallel_loop3A_638 : memref<128xf32, #tpu.memory_space<vmem>>[vector<16xi32>], vector<16xf32>, vector<16xi1>
        %parallel_loop3A_641 = arith.constant 4194304 : i32
        %parallel_loop3A_642 = vector.broadcast %parallel_loop3A_641 : i32 to vector<16xi32>
        %parallel_loop3A_643 = arith.andi %parallel_loop3A_598, %parallel_loop3A_642 : vector<16xi32>
        %parallel_loop3A_644 = arith.constant 0 : i32
        %parallel_loop3A_645 = vector.broadcast %parallel_loop3A_644 : i32 to vector<16xi32>
        %parallel_loop3A_646 = arith.cmpi eq, %parallel_loop3A_643, %parallel_loop3A_645 : vector<16xi32>
        %parallel_loop3A_647 = tpu.memref_slice %arg10[%parallel_loop3A_372, %parallel_loop3A_376] : memref<8x2048xf32, #tpu.memory_space<vmem>> -> memref<1x128xf32, #tpu.memory_space<vmem>>
        %parallel_loop3A_648 = tpu.memref_squeeze %parallel_loop3A_647 : memref<1x128xf32, #tpu.memory_space<vmem>> -> memref<128xf32, #tpu.memory_space<vmem>>
        tpu.vector_store_idx %parallel_loop3A_648[%add3A_338], %parallel_loop3A_600 masked %parallel_loop3A_646 : memref<128xf32, #tpu.memory_space<vmem>>[vector<16xi32>], vector<16xf32>, vector<16xi1>
        %parallel_loop3A_649 = arith.constant 67108864 : i32
        %parallel_loop3A_650 = vector.broadcast %parallel_loop3A_649 : i32 to vector<16xi32>
        %parallel_loop3A_651 = arith.andi %parallel_loop3A_598, %parallel_loop3A_650 : vector<16xi32>
        %parallel_loop3A_652 = arith.constant 0 : i32
        %parallel_loop3A_653 = vector.broadcast %parallel_loop3A_652 : i32 to vector<16xi32>
        %parallel_loop3A_654 = arith.cmpi eq, %parallel_loop3A_651, %parallel_loop3A_653 : vector<16xi32>
        %parallel_loop3A_655 = tpu.memref_slice %arg10[%parallel_loop3A_372, %parallel_loop3A_376] : memref<8x2048xf32, #tpu.memory_space<vmem>> -> memref<1x128xf32, #tpu.memory_space<vmem>>
        %parallel_loop3A_656 = tpu.memref_squeeze %parallel_loop3A_655 : memref<1x128xf32, #tpu.memory_space<vmem>> -> memref<128xf32, #tpu.memory_space<vmem>>
        tpu.vector_store_idx %parallel_loop3A_656[%add3A_341], %parallel_loop3A_600 masked %parallel_loop3A_654 : memref<128xf32, #tpu.memory_space<vmem>>[vector<16xi32>], vector<16xf32>, vector<16xi1>
        %parallel_loop3A_657 = arith.constant 1073741824 : i32
        %parallel_loop3A_658 = vector.broadcast %parallel_loop3A_657 : i32 to vector<16xi32>
        %parallel_loop3A_659 = arith.andi %parallel_loop3A_598, %parallel_loop3A_658 : vector<16xi32>
        %parallel_loop3A_660 = arith.constant 0 : i32
        %parallel_loop3A_661 = vector.broadcast %parallel_loop3A_660 : i32 to vector<16xi32>
        %parallel_loop3A_662 = arith.cmpi eq, %parallel_loop3A_659, %parallel_loop3A_661 : vector<16xi32>
        %parallel_loop3A_663 = tpu.memref_slice %arg10[%parallel_loop3A_372, %parallel_loop3A_376] : memref<8x2048xf32, #tpu.memory_space<vmem>> -> memref<1x128xf32, #tpu.memory_space<vmem>>
        %parallel_loop3A_664 = tpu.memref_squeeze %parallel_loop3A_663 : memref<1x128xf32, #tpu.memory_space<vmem>> -> memref<128xf32, #tpu.memory_space<vmem>>
        tpu.vector_store_idx %parallel_loop3A_664[%add3A_344], %parallel_loop3A_600 masked %parallel_loop3A_662 : memref<128xf32, #tpu.memory_space<vmem>>[vector<16xi32>], vector<16xf32>, vector<16xi1>
      } {sc.loop_unroll_factor = 2 : i64, sc.parallel_access}
      %shift_right_arithmetic3A_348 = arith.constant 1 : i32
      %shift_right_arithmetic3A_349 = arith.shrsi %add3A_297, %shift_right_arithmetic3A_348 : i32
      %add3A_350 = arith.addi %mul3A_2, %shift_right_arithmetic3A_349 : i32
      %and3A_351 = arith.constant 1 : i32
      %and3A_352 = arith.andi %add3A_297, %and3A_351 : i32
      %mul3A_353 = arith.constant 2048 : i32
      %mul3A_354 = arith.muli %and3A_352, %mul3A_353 : i32
      %dma_start3A_355 = tpu.memref_reshape %arg4 : memref<8192x4096xf32, #tpu.memory_space<hbm>> -> memref<1024x8x4096xf32, #tpu.memory_space<hbm>>
      %dma_start3A_356 = arith.constant 0 : i32
      %dma_start3A_357 = tpu.memref_slice %dma_start3A_355[%add3A_350, %dma_start3A_356, %mul3A_354] : memref<1024x8x4096xf32, #tpu.memory_space<hbm>> -> memref<1x8x2048xf32, #tpu.memory_space<hbm>>
      %dma_start3A_358 = tpu.memref_squeeze %dma_start3A_357 : memref<1x8x2048xf32, #tpu.memory_space<hbm>> -> memref<8x2048xf32, #tpu.memory_space<hbm>>
      %dma_start3A_359 = tpu.memref_reshape %arg4 : memref<8192x4096xf32, #tpu.memory_space<hbm>> -> memref<1024x8x4096xf32, #tpu.memory_space<hbm>>
      %dma_start3A_360 = arith.constant 0 : i32
      %dma_start3A_361 = tpu.memref_slice %dma_start3A_359[%add3A_350, %dma_start3A_360, %mul3A_354] : memref<1024x8x4096xf32, #tpu.memory_space<hbm>> -> memref<1x8x2048xf32, #tpu.memory_space<hbm>>
      %dma_start3A_362 = tpu.memref_squeeze %dma_start3A_361 : memref<1x8x2048xf32, #tpu.memory_space<hbm>> -> memref<8x2048xf32, #tpu.memory_space<hbm>>
      tpu.enqueue_dma source(%arg10 : memref<8x2048xf32, #tpu.memory_space<vmem>>) target(%dma_start3A_362 : memref<8x2048xf32, #tpu.memory_space<hbm>>) target_semaphore(%arg19 : memref<!tpu.dma_semaphore, #tpu.memory_space<semaphore_mem>>)
      %add3A_363 = arith.constant 2 : i32
      %add3A_364 = arith.addi %add3A_297, %add3A_363 : i32
      %lt3A_365 = arith.constant 64 : i32
      %lt3A_366 = arith.cmpi slt, %add3A_364, %lt3A_365 : i32
      %convert_element_type3A_367 = arith.extui %lt3A_366 : i1 to i32
      %cond3A_368 = arith.constant 0 : i32
      %cond3A_369 = arith.cmpi ne, %convert_element_type3A_367, %cond3A_368 : i32
      scf.if %cond3A_369 {
        %ge3A = arith.constant 1 : i32
        %ge3A_370 = arith.cmpi sge, %add3A_297, %ge3A : i32
        %convert_element_type3A_371 = arith.extui %ge3A_370 : i1 to i32
        %cond3A_372 = arith.constant 0 : i32
        %cond3A_373 = arith.cmpi ne, %convert_element_type3A_371, %cond3A_372 : i32
        scf.if %cond3A_373 {
          %sub3A = arith.constant 1 : i32
          %sub3A_399 = arith.subi %add3A_297, %sub3A : i32
          %shift_right_arithmetic3A_400 = arith.constant 1 : i32
          %shift_right_arithmetic3A_401 = arith.shrsi %sub3A_399, %shift_right_arithmetic3A_400 : i32
          %add3A_402 = arith.addi %mul3A_2, %shift_right_arithmetic3A_401 : i32
          %and3A_403 = arith.constant 1 : i32
          %and3A_404 = arith.andi %sub3A_399, %and3A_403 : i32
          %mul3A_405 = arith.constant 2048 : i32
          %mul3A_406 = arith.muli %and3A_404, %mul3A_405 : i32
          %dma_wait3A_407 = tpu.memref_reshape %arg4 : memref<8192x4096xf32, #tpu.memory_space<hbm>> -> memref<1024x8x4096xf32, #tpu.memory_space<hbm>>
          %dma_wait3A_408 = arith.constant 0 : i32
          %dma_wait3A_409 = tpu.memref_slice %dma_wait3A_407[%add3A_402, %dma_wait3A_408, %mul3A_406] : memref<1024x8x4096xf32, #tpu.memory_space<hbm>> -> memref<1x8x2048xf32, #tpu.memory_space<hbm>>
          %dma_wait3A_410 = tpu.memref_squeeze %dma_wait3A_409 : memref<1x8x2048xf32, #tpu.memory_space<hbm>> -> memref<8x2048xf32, #tpu.memory_space<hbm>>
          %dma_wait3A_411 = tpu.memref_reshape %arg4 : memref<8192x4096xf32, #tpu.memory_space<hbm>> -> memref<1024x8x4096xf32, #tpu.memory_space<hbm>>
          %dma_wait3A_412 = arith.constant 0 : i32
          %dma_wait3A_413 = tpu.memref_slice %dma_wait3A_411[%add3A_402, %dma_wait3A_412, %mul3A_406] : memref<1024x8x4096xf32, #tpu.memory_space<hbm>> -> memref<1x8x2048xf32, #tpu.memory_space<hbm>>
          %dma_wait3A_414 = tpu.memref_squeeze %dma_wait3A_413 : memref<1x8x2048xf32, #tpu.memory_space<hbm>> -> memref<8x2048xf32, #tpu.memory_space<hbm>>
          tpu.wait_dma2 semaphore(%arg18 : memref<!tpu.dma_semaphore, #tpu.memory_space<semaphore_mem>>) src(%arg9 : memref<8x2048xf32, #tpu.memory_space<vmem>>) dst(%dma_wait3A_414 : memref<8x2048xf32, #tpu.memory_space<hbm>>)
        } else {
        }
        %add3A_374 = arith.constant 2 : i32
        %add3A_375 = arith.addi %add3A_297, %add3A_374 : i32
        %shift_right_arithmetic3A_376 = arith.constant 1 : i32
        %shift_right_arithmetic3A_377 = arith.shrsi %add3A_375, %shift_right_arithmetic3A_376 : i32
        %add3A_378 = arith.addi %mul3A_2, %shift_right_arithmetic3A_377 : i32
        %and3A_379 = arith.constant 1 : i32
        %and3A_380 = arith.andi %add3A_375, %and3A_379 : i32
        %mul3A_381 = arith.constant 2048 : i32
        %mul3A_382 = arith.muli %and3A_380, %mul3A_381 : i32
        %dma_start3A_383 = tpu.memref_reshape %arg2 : memref<8192x4096xf32, #tpu.memory_space<hbm>> -> memref<1024x8x4096xf32, #tpu.memory_space<hbm>>
        %dma_start3A_384 = arith.constant 0 : i32
        %dma_start3A_385 = tpu.memref_slice %dma_start3A_383[%add3A_378, %dma_start3A_384, %mul3A_382] : memref<1024x8x4096xf32, #tpu.memory_space<hbm>> -> memref<1x8x2048xf32, #tpu.memory_space<hbm>>
        %dma_start3A_386 = tpu.memref_squeeze %dma_start3A_385 : memref<1x8x2048xf32, #tpu.memory_space<hbm>> -> memref<8x2048xf32, #tpu.memory_space<hbm>>
        %dma_start3A_387 = tpu.memref_reshape %arg2 : memref<8192x4096xf32, #tpu.memory_space<hbm>> -> memref<1024x8x4096xf32, #tpu.memory_space<hbm>>
        %dma_start3A_388 = arith.constant 0 : i32
        %dma_start3A_389 = tpu.memref_slice %dma_start3A_387[%add3A_378, %dma_start3A_388, %mul3A_382] : memref<1024x8x4096xf32, #tpu.memory_space<hbm>> -> memref<1x8x2048xf32, #tpu.memory_space<hbm>>
        %dma_start3A_390 = tpu.memref_squeeze %dma_start3A_389 : memref<1x8x2048xf32, #tpu.memory_space<hbm>> -> memref<8x2048xf32, #tpu.memory_space<hbm>>
        tpu.enqueue_dma source(%dma_start3A_390 : memref<8x2048xf32, #tpu.memory_space<hbm>>) target(%arg9 : memref<8x2048xf32, #tpu.memory_space<vmem>>) target_semaphore(%arg12 : memref<!tpu.dma_semaphore, #tpu.memory_space<semaphore_mem>>)
        %dma_start3A_391 = tpu.memref_reshape %arg3 : memref<8192x4096xf32, #tpu.memory_space<hbm>> -> memref<1024x8x4096xf32, #tpu.memory_space<hbm>>
        %dma_start3A_392 = arith.constant 0 : i32
        %dma_start3A_393 = tpu.memref_slice %dma_start3A_391[%add3A_378, %dma_start3A_392, %mul3A_382] : memref<1024x8x4096xf32, #tpu.memory_space<hbm>> -> memref<1x8x2048xf32, #tpu.memory_space<hbm>>
        %dma_start3A_394 = tpu.memref_squeeze %dma_start3A_393 : memref<1x8x2048xf32, #tpu.memory_space<hbm>> -> memref<8x2048xf32, #tpu.memory_space<hbm>>
        %dma_start3A_395 = tpu.memref_reshape %arg3 : memref<8192x4096xf32, #tpu.memory_space<hbm>> -> memref<1024x8x4096xf32, #tpu.memory_space<hbm>>
        %dma_start3A_396 = arith.constant 0 : i32
        %dma_start3A_397 = tpu.memref_slice %dma_start3A_395[%add3A_378, %dma_start3A_396, %mul3A_382] : memref<1024x8x4096xf32, #tpu.memory_space<hbm>> -> memref<1x8x2048xf32, #tpu.memory_space<hbm>>
        %dma_start3A_398 = tpu.memref_squeeze %dma_start3A_397 : memref<1x8x2048xf32, #tpu.memory_space<hbm>> -> memref<8x2048xf32, #tpu.memory_space<hbm>>
        tpu.enqueue_dma source(%dma_start3A_398 : memref<8x2048xf32, #tpu.memory_space<hbm>>) target(%arg6 : memref<8x2048xf32, #tpu.memory_space<vmem>>) target_semaphore(%arg15 : memref<!tpu.dma_semaphore, #tpu.memory_space<semaphore_mem>>)
      } else {
      }
    }
    %scan3A_52 = arith.constant 21 : i32
    %add3A_53 = arith.constant 31 : i32
    %add3A_54 = arith.addi %mul3A_2, %add3A_53 : i32
    %dma_wait3A = tpu.memref_reshape %arg2 : memref<8192x4096xf32, #tpu.memory_space<hbm>> -> memref<1024x8x4096xf32, #tpu.memory_space<hbm>>
    %dma_wait3A_55 = arith.constant 0 : i32
    %dma_wait3A_56 = arith.constant 2048 : i32
    %dma_wait3A_57 = tpu.memref_slice %dma_wait3A[%add3A_54, %dma_wait3A_55, %dma_wait3A_56] : memref<1024x8x4096xf32, #tpu.memory_space<hbm>> -> memref<1x8x2048xf32, #tpu.memory_space<hbm>>
    %dma_wait3A_58 = tpu.memref_squeeze %dma_wait3A_57 : memref<1x8x2048xf32, #tpu.memory_space<hbm>> -> memref<8x2048xf32, #tpu.memory_space<hbm>>
    %dma_wait3A_59 = tpu.memref_reshape %arg2 : memref<8192x4096xf32, #tpu.memory_space<hbm>> -> memref<1024x8x4096xf32, #tpu.memory_space<hbm>>
    %dma_wait3A_60 = arith.constant 0 : i32
    %dma_wait3A_61 = arith.constant 2048 : i32
    %dma_wait3A_62 = tpu.memref_slice %dma_wait3A_59[%add3A_54, %dma_wait3A_60, %dma_wait3A_61] : memref<1024x8x4096xf32, #tpu.memory_space<hbm>> -> memref<1x8x2048xf32, #tpu.memory_space<hbm>>
    %dma_wait3A_63 = tpu.memref_squeeze %dma_wait3A_62 : memref<1x8x2048xf32, #tpu.memory_space<hbm>> -> memref<8x2048xf32, #tpu.memory_space<hbm>>
    tpu.wait_dma2 semaphore(%arg11 : memref<!tpu.dma_semaphore, #tpu.memory_space<semaphore_mem>>) src(%dma_wait3A_63 : memref<8x2048xf32, #tpu.memory_space<hbm>>) dst(%arg8 : memref<8x2048xf32, #tpu.memory_space<vmem>>)
    %dma_wait3A_64 = tpu.memref_reshape %arg3 : memref<8192x4096xf32, #tpu.memory_space<hbm>> -> memref<1024x8x4096xf32, #tpu.memory_space<hbm>>
    %dma_wait3A_65 = arith.constant 0 : i32
    %dma_wait3A_66 = arith.constant 2048 : i32
    %dma_wait3A_67 = tpu.memref_slice %dma_wait3A_64[%add3A_54, %dma_wait3A_65, %dma_wait3A_66] : memref<1024x8x4096xf32, #tpu.memory_space<hbm>> -> memref<1x8x2048xf32, #tpu.memory_space<hbm>>
    %dma_wait3A_68 = tpu.memref_squeeze %dma_wait3A_67 : memref<1x8x2048xf32, #tpu.memory_space<hbm>> -> memref<8x2048xf32, #tpu.memory_space<hbm>>
    %dma_wait3A_69 = tpu.memref_reshape %arg3 : memref<8192x4096xf32, #tpu.memory_space<hbm>> -> memref<1024x8x4096xf32, #tpu.memory_space<hbm>>
    %dma_wait3A_70 = arith.constant 0 : i32
    %dma_wait3A_71 = arith.constant 2048 : i32
    %dma_wait3A_72 = tpu.memref_slice %dma_wait3A_69[%add3A_54, %dma_wait3A_70, %dma_wait3A_71] : memref<1024x8x4096xf32, #tpu.memory_space<hbm>> -> memref<1x8x2048xf32, #tpu.memory_space<hbm>>
    %dma_wait3A_73 = tpu.memref_squeeze %dma_wait3A_72 : memref<1x8x2048xf32, #tpu.memory_space<hbm>> -> memref<8x2048xf32, #tpu.memory_space<hbm>>
    tpu.wait_dma2 semaphore(%arg14 : memref<!tpu.dma_semaphore, #tpu.memory_space<semaphore_mem>>) src(%dma_wait3A_73 : memref<8x2048xf32, #tpu.memory_space<hbm>>) dst(%arg5 : memref<8x2048xf32, #tpu.memory_space<vmem>>)
    %add3A_74 = arith.constant 0 : i32
    %add3A_75 = vector.broadcast %add3A_74 : i32 to vector<16xi32>
    %add3A_76 = arith.addi %mul3A_5, %add3A_75 : vector<16xi32>
    %add3A_77 = arith.constant 1 : i32
    %add3A_78 = vector.broadcast %add3A_77 : i32 to vector<16xi32>
    %add3A_79 = arith.addi %mul3A_5, %add3A_78 : vector<16xi32>
    %add3A_80 = arith.constant 2 : i32
    %add3A_81 = vector.broadcast %add3A_80 : i32 to vector<16xi32>
    %add3A_82 = arith.addi %mul3A_5, %add3A_81 : vector<16xi32>
    %add3A_83 = arith.constant 3 : i32
    %add3A_84 = vector.broadcast %add3A_83 : i32 to vector<16xi32>
    %add3A_85 = arith.addi %mul3A_5, %add3A_84 : vector<16xi32>
    %add3A_86 = arith.constant 4 : i32
    %add3A_87 = vector.broadcast %add3A_86 : i32 to vector<16xi32>
    %add3A_88 = arith.addi %mul3A_5, %add3A_87 : vector<16xi32>
    %add3A_89 = arith.constant 5 : i32
    %add3A_90 = vector.broadcast %add3A_89 : i32 to vector<16xi32>
    %add3A_91 = arith.addi %mul3A_5, %add3A_90 : vector<16xi32>
    %add3A_92 = arith.constant 6 : i32
    %add3A_93 = vector.broadcast %add3A_92 : i32 to vector<16xi32>
    %add3A_94 = arith.addi %mul3A_5, %add3A_93 : vector<16xi32>
    %add3A_95 = arith.constant 7 : i32
    %add3A_96 = vector.broadcast %add3A_95 : i32 to vector<16xi32>
    %add3A_97 = arith.addi %mul3A_5, %add3A_96 : vector<16xi32>
    %parallel_loop3A = arith.constant 0 : i32
    %parallel_loop3A_98 = arith.constant 128 : i32
    %parallel_loop3A_99 = arith.constant 1 : i32
    scf.for %parallel_loop3A_148 = %parallel_loop3A to %parallel_loop3A_98 step %parallel_loop3A_99  : i32 {
      %parallel_loop3A_149 = arith.constant 4 : i32
      %parallel_loop3A_150 = arith.shrsi %parallel_loop3A_148, %parallel_loop3A_149 : i32
      %parallel_loop3A_151 = arith.constant 15 : i32
      %parallel_loop3A_152 = arith.andi %parallel_loop3A_148, %parallel_loop3A_151 : i32
      %parallel_loop3A_153 = arith.constant 128 : i32
      %parallel_loop3A_154 = arith.muli %parallel_loop3A_152, %parallel_loop3A_153 : i32
      %parallel_loop3A_155 = tpu.memref_slice %arg5[%parallel_loop3A_150, %parallel_loop3A_154] : memref<8x2048xf32, #tpu.memory_space<vmem>> -> memref<1x128xf32, #tpu.memory_space<vmem>>
      %parallel_loop3A_156 = tpu.memref_squeeze %parallel_loop3A_155 : memref<1x128xf32, #tpu.memory_space<vmem>> -> memref<128xf32, #tpu.memory_space<vmem>>
      %parallel_loop3A_157 = tpu.vector_load_idx %parallel_loop3A_156[%add3A_76] : memref<128xf32, #tpu.memory_space<vmem>>[vector<16xi32>], vector<16xf32>,
      %parallel_loop3A_158 = tpu.memref_slice %arg5[%parallel_loop3A_150, %parallel_loop3A_154] : memref<8x2048xf32, #tpu.memory_space<vmem>> -> memref<1x128xf32, #tpu.memory_space<vmem>>
      %parallel_loop3A_159 = tpu.memref_squeeze %parallel_loop3A_158 : memref<1x128xf32, #tpu.memory_space<vmem>> -> memref<128xf32, #tpu.memory_space<vmem>>
      %parallel_loop3A_160 = tpu.vector_load_idx %parallel_loop3A_159[%add3A_79] : memref<128xf32, #tpu.memory_space<vmem>>[vector<16xi32>], vector<16xf32>,
      %parallel_loop3A_161 = tpu.memref_slice %arg5[%parallel_loop3A_150, %parallel_loop3A_154] : memref<8x2048xf32, #tpu.memory_space<vmem>> -> memref<1x128xf32, #tpu.memory_space<vmem>>
      %parallel_loop3A_162 = tpu.memref_squeeze %parallel_loop3A_161 : memref<1x128xf32, #tpu.memory_space<vmem>> -> memref<128xf32, #tpu.memory_space<vmem>>
      %parallel_loop3A_163 = tpu.vector_load_idx %parallel_loop3A_162[%add3A_82] : memref<128xf32, #tpu.memory_space<vmem>>[vector<16xi32>], vector<16xf32>,
      %parallel_loop3A_164 = tpu.memref_slice %arg5[%parallel_loop3A_150, %parallel_loop3A_154] : memref<8x2048xf32, #tpu.memory_space<vmem>> -> memref<1x128xf32, #tpu.memory_space<vmem>>
      %parallel_loop3A_165 = tpu.memref_squeeze %parallel_loop3A_164 : memref<1x128xf32, #tpu.memory_space<vmem>> -> memref<128xf32, #tpu.memory_space<vmem>>
      %parallel_loop3A_166 = tpu.vector_load_idx %parallel_loop3A_165[%add3A_85] : memref<128xf32, #tpu.memory_space<vmem>>[vector<16xi32>], vector<16xf32>,
      %parallel_loop3A_167 = tpu.memref_slice %arg5[%parallel_loop3A_150, %parallel_loop3A_154] : memref<8x2048xf32, #tpu.memory_space<vmem>> -> memref<1x128xf32, #tpu.memory_space<vmem>>
      %parallel_loop3A_168 = tpu.memref_squeeze %parallel_loop3A_167 : memref<1x128xf32, #tpu.memory_space<vmem>> -> memref<128xf32, #tpu.memory_space<vmem>>
      %parallel_loop3A_169 = tpu.vector_load_idx %parallel_loop3A_168[%add3A_88] : memref<128xf32, #tpu.memory_space<vmem>>[vector<16xi32>], vector<16xf32>,
      %parallel_loop3A_170 = tpu.memref_slice %arg5[%parallel_loop3A_150, %parallel_loop3A_154] : memref<8x2048xf32, #tpu.memory_space<vmem>> -> memref<1x128xf32, #tpu.memory_space<vmem>>
      %parallel_loop3A_171 = tpu.memref_squeeze %parallel_loop3A_170 : memref<1x128xf32, #tpu.memory_space<vmem>> -> memref<128xf32, #tpu.memory_space<vmem>>
      %parallel_loop3A_172 = tpu.vector_load_idx %parallel_loop3A_171[%add3A_91] : memref<128xf32, #tpu.memory_space<vmem>>[vector<16xi32>], vector<16xf32>,
      %parallel_loop3A_173 = tpu.memref_slice %arg5[%parallel_loop3A_150, %parallel_loop3A_154] : memref<8x2048xf32, #tpu.memory_space<vmem>> -> memref<1x128xf32, #tpu.memory_space<vmem>>
      %parallel_loop3A_174 = tpu.memref_squeeze %parallel_loop3A_173 : memref<1x128xf32, #tpu.memory_space<vmem>> -> memref<128xf32, #tpu.memory_space<vmem>>
      %parallel_loop3A_175 = tpu.vector_load_idx %parallel_loop3A_174[%add3A_94] : memref<128xf32, #tpu.memory_space<vmem>>[vector<16xi32>], vector<16xf32>,
      %parallel_loop3A_176 = tpu.memref_slice %arg5[%parallel_loop3A_150, %parallel_loop3A_154] : memref<8x2048xf32, #tpu.memory_space<vmem>> -> memref<1x128xf32, #tpu.memory_space<vmem>>
      %parallel_loop3A_177 = tpu.memref_squeeze %parallel_loop3A_176 : memref<1x128xf32, #tpu.memory_space<vmem>> -> memref<128xf32, #tpu.memory_space<vmem>>
      %parallel_loop3A_178 = tpu.vector_load_idx %parallel_loop3A_177[%add3A_97] : memref<128xf32, #tpu.memory_space<vmem>>[vector<16xi32>], vector<16xf32>,
      %parallel_loop3A_179 = arith.cmpf olt, %parallel_loop3A_160, %parallel_loop3A_157 : vector<16xf32>
      %parallel_loop3A_180 = arith.constant -15 : i32
      %parallel_loop3A_181 = arith.constant 0 : i32
      %parallel_loop3A_182 = vector.broadcast %parallel_loop3A_180 : i32 to vector<16xi32>
      %parallel_loop3A_183 = vector.broadcast %parallel_loop3A_181 : i32 to vector<16xi32>
      %parallel_loop3A_184 = arith.select %parallel_loop3A_179, %parallel_loop3A_182, %parallel_loop3A_183 : vector<16xi1>, vector<16xi32>
      %parallel_loop3A_185 = arith.cmpf olt, %parallel_loop3A_163, %parallel_loop3A_157 : vector<16xf32>
      %parallel_loop3A_186 = arith.constant -255 : i32
      %parallel_loop3A_187 = arith.constant 0 : i32
      %parallel_loop3A_188 = vector.broadcast %parallel_loop3A_186 : i32 to vector<16xi32>
      %parallel_loop3A_189 = vector.broadcast %parallel_loop3A_187 : i32 to vector<16xi32>
      %parallel_loop3A_190 = arith.select %parallel_loop3A_185, %parallel_loop3A_188, %parallel_loop3A_189 : vector<16xi1>, vector<16xi32>
      %parallel_loop3A_191 = arith.cmpf olt, %parallel_loop3A_166, %parallel_loop3A_157 : vector<16xf32>
      %parallel_loop3A_192 = arith.constant -4095 : i32
      %parallel_loop3A_193 = arith.constant 0 : i32
      %parallel_loop3A_194 = vector.broadcast %parallel_loop3A_192 : i32 to vector<16xi32>
      %parallel_loop3A_195 = vector.broadcast %parallel_loop3A_193 : i32 to vector<16xi32>
      %parallel_loop3A_196 = arith.select %parallel_loop3A_191, %parallel_loop3A_194, %parallel_loop3A_195 : vector<16xi1>, vector<16xi32>
      %parallel_loop3A_197 = arith.cmpf olt, %parallel_loop3A_169, %parallel_loop3A_157 : vector<16xf32>
      %parallel_loop3A_198 = arith.constant -65535 : i32
      %parallel_loop3A_199 = arith.constant 0 : i32
      %parallel_loop3A_200 = vector.broadcast %parallel_loop3A_198 : i32 to vector<16xi32>
      %parallel_loop3A_201 = vector.broadcast %parallel_loop3A_199 : i32 to vector<16xi32>
      %parallel_loop3A_202 = arith.select %parallel_loop3A_197, %parallel_loop3A_200, %parallel_loop3A_201 : vector<16xi1>, vector<16xi32>
      %parallel_loop3A_203 = arith.cmpf olt, %parallel_loop3A_172, %parallel_loop3A_157 : vector<16xf32>
      %parallel_loop3A_204 = arith.constant -1048575 : i32
      %parallel_loop3A_205 = arith.constant 0 : i32
      %parallel_loop3A_206 = vector.broadcast %parallel_loop3A_204 : i32 to vector<16xi32>
      %parallel_loop3A_207 = vector.broadcast %parallel_loop3A_205 : i32 to vector<16xi32>
      %parallel_loop3A_208 = arith.select %parallel_loop3A_203, %parallel_loop3A_206, %parallel_loop3A_207 : vector<16xi1>, vector<16xi32>
      %parallel_loop3A_209 = arith.cmpf olt, %parallel_loop3A_175, %parallel_loop3A_157 : vector<16xf32>
      %parallel_loop3A_210 = arith.constant -16777215 : i32
      %parallel_loop3A_211 = arith.constant 0 : i32
      %parallel_loop3A_212 = vector.broadcast %parallel_loop3A_210 : i32 to vector<16xi32>
      %parallel_loop3A_213 = vector.broadcast %parallel_loop3A_211 : i32 to vector<16xi32>
      %parallel_loop3A_214 = arith.select %parallel_loop3A_209, %parallel_loop3A_212, %parallel_loop3A_213 : vector<16xi1>, vector<16xi32>
      %parallel_loop3A_215 = arith.cmpf olt, %parallel_loop3A_178, %parallel_loop3A_157 : vector<16xf32>
      %parallel_loop3A_216 = arith.constant -268435455 : i32
      %parallel_loop3A_217 = arith.constant 0 : i32
      %parallel_loop3A_218 = vector.broadcast %parallel_loop3A_216 : i32 to vector<16xi32>
      %parallel_loop3A_219 = vector.broadcast %parallel_loop3A_217 : i32 to vector<16xi32>
      %parallel_loop3A_220 = arith.select %parallel_loop3A_215, %parallel_loop3A_218, %parallel_loop3A_219 : vector<16xi1>, vector<16xi32>
      %parallel_loop3A_221 = arith.cmpf olt, %parallel_loop3A_163, %parallel_loop3A_160 : vector<16xf32>
      %parallel_loop3A_222 = arith.constant -240 : i32
      %parallel_loop3A_223 = arith.constant 0 : i32
      %parallel_loop3A_224 = vector.broadcast %parallel_loop3A_222 : i32 to vector<16xi32>
      %parallel_loop3A_225 = vector.broadcast %parallel_loop3A_223 : i32 to vector<16xi32>
      %parallel_loop3A_226 = arith.select %parallel_loop3A_221, %parallel_loop3A_224, %parallel_loop3A_225 : vector<16xi1>, vector<16xi32>
      %parallel_loop3A_227 = arith.cmpf olt, %parallel_loop3A_166, %parallel_loop3A_160 : vector<16xf32>
      %parallel_loop3A_228 = arith.constant -4080 : i32
      %parallel_loop3A_229 = arith.constant 0 : i32
      %parallel_loop3A_230 = vector.broadcast %parallel_loop3A_228 : i32 to vector<16xi32>
      %parallel_loop3A_231 = vector.broadcast %parallel_loop3A_229 : i32 to vector<16xi32>
      %parallel_loop3A_232 = arith.select %parallel_loop3A_227, %parallel_loop3A_230, %parallel_loop3A_231 : vector<16xi1>, vector<16xi32>
      %parallel_loop3A_233 = arith.cmpf olt, %parallel_loop3A_169, %parallel_loop3A_160 : vector<16xf32>
      %parallel_loop3A_234 = arith.constant -65520 : i32
      %parallel_loop3A_235 = arith.constant 0 : i32
      %parallel_loop3A_236 = vector.broadcast %parallel_loop3A_234 : i32 to vector<16xi32>
      %parallel_loop3A_237 = vector.broadcast %parallel_loop3A_235 : i32 to vector<16xi32>
      %parallel_loop3A_238 = arith.select %parallel_loop3A_233, %parallel_loop3A_236, %parallel_loop3A_237 : vector<16xi1>, vector<16xi32>
      %parallel_loop3A_239 = arith.cmpf olt, %parallel_loop3A_172, %parallel_loop3A_160 : vector<16xf32>
      %parallel_loop3A_240 = arith.constant -1048560 : i32
      %parallel_loop3A_241 = arith.constant 0 : i32
      %parallel_loop3A_242 = vector.broadcast %parallel_loop3A_240 : i32 to vector<16xi32>
      %parallel_loop3A_243 = vector.broadcast %parallel_loop3A_241 : i32 to vector<16xi32>
      %parallel_loop3A_244 = arith.select %parallel_loop3A_239, %parallel_loop3A_242, %parallel_loop3A_243 : vector<16xi1>, vector<16xi32>
      %parallel_loop3A_245 = arith.cmpf olt, %parallel_loop3A_175, %parallel_loop3A_160 : vector<16xf32>
      %parallel_loop3A_246 = arith.constant -16777200 : i32
      %parallel_loop3A_247 = arith.constant 0 : i32
      %parallel_loop3A_248 = vector.broadcast %parallel_loop3A_246 : i32 to vector<16xi32>
      %parallel_loop3A_249 = vector.broadcast %parallel_loop3A_247 : i32 to vector<16xi32>
      %parallel_loop3A_250 = arith.select %parallel_loop3A_245, %parallel_loop3A_248, %parallel_loop3A_249 : vector<16xi1>, vector<16xi32>
      %parallel_loop3A_251 = arith.cmpf olt, %parallel_loop3A_178, %parallel_loop3A_160 : vector<16xf32>
      %parallel_loop3A_252 = arith.constant -268435440 : i32
      %parallel_loop3A_253 = arith.constant 0 : i32
      %parallel_loop3A_254 = vector.broadcast %parallel_loop3A_252 : i32 to vector<16xi32>
      %parallel_loop3A_255 = vector.broadcast %parallel_loop3A_253 : i32 to vector<16xi32>
      %parallel_loop3A_256 = arith.select %parallel_loop3A_251, %parallel_loop3A_254, %parallel_loop3A_255 : vector<16xi1>, vector<16xi32>
      %parallel_loop3A_257 = arith.cmpf olt, %parallel_loop3A_166, %parallel_loop3A_163 : vector<16xf32>
      %parallel_loop3A_258 = arith.constant -3840 : i32
      %parallel_loop3A_259 = arith.constant 0 : i32
      %parallel_loop3A_260 = vector.broadcast %parallel_loop3A_258 : i32 to vector<16xi32>
      %parallel_loop3A_261 = vector.broadcast %parallel_loop3A_259 : i32 to vector<16xi32>
      %parallel_loop3A_262 = arith.select %parallel_loop3A_257, %parallel_loop3A_260, %parallel_loop3A_261 : vector<16xi1>, vector<16xi32>
      %parallel_loop3A_263 = arith.cmpf olt, %parallel_loop3A_169, %parallel_loop3A_163 : vector<16xf32>
      %parallel_loop3A_264 = arith.constant -65280 : i32
      %parallel_loop3A_265 = arith.constant 0 : i32
      %parallel_loop3A_266 = vector.broadcast %parallel_loop3A_264 : i32 to vector<16xi32>
      %parallel_loop3A_267 = vector.broadcast %parallel_loop3A_265 : i32 to vector<16xi32>
      %parallel_loop3A_268 = arith.select %parallel_loop3A_263, %parallel_loop3A_266, %parallel_loop3A_267 : vector<16xi1>, vector<16xi32>
      %parallel_loop3A_269 = arith.cmpf olt, %parallel_loop3A_172, %parallel_loop3A_163 : vector<16xf32>
      %parallel_loop3A_270 = arith.constant -1048320 : i32
      %parallel_loop3A_271 = arith.constant 0 : i32
      %parallel_loop3A_272 = vector.broadcast %parallel_loop3A_270 : i32 to vector<16xi32>
      %parallel_loop3A_273 = vector.broadcast %parallel_loop3A_271 : i32 to vector<16xi32>
      %parallel_loop3A_274 = arith.select %parallel_loop3A_269, %parallel_loop3A_272, %parallel_loop3A_273 : vector<16xi1>, vector<16xi32>
      %parallel_loop3A_275 = arith.cmpf olt, %parallel_loop3A_175, %parallel_loop3A_163 : vector<16xf32>
      %parallel_loop3A_276 = arith.constant -16776960 : i32
      %parallel_loop3A_277 = arith.constant 0 : i32
      %parallel_loop3A_278 = vector.broadcast %parallel_loop3A_276 : i32 to vector<16xi32>
      %parallel_loop3A_279 = vector.broadcast %parallel_loop3A_277 : i32 to vector<16xi32>
      %parallel_loop3A_280 = arith.select %parallel_loop3A_275, %parallel_loop3A_278, %parallel_loop3A_279 : vector<16xi1>, vector<16xi32>
      %parallel_loop3A_281 = arith.cmpf olt, %parallel_loop3A_178, %parallel_loop3A_163 : vector<16xf32>
      %parallel_loop3A_282 = arith.constant -268435200 : i32
      %parallel_loop3A_283 = arith.constant 0 : i32
      %parallel_loop3A_284 = vector.broadcast %parallel_loop3A_282 : i32 to vector<16xi32>
      %parallel_loop3A_285 = vector.broadcast %parallel_loop3A_283 : i32 to vector<16xi32>
      %parallel_loop3A_286 = arith.select %parallel_loop3A_281, %parallel_loop3A_284, %parallel_loop3A_285 : vector<16xi1>, vector<16xi32>
      %parallel_loop3A_287 = arith.cmpf olt, %parallel_loop3A_169, %parallel_loop3A_166 : vector<16xf32>
      %parallel_loop3A_288 = arith.constant -61440 : i32
      %parallel_loop3A_289 = arith.constant 0 : i32
      %parallel_loop3A_290 = vector.broadcast %parallel_loop3A_288 : i32 to vector<16xi32>
      %parallel_loop3A_291 = vector.broadcast %parallel_loop3A_289 : i32 to vector<16xi32>
      %parallel_loop3A_292 = arith.select %parallel_loop3A_287, %parallel_loop3A_290, %parallel_loop3A_291 : vector<16xi1>, vector<16xi32>
      %parallel_loop3A_293 = arith.cmpf olt, %parallel_loop3A_172, %parallel_loop3A_166 : vector<16xf32>
      %parallel_loop3A_294 = arith.constant -1044480 : i32
      %parallel_loop3A_295 = arith.constant 0 : i32
      %parallel_loop3A_296 = vector.broadcast %parallel_loop3A_294 : i32 to vector<16xi32>
      %parallel_loop3A_297 = vector.broadcast %parallel_loop3A_295 : i32 to vector<16xi32>
      %parallel_loop3A_298 = arith.select %parallel_loop3A_293, %parallel_loop3A_296, %parallel_loop3A_297 : vector<16xi1>, vector<16xi32>
      %parallel_loop3A_299 = arith.cmpf olt, %parallel_loop3A_175, %parallel_loop3A_166 : vector<16xf32>
      %parallel_loop3A_300 = arith.constant -16773120 : i32
      %parallel_loop3A_301 = arith.constant 0 : i32
      %parallel_loop3A_302 = vector.broadcast %parallel_loop3A_300 : i32 to vector<16xi32>
      %parallel_loop3A_303 = vector.broadcast %parallel_loop3A_301 : i32 to vector<16xi32>
      %parallel_loop3A_304 = arith.select %parallel_loop3A_299, %parallel_loop3A_302, %parallel_loop3A_303 : vector<16xi1>, vector<16xi32>
      %parallel_loop3A_305 = arith.cmpf olt, %parallel_loop3A_178, %parallel_loop3A_166 : vector<16xf32>
      %parallel_loop3A_306 = arith.constant -268431360 : i32
      %parallel_loop3A_307 = arith.constant 0 : i32
      %parallel_loop3A_308 = vector.broadcast %parallel_loop3A_306 : i32 to vector<16xi32>
      %parallel_loop3A_309 = vector.broadcast %parallel_loop3A_307 : i32 to vector<16xi32>
      %parallel_loop3A_310 = arith.select %parallel_loop3A_305, %parallel_loop3A_308, %parallel_loop3A_309 : vector<16xi1>, vector<16xi32>
      %parallel_loop3A_311 = arith.cmpf olt, %parallel_loop3A_172, %parallel_loop3A_169 : vector<16xf32>
      %parallel_loop3A_312 = arith.constant -983040 : i32
      %parallel_loop3A_313 = arith.constant 0 : i32
      %parallel_loop3A_314 = vector.broadcast %parallel_loop3A_312 : i32 to vector<16xi32>
      %parallel_loop3A_315 = vector.broadcast %parallel_loop3A_313 : i32 to vector<16xi32>
      %parallel_loop3A_316 = arith.select %parallel_loop3A_311, %parallel_loop3A_314, %parallel_loop3A_315 : vector<16xi1>, vector<16xi32>
      %parallel_loop3A_317 = arith.cmpf olt, %parallel_loop3A_175, %parallel_loop3A_169 : vector<16xf32>
      %parallel_loop3A_318 = arith.constant -16711680 : i32
      %parallel_loop3A_319 = arith.constant 0 : i32
      %parallel_loop3A_320 = vector.broadcast %parallel_loop3A_318 : i32 to vector<16xi32>
      %parallel_loop3A_321 = vector.broadcast %parallel_loop3A_319 : i32 to vector<16xi32>
      %parallel_loop3A_322 = arith.select %parallel_loop3A_317, %parallel_loop3A_320, %parallel_loop3A_321 : vector<16xi1>, vector<16xi32>
      %parallel_loop3A_323 = arith.cmpf olt, %parallel_loop3A_178, %parallel_loop3A_169 : vector<16xf32>
      %parallel_loop3A_324 = arith.constant -268369920 : i32
      %parallel_loop3A_325 = arith.constant 0 : i32
      %parallel_loop3A_326 = vector.broadcast %parallel_loop3A_324 : i32 to vector<16xi32>
      %parallel_loop3A_327 = vector.broadcast %parallel_loop3A_325 : i32 to vector<16xi32>
      %parallel_loop3A_328 = arith.select %parallel_loop3A_323, %parallel_loop3A_326, %parallel_loop3A_327 : vector<16xi1>, vector<16xi32>
      %parallel_loop3A_329 = arith.cmpf olt, %parallel_loop3A_175, %parallel_loop3A_172 : vector<16xf32>
      %parallel_loop3A_330 = arith.constant -15728640 : i32
      %parallel_loop3A_331 = arith.constant 0 : i32
      %parallel_loop3A_332 = vector.broadcast %parallel_loop3A_330 : i32 to vector<16xi32>
      %parallel_loop3A_333 = vector.broadcast %parallel_loop3A_331 : i32 to vector<16xi32>
      %parallel_loop3A_334 = arith.select %parallel_loop3A_329, %parallel_loop3A_332, %parallel_loop3A_333 : vector<16xi1>, vector<16xi32>
      %parallel_loop3A_335 = arith.cmpf olt, %parallel_loop3A_178, %parallel_loop3A_172 : vector<16xf32>
      %parallel_loop3A_336 = arith.constant -267386880 : i32
      %parallel_loop3A_337 = arith.constant 0 : i32
      %parallel_loop3A_338 = vector.broadcast %parallel_loop3A_336 : i32 to vector<16xi32>
      %parallel_loop3A_339 = vector.broadcast %parallel_loop3A_337 : i32 to vector<16xi32>
      %parallel_loop3A_340 = arith.select %parallel_loop3A_335, %parallel_loop3A_338, %parallel_loop3A_339 : vector<16xi1>, vector<16xi32>
      %parallel_loop3A_341 = arith.cmpf olt, %parallel_loop3A_178, %parallel_loop3A_175 : vector<16xf32>
      %parallel_loop3A_342 = arith.constant -251658240 : i32
      %parallel_loop3A_343 = arith.constant 0 : i32
      %parallel_loop3A_344 = vector.broadcast %parallel_loop3A_342 : i32 to vector<16xi32>
      %parallel_loop3A_345 = vector.broadcast %parallel_loop3A_343 : i32 to vector<16xi32>
      %parallel_loop3A_346 = arith.select %parallel_loop3A_341, %parallel_loop3A_344, %parallel_loop3A_345 : vector<16xi1>, vector<16xi32>
      %parallel_loop3A_347 = arith.addi %parallel_loop3A_184, %parallel_loop3A_190 : vector<16xi32>
      %parallel_loop3A_348 = arith.addi %parallel_loop3A_196, %parallel_loop3A_202 : vector<16xi32>
      %parallel_loop3A_349 = arith.addi %parallel_loop3A_208, %parallel_loop3A_214 : vector<16xi32>
      %parallel_loop3A_350 = arith.addi %parallel_loop3A_220, %parallel_loop3A_226 : vector<16xi32>
      %parallel_loop3A_351 = arith.addi %parallel_loop3A_232, %parallel_loop3A_238 : vector<16xi32>
      %parallel_loop3A_352 = arith.addi %parallel_loop3A_244, %parallel_loop3A_250 : vector<16xi32>
      %parallel_loop3A_353 = arith.addi %parallel_loop3A_256, %parallel_loop3A_262 : vector<16xi32>
      %parallel_loop3A_354 = arith.addi %parallel_loop3A_268, %parallel_loop3A_274 : vector<16xi32>
      %parallel_loop3A_355 = arith.addi %parallel_loop3A_280, %parallel_loop3A_286 : vector<16xi32>
      %parallel_loop3A_356 = arith.addi %parallel_loop3A_292, %parallel_loop3A_298 : vector<16xi32>
      %parallel_loop3A_357 = arith.addi %parallel_loop3A_304, %parallel_loop3A_310 : vector<16xi32>
      %parallel_loop3A_358 = arith.addi %parallel_loop3A_316, %parallel_loop3A_322 : vector<16xi32>
      %parallel_loop3A_359 = arith.addi %parallel_loop3A_328, %parallel_loop3A_334 : vector<16xi32>
      %parallel_loop3A_360 = arith.addi %parallel_loop3A_340, %parallel_loop3A_346 : vector<16xi32>
      %parallel_loop3A_361 = arith.addi %parallel_loop3A_347, %parallel_loop3A_348 : vector<16xi32>
      %parallel_loop3A_362 = arith.addi %parallel_loop3A_349, %parallel_loop3A_350 : vector<16xi32>
      %parallel_loop3A_363 = arith.addi %parallel_loop3A_351, %parallel_loop3A_352 : vector<16xi32>
      %parallel_loop3A_364 = arith.addi %parallel_loop3A_353, %parallel_loop3A_354 : vector<16xi32>
      %parallel_loop3A_365 = arith.addi %parallel_loop3A_355, %parallel_loop3A_356 : vector<16xi32>
      %parallel_loop3A_366 = arith.addi %parallel_loop3A_357, %parallel_loop3A_358 : vector<16xi32>
      %parallel_loop3A_367 = arith.addi %parallel_loop3A_359, %parallel_loop3A_360 : vector<16xi32>
      %parallel_loop3A_368 = arith.addi %parallel_loop3A_361, %parallel_loop3A_362 : vector<16xi32>
      %parallel_loop3A_369 = arith.addi %parallel_loop3A_363, %parallel_loop3A_364 : vector<16xi32>
      %parallel_loop3A_370 = arith.addi %parallel_loop3A_365, %parallel_loop3A_366 : vector<16xi32>
      %parallel_loop3A_371 = arith.addi %parallel_loop3A_368, %parallel_loop3A_369 : vector<16xi32>
      %parallel_loop3A_372 = arith.addi %parallel_loop3A_370, %parallel_loop3A_367 : vector<16xi32>
      %parallel_loop3A_373 = arith.addi %parallel_loop3A_371, %parallel_loop3A_372 : vector<16xi32>
      %parallel_loop3A_374 = arith.constant 1985229328 : i32
      %parallel_loop3A_375 = vector.broadcast %parallel_loop3A_374 : i32 to vector<16xi32>
      %parallel_loop3A_376 = arith.addi %parallel_loop3A_375, %parallel_loop3A_373 : vector<16xi32>
      %parallel_loop3A_377 = arith.constant 0.000000e+00 : f32
      %parallel_loop3A_378 = vector.broadcast %parallel_loop3A_377 : f32 to vector<16xf32>
      %parallel_loop3A_379 = arith.constant 4 : i32
      %parallel_loop3A_380 = vector.broadcast %parallel_loop3A_379 : i32 to vector<16xi32>
      %parallel_loop3A_381 = arith.andi %parallel_loop3A_376, %parallel_loop3A_380 : vector<16xi32>
      %parallel_loop3A_382 = arith.constant 0 : i32
      %parallel_loop3A_383 = vector.broadcast %parallel_loop3A_382 : i32 to vector<16xi32>
      %parallel_loop3A_384 = arith.cmpi eq, %parallel_loop3A_381, %parallel_loop3A_383 : vector<16xi32>
      %parallel_loop3A_385 = tpu.memref_slice %arg8[%parallel_loop3A_150, %parallel_loop3A_154] : memref<8x2048xf32, #tpu.memory_space<vmem>> -> memref<1x128xf32, #tpu.memory_space<vmem>>
      %parallel_loop3A_386 = tpu.memref_squeeze %parallel_loop3A_385 : memref<1x128xf32, #tpu.memory_space<vmem>> -> memref<128xf32, #tpu.memory_space<vmem>>
      tpu.vector_store_idx %parallel_loop3A_386[%add3A_76], %parallel_loop3A_378 masked %parallel_loop3A_384 : memref<128xf32, #tpu.memory_space<vmem>>[vector<16xi32>], vector<16xf32>, vector<16xi1>
      %parallel_loop3A_387 = arith.constant 64 : i32
      %parallel_loop3A_388 = vector.broadcast %parallel_loop3A_387 : i32 to vector<16xi32>
      %parallel_loop3A_389 = arith.andi %parallel_loop3A_376, %parallel_loop3A_388 : vector<16xi32>
      %parallel_loop3A_390 = arith.constant 0 : i32
      %parallel_loop3A_391 = vector.broadcast %parallel_loop3A_390 : i32 to vector<16xi32>
      %parallel_loop3A_392 = arith.cmpi eq, %parallel_loop3A_389, %parallel_loop3A_391 : vector<16xi32>
      %parallel_loop3A_393 = tpu.memref_slice %arg8[%parallel_loop3A_150, %parallel_loop3A_154] : memref<8x2048xf32, #tpu.memory_space<vmem>> -> memref<1x128xf32, #tpu.memory_space<vmem>>
      %parallel_loop3A_394 = tpu.memref_squeeze %parallel_loop3A_393 : memref<1x128xf32, #tpu.memory_space<vmem>> -> memref<128xf32, #tpu.memory_space<vmem>>
      tpu.vector_store_idx %parallel_loop3A_394[%add3A_79], %parallel_loop3A_378 masked %parallel_loop3A_392 : memref<128xf32, #tpu.memory_space<vmem>>[vector<16xi32>], vector<16xf32>, vector<16xi1>
      %parallel_loop3A_395 = arith.constant 1024 : i32
      %parallel_loop3A_396 = vector.broadcast %parallel_loop3A_395 : i32 to vector<16xi32>
      %parallel_loop3A_397 = arith.andi %parallel_loop3A_376, %parallel_loop3A_396 : vector<16xi32>
      %parallel_loop3A_398 = arith.constant 0 : i32
      %parallel_loop3A_399 = vector.broadcast %parallel_loop3A_398 : i32 to vector<16xi32>
      %parallel_loop3A_400 = arith.cmpi eq, %parallel_loop3A_397, %parallel_loop3A_399 : vector<16xi32>
      %parallel_loop3A_401 = tpu.memref_slice %arg8[%parallel_loop3A_150, %parallel_loop3A_154] : memref<8x2048xf32, #tpu.memory_space<vmem>> -> memref<1x128xf32, #tpu.memory_space<vmem>>
      %parallel_loop3A_402 = tpu.memref_squeeze %parallel_loop3A_401 : memref<1x128xf32, #tpu.memory_space<vmem>> -> memref<128xf32, #tpu.memory_space<vmem>>
      tpu.vector_store_idx %parallel_loop3A_402[%add3A_82], %parallel_loop3A_378 masked %parallel_loop3A_400 : memref<128xf32, #tpu.memory_space<vmem>>[vector<16xi32>], vector<16xf32>, vector<16xi1>
      %parallel_loop3A_403 = arith.constant 16384 : i32
      %parallel_loop3A_404 = vector.broadcast %parallel_loop3A_403 : i32 to vector<16xi32>
      %parallel_loop3A_405 = arith.andi %parallel_loop3A_376, %parallel_loop3A_404 : vector<16xi32>
      %parallel_loop3A_406 = arith.constant 0 : i32
      %parallel_loop3A_407 = vector.broadcast %parallel_loop3A_406 : i32 to vector<16xi32>
      %parallel_loop3A_408 = arith.cmpi eq, %parallel_loop3A_405, %parallel_loop3A_407 : vector<16xi32>
      %parallel_loop3A_409 = tpu.memref_slice %arg8[%parallel_loop3A_150, %parallel_loop3A_154] : memref<8x2048xf32, #tpu.memory_space<vmem>> -> memref<1x128xf32, #tpu.memory_space<vmem>>
      %parallel_loop3A_410 = tpu.memref_squeeze %parallel_loop3A_409 : memref<1x128xf32, #tpu.memory_space<vmem>> -> memref<128xf32, #tpu.memory_space<vmem>>
      tpu.vector_store_idx %parallel_loop3A_410[%add3A_85], %parallel_loop3A_378 masked %parallel_loop3A_408 : memref<128xf32, #tpu.memory_space<vmem>>[vector<16xi32>], vector<16xf32>, vector<16xi1>
      %parallel_loop3A_411 = arith.constant 262144 : i32
      %parallel_loop3A_412 = vector.broadcast %parallel_loop3A_411 : i32 to vector<16xi32>
      %parallel_loop3A_413 = arith.andi %parallel_loop3A_376, %parallel_loop3A_412 : vector<16xi32>
      %parallel_loop3A_414 = arith.constant 0 : i32
      %parallel_loop3A_415 = vector.broadcast %parallel_loop3A_414 : i32 to vector<16xi32>
      %parallel_loop3A_416 = arith.cmpi eq, %parallel_loop3A_413, %parallel_loop3A_415 : vector<16xi32>
      %parallel_loop3A_417 = tpu.memref_slice %arg8[%parallel_loop3A_150, %parallel_loop3A_154] : memref<8x2048xf32, #tpu.memory_space<vmem>> -> memref<1x128xf32, #tpu.memory_space<vmem>>
      %parallel_loop3A_418 = tpu.memref_squeeze %parallel_loop3A_417 : memref<1x128xf32, #tpu.memory_space<vmem>> -> memref<128xf32, #tpu.memory_space<vmem>>
      tpu.vector_store_idx %parallel_loop3A_418[%add3A_88], %parallel_loop3A_378 masked %parallel_loop3A_416 : memref<128xf32, #tpu.memory_space<vmem>>[vector<16xi32>], vector<16xf32>, vector<16xi1>
      %parallel_loop3A_419 = arith.constant 4194304 : i32
      %parallel_loop3A_420 = vector.broadcast %parallel_loop3A_419 : i32 to vector<16xi32>
      %parallel_loop3A_421 = arith.andi %parallel_loop3A_376, %parallel_loop3A_420 : vector<16xi32>
      %parallel_loop3A_422 = arith.constant 0 : i32
      %parallel_loop3A_423 = vector.broadcast %parallel_loop3A_422 : i32 to vector<16xi32>
      %parallel_loop3A_424 = arith.cmpi eq, %parallel_loop3A_421, %parallel_loop3A_423 : vector<16xi32>
      %parallel_loop3A_425 = tpu.memref_slice %arg8[%parallel_loop3A_150, %parallel_loop3A_154] : memref<8x2048xf32, #tpu.memory_space<vmem>> -> memref<1x128xf32, #tpu.memory_space<vmem>>
      %parallel_loop3A_426 = tpu.memref_squeeze %parallel_loop3A_425 : memref<1x128xf32, #tpu.memory_space<vmem>> -> memref<128xf32, #tpu.memory_space<vmem>>
      tpu.vector_store_idx %parallel_loop3A_426[%add3A_91], %parallel_loop3A_378 masked %parallel_loop3A_424 : memref<128xf32, #tpu.memory_space<vmem>>[vector<16xi32>], vector<16xf32>, vector<16xi1>
      %parallel_loop3A_427 = arith.constant 67108864 : i32
      %parallel_loop3A_428 = vector.broadcast %parallel_loop3A_427 : i32 to vector<16xi32>
      %parallel_loop3A_429 = arith.andi %parallel_loop3A_376, %parallel_loop3A_428 : vector<16xi32>
      %parallel_loop3A_430 = arith.constant 0 : i32
      %parallel_loop3A_431 = vector.broadcast %parallel_loop3A_430 : i32 to vector<16xi32>
      %parallel_loop3A_432 = arith.cmpi eq, %parallel_loop3A_429, %parallel_loop3A_431 : vector<16xi32>
      %parallel_loop3A_433 = tpu.memref_slice %arg8[%parallel_loop3A_150, %parallel_loop3A_154] : memref<8x2048xf32, #tpu.memory_space<vmem>> -> memref<1x128xf32, #tpu.memory_space<vmem>>
      %parallel_loop3A_434 = tpu.memref_squeeze %parallel_loop3A_433 : memref<1x128xf32, #tpu.memory_space<vmem>> -> memref<128xf32, #tpu.memory_space<vmem>>
      tpu.vector_store_idx %parallel_loop3A_434[%add3A_94], %parallel_loop3A_378 masked %parallel_loop3A_432 : memref<128xf32, #tpu.memory_space<vmem>>[vector<16xi32>], vector<16xf32>, vector<16xi1>
      %parallel_loop3A_435 = arith.constant 1073741824 : i32
      %parallel_loop3A_436 = vector.broadcast %parallel_loop3A_435 : i32 to vector<16xi32>
      %parallel_loop3A_437 = arith.andi %parallel_loop3A_376, %parallel_loop3A_436 : vector<16xi32>
      %parallel_loop3A_438 = arith.constant 0 : i32
      %parallel_loop3A_439 = vector.broadcast %parallel_loop3A_438 : i32 to vector<16xi32>
      %parallel_loop3A_440 = arith.cmpi eq, %parallel_loop3A_437, %parallel_loop3A_439 : vector<16xi32>
      %parallel_loop3A_441 = tpu.memref_slice %arg8[%parallel_loop3A_150, %parallel_loop3A_154] : memref<8x2048xf32, #tpu.memory_space<vmem>> -> memref<1x128xf32, #tpu.memory_space<vmem>>
      %parallel_loop3A_442 = tpu.memref_squeeze %parallel_loop3A_441 : memref<1x128xf32, #tpu.memory_space<vmem>> -> memref<128xf32, #tpu.memory_space<vmem>>
      tpu.vector_store_idx %parallel_loop3A_442[%add3A_97], %parallel_loop3A_378 masked %parallel_loop3A_440 : memref<128xf32, #tpu.memory_space<vmem>>[vector<16xi32>], vector<16xf32>, vector<16xi1>
    } {sc.loop_unroll_factor = 2 : i64, sc.parallel_access}
    %add3A_100 = arith.constant 31 : i32
    %add3A_101 = arith.addi %mul3A_2, %add3A_100 : i32
    %dma_start3A_102 = tpu.memref_reshape %arg4 : memref<8192x4096xf32, #tpu.memory_space<hbm>> -> memref<1024x8x4096xf32, #tpu.memory_space<hbm>>
    %dma_start3A_103 = arith.constant 0 : i32
    %dma_start3A_104 = arith.constant 2048 : i32
    %dma_start3A_105 = tpu.memref_slice %dma_start3A_102[%add3A_101, %dma_start3A_103, %dma_start3A_104] : memref<1024x8x4096xf32, #tpu.memory_space<hbm>> -> memref<1x8x2048xf32, #tpu.memory_space<hbm>>
    %dma_start3A_106 = tpu.memref_squeeze %dma_start3A_105 : memref<1x8x2048xf32, #tpu.memory_space<hbm>> -> memref<8x2048xf32, #tpu.memory_space<hbm>>
    %dma_start3A_107 = tpu.memref_reshape %arg4 : memref<8192x4096xf32, #tpu.memory_space<hbm>> -> memref<1024x8x4096xf32, #tpu.memory_space<hbm>>
    %dma_start3A_108 = arith.constant 0 : i32
    %dma_start3A_109 = arith.constant 2048 : i32
    %dma_start3A_110 = tpu.memref_slice %dma_start3A_107[%add3A_101, %dma_start3A_108, %dma_start3A_109] : memref<1024x8x4096xf32, #tpu.memory_space<hbm>> -> memref<1x8x2048xf32, #tpu.memory_space<hbm>>
    %dma_start3A_111 = tpu.memref_squeeze %dma_start3A_110 : memref<1x8x2048xf32, #tpu.memory_space<hbm>> -> memref<8x2048xf32, #tpu.memory_space<hbm>>
    tpu.enqueue_dma source(%arg8 : memref<8x2048xf32, #tpu.memory_space<vmem>>) target(%dma_start3A_111 : memref<8x2048xf32, #tpu.memory_space<hbm>>) target_semaphore(%arg17 : memref<!tpu.dma_semaphore, #tpu.memory_space<semaphore_mem>>)
    %add3A_112 = arith.constant 30 : i32
    %add3A_113 = arith.addi %mul3A_2, %add3A_112 : i32
    %dma_wait3A_114 = tpu.memref_reshape %arg4 : memref<8192x4096xf32, #tpu.memory_space<hbm>> -> memref<1024x8x4096xf32, #tpu.memory_space<hbm>>
    %dma_wait3A_115 = arith.constant 0 : i32
    %dma_wait3A_116 = arith.constant 2048 : i32
    %dma_wait3A_117 = tpu.memref_slice %dma_wait3A_114[%add3A_113, %dma_wait3A_115, %dma_wait3A_116] : memref<1024x8x4096xf32, #tpu.memory_space<hbm>> -> memref<1x8x2048xf32, #tpu.memory_space<hbm>>
    %dma_wait3A_118 = tpu.memref_squeeze %dma_wait3A_117 : memref<1x8x2048xf32, #tpu.memory_space<hbm>> -> memref<8x2048xf32, #tpu.memory_space<hbm>>
    %dma_wait3A_119 = tpu.memref_reshape %arg4 : memref<8192x4096xf32, #tpu.memory_space<hbm>> -> memref<1024x8x4096xf32, #tpu.memory_space<hbm>>
    %dma_wait3A_120 = arith.constant 0 : i32
    %dma_wait3A_121 = arith.constant 2048 : i32
    %dma_wait3A_122 = tpu.memref_slice %dma_wait3A_119[%add3A_113, %dma_wait3A_120, %dma_wait3A_121] : memref<1024x8x4096xf32, #tpu.memory_space<hbm>> -> memref<1x8x2048xf32, #tpu.memory_space<hbm>>
    %dma_wait3A_123 = tpu.memref_squeeze %dma_wait3A_122 : memref<1x8x2048xf32, #tpu.memory_space<hbm>> -> memref<8x2048xf32, #tpu.memory_space<hbm>>
    tpu.wait_dma2 semaphore(%arg18 : memref<!tpu.dma_semaphore, #tpu.memory_space<semaphore_mem>>) src(%arg9 : memref<8x2048xf32, #tpu.memory_space<vmem>>) dst(%dma_wait3A_123 : memref<8x2048xf32, #tpu.memory_space<hbm>>)
    %add3A_124 = arith.constant 31 : i32
    %add3A_125 = arith.addi %mul3A_2, %add3A_124 : i32
    %dma_wait3A_126 = tpu.memref_reshape %arg4 : memref<8192x4096xf32, #tpu.memory_space<hbm>> -> memref<1024x8x4096xf32, #tpu.memory_space<hbm>>
    %dma_wait3A_127 = arith.constant 0 : i32
    %dma_wait3A_128 = arith.constant 0 : i32
    %dma_wait3A_129 = tpu.memref_slice %dma_wait3A_126[%add3A_125, %dma_wait3A_127, %dma_wait3A_128] : memref<1024x8x4096xf32, #tpu.memory_space<hbm>> -> memref<1x8x2048xf32, #tpu.memory_space<hbm>>
    %dma_wait3A_130 = tpu.memref_squeeze %dma_wait3A_129 : memref<1x8x2048xf32, #tpu.memory_space<hbm>> -> memref<8x2048xf32, #tpu.memory_space<hbm>>
    %dma_wait3A_131 = tpu.memref_reshape %arg4 : memref<8192x4096xf32, #tpu.memory_space<hbm>> -> memref<1024x8x4096xf32, #tpu.memory_space<hbm>>
    %dma_wait3A_132 = arith.constant 0 : i32
    %dma_wait3A_133 = arith.constant 0 : i32
    %dma_wait3A_134 = tpu.memref_slice %dma_wait3A_131[%add3A_125, %dma_wait3A_132, %dma_wait3A_133] : memref<1024x8x4096xf32, #tpu.memory_space<hbm>> -> memref<1x8x2048xf32, #tpu.memory_space<hbm>>
    %dma_wait3A_135 = tpu.memref_squeeze %dma_wait3A_134 : memref<1x8x2048xf32, #tpu.memory_space<hbm>> -> memref<8x2048xf32, #tpu.memory_space<hbm>>
    tpu.wait_dma2 semaphore(%arg19 : memref<!tpu.dma_semaphore, #tpu.memory_space<semaphore_mem>>) src(%arg10 : memref<8x2048xf32, #tpu.memory_space<vmem>>) dst(%dma_wait3A_135 : memref<8x2048xf32, #tpu.memory_space<hbm>>)
    %add3A_136 = arith.constant 31 : i32
    %add3A_137 = arith.addi %mul3A_2, %add3A_136 : i32
    %dma_wait3A_138 = tpu.memref_reshape %arg4 : memref<8192x4096xf32, #tpu.memory_space<hbm>> -> memref<1024x8x4096xf32, #tpu.memory_space<hbm>>
    %dma_wait3A_139 = arith.constant 0 : i32
    %dma_wait3A_140 = arith.constant 2048 : i32
    %dma_wait3A_141 = tpu.memref_slice %dma_wait3A_138[%add3A_137, %dma_wait3A_139, %dma_wait3A_140] : memref<1024x8x4096xf32, #tpu.memory_space<hbm>> -> memref<1x8x2048xf32, #tpu.memory_space<hbm>>
    %dma_wait3A_142 = tpu.memref_squeeze %dma_wait3A_141 : memref<1x8x2048xf32, #tpu.memory_space<hbm>> -> memref<8x2048xf32, #tpu.memory_space<hbm>>
    %dma_wait3A_143 = tpu.memref_reshape %arg4 : memref<8192x4096xf32, #tpu.memory_space<hbm>> -> memref<1024x8x4096xf32, #tpu.memory_space<hbm>>
    %dma_wait3A_144 = arith.constant 0 : i32
    %dma_wait3A_145 = arith.constant 2048 : i32
    %dma_wait3A_146 = tpu.memref_slice %dma_wait3A_143[%add3A_137, %dma_wait3A_144, %dma_wait3A_145] : memref<1024x8x4096xf32, #tpu.memory_space<hbm>> -> memref<1x8x2048xf32, #tpu.memory_space<hbm>>
    %dma_wait3A_147 = tpu.memref_squeeze %dma_wait3A_146 : memref<1x8x2048xf32, #tpu.memory_space<hbm>> -> memref<8x2048xf32, #tpu.memory_space<hbm>>
    tpu.wait_dma2 semaphore(%arg17 : memref<!tpu.dma_semaphore, #tpu.memory_space<semaphore_mem>>) src(%arg8 : memref<8x2048xf32, #tpu.memory_space<vmem>>) dst(%dma_wait3A_147 : memref<8x2048xf32, #tpu.memory_space<hbm>>)
    return
  }
}

</mosaic_0001>

<sc_bundles>
// kernel: _sparsify.3.cloned.1.call-start
scs
__scs_entry_jumppad:
0x0: {  	(pc) =	sbr.rel $0x88, $3  }
0x1: {  	(tag) =	ssettag $0x0;
	lr =	simm.s32 $0x1  }
0x2: {  	[smem:$0x3F9F] =	sst lr;
	_ =	strace $0xD0000000  }
0x3: {  	_ = 	snop  }
0x4: {  	_ = 	snop  }
0x5: {  	_ = 	snop  }
0x6: {  	_ = 	snop  }
0x7: {  	_ = 	snop  }
__scs_overlays_trampoline_lowered:
0x8: {  	[smem:$0x3FAE] =	sst s0  }
0x9: {  	[smem:$0x3FAF] =	sst s1  }
0xa: {  	[smem:$0x3FB0] =	sst s2  }
0xb: {  	[smem:$0x3FB1] =	sst s3  }
0xc: {  	[smem:$0x3FB2] =	sst s4  }
0xd: {  	[smem:$0x3FB3] =	sst s5  }
0xe: {  	[smem:$0x3FB4] =	sst s6  }
0xf: {  	[smem:$0x3FB5] =	sst s7  }
0x10: {  	[smem:$0x3FB6] =	sst s8  }
0x11: {  	[smem:$0x3FB7] =	sst s9;
	s0 =	simm.s32 @!p0 $0x0  }
0x12: {  	s1 =	sld [smem:$0x3F9D];
	s0 =	simm.s32 @p0 $0x1  }
0x13: {  	[smem:$0x3FB8] =	sst s0;
	s0 =	simm.s32 @!p1 $0x0  }
0x14: {  	s2 =	sld [smem:$0x3F9C];
	s0 =	simm.s32 @p1 $0x1  }
0x15: {  	[smem:$0x3FB9] =	sst s0;
	s0 =	simm.s32 @!p2 $0x0  }
0x16: {  	s3 =	sld [smem:$0x3FDB];
	s0 =	simm.s32 @p2 $0x1  }
0x17: {  	s4 =	simm.s32 $0x1BF5;
	[smem:$0x3FBB] =	sst s0  }
0x18: {  	s0 =	sld [smem:$0x3F9E];
	_ =	swait.ge [sflag:s4], $0x0  }
0x19: {  	s7 =	sld [smem:$0x3F9F]  }
0x1a: {  	s8 =	sadd.s32 $0xFFFFE003, lr  }
0x1b: {  	s9 =	sadd.s32 $0xFFFFFEF7, lr;
	s5 =	simm.s32 $0xFFFFFFFF;
	p2 =	slt.u32 s8, $0xFFFFF086  }
0x1c: {  	p1 =	slt.u32 s9, $0xF7A;
	s5 =	simm.s32 @!p2 $0x0  }
0x1d: {  	s5 =	simm.s32 @p1 $0x1;
	p0 =	seq.s32 s7, s2  }
0x1e: {  	s7 =	smul.u32 @!p0 $0xF7A, s2;
	p2 =	seq.s32 @!p0 s5, $0x0  }
0x1f: {  	s9 =	smul.u32 $0xF7A, s1;
	s8 =	simm.s32 @!p0 $0x1BF5;
	p2 =	por !p2, p0  }
0x20: {  	[sflag:s8] =	ssyncset.s32 @!p0 $0xFFFFF086;
	s6 =	sadd.s32 @!p0 s3, s7;
	s7 =	simm.s32 @!p0 $0x108  }
0x21: {  	s3 =	sadd.s32 s3, s9;
	s6 =	sadd.s32 @!p0 $0x88, s6;
	s7 =	simm.s32 @p2 $0x1082  }
0x22: {  	[simem:s7], [sflag:s8] =	dma.local @!p0 [hbm:s6], $0xF7A  }
0x23: {  	s9 =	sor.u32 $0xD0000000, s2;
	s6 =	simm.s32 $0x108;
	_ =	swait.ge @!p0 [sflag:s8], $0x0  }
0x24: {  	s3 =	sadd.s32 $0x88, s3;
	s6 =	simm.s32 @!p1 $0x1082;
	[sflag:s4] =	ssyncset.s32 $0xFFFFF086  }
0x25: {  	[simem:s6], [sflag:s4] =	dma.local [hbm:s3], $0xF7A  }
0x26: {  	[smem:$0x3F9F] =	sst s1;
	(tag) =	ssettag s2;
	_ =	strace s9  }
0x27: {  	s1 =	sld [smem:$0x3FAF]  }
0x28: {  	s2 =	sld [smem:$0x3FB0]  }
0x29: {  	s4 =	sld [smem:$0x3FB2]  }
0x2a: {  	p0 =	seq.s32 s5, $0x0;
	s5 =	sld [smem:$0x3FB3]  }
0x2b: {  	s6 =	sld [smem:$0x3FB4]  }
0x2c: {  	s7 =	sld [smem:$0x3FB5]  }
0x2d: {  	s3 =	simm.s32 $0x108;
	s8 =	sld [smem:$0x3FB6]  }
0x2e: {  	s3 =	simm.s32 @!p0 $0x1082;
	s9 =	sld [smem:$0x3FB7]  }
0x2f: {  	lr =	sadd.s32 s0, s3;
	s0 =	sld [smem:$0x3FAE]  }
0x30: {  	s3 =	sld [smem:$0x3FB1]  }
0x31: {  	[smem:$0x3FBA] =	sst s10  }
0x32: {  	s10 =	sld [smem:$0x3FB8];
	_ =	sdelay $0x3  }
0x33: {  	p0 =	seq.s32 s10, $0x1;
	s10 =	sld [smem:$0x3FBA];
	_ =	sdelay $0x3  }
0x34: {  	[smem:$0x3FBA] =	sst s10  }
0x35: {  	s10 =	sld [smem:$0x3FB9];
	_ =	sdelay $0x3  }
0x36: {  	p1 =	seq.s32 s10, $0x1;
	s10 =	sld [smem:$0x3FBA];
	_ =	sdelay $0x3  }
0x37: {  	[smem:$0x3FBA] =	sst s10  }
0x38: {  	s10 =	sld [smem:$0x3FBB]  }
0x39: {  	_ = 	snop;
	(pc) =	sbr.ind lr, $3  }
0x3a: {  	_ = 	snop  }
0x3b: {  	_ = 	snop  }
0x3c: {  	p2 =	seq.s32 s10, $0x1;
	s10 =	sld [smem:$0x3FBA]  }
0x3d: {  	_ =	shalt  }
0x3e: {  	_ =	shalt  }
0x3f: {  	_ =	shalt  }
0x40: {  	_ =	shalt  }
0x41: {  	_ =	shalt  }
0x42: {  	_ =	shalt  }
0x43: {  	_ =	shalt  }
0x44: {  	_ =	shalt  }
0x45: {  	_ =	shalt  }
0x46: {  	_ =	shalt  }
0x47: {  	_ =	shalt  }
0x48: {  	_ =	shalt  }
0x49: {  	_ =	shalt  }
0x4a: {  	_ =	shalt  }
0x4b: {  	_ =	shalt  }
0x4c: {  	_ =	shalt  }
0x4d: {  	_ =	shalt  }
0x4e: {  	_ =	shalt  }
0x4f: {  	_ =	shalt  }
0x50: {  	_ =	shalt  }
0x51: {  	_ =	shalt  }
0x52: {  	_ =	shalt  }
0x53: {  	_ =	shalt  }
0x54: {  	_ =	shalt  }
0x55: {  	_ =	shalt  }
0x56: {  	_ =	shalt  }
0x57: {  	_ =	shalt  }
0x58: {  	_ =	shalt  }
0x59: {  	_ =	shalt  }
0x5a: {  	_ =	shalt  }
0x5b: {  	_ =	shalt  }
0x5c: {  	_ =	shalt  }
0x5d: {  	_ =	shalt  }
0x5e: {  	_ =	shalt  }
0x5f: {  	_ =	shalt  }
0x60: {  	_ =	shalt  }
0x61: {  	_ =	shalt  }
0x62: {  	_ =	shalt  }
0x63: {  	_ =	shalt  }
0x64: {  	_ =	shalt  }
0x65: {  	_ =	shalt  }
0x66: {  	_ =	shalt  }
0x67: {  	_ =	shalt  }
0x68: {  	_ =	shalt  }
0x69: {  	_ =	shalt  }
0x6a: {  	_ =	shalt  }
0x6b: {  	_ =	shalt  }
0x6c: {  	_ =	shalt  }
0x6d: {  	_ =	shalt  }
0x6e: {  	_ =	shalt  }
0x6f: {  	_ =	shalt  }
0x70: {  	_ =	shalt  }
0x71: {  	_ =	shalt  }
0x72: {  	_ =	shalt  }
0x73: {  	_ =	shalt  }
0x74: {  	_ =	shalt  }
0x75: {  	_ =	shalt  }
0x76: {  	_ =	shalt  }
0x77: {  	_ =	shalt  }
0x78: {  	_ =	shalt  }
0x79: {  	_ =	shalt  }
0x7a: {  	_ =	shalt  }
0x7b: {  	_ =	shalt  }
0x7c: {  	_ =	shalt  }
0x7d: {  	_ =	shalt  }
0x7e: {  	_ =	shalt  }
0x7f: {  	_ =	shalt  }
0x80: {  	_ =	shalt  }
0x81: {  	_ =	shalt  }
0x82: {  	_ =	shalt  }
0x83: {  	_ =	shalt  }
0x84: {  	_ =	shalt  }
0x85: {  	_ =	shalt  }
0x86: {  	_ =	shalt  }
0x87: {  	_ =	shalt  }
.Lfunc_end0:
.L_simem_size_0:
called_computation_lowered:
.L_overlay_start_0:
0x88: {  	s2 =	sld [smem:$0x3FD9]  }
0x89: {  	s3 =	sld [smem:$0x3FFE];
	_ =	sdelay $0x1  }
0x8a: {  	s1 =	srdreg.scid  }
0x8b: {  	s0 =	sand.u32 $0x1, s1  }
0x8c: {  	s18 =	sshll.u32 s0, $0xA;
	s2 =	sadd.s32 s3, s2  }
0x8d: {  	s2 =	sadd.s32 s2, s18  }
0x8e: {  	[smem:$0x3FC6] =	sst s2  }
0x8f: {  	_ = 	snop  }
0x90: {  	s2 =	sld [smem:$0x3FC9]  }
0x91: {  	s19 =	sld [smem:$0x3FC8]  }
0x92: {  	s4 =	sld [smem:$0x3FD0];
	(tm) =	ssettm $0x1  }
0x93: {  	s5 =	sld [smem:$0x3FFB];
	_ =	sdelay $0x3  }
0x94: {  	_ =	strace s5  }
0x95: {  	s5 =	sld [smem:$0x3FFC];
	_ =	sdelay $0x3  }
0x96: {  	_ =	strace s5  }
0x97: {  	s5 =	sld [smem:$0x3FFD];
	_ =	sdelay $0x3  }
0x98: {  	_ =	strace s5  }
0x99: {  	_ =	strace $0x8FFFFFFF  }
0x9a: {  	s20 =	sld [smem:$0x3FDB];
	_ =	sdelay $0x1  }
0x9b: {  	s6 =	simm.s32 $_scs_section_size  }
0x9c: {  	s7 =	simm.s32 $_size__tile_overlayer_lowered;
	s8 =	simm.s32 $_tile_overlayer_lowered  }
0x9d: {  	s23 =	simm.s32 $0x1BFF;
	s22 =	sshll.u32 s8, $0x1;
	s5 =	sadd.s32 s6, s20  }
0x9e: {  	s9 =	simm.s32 $0x0;
	s21 =	sshll.u32 s7, $0x1;
	s7 =	sadd.s32 s22, s5  }
0x9f: {  	[timem:s9], [sflag:s23] =	dma.local [hbm:s7], s21  }
0xa0: {  	_ =	swait.ge [sflag:s23], s21  }
0xa1: {  	s6 =	ssub.s32 $0x0, s21;
	[sflag:s23] =	ssyncset.done $0x0  }
0xa2: {  	[sflag:s23] =	ssyncadd.s32 s6;
	_ =	sdelay $0x1  }
0xa3: {  	s24 =	simm.s32 $0x1B8B  }
0xa4: {  	_ =	swait.ge [sflag:s24], $0x1  }
0xa5: {  	[sflag:s24] =	ssyncset.done $0x0  }
0xa6: {  	s25 =	simm.s32 $0x1B8E;
	[sflag:s24] =	ssyncadd.s32 $0xFFFFFFFF  }
0xa7: {  	s26 =	simm.s32 $execute0_lowered;
	[smem:$0x3FD2] =	sst s25  }
0xa8: {  	s6 =	sshll.u32 s26, $0x1;
	_ =	strace $0x80000046;
	[dreg:$0x1] =	wrdreg $0xFFFFFFFF  }
0xa9: {  	s28 =	simm.s32 $_size_execute0_lowered;
	s5 =	sadd.s32 s5, s6;
	[dreg:$0x0] =	wrdreg $0x0  }
0xaa: {  	s6 =	sshll.u32 s28, $0x1;
	[dreg:$0x2] =	wrdreg s5  }
0xab: {  	[dreg:$0x3] =	wrdreg s6  }
0xac: {  	[dreg:$0x4] =	wrdreg $0xC0  }
0xad: {  	_ =	task [dreg:s9], $0x5FFFF  }
0xae: {  	[dreg:$0x1] =	wrdreg $0xFFFFFFFF  }
0xaf: {  	[dreg:$0x0] =	wrdreg $0x60  }
0xb0: {  	[dreg:$0x2] =	wrdreg s2  }
0xb1: {  	[dreg:$0x3] =	wrdreg s19  }
0xb2: {  	[dreg:$0x4] =	wrdreg s4  }
0xb3: {  	[dreg:$0x5] =	wrdreg $0x9  }
0xb4: {  	_ =	task.clear_ibuf [dreg:s9], $0x6FFFF;
	_ =	strace $0x90000046  }
0xb5: {  	s29 =	simm.s32 $0x9;
	_ =	strace $0x80000048  }
0xb6: {  	_ =	swait.ge [sflag:s29], $0x1  }
0xb7: {  	[sflag:s29] =	ssyncadd.s32 $0xFFFFFFFF  }
0xb8: {  	_ =	strace $0x90000048  }
0xb9: {  	_ =	sfence  }
0xba: {  	s30 =	sld [smem:$0x0];
	_ =	sdelay $0x2  }
0xbb: {  	s31 =	sshll.u32 s1, $0xD;
	s1 =	sshrl.u32 s1, $0x2  }
0xbc: {  	s3 =	sand.u32 $0x4000, s31;
	s1 =	sadd.s32 s1, s30  }
0xbd: {  	s0 =	sor.u32 s3, s0;
	s1 =	sshll.u32 s1, $0x11  }
0xbe: {  	s0 =	sor.u32 s1, s0  }
0xbf: {  	s0 =	sadd.s32 $0x8F2B, s0  }
0xc0: {  	[sflag:s0] =	ssyncadd.remote.s32 $0x1  }
0xc1: {  	_ =	sfence.sel $0xFFFF  }
0xc2: {  	[dreg:$0x0] =	wrdreg $0xFFFFFFFF;
	(pc) =	sbr.abs _section_cstart, $3  }
0xc3: {  	[dreg:$0x1] =	wrdreg $0xFFFFFFFF  }
0xc4: {  	_ =	task.clear_ibuf [dreg:s9], $0x2FFFF;
	_ =	strace $0x9FFFFFFF  }
0xc5: {  	(tm) =	ssettm $0x7FFFFFFF  }
tec
execute0_lowered:
.L_overlay_start_1:
0x0: {  	(tag) =	ssettag $0x1  }
0x1: {  	s1 =	rddreg [dreg:$0x0]  }
0x2: {  	s3 =	rddreg [dreg:$0x1]  }
0x3: {  	s4 =	rddreg [dreg:$0x2];
	s0 =	srdreg.scid  }
0x4: {  	s2 =	stileid.u32;
	s5 =	simm.s32 $0x0;
	s13 =	simm.s32 $0xC000  }
0x5: {  	s14 =	simm.s32 $0x10000;
	s16 =	simm.s32 $0x1;
	s17 =	simm.s32 $0x4  }
0x6: {  	s18 =	simm.s32 $0x14000;
	s19 =	simm.s32 $0x8000;
	s0 =	sand.u32 $0x1, s0  }
0x7: {  	s20 =	simm.s32 $0x2;
	s2 =	sshll.u32 s2, $0x6;
	s6 =	sshll.u32 s0, $0x5  }
0x8: {  	s21 =	simm.s32 $0x5;
	s22 =	simm.s32 $0x7;
	s6 =	sor.u32 s6, s2  }
0x9: {  	[smem:$0x7FF] =	sst s5;
	s0 =	ssub.s32 $0x2, s0;
	s7 =	sshll.u32 s6, $0xC  }
0xa: {  	_ =	strace $0x80000047;
	s26 =	sshrl.u32 s0, $0x1;
	s28 =	sadd.s32 s1, s7  }
0xb: {  	v0 =	vlaneseq.u32;
	s0 =	ssub.s32 s0, s26;
	s8 =	sadd.s32 s3, s7;
	[dreg:$0x4] =	wrdreg s28  }
0xc: {  	v0 =	vmul.u32 $0x8, v0;
	s29 =	sor.u32 $0x800, s7;
	s0 =	smax.u32 s0, $0x1;
	[dreg:$0x5] =	wrdreg s8  }
0xd: {  	s23 =	simm.s32 $0x3;
	s30 =	sadd.s32 s1, s29;
	[dreg:$0x9] =	wrdreg s0  }
0xe: {  	v8 =	vimm.s32 $0x0;
	v9 =	vimm.f32 $0.0e+00;
	v1 =	vor.u32 $0x1, v0;
	s7 =	sadd.s32 s7, s4;
	s2 =	sadd.s32 s3, s29;
	[dreg:$0x6] =	wrdreg s30  }
0xf: {  	s24 =	simm.s32 $0x6;
	v2 =	vor.u32 $0x2, v0;
	v3 =	vor.u32 $0x3, v0;
	v4 =	vor.u32 $0x4, v0;
	s31 =	sadd.s32 $0x1F800, s7;
	[dreg:$0x7] =	wrdreg s2  }
0x10: {  	s25 =	simm.s32 $0x8;
	v5 =	vor.u32 $0x5, v0;
	v6 =	vor.u32 $0x6, v0;
	v7 =	vor.u32 $0x7, v0;
	[dreg:$0x8] =	wrdreg s31;
	s2 =	simm.s32 $0x0  }
.LBB2_1:
0x11: {  	[dreg:$0xa] =	wrdreg s2  }
0x12: {  	s0 =	rddreg [dreg:$0x4]  }
0x13: {  	[tilespmem:s13], [sflag:$0x1] =	stream.linear.gather [hbm4b:s0+s5], $0x4000, $0x38;
	[tilespmem:$0x18000] =	vst v63  }
0x14: {  	s26 =	rddreg [dreg:$0x5]  }
0x15: {  	[tilespmem:s5], [sflag:$0x4] =	stream.linear.gather [hbm4b:s26+s5], $0x4000, $0x38;
	[tilespmem:$0x18000] =	vst v63  }
0x16: {  	s28 =	rddreg [dreg:$0x6]  }
0x17: {  	[tilespmem:s14], [sflag:$0x2] =	stream.linear.gather [hbm4b:s28+s5], $0x4000, $0x38;
	[tilespmem:$0x18000] =	vst v63  }
0x18: {  	s30 =	rddreg [dreg:$0x7];
	s31 =	simm.s32 $0x4000;
	s29 =	simm.s32 $0x0  }
0x19: {  	[tilespmem:s31], [sflag:$0x5] =	stream.linear.gather [hbm4b:s30+s5], $0x4000, $0x38;
	[tilespmem:$0x18000] =	vst v63  }
.LBB2_2:
0x1a: {  	_ =	swait.ge [sflag:s16], $0x4000  }
0x1b: {  	[sflag:s16] =	ssyncset.done $0x0  }
0x1c: {  	s0 =	simm.s32 $0x0;
	[sflag:s16] =	ssyncadd.s32 $0xFFFFC000  }
0x1d: {  	s2 =	sand.u32 $0x3800, s0;
	s0 =	sand.u32 $0x380, s0;
	_ =	swait.ge [sflag:s17], $0x4000  }
0x1e: {  	s0 =	sor.u32 s0, s2;
	[sflag:s17] =	ssyncset.done $0x0  }
0x1f: {  	s2 =	sor.u32 $0x400, s0;
	[sflag:s17] =	ssyncadd.s32 $0xFFFFC000  }
0x20: {  	v10 =	vld.idx.msk [tilespmem:v0+s2+$0x0], $0xffff  }
0x21: {  	v11 =	vld.idx.msk [tilespmem:v1+s2+$0x0], $0xffff  }
0x22: {  	v12 =	vld.idx.msk [tilespmem:v2+s2+$0x0], $0xffff  }
0x23: {  	v13 =	vld.idx.msk [tilespmem:v3+s2+$0x0], $0xffff;
	_ =	sdelay $0x1  }
0x24: {  	v14 =	vld.idx.msk [tilespmem:v4+s2+$0x0], $0xffff  }
0x25: {  	vm0 =	vlt.f32 v11, v10  }
0x26: {  	vm1 =	vlt.f32 v12, v10;
	v15 =	vsel vm0, $0xFFFFFFF1, v8  }
0x27: {  	v16 =	vsel vm1, $0xFFFFFF01, v8;
	vm0 =	vlt.f32 v12, v11;
	vm1 =	vlt.f32 v13, v10  }
0x28: {  	v17 =	vsel vm0, $0xFFFFFF10, v8;
	v15 =	vadd.s32 v15, v16;
	vm0 =	vlt.f32 v13, v11  }
0x29: {  	v16 =	vld.idx.msk [tilespmem:v5+s2+$0x0], $0xffff;
	v18 =	vsel vm1, $0xFFFFF001, v8;
	vm1 =	vlt.f32 v14, v10;
	v15 =	vadd.s32 v17, v15  }
0x2a: {  	v17 =	vsel vm0, $0xFFFFF010, v8;
	vm0 =	vlt.f32 v13, v12;
	v15 =	vadd.s32 v18, v15  }
0x2b: {  	v18 =	vsel vm0, $0xFFFFF100, v8;
	vm0 =	vlt.f32 v14, v11;
	v15 =	vadd.s32 v17, v15  }
0x2c: {  	v17 =	vsel vm1, $0xFFFF0001, v8;
	vm1 =	vlt.f32 v14, v12;
	v15 =	vadd.s32 v18, v15  }
0x2d: {  	v18 =	vsel vm0, $0xFFFF0010, v8;
	vm0 =	vlt.f32 v14, v13;
	v15 =	vadd.s32 v17, v15  }
0x2e: {  	v19 =	vld.idx.msk [tilespmem:v6+s2+$0x0], $0xffff;
	v17 =	vsel vm1, $0xFFFF0100, v8;
	vm1 =	vlt.f32 v16, v10;
	v15 =	vadd.s32 v18, v15  }
0x2f: {  	v18 =	vsel vm0, $0xFFFF1000, v8;
	vm0 =	vlt.f32 v16, v11;
	v15 =	vadd.s32 v17, v15  }
0x30: {  	v17 =	vsel vm1, $0xFFF00001, v8;
	vm1 =	vlt.f32 v16, v13;
	v15 =	vadd.s32 v18, v15  }
0x31: {  	v18 =	vsel vm0, $0xFFF00010, v8;
	vm0 =	vlt.f32 v16, v12;
	v15 =	vadd.s32 v17, v15  }
0x32: {  	v17 =	vsel vm0, $0xFFF00100, v8;
	vm0 =	vlt.f32 v16, v14;
	v15 =	vadd.s32 v18, v15  }
0x33: {  	v18 =	vsel vm1, $0xFFF01000, v8;
	vm1 =	vlt.f32 v19, v10;
	v15 =	vadd.s32 v17, v15  }
0x34: {  	v20 =	vsel vm0, $0xFFF10000, v8;
	vm0 =	vlt.f32 v19, v11;
	v17 =	vld.idx.msk [tilespmem:v7+s2+$0x0], $0xffff;
	v15 =	vadd.s32 v18, v15  }
0x35: {  	v18 =	vsel vm1, $0xFF000001, v8;
	vm1 =	vlt.f32 v19, v12;
	v15 =	vadd.s32 v20, v15  }
0x36: {  	v20 =	vsel vm0, $0xFF000010, v8;
	vm0 =	vlt.f32 v19, v16;
	v15 =	vadd.s32 v18, v15  }
0x37: {  	v18 =	vsel vm0, $0xFF100000, v8;
	vm0 =	vlt.f32 v19, v14;
	v15 =	vadd.s32 v20, v15  }
0x38: {  	v20 =	vsel vm1, $0xFF000100, v8;
	vm1 =	vlt.f32 v19, v13;
	v15 =	vadd.s32 v18, v15  }
0x39: {  	v21 =	vld.idx.msk [tilespmem:v1+s0+$0x0], $0xffff;
	v18 =	vsel vm0, $0xFF010000, v8;
	vm0 =	vlt.f32 v17, v10;
	v15 =	vadd.s32 v20, v15  }
0x3a: {  	v10 =	vld.idx.msk [tilespmem:v0+s0+$0x0], $0xffff;
	v20 =	vsel vm1, $0xFF001000, v8;
	vm1 =	vlt.f32 v17, v14;
	v15 =	vadd.s32 v18, v15  }
0x3b: {  	v18 =	vsel vm0, $0xF0000001, v8;
	vm0 =	vlt.f32 v17, v11;
	v11 =	vadd.s32 v20, v15  }
0x3c: {  	v15 =	vsel vm0, $0xF0000010, v8;
	vm0 =	vlt.f32 v17, v19;
	v11 =	vadd.s32 v18, v11  }
0x3d: {  	v14 =	vld.idx.msk [tilespmem:v2+s0+$0x0], $0xffff;
	v18 =	vsel vm1, $0xF0010000, v8;
	vm1 =	vlt.f32 v17, v16;
	v16 =	vsel vm0, $0xF1000000, v8  }
0x3e: {  	vm0 =	vlt.f32 v17, v12;
	v15 =	vadd.s32 v15, v11;
	v12 =	vsel vm1, $0xF0100000, v8  }
0x3f: {  	vm1 =	vlt.f32 v21, v10;
	v11 =	vand.u32 $0x4, v11;
	v15 =	vadd.s32 v18, v15  }
0x40: {  	v18 =	vld.idx.msk [tilespmem:v5+s0+$0x0], $0xffff;
	v15 =	vadd.s32 v16, v15;
	v16 =	vsel vm0, $0xF0000100, v8;
	vm0 =	vlt.f32 v17, v13  }
0x41: {  	vm5 =	veq.s32 v11, $0x0;
	v13 =	vld.idx.msk [tilespmem:v3+s0+$0x0], $0xffff;
	v12 =	vadd.s32 v12, v15;
	v15 =	vsel vm0, $0xF0001000, v8  }
0x42: {  	v17 =	vld.idx.msk [tilespmem:v4+s0+$0x0], $0xffff;
	vm0 =	vlt.f32 v14, v10;
	v12 =	vadd.s32 v16, v12;
	v16 =	vsel vm1, $0xFFFFFFF1, v8  }
0x43: {  	v12 =	vadd.s32 v15, v12;
	v15 =	vsel vm0, $0xFFFFFF01, v8;
	vm0 =	vlt.f32 v14, v21  }
0x44: {  	v12 =	vadd.s32 $0x76543210, v12;
	v15 =	vadd.s32 v16, v15;
	v16 =	vsel vm0, $0xFFFFFF10, v8  }
0x45: {  	vm11 =	vlt.f32 v18, v10;
	vm12 =	vlt.f32 v18, v21;
	vm13 =	vlt.f32 v18, v14  }
0x46: {  	v11 =	vand.u32 $0x40, v12;
	vm0 =	vlt.f32 v13, v10;
	v15 =	vadd.s32 v16, v15  }
0x47: {  	vm6 =	vlt.f32 v13, v21;
	vm14 =	vlt.f32 v13, v14;
	vm7 =	vlt.f32 v17, v10  }
0x48: {  	vm15 =	vlt.f32 v17, v21;
	vm9 =	vlt.f32 v17, v14;
	vm10 =	vlt.f32 v17, v13  }
0x49: {  	vm4 =	veq.s32 v11, $0x0;
	v11 =	vand.u32 $0x400, v12;
	v16 =	vsel vm0, $0xFFFFF001, v8  }
0x4a: {  	v19 =	vsel vm6, $0xFFFFF010, v8;
	v20 =	vsel vm10, $0xFFFF1000, v8;
	v15 =	vadd.s32 v16, v15  }
0x4b: {  	vm3 =	veq.s32 v11, $0x0;
	v16 =	vsel vm14, $0xFFFFF100, v8;
	v15 =	vadd.s32 v19, v15  }
0x4c: {  	v11 =	vand.u32 $0x4000, v12;
	v19 =	vsel vm7, $0xFFFF0001, v8;
	v15 =	vadd.s32 v16, v15  }
0x4d: {  	vm2 =	veq.s32 v11, $0x0;
	v16 =	vsel vm15, $0xFFFF0010, v8;
	v15 =	vadd.s32 v19, v15  }
0x4e: {  	v11 =	vand.u32 $0x40000, v12;
	v19 =	vsel vm9, $0xFFFF0100, v8;
	v15 =	vadd.s32 v16, v15  }
0x4f: {  	vm14 =	vlt.f32 v18, v13;
	vm1 =	veq.s32 v11, $0x0;
	v16 =	vld.idx.msk [tilespmem:v6+s0+$0x0], $0xffff;
	v15 =	vadd.s32 v19, v15  }
0x50: {  	v11 =	vand.u32 $0x400000, v12;
	v19 =	vsel vm11, $0xFFF00001, v8;
	v15 =	vadd.s32 v20, v15  }
0x51: {  	vm15 =	vlt.f32 v18, v17;
	v20 =	vsel vm12, $0xFFF00010, v8;
	v15 =	vadd.s32 v19, v15  }
0x52: {  	vm0 =	veq.s32 v11, $0x0;
	v19 =	vsel vm13, $0xFFF00100, v8;
	v15 =	vadd.s32 v20, v15  }
0x53: {  	v11 =	vand.u32 $0x4000000, v12;
	v20 =	vsel vm14, $0xFFF01000, v8;
	v15 =	vadd.s32 v19, v15  }
0x54: {  	vm9 =	vlt.f32 v16, v10;
	v19 =	vsel vm15, $0xFFF10000, v8;
	v15 =	vadd.s32 v20, v15  }
0x55: {  	vm10 =	vlt.f32 v16, v21;
	v20 =	vld.idx.msk [tilespmem:v7+s0+$0x0], $0xffff;
	v22 =	vsel vm9, $0xFF000001, v8;
	v15 =	vadd.s32 v19, v15  }
0x56: {  	vm11 =	vlt.f32 v16, v18;
	v19 =	vsel vm10, $0xFF000010, v8;
	v15 =	vadd.s32 v22, v15  }
0x57: {  	vm12 =	vlt.f32 v16, v14;
	v22 =	vsel vm11, $0xFF100000, v8;
	v15 =	vadd.s32 v19, v15  }
0x58: {  	vm13 =	vlt.f32 v16, v17;
	v19 =	vsel vm12, $0xFF000100, v8;
	v15 =	vadd.s32 v22, v15  }
0x59: {  	vm14 =	vlt.f32 v16, v13;
	v22 =	vsel vm13, $0xFF010000, v8;
	v15 =	vadd.s32 v19, v15  }
0x5a: {  	vm15 =	vlt.f32 v20, v10;
	v10 =	vsel vm14, $0xFF001000, v8;
	v15 =	vadd.s32 v22, v15  }
0x5b: {  	vm9 =	vlt.f32 v20, v21;
	v19 =	vsel vm15, $0xF0000001, v8;
	v10 =	vadd.s32 v10, v15  }
0x5c: {  	s28 =	simm.s32 $0x800;
	s7 =	simm.s32 $0x10;
	vm10 =	vlt.f32 v20, v17;
	v15 =	vsel vm9, $0xF0000010, v8;
	v10 =	vadd.s32 v19, v10  }
0x5d: {  	s7 =	sand.u32 $0x380, s7;
	s2 =	sand.u32 $0x3800, s28;
	vm11 =	vlt.f32 v20, v16;
	v17 =	vsel vm10, $0xF0010000, v8;
	v15 =	vadd.s32 v15, v10  }
0x5e: {  	s2 =	sor.u32 s7, s2;
	vm12 =	vlt.f32 v20, v18;
	v16 =	vsel vm11, $0xF1000000, v8;
	v15 =	vadd.s32 v17, v15  }
0x5f: {  	s7 =	sor.u32 $0x400, s2;
	vm13 =	vlt.f32 v20, v14;
	v14 =	vsel vm12, $0xF0100000, v8;
	v15 =	vadd.s32 v16, v15  }
0x60: {  	s30 =	sor.u32 $0xC400, s0;
	v18 =	vld.idx.msk [tilespmem:v0+s7+$0x0], $0xffff;
	vm14 =	vlt.f32 v20, v13;
	v16 =	vsel vm13, $0xF0000100, v8;
	v13 =	vadd.s32 v14, v15  }
0x61: {  	[tilespmem:v0+s30+$0x0] =	vst.idx.msk vm5, v9;
	vm7 =	veq.s32 v11, $0x0;
	v11 =	vsel vm14, $0xF0001000, v8;
	v14 =	vld.idx.msk [tilespmem:v1+s7+$0x0], $0xffff;
	v13 =	vadd.s32 v16, v13  }
0x62: {  	v12 =	vand.u32 $0x40000000, v12;
	[tilespmem:v1+s30+$0x0] =	vst.idx.msk vm4, v9;
	v10 =	vand.u32 $0x4, v10;
	v15 =	vld.idx.msk [tilespmem:v2+s7+$0x0], $0xffff;
	v11 =	vadd.s32 v11, v13  }
0x63: {  	[tilespmem:v2+s30+$0x0] =	vst.idx.msk vm3, v9;
	vm10 =	veq.s32 v12, $0x0;
	vm8 =	veq.s32 v10, $0x0;
	v12 =	vadd.s32 $0x76543210, v11  }
0x64: {  	[tilespmem:v3+s30+$0x0] =	vst.idx.msk vm2, v9;
	v13 =	vld.idx.msk [tilespmem:v3+s7+$0x0], $0xffff;
	v10 =	vand.u32 $0x40, v12;
	v19 =	vand.u32 $0x400, v12;
	v20 =	vand.u32 $0x4000, v12  }
0x65: {  	[tilespmem:v4+s30+$0x0] =	vst.idx.msk vm1, v9;
	v17 =	vand.u32 $0x40000, v12;
	v16 =	vand.u32 $0x400000, v12;
	v11 =	vand.u32 $0x4000000, v12  }
0x66: {  	[tilespmem:v5+s30+$0x0] =	vst.idx.msk vm0, v9;
	vm11 =	veq.s32 v10, $0x0;
	vm9 =	veq.s32 v19, $0x0;
	v10 =	vand.u32 $0x40000000, v12  }
0x67: {  	v12 =	vld.idx.msk [tilespmem:v4+s7+$0x0], $0xffff;
	vm12 =	vlt.f32 v14, v18;
	vm13 =	vlt.f32 v15, v18;
	vm6 =	veq.s32 v20, $0x0  }
0x68: {  	[tilespmem:v6+s30+$0x0] =	vst.idx.msk vm7, v9;
	vm7 =	veq.s32 v17, $0x0;
	v19 =	vsel vm12, $0xFFFFFFF1, v8;
	vm12 =	vlt.f32 v15, v14  }
0x69: {  	v20 =	vsel vm13, $0xFFFFFF01, v8;
	vm13 =	vlt.f32 v13, v18;
	v21 =	vsel vm12, $0xFFFFFF10, v8  }
0x6a: {  	v19 =	vadd.s32 v19, v20;
	vm12 =	vlt.f32 v13, v14;
	v20 =	vsel vm13, $0xFFFFF001, v8  }
0x6b: {  	v19 =	vadd.s32 v21, v19;
	v21 =	vld.idx.msk [tilespmem:v5+s7+$0x0], $0xffff;
	v22 =	vsel vm12, $0xFFFFF010, v8;
	vm12 =	vlt.f32 v13, v15  }
0x6c: {  	v19 =	vadd.s32 v20, v19;
	v20 =	vsel vm12, $0xFFFFF100, v8;
	vm13 =	vlt.f32 v12, v18  }
0x6d: {  	v19 =	vadd.s32 v22, v19;
	vm12 =	vlt.f32 v12, v14;
	v22 =	vsel vm13, $0xFFFF0001, v8  }
0x6e: {  	v19 =	vadd.s32 v20, v19;
	v20 =	vsel vm12, $0xFFFF0010, v8;
	vm12 =	vlt.f32 v12, v15  }
0x6f: {  	v19 =	vadd.s32 v22, v19;
	v22 =	vsel vm12, $0xFFFF0100, v8;
	vm12 =	vlt.f32 v12, v13  }
0x70: {  	v19 =	vadd.s32 v20, v19;
	v20 =	vld.idx.msk [tilespmem:v6+s7+$0x0], $0xffff;
	vm13 =	vlt.f32 v21, v18;
	v23 =	vsel vm12, $0xFFFF1000, v8  }
0x71: {  	vm12 =	vlt.f32 v21, v14;
	v19 =	vadd.s32 v22, v19;
	v22 =	vsel vm13, $0xFFF00001, v8  }
0x72: {  	v19 =	vadd.s32 v23, v19;
	v23 =	vsel vm12, $0xFFF00010, v8;
	vm12 =	vlt.f32 v21, v15  }
0x73: {  	s0 =	sor.u32 $0xC000, s0;
	v19 =	vadd.s32 v22, v19;
	v22 =	vsel vm12, $0xFFF00100, v8;
	vm12 =	vlt.f32 v21, v13  }
0x74: {  	[tilespmem:v0+s0+$0x0] =	vst.idx.msk vm8, v9;
	vm8 =	veq.s32 v16, $0x0;
	v19 =	vadd.s32 v23, v19;
	v23 =	vsel vm12, $0xFFF01000, v8  }
0x75: {  	vm12 =	vlt.f32 v21, v12;
	v19 =	vadd.s32 v22, v19;
	vm13 =	vlt.f32 v20, v18  }
0x76: {  	v22 =	vsel vm12, $0xFFF10000, v8;
	vm12 =	vlt.f32 v20, v14;
	v19 =	vadd.s32 v23, v19;
	v23 =	vld.idx.msk [tilespmem:v7+s7+$0x0], $0xffff  }
0x77: {  	v24 =	vsel vm13, $0xFF000001, v8;
	vm13 =	vlt.f32 v20, v15;
	v19 =	vadd.s32 v22, v19  }
0x78: {  	v22 =	vsel vm12, $0xFF000010, v8;
	vm12 =	vlt.f32 v20, v21;
	v19 =	vadd.s32 v24, v19  }
0x79: {  	v60 =	vsel vm12, $0xFF100000, v8;
	vm12 =	vlt.f32 v20, v12;
	v19 =	vadd.s32 v22, v19  }
0x7a: {  	v22 =	vsel vm13, $0xFF000100, v8;
	vm13 =	vlt.f32 v20, v13;
	v19 =	vadd.s32 v60, v19  }
0x7b: {  	v61 =	vsel vm12, $0xFF010000, v8;
	v19 =	vadd.s32 v22, v19;
	vm12 =	vlt.f32 v23, v18  }
0x7c: {  	v18 =	vsel vm13, $0xFF001000, v8;
	vm13 =	vlt.f32 v23, v21;
	v22 =	vadd.s32 v61, v19;
	v19 =	vld.idx.msk [tilespmem:v0+s2+$0x0], $0xffff  }
0x7d: {  	v62 =	vsel vm12, $0xF0000001, v8;
	vm12 =	vlt.f32 v23, v14;
	v14 =	vadd.s32 v18, v22;
	v18 =	vld.idx.msk [tilespmem:v1+s2+$0x0], $0xffff  }
0x7e: {  	v22 =	vsel vm12, $0xF0000010, v8;
	vm12 =	vlt.f32 v23, v12;
	v12 =	vld.idx.msk [tilespmem:v2+s2+$0x0], $0xffff;
	v14 =	vadd.s32 v62, v14  }
0x7f: {  	v63 =	vsel vm12, $0xF0010000, v8;
	vm12 =	vlt.f32 v23, v20;
	v20 =	vadd.s32 v22, v14  }
0x80: {  	v21 =	vsel vm12, $0xF1000000, v8;
	vm12 =	vlt.f32 v23, v15;
	v20 =	vadd.s32 v63, v20  }
0x81: {  	v15 =	vsel vm13, $0xF0100000, v8;
	v14 =	vand.u32 $0x4, v14;
	v20 =	vadd.s32 v21, v20  }
0x82: {  	v21 =	vsel vm12, $0xF0000100, v8;
	vm12 =	vlt.f32 v23, v13;
	v13 =	vadd.s32 v15, v20  }
0x83: {  	vm13 =	vlt.f32 v18, v19;
	v15 =	vsel vm12, $0xF0001000, v8;
	vm12 =	vlt.f32 v12, v19  }
0x84: {  	vm14 =	vlt.f32 v12, v18;
	v20 =	vadd.s32 v21, v13;
	v21 =	vsel vm13, $0xFFFFFFF1, v8  }
0x85: {  	v13 =	vld.idx.msk [tilespmem:v3+s2+$0x0], $0xffff;
	v15 =	vadd.s32 v15, v20;
	v20 =	vsel vm12, $0xFFFFFF01, v8;
	vm12 =	veq.s32 v14, $0x0  }
0x86: {  	v15 =	vadd.s32 $0x76543210, v15;
	v20 =	vadd.s32 v21, v20;
	v21 =	vsel vm14, $0xFFFFFF10, v8  }
0x87: {  	v14 =	vand.u32 $0x40, v15;
	v22 =	vand.u32 $0x4000, v15;
	v20 =	vadd.s32 v21, v20  }
0x88: {  	v21 =	vand.u32 $0x400000, v15;
	vm13 =	veq.s32 v14, $0x0;
	v14 =	vand.u32 $0x400, v15  }
0x89: {  	vm4 =	veq.s32 v22, $0x0;
	v22 =	vand.u32 $0x40000, v15;
	vm5 =	veq.s32 v14, $0x0;
	v14 =	vld.idx.msk [tilespmem:v4+s2+$0x0], $0xffff  }
0x8a: {  	vm2 =	veq.s32 v21, $0x0;
	v21 =	vand.u32 $0x4000000, v15;
	vm14 =	vlt.f32 v13, v19  }
0x8b: {  	vm3 =	veq.s32 v22, $0x0;
	vm1 =	veq.s32 v21, $0x0;
	v21 =	vand.u32 $0x40000000, v15  }
0x8c: {  	v22 =	vsel vm14, $0xFFFFF001, v8;
	vm14 =	vlt.f32 v13, v18;
	vm0 =	veq.s32 v21, $0x0  }
0x8d: {  	v15 =	vld.idx.msk [tilespmem:v5+s2+$0x0], $0xffff;
	v23 =	vsel vm14, $0xFFFFF010, v8;
	v20 =	vadd.s32 v22, v20;
	vm14 =	vlt.f32 v13, v12  }
0x8e: {  	v21 =	vsel vm14, $0xFFFFF100, v8;
	v20 =	vadd.s32 v23, v20;
	vm15 =	vlt.f32 v14, v19  }
0x8f: {  	[tilespmem:v7+s30+$0x0] =	vst.idx.msk vm10, v9;
	v20 =	vadd.s32 v21, v20;
	vm14 =	vlt.f32 v14, v18;
	v22 =	vsel vm15, $0xFFFF0001, v8  }
0x90: {  	v16 =	vld.idx.msk [tilespmem:v6+s2+$0x0], $0xffff;
	v17 =	vsel vm14, $0xFFFF0010, v8;
	vm15 =	vlt.f32 v14, v12;
	v20 =	vadd.s32 v22, v20  }
0x91: {  	[tilespmem:v1+s0+$0x0] =	vst.idx.msk vm11, v9;
	vm14 =	vlt.f32 v14, v13;
	v21 =	vsel vm15, $0xFFFF0100, v8;
	v17 =	vadd.s32 v17, v20  }
0x92: {  	[tilespmem:v2+s0+$0x0] =	vst.idx.msk vm9, v9;
	vm15 =	vlt.f32 v15, v19;
	v20 =	vsel vm14, $0xFFFF1000, v8;
	v17 =	vadd.s32 v21, v17  }
0x93: {  	s31 =	sor.u32 $0xC400, s2;
	[tilespmem:v3+s0+$0x0] =	vst.idx.msk vm6, v9;
	vm10 =	vlt.f32 v15, v18;
	v21 =	vsel vm15, $0xFFF00001, v8;
	v17 =	vadd.s32 v20, v17  }
0x94: {  	[tilespmem:v0+s31+$0x0] =	vst.idx.msk vm12, v9;
	vm11 =	vlt.f32 v15, v12;
	v20 =	vsel vm10, $0xFFF00010, v8;
	v17 =	vadd.s32 v21, v17  }
0x95: {  	[tilespmem:v1+s31+$0x0] =	vst.idx.msk vm13, v9;
	vm12 =	vlt.f32 v15, v13;
	v21 =	vsel vm11, $0xFFF00100, v8;
	v20 =	vadd.s32 v20, v17  }
0x96: {  	vm13 =	vlt.f32 v15, v14;
	[tilespmem:v2+s31+$0x0] =	vst.idx.msk vm5, v9;
	v22 =	vsel vm12, $0xFFF01000, v8;
	v20 =	vadd.s32 v21, v20  }
0x97: {  	[tilespmem:v3+s31+$0x0] =	vst.idx.msk vm4, v9;
	vm14 =	vlt.f32 v16, v19;
	v21 =	vsel vm13, $0xFFF10000, v8;
	v20 =	vadd.s32 v22, v20  }
0x98: {  	vm15 =	vlt.f32 v16, v18;
	v17 =	vld.idx.msk [tilespmem:v7+s2+$0x0], $0xffff;
	v22 =	vsel vm14, $0xFF000001, v8;
	v20 =	vadd.s32 v21, v20  }
0x99: {  	[tilespmem:v4+s31+$0x0] =	vst.idx.msk vm3, v9;
	vm3 =	vlt.f32 v16, v15;
	v21 =	vsel vm15, $0xFF000010, v8;
	v20 =	vadd.s32 v22, v20  }
0x9a: {  	[tilespmem:v5+s31+$0x0] =	vst.idx.msk vm2, v9;
	vm2 =	vlt.f32 v16, v12;
	v22 =	vsel vm3, $0xFF100000, v8;
	v20 =	vadd.s32 v21, v20  }
0x9b: {  	[tilespmem:v6+s31+$0x0] =	vst.idx.msk vm1, v9;
	vm1 =	vlt.f32 v16, v14;
	v21 =	vsel vm2, $0xFF000100, v8;
	v20 =	vadd.s32 v22, v20  }
0x9c: {  	[tilespmem:v7+s31+$0x0] =	vst.idx.msk vm0, v9;
	vm0 =	vlt.f32 v16, v13;
	v22 =	vsel vm1, $0xFF010000, v8;
	v20 =	vadd.s32 v21, v20  }
0x9d: {  	s8 =	simm.s32 $0x1000;
	[tilespmem:v4+s0+$0x0] =	vst.idx.msk vm7, v9;
	vm1 =	vlt.f32 v17, v19;
	v19 =	vsel vm0, $0xFF001000, v8;
	v21 =	vadd.s32 v22, v20  }
0x9e: {  	s9 =	simm.s32 $0x20;
	[tilespmem:v5+s0+$0x0] =	vst.idx.msk vm8, v9;
	s7 =	sor.u32 $0xC000, s2;
	s2 =	simm.s32 $0x2;
	vm0 =	vlt.f32 v17, v18;
	v20 =	vsel vm1, $0xF0000001, v8;
	v18 =	vadd.s32 v19, v21  }
.LBB2_3:
0x9f: {  	s10 =	sand.u32 $0x3800, s8;
	s11 =	sand.u32 $0x380, s9;
	v19 =	vsel vm0, $0xF0000010, v8;
	vm0 =	vlt.f32 v17, v14;
	v14 =	vadd.s32 v20, v18  }
0xa0: {  	s10 =	sor.u32 s11, s10;
	v20 =	vsel vm0, $0xF0010000, v8;
	vm0 =	vlt.f32 v17, v16;
	v16 =	vadd.s32 v19, v14  }
0xa1: {  	vm1 =	vlt.f32 v17, v15;
	v18 =	vld.idx.msk [tilespmem:v0+s10+$0x0], $0xffff;
	s12 =	sor.u32 $0xC000, s10;
	s11 =	sor.u32 $0x400, s10;
	v15 =	vsel vm0, $0xF1000000, v8;
	v16 =	vadd.s32 v20, v16  }
0xa2: {  	vm0 =	vlt.f32 v17, v12;
	v12 =	vsel vm1, $0xF0100000, v8;
	v24 =	vld.idx.msk [tilespmem:v0+s11+$0x0], $0xffff;
	v15 =	vadd.s32 v15, v16  }
0xa3: {  	v16 =	vsel vm0, $0xF0000100, v8;
	vm0 =	vlt.f32 v17, v13;
	v25 =	vld.idx.msk [tilespmem:v1+s11+$0x0], $0xffff;
	v12 =	vadd.s32 v12, v15  }
0xa4: {  	v14 =	vand.u32 $0x4, v14;
	v13 =	vsel vm0, $0xF0001000, v8;
	v22 =	vld.idx.msk [tilespmem:v2+s11+$0x0], $0xffff;
	v12 =	vadd.s32 v16, v12  }
0xa5: {  	vm5 =	veq.s32 v11, $0x0;
	vm0 =	veq.s32 v10, $0x0;
	v19 =	vld.idx.msk [tilespmem:v1+s10+$0x0], $0xffff;
	v12 =	vadd.s32 v13, v12  }
0xa6: {  	vm1 =	veq.s32 v14, $0x0;
	v23 =	vld.idx.msk [tilespmem:v3+s11+$0x0], $0xffff;
	v10 =	vadd.s32 $0x76543210, v12  }
0xa7: {  	s2 =	sadd.s32 $0x2, s2;
	v12 =	vld.idx.msk [tilespmem:v2+s10+$0x0], $0xffff;
	v14 =	vand.u32 $0x40, v10;
	v15 =	vand.u32 $0x400, v10;
	v16 =	vand.u32 $0x4000, v10  }
0xa8: {  	p0 =	slt.u32 s2, $0x7E;
	v21 =	vand.u32 $0x40000, v10;
	v20 =	vand.u32 $0x400000, v10;
	v11 =	vand.u32 $0x4000000, v10;
	v13 =	vld.idx.msk [tilespmem:v3+s10+$0x0], $0xffff  }
0xa9: {  	v10 =	vand.u32 $0x40000000, v10;
	vm4 =	veq.s32 v14, $0x0;
	vm3 =	veq.s32 v15, $0x0;
	v26 =	vld.idx.msk [tilespmem:v4+s11+$0x0], $0xffff  }
0xaa: {  	vm6 =	vlt.f32 v25, v24;
	vm2 =	veq.s32 v16, $0x0;
	vm7 =	vlt.f32 v22, v24;
	v14 =	vld.idx.msk [tilespmem:v4+s10+$0x0], $0xffff  }
0xab: {  	v17 =	vsel vm6, $0xFFFFFFF1, v8;
	vm6 =	vlt.f32 v22, v25;
	v27 =	vsel vm7, $0xFFFFFF01, v8;
	v15 =	vld.idx.msk [tilespmem:v5+s10+$0x0], $0xffff;
	[tilespmem:v6+s0+$0x0] =	vst.idx.msk vm5, v9  }
0xac: {  	v28 =	vsel vm6, $0xFFFFFF10, v8;
	vm5 =	vlt.f32 v23, v24;
	v17 =	vadd.s32 v17, v27;
	v16 =	vld.idx.msk [tilespmem:v6+s10+$0x0], $0xffff  }
0xad: {  	v29 =	vsel vm5, $0xFFFFF001, v8;
	vm5 =	vlt.f32 v23, v25;
	v28 =	vadd.s32 v28, v17;
	v27 =	vld.idx.msk [tilespmem:v5+s11+$0x0], $0xffff  }
0xae: {  	v30 =	vsel vm5, $0xFFFFF010, v8;
	vm5 =	vlt.f32 v23, v22;
	v28 =	vadd.s32 v29, v28;
	v17 =	vld.idx.msk [tilespmem:v7+s10+$0x0], $0xffff  }
0xaf: {  	vm6 =	vlt.f32 v26, v24;
	v29 =	vsel vm5, $0xFFFFF100, v8;
	v28 =	vadd.s32 v30, v28;
	[tilespmem:v0+s7+$0x0] =	vst.idx.msk vm1, v9  }
0xb0: {  	v30 =	vsel vm6, $0xFFFF0001, v8;
	vm1 =	vlt.f32 v26, v25;
	v28 =	vadd.s32 v29, v28;
	[tilespmem:v1+s7+$0x0] =	vst.idx.msk vm4, v9  }
0xb1: {  	v29 =	vsel vm1, $0xFFFF0010, v8;
	vm1 =	vlt.f32 v26, v22;
	v28 =	vadd.s32 v30, v28;
	[tilespmem:v2+s7+$0x0] =	vst.idx.msk vm3, v9  }
0xb2: {  	v31 =	vsel vm1, $0xFFFF0100, v8;
	vm1 =	vlt.f32 v26, v23;
	v28 =	vadd.s32 v29, v28;
	v30 =	vld.idx.msk [tilespmem:v6+s11+$0x0], $0xffff  }
0xb3: {  	vm3 =	vlt.f32 v27, v24;
	v29 =	vsel vm1, $0xFFFF1000, v8;
	v28 =	vadd.s32 v31, v28;
	[tilespmem:v3+s7+$0x0] =	vst.idx.msk vm2, v9  }
0xb4: {  	vm1 =	vlt.f32 v27, v25;
	v31 =	vsel vm3, $0xFFF00001, v8;
	v28 =	vadd.s32 v29, v28;
	[tilespmem:v7+s0+$0x0] =	vst.idx.msk vm0, v9;
	s0 =	smov.u32 s7;
	s7 =	smov.u32 s12  }
0xb5: {  	v29 =	vsel vm1, $0xFFF00010, v8;
	vm0 =	vlt.f32 v27, v22;
	v28 =	vadd.s32 v31, v28  }
0xb6: {  	v31 =	vsel vm0, $0xFFF00100, v8;
	vm0 =	vlt.f32 v27, v23;
	v28 =	vadd.s32 v29, v28  }
0xb7: {  	v29 =	vsel vm0, $0xFFF01000, v8;
	vm0 =	vlt.f32 v27, v26;
	v28 =	vadd.s32 v31, v28  }
0xb8: {  	vm1 =	vlt.f32 v30, v24;
	v32 =	vsel vm0, $0xFFF10000, v8;
	v28 =	vadd.s32 v29, v28;
	v31 =	vld.idx.msk [tilespmem:v7+s11+$0x0], $0xffff  }
0xb9: {  	vm0 =	vlt.f32 v30, v25;
	v29 =	vsel vm1, $0xFF000001, v8;
	v28 =	vadd.s32 v32, v28  }
0xba: {  	v32 =	vsel vm0, $0xFF000010, v8;
	vm0 =	vlt.f32 v30, v27;
	v28 =	vadd.s32 v29, v28  }
0xbb: {  	vm1 =	vlt.f32 v30, v22;
	v29 =	vsel vm0, $0xFF100000, v8;
	v28 =	vadd.s32 v32, v28  }
0xbc: {  	vm0 =	vlt.f32 v30, v26;
	v32 =	vsel vm1, $0xFF000100, v8;
	v28 =	vadd.s32 v29, v28  }
0xbd: {  	vm1 =	vlt.f32 v30, v23;
	v29 =	vsel vm0, $0xFF010000, v8;
	v28 =	vadd.s32 v32, v28  }
0xbe: {  	vm0 =	vlt.f32 v31, v24;
	v24 =	vsel vm1, $0xFF001000, v8;
	v28 =	vadd.s32 v29, v28  }
0xbf: {  	v29 =	vsel vm0, $0xF0000001, v8;
	vm0 =	vlt.f32 v31, v25;
	v24 =	vadd.s32 v24, v28  }
0xc0: {  	v25 =	vsel vm0, $0xF0000010, v8;
	vm0 =	vlt.f32 v31, v26;
	v24 =	vadd.s32 v29, v24  }
0xc1: {  	v26 =	vsel vm0, $0xF0010000, v8;
	vm0 =	vlt.f32 v31, v30;
	v25 =	vadd.s32 v25, v24  }
0xc2: {  	vm1 =	vlt.f32 v31, v27;
	v27 =	vsel vm0, $0xF1000000, v8;
	v25 =	vadd.s32 v26, v25  }
0xc3: {  	vm0 =	vlt.f32 v31, v22;
	v22 =	vsel vm1, $0xF0100000, v8;
	v25 =	vadd.s32 v27, v25  }
0xc4: {  	v26 =	vsel vm0, $0xF0000100, v8;
	vm0 =	vlt.f32 v31, v23;
	v22 =	vadd.s32 v22, v25  }
0xc5: {  	vm1 =	vlt.f32 v19, v18;
	v23 =	vsel vm0, $0xF0001000, v8;
	v22 =	vadd.s32 v26, v22  }
0xc6: {  	v25 =	vsel vm1, $0xFFFFFFF1, v8;
	vm0 =	vlt.f32 v12, v18;
	v22 =	vadd.s32 v23, v22  }
0xc7: {  	v24 =	vand.u32 $0x4, v24;
	v23 =	vsel vm0, $0xFFFFFF01, v8;
	v22 =	vadd.s32 $0x76543210, v22  }
0xc8: {  	vm1 =	veq.s32 v24, $0x0;
	vm0 =	vlt.f32 v12, v19;
	v24 =	vand.u32 $0x40, v22  }
0xc9: {  	v23 =	vadd.s32 v25, v23;
	vm2 =	veq.s32 v24, $0x0;
	v24 =	vand.u32 $0x400, v22  }
0xca: {  	v25 =	vsel vm0, $0xFFFFFF10, v8;
	vm0 =	veq.s32 v24, $0x0;
	v24 =	vand.u32 $0x4000, v22  }
0xcb: {  	vm3 =	vlt.f32 v13, v18;
	vm4 =	veq.s32 v24, $0x0;
	v24 =	vand.u32 $0x40000, v22  }
0xcc: {  	v23 =	vadd.s32 v25, v23;
	vm5 =	veq.s32 v24, $0x0;
	v24 =	vand.u32 $0x400000, v22  }
0xcd: {  	s10 =	sor.u32 $0xC400, s10;
	v25 =	vsel vm3, $0xFFFFF001, v8;
	vm3 =	veq.s32 v24, $0x0;
	v24 =	vand.u32 $0x4000000, v22  }
0xce: {  	vm6 =	vlt.f32 v13, v19;
	v22 =	vand.u32 $0x40000000, v22;
	[tilespmem:v0+s10+$0x0] =	vst.idx.msk vm1, v9;
	vm1 =	veq.s32 v24, $0x0  }
0xcf: {  	v23 =	vadd.s32 v25, v23;
	v24 =	vsel vm6, $0xFFFFF010, v8;
	[tilespmem:v1+s10+$0x0] =	vst.idx.msk vm2, v9;
	vm2 =	veq.s32 v22, $0x0  }
0xd0: {  	vm6 =	vlt.f32 v13, v12;
	v22 =	vadd.s32 v24, v23;
	[tilespmem:v2+s10+$0x0] =	vst.idx.msk vm0, v9;
	vm0 =	veq.s32 v21, $0x0  }
0xd1: {  	vm7 =	vlt.f32 v14, v18;
	vm8 =	vlt.f32 v14, v19;
	v21 =	vsel vm6, $0xFFFFF100, v8;
	[tilespmem:v3+s10+$0x0] =	vst.idx.msk vm4, v9  }
0xd2: {  	v23 =	vsel vm7, $0xFFFF0001, v8;
	v24 =	vsel vm8, $0xFFFF0010, v8;
	v21 =	vadd.s32 v21, v22;
	[tilespmem:v4+s10+$0x0] =	vst.idx.msk vm5, v9  }
0xd3: {  	vm4 =	vlt.f32 v14, v12;
	v21 =	vadd.s32 v23, v21;
	[tilespmem:v5+s10+$0x0] =	vst.idx.msk vm3, v9;
	vm3 =	veq.s32 v20, $0x0  }
0xd4: {  	v20 =	vsel vm4, $0xFFFF0100, v8;
	vm4 =	vlt.f32 v14, v13;
	v21 =	vadd.s32 v24, v21;
	[tilespmem:v6+s10+$0x0] =	vst.idx.msk vm1, v9  }
0xd5: {  	vm1 =	vlt.f32 v15, v18;
	v22 =	vsel vm4, $0xFFFF1000, v8;
	v20 =	vadd.s32 v20, v21;
	[tilespmem:v7+s10+$0x0] =	vst.idx.msk vm2, v9  }
0xd6: {  	v21 =	vsel vm1, $0xFFF00001, v8;
	vm1 =	vlt.f32 v15, v19;
	v20 =	vadd.s32 v22, v20;
	[tilespmem:v4+s0+$0x0] =	vst.idx.msk vm0, v9  }
0xd7: {  	v22 =	vsel vm1, $0xFFF00010, v8;
	vm0 =	vlt.f32 v15, v12;
	v20 =	vadd.s32 v21, v20  }
0xd8: {  	v21 =	vsel vm0, $0xFFF00100, v8;
	vm0 =	vlt.f32 v15, v13;
	v20 =	vadd.s32 v22, v20  }
0xd9: {  	v22 =	vsel vm0, $0xFFF01000, v8;
	vm0 =	vlt.f32 v15, v14;
	v20 =	vadd.s32 v21, v20;
	[tilespmem:v5+s0+$0x0] =	vst.idx.msk vm3, v9  }
0xda: {  	vm1 =	vlt.f32 v16, v18;
	v21 =	vsel vm0, $0xFFF10000, v8;
	v20 =	vadd.s32 v22, v20  }
0xdb: {  	v22 =	vsel vm1, $0xFF000001, v8;
	vm0 =	vlt.f32 v16, v19;
	v20 =	vadd.s32 v21, v20  }
0xdc: {  	v21 =	vsel vm0, $0xFF000010, v8;
	vm0 =	vlt.f32 v16, v15;
	v20 =	vadd.s32 v22, v20  }
.Ltmp0:
0xdd: {  	vm1 =	vlt.f32 v16, v12;
	v22 =	vsel vm0, $0xFF100000, v8;
	v20 =	vadd.s32 v21, v20;
	(pc) =	sbr.rel @p0 .LBB2_3-.Ltmp0, $4  }
0xde: {  	vm0 =	vlt.f32 v16, v14;
	v21 =	vsel vm1, $0xFF000100, v8;
	v20 =	vadd.s32 v22, v20  }
0xdf: {  	vm1 =	vlt.f32 v16, v13;
	v22 =	vsel vm0, $0xFF010000, v8;
	v20 =	vadd.s32 v21, v20  }
0xe0: {  	vm0 =	vlt.f32 v17, v18;
	v18 =	vsel vm1, $0xFF001000, v8;
	v21 =	vadd.s32 v22, v20  }
0xe1: {  	s8 =	sadd.s32 $0x800, s8;
	s9 =	sadd.s32 $0x10, s9;
	v20 =	vsel vm0, $0xF0000001, v8;
	vm0 =	vlt.f32 v17, v19;
	v18 =	vadd.s32 v18, v21  }
0xe2: {  	v19 =	vsel vm0, $0xF0000010, v8;
	vm0 =	vlt.f32 v17, v14;
	v14 =	vadd.s32 v20, v18  }
0xe3: {  	v18 =	vsel vm0, $0xF0010000, v8;
	vm0 =	vlt.f32 v17, v16;
	v16 =	vadd.s32 v19, v14  }
0xe4: {  	vm1 =	vlt.f32 v17, v15;
	v15 =	vsel vm0, $0xF1000000, v8;
	v16 =	vadd.s32 v18, v16  }
0xe5: {  	vm0 =	vlt.f32 v17, v12;
	v12 =	vsel vm1, $0xF0100000, v8;
	v15 =	vadd.s32 v15, v16  }
0xe6: {  	v16 =	vsel vm0, $0xF0000100, v8;
	vm0 =	vlt.f32 v17, v13;
	v12 =	vadd.s32 v12, v15  }
0xe7: {  	v13 =	vsel vm0, $0xF0001000, v8;
	v12 =	vadd.s32 v16, v12  }
0xe8: {  	v12 =	vadd.s32 v13, v12  }
0xe9: {  	vm0 =	veq.s32 v11, $0x0;
	v13 =	vand.u32 $0x4, v14;
	v11 =	vadd.s32 $0x76543210, v12  }
0xea: {  	vm1 =	veq.s32 v13, $0x0;
	v12 =	vand.u32 $0x40, v11  }
0xeb: {  	v13 =	vand.u32 $0x400, v11;
	vm2 =	veq.s32 v12, $0x0  }
0xec: {  	vm3 =	veq.s32 v13, $0x0  }
0xed: {  	vm5 =	veq.s32 v10, $0x0;
	v12 =	vand.u32 $0x4000, v11  }
0xee: {  	v10 =	vand.u32 $0x40000, v11;
	vm4 =	veq.s32 v12, $0x0  }
0xef: {  	v12 =	vand.u32 $0x400000, v11;
	[tilespmem:v6+s0+$0x0] =	vst.idx.msk vm0, v9;
	vm0 =	veq.s32 v10, $0x0  }
0xf0: {  	v10 =	vand.u32 $0x4000000, v11;
	[tilespmem:v0+s7+$0x0] =	vst.idx.msk vm1, v9;
	vm1 =	veq.s32 v12, $0x0  }
0xf1: {  	v11 =	vand.u32 $0x40000000, v11;
	[tilespmem:v1+s7+$0x0] =	vst.idx.msk vm2, v9;
	vm2 =	veq.s32 v10, $0x0  }
0xf2: {  	[tilespmem:v2+s7+$0x0] =	vst.idx.msk vm3, v9;
	vm3 =	veq.s32 v11, $0x0  }
0xf3: {  	s2 =	smul.u32 $0x3, s29;
	[tilespmem:v7+s0+$0x0] =	vst.idx.msk vm5, v9  }
0xf4: {  	[tilespmem:v3+s7+$0x0] =	vst.idx.msk vm4, v9  }
0xf5: {  	s8 =	sshll.u32 s29, $0xB;
	s26 =	sshrl.u32 s2, $0x1;
	[tilespmem:v4+s7+$0x0] =	vst.idx.msk vm0, v9  }
0xf6: {  	s30 =	sand.u32 $0x800, s8;
	s0 =	sadd.s32 s6, s26;
	[tilespmem:v5+s7+$0x0] =	vst.idx.msk vm1, v9  }
0xf7: {  	s28 =	sadd.s32 s4, s30;
	s31 =	sshll.u32 s0, $0xC;
	[tilespmem:v6+s7+$0x0] =	vst.idx.msk vm2, v9  }
0xf8: {  	s0 =	sadd.s32 s31, s28;
	[tilespmem:v7+s7+$0x0] =	vst.idx.msk vm3, v9;
	s7 =	sadd.s32 $0x2, s2  }
0xf9: {  	[hbm4b:s0+s5] =	stream.linear.scatter [tilespmem:s13], [sflag:$0x7], $0x4000, $0x38;
	[tilespmem:$0x18000] =	vst v63  }
0xfa: {  	p0 =	seq.s32 s29, $0x0;
	s0 =	sshrl.u32 s7, $0x1  }
0xfb: {  	s7 =	simm.s32 @!p0 $0x9;
	s0 =	sadd.s32 s6, s0  }
0xfc: {  	_ =	swait.ge @!p0 [sflag:s7], $0x4000;
	s0 =	sshll.u32 s0, $0xC  }
0xfd: {  	[sflag:s7] =	ssyncset.done @!p0 $0x0;
	s0 =	sor.u32 s30, s0  }
0xfe: {  	s9 =	simm.s32 $0x0;
	[sflag:s7] =	ssyncadd.s32 @!p0 $0xFFFFC000;
	s8 =	sadd.s32 s1, s0  }
0xff: {  	[tilespmem:s18], [sflag:$0x3] =	stream.linear.gather [hbm4b:s8+s9], $0x4000, $0x38;
	[tilespmem:$0x18000] =	vst v63  }
0x100: {  	s10 =	sadd.s32 s3, s0  }
0x101: {  	[tilespmem:s19], [sflag:$0x6] =	stream.linear.gather [hbm4b:s10+s9], $0x4000, $0x38;
	[tilespmem:$0x18000] =	vst v63  }
0x102: {  	_ =	swait.ge [sflag:s20], $0x4000  }
0x103: {  	[sflag:s20] =	ssyncset.done $0x0  }
0x104: {  	[sflag:s20] =	ssyncadd.s32 $0xFFFFC000  }
0x105: {  	s11 =	sand.u32 $0x3800, s9;
	s8 =	sand.u32 $0x380, s9;
	_ =	swait.ge [sflag:s21], $0x4000  }
0x106: {  	s7 =	sor.u32 s8, s11;
	[sflag:s21] =	ssyncset.done $0x0  }
0x107: {  	s8 =	sor.u32 $0x4400, s7;
	[sflag:s21] =	ssyncadd.s32 $0xFFFFC000  }
0x108: {  	v10 =	vld.idx.msk [tilespmem:v0+s8+$0x0], $0xffff  }
0x109: {  	v11 =	vld.idx.msk [tilespmem:v1+s8+$0x0], $0xffff  }
0x10a: {  	v12 =	vld.idx.msk [tilespmem:v2+s8+$0x0], $0xffff  }
0x10b: {  	v13 =	vld.idx.msk [tilespmem:v3+s8+$0x0], $0xffff;
	_ =	sdelay $0x1  }
0x10c: {  	v14 =	vld.idx.msk [tilespmem:v4+s8+$0x0], $0xffff  }
0x10d: {  	vm0 =	vlt.f32 v11, v10  }
0x10e: {  	vm1 =	vlt.f32 v12, v10;
	v15 =	vsel vm0, $0xFFFFFFF1, v8  }
0x10f: {  	v16 =	vsel vm1, $0xFFFFFF01, v8;
	vm0 =	vlt.f32 v12, v11;
	vm1 =	vlt.f32 v13, v10  }
0x110: {  	v17 =	vsel vm0, $0xFFFFFF10, v8;
	v15 =	vadd.s32 v15, v16;
	vm0 =	vlt.f32 v13, v11  }
0x111: {  	v16 =	vld.idx.msk [tilespmem:v5+s8+$0x0], $0xffff;
	v18 =	vsel vm1, $0xFFFFF001, v8;
	vm1 =	vlt.f32 v14, v10;
	v15 =	vadd.s32 v17, v15  }
0x112: {  	v17 =	vsel vm0, $0xFFFFF010, v8;
	vm0 =	vlt.f32 v13, v12;
	v15 =	vadd.s32 v18, v15  }
0x113: {  	v18 =	vsel vm0, $0xFFFFF100, v8;
	vm0 =	vlt.f32 v14, v11;
	v15 =	vadd.s32 v17, v15  }
0x114: {  	v17 =	vsel vm1, $0xFFFF0001, v8;
	vm1 =	vlt.f32 v14, v12;
	v15 =	vadd.s32 v18, v15  }
0x115: {  	v18 =	vsel vm0, $0xFFFF0010, v8;
	vm0 =	vlt.f32 v14, v13;
	v15 =	vadd.s32 v17, v15  }
0x116: {  	v19 =	vld.idx.msk [tilespmem:v6+s8+$0x0], $0xffff;
	v17 =	vsel vm1, $0xFFFF0100, v8;
	vm1 =	vlt.f32 v16, v10;
	v15 =	vadd.s32 v18, v15  }
0x117: {  	v18 =	vsel vm0, $0xFFFF1000, v8;
	vm0 =	vlt.f32 v16, v11;
	v15 =	vadd.s32 v17, v15  }
0x118: {  	v17 =	vsel vm1, $0xFFF00001, v8;
	vm1 =	vlt.f32 v16, v13;
	v15 =	vadd.s32 v18, v15  }
0x119: {  	v18 =	vsel vm0, $0xFFF00010, v8;
	vm0 =	vlt.f32 v16, v12;
	v15 =	vadd.s32 v17, v15  }
0x11a: {  	v17 =	vsel vm0, $0xFFF00100, v8;
	vm0 =	vlt.f32 v16, v14;
	v15 =	vadd.s32 v18, v15  }
0x11b: {  	v18 =	vsel vm1, $0xFFF01000, v8;
	vm1 =	vlt.f32 v19, v10;
	v15 =	vadd.s32 v17, v15  }
0x11c: {  	v20 =	vsel vm0, $0xFFF10000, v8;
	vm0 =	vlt.f32 v19, v11;
	v17 =	vld.idx.msk [tilespmem:v7+s8+$0x0], $0xffff;
	v15 =	vadd.s32 v18, v15  }
0x11d: {  	v18 =	vsel vm1, $0xFF000001, v8;
	vm1 =	vlt.f32 v19, v12;
	v15 =	vadd.s32 v20, v15  }
0x11e: {  	v20 =	vsel vm0, $0xFF000010, v8;
	vm0 =	vlt.f32 v19, v16;
	v15 =	vadd.s32 v18, v15  }
0x11f: {  	v18 =	vsel vm0, $0xFF100000, v8;
	vm0 =	vlt.f32 v19, v14;
	v15 =	vadd.s32 v20, v15  }
0x120: {  	s12 =	sor.u32 $0x4000, s7;
	v20 =	vsel vm1, $0xFF000100, v8;
	vm1 =	vlt.f32 v19, v13;
	v15 =	vadd.s32 v18, v15  }
0x121: {  	v21 =	vld.idx.msk [tilespmem:v1+s12+$0x0], $0xffff;
	v18 =	vsel vm0, $0xFF010000, v8;
	vm0 =	vlt.f32 v17, v10;
	v15 =	vadd.s32 v20, v15  }
0x122: {  	v10 =	vld.idx.msk [tilespmem:v0+s12+$0x0], $0xffff;
	v20 =	vsel vm1, $0xFF001000, v8;
	vm1 =	vlt.f32 v17, v14;
	v15 =	vadd.s32 v18, v15  }
0x123: {  	v18 =	vsel vm0, $0xF0000001, v8;
	vm0 =	vlt.f32 v17, v11;
	v11 =	vadd.s32 v20, v15  }
0x124: {  	v15 =	vsel vm0, $0xF0000010, v8;
	vm0 =	vlt.f32 v17, v19;
	v11 =	vadd.s32 v18, v11  }
0x125: {  	v14 =	vld.idx.msk [tilespmem:v2+s12+$0x0], $0xffff;
	v18 =	vsel vm1, $0xF0010000, v8;
	vm1 =	vlt.f32 v17, v16;
	v16 =	vsel vm0, $0xF1000000, v8  }
0x126: {  	vm0 =	vlt.f32 v17, v12;
	v15 =	vadd.s32 v15, v11;
	v12 =	vsel vm1, $0xF0100000, v8  }
0x127: {  	vm1 =	vlt.f32 v21, v10;
	v11 =	vand.u32 $0x4, v11;
	v15 =	vadd.s32 v18, v15  }
0x128: {  	v18 =	vld.idx.msk [tilespmem:v5+s12+$0x0], $0xffff;
	v15 =	vadd.s32 v16, v15;
	v16 =	vsel vm0, $0xF0000100, v8;
	vm0 =	vlt.f32 v17, v13  }
0x129: {  	vm5 =	veq.s32 v11, $0x0;
	v13 =	vld.idx.msk [tilespmem:v3+s12+$0x0], $0xffff;
	v12 =	vadd.s32 v12, v15;
	v15 =	vsel vm0, $0xF0001000, v8  }
0x12a: {  	v17 =	vld.idx.msk [tilespmem:v4+s12+$0x0], $0xffff;
	vm0 =	vlt.f32 v14, v10;
	v12 =	vadd.s32 v16, v12;
	v16 =	vsel vm1, $0xFFFFFFF1, v8  }
0x12b: {  	v12 =	vadd.s32 v15, v12;
	v15 =	vsel vm0, $0xFFFFFF01, v8;
	vm0 =	vlt.f32 v14, v21  }
0x12c: {  	v12 =	vadd.s32 $0x76543210, v12;
	v15 =	vadd.s32 v16, v15;
	v16 =	vsel vm0, $0xFFFFFF10, v8  }
0x12d: {  	vm11 =	vlt.f32 v18, v10;
	vm12 =	vlt.f32 v18, v21;
	vm13 =	vlt.f32 v18, v14  }
0x12e: {  	v11 =	vand.u32 $0x40, v12;
	vm0 =	vlt.f32 v13, v10;
	v15 =	vadd.s32 v16, v15  }
0x12f: {  	vm6 =	vlt.f32 v13, v21;
	vm14 =	vlt.f32 v13, v14;
	vm7 =	vlt.f32 v17, v10  }
0x130: {  	vm15 =	vlt.f32 v17, v21;
	vm9 =	vlt.f32 v17, v14;
	vm10 =	vlt.f32 v17, v13  }
0x131: {  	vm4 =	veq.s32 v11, $0x0;
	v11 =	vand.u32 $0x400, v12;
	v16 =	vsel vm0, $0xFFFFF001, v8  }
0x132: {  	v19 =	vsel vm6, $0xFFFFF010, v8;
	v20 =	vsel vm10, $0xFFFF1000, v8;
	v15 =	vadd.s32 v16, v15  }
0x133: {  	vm3 =	veq.s32 v11, $0x0;
	v16 =	vsel vm14, $0xFFFFF100, v8;
	v15 =	vadd.s32 v19, v15  }
0x134: {  	v11 =	vand.u32 $0x4000, v12;
	v19 =	vsel vm7, $0xFFFF0001, v8;
	v15 =	vadd.s32 v16, v15  }
0x135: {  	vm2 =	veq.s32 v11, $0x0;
	v16 =	vsel vm15, $0xFFFF0010, v8;
	v15 =	vadd.s32 v19, v15  }
0x136: {  	v11 =	vand.u32 $0x40000, v12;
	v19 =	vsel vm9, $0xFFFF0100, v8;
	v15 =	vadd.s32 v16, v15  }
0x137: {  	vm14 =	vlt.f32 v18, v13;
	vm1 =	veq.s32 v11, $0x0;
	v16 =	vld.idx.msk [tilespmem:v6+s12+$0x0], $0xffff;
	v15 =	vadd.s32 v19, v15  }
0x138: {  	v11 =	vand.u32 $0x400000, v12;
	v19 =	vsel vm11, $0xFFF00001, v8;
	v15 =	vadd.s32 v20, v15  }
0x139: {  	vm15 =	vlt.f32 v18, v17;
	v20 =	vsel vm12, $0xFFF00010, v8;
	v15 =	vadd.s32 v19, v15  }
0x13a: {  	vm0 =	veq.s32 v11, $0x0;
	v19 =	vsel vm13, $0xFFF00100, v8;
	v15 =	vadd.s32 v20, v15  }
0x13b: {  	v11 =	vand.u32 $0x4000000, v12;
	v20 =	vsel vm14, $0xFFF01000, v8;
	v15 =	vadd.s32 v19, v15  }
0x13c: {  	vm9 =	vlt.f32 v16, v10;
	v19 =	vsel vm15, $0xFFF10000, v8;
	v15 =	vadd.s32 v20, v15  }
0x13d: {  	vm10 =	vlt.f32 v16, v21;
	v20 =	vld.idx.msk [tilespmem:v7+s12+$0x0], $0xffff;
	v22 =	vsel vm9, $0xFF000001, v8;
	v15 =	vadd.s32 v19, v15  }
0x13e: {  	vm11 =	vlt.f32 v16, v18;
	v19 =	vsel vm10, $0xFF000010, v8;
	v15 =	vadd.s32 v22, v15  }
0x13f: {  	vm12 =	vlt.f32 v16, v14;
	v22 =	vsel vm11, $0xFF100000, v8;
	v15 =	vadd.s32 v19, v15  }
0x140: {  	vm13 =	vlt.f32 v16, v17;
	v19 =	vsel vm12, $0xFF000100, v8;
	v15 =	vadd.s32 v22, v15  }
0x141: {  	vm14 =	vlt.f32 v16, v13;
	v22 =	vsel vm13, $0xFF010000, v8;
	v15 =	vadd.s32 v19, v15  }
0x142: {  	vm15 =	vlt.f32 v20, v10;
	v10 =	vsel vm14, $0xFF001000, v8;
	v15 =	vadd.s32 v22, v15  }
0x143: {  	vm9 =	vlt.f32 v20, v21;
	v19 =	vsel vm15, $0xF0000001, v8;
	v10 =	vadd.s32 v10, v15  }
0x144: {  	s15 =	simm.s32 $0x800;
	s9 =	simm.s32 $0x10;
	vm10 =	vlt.f32 v20, v17;
	v15 =	vsel vm9, $0xF0000010, v8;
	v10 =	vadd.s32 v19, v10  }
0x145: {  	s9 =	sand.u32 $0x380, s9;
	s8 =	sand.u32 $0x3800, s15;
	vm11 =	vlt.f32 v20, v16;
	v17 =	vsel vm10, $0xF0010000, v8;
	v15 =	vadd.s32 v15, v10  }
0x146: {  	s8 =	sor.u32 s9, s8;
	vm12 =	vlt.f32 v20, v18;
	v16 =	vsel vm11, $0xF1000000, v8;
	v15 =	vadd.s32 v17, v15  }
0x147: {  	s9 =	sor.u32 $0x4400, s8;
	vm13 =	vlt.f32 v20, v14;
	v14 =	vsel vm12, $0xF0100000, v8;
	v15 =	vadd.s32 v16, v15  }
0x148: {  	s10 =	sor.u32 $0x10400, s7;
	v18 =	vld.idx.msk [tilespmem:v0+s9+$0x0], $0xffff;
	vm14 =	vlt.f32 v20, v13;
	v16 =	vsel vm13, $0xF0000100, v8;
	v13 =	vadd.s32 v14, v15  }
0x149: {  	[tilespmem:v0+s10+$0x0] =	vst.idx.msk vm5, v9;
	vm7 =	veq.s32 v11, $0x0;
	v11 =	vsel vm14, $0xF0001000, v8;
	v14 =	vld.idx.msk [tilespmem:v1+s9+$0x0], $0xffff;
	v13 =	vadd.s32 v16, v13  }
0x14a: {  	v12 =	vand.u32 $0x40000000, v12;
	[tilespmem:v1+s10+$0x0] =	vst.idx.msk vm4, v9;
	v10 =	vand.u32 $0x4, v10;
	v15 =	vld.idx.msk [tilespmem:v2+s9+$0x0], $0xffff;
	v11 =	vadd.s32 v11, v13  }
0x14b: {  	[tilespmem:v2+s10+$0x0] =	vst.idx.msk vm3, v9;
	vm10 =	veq.s32 v12, $0x0;
	vm8 =	veq.s32 v10, $0x0;
	v12 =	vadd.s32 $0x76543210, v11  }
0x14c: {  	[tilespmem:v3+s10+$0x0] =	vst.idx.msk vm2, v9;
	v13 =	vld.idx.msk [tilespmem:v3+s9+$0x0], $0xffff;
	v10 =	vand.u32 $0x40, v12;
	v19 =	vand.u32 $0x400, v12;
	v20 =	vand.u32 $0x4000, v12  }
0x14d: {  	[tilespmem:v4+s10+$0x0] =	vst.idx.msk vm1, v9;
	v17 =	vand.u32 $0x40000, v12;
	v16 =	vand.u32 $0x400000, v12;
	v11 =	vand.u32 $0x4000000, v12  }
0x14e: {  	[tilespmem:v5+s10+$0x0] =	vst.idx.msk vm0, v9;
	vm11 =	veq.s32 v10, $0x0;
	vm9 =	veq.s32 v19, $0x0;
	v10 =	vand.u32 $0x40000000, v12  }
0x14f: {  	v12 =	vld.idx.msk [tilespmem:v4+s9+$0x0], $0xffff;
	vm12 =	vlt.f32 v14, v18;
	vm13 =	vlt.f32 v15, v18;
	vm6 =	veq.s32 v20, $0x0  }
0x150: {  	[tilespmem:v6+s10+$0x0] =	vst.idx.msk vm7, v9;
	vm7 =	veq.s32 v17, $0x0;
	v19 =	vsel vm12, $0xFFFFFFF1, v8;
	vm12 =	vlt.f32 v15, v14  }
0x151: {  	v20 =	vsel vm13, $0xFFFFFF01, v8;
	vm13 =	vlt.f32 v13, v18;
	v21 =	vsel vm12, $0xFFFFFF10, v8  }
0x152: {  	v19 =	vadd.s32 v19, v20;
	vm12 =	vlt.f32 v13, v14;
	v20 =	vsel vm13, $0xFFFFF001, v8  }
0x153: {  	v19 =	vadd.s32 v21, v19;
	v21 =	vld.idx.msk [tilespmem:v5+s9+$0x0], $0xffff;
	v22 =	vsel vm12, $0xFFFFF010, v8;
	vm12 =	vlt.f32 v13, v15  }
0x154: {  	v19 =	vadd.s32 v20, v19;
	v20 =	vsel vm12, $0xFFFFF100, v8;
	vm13 =	vlt.f32 v12, v18  }
0x155: {  	v19 =	vadd.s32 v22, v19;
	vm12 =	vlt.f32 v12, v14;
	v22 =	vsel vm13, $0xFFFF0001, v8  }
0x156: {  	v19 =	vadd.s32 v20, v19;
	v20 =	vsel vm12, $0xFFFF0010, v8;
	vm12 =	vlt.f32 v12, v15  }
0x157: {  	v19 =	vadd.s32 v22, v19;
	v22 =	vsel vm12, $0xFFFF0100, v8;
	vm12 =	vlt.f32 v12, v13  }
0x158: {  	v19 =	vadd.s32 v20, v19;
	v20 =	vld.idx.msk [tilespmem:v6+s9+$0x0], $0xffff;
	vm13 =	vlt.f32 v21, v18;
	v23 =	vsel vm12, $0xFFFF1000, v8  }
0x159: {  	vm12 =	vlt.f32 v21, v14;
	v19 =	vadd.s32 v22, v19;
	v22 =	vsel vm13, $0xFFF00001, v8  }
0x15a: {  	v19 =	vadd.s32 v23, v19;
	v23 =	vsel vm12, $0xFFF00010, v8;
	vm12 =	vlt.f32 v21, v15  }
0x15b: {  	s7 =	sor.u32 $0x10000, s7;
	v19 =	vadd.s32 v22, v19;
	v22 =	vsel vm12, $0xFFF00100, v8;
	vm12 =	vlt.f32 v21, v13  }
0x15c: {  	[tilespmem:v0+s7+$0x0] =	vst.idx.msk vm8, v9;
	vm8 =	veq.s32 v16, $0x0;
	v19 =	vadd.s32 v23, v19;
	v23 =	vsel vm12, $0xFFF01000, v8  }
0x15d: {  	vm12 =	vlt.f32 v21, v12;
	v19 =	vadd.s32 v22, v19;
	vm13 =	vlt.f32 v20, v18  }
0x15e: {  	v22 =	vsel vm12, $0xFFF10000, v8;
	vm12 =	vlt.f32 v20, v14;
	v19 =	vadd.s32 v23, v19;
	v23 =	vld.idx.msk [tilespmem:v7+s9+$0x0], $0xffff  }
0x15f: {  	v24 =	vsel vm13, $0xFF000001, v8;
	vm13 =	vlt.f32 v20, v15;
	v19 =	vadd.s32 v22, v19  }
0x160: {  	v22 =	vsel vm12, $0xFF000010, v8;
	vm12 =	vlt.f32 v20, v21;
	v19 =	vadd.s32 v24, v19  }
0x161: {  	v60 =	vsel vm12, $0xFF100000, v8;
	vm12 =	vlt.f32 v20, v12;
	v19 =	vadd.s32 v22, v19  }
0x162: {  	v22 =	vsel vm13, $0xFF000100, v8;
	vm13 =	vlt.f32 v20, v13;
	v19 =	vadd.s32 v60, v19  }
0x163: {  	s26 =	sor.u32 $0x4000, s8;
	v61 =	vsel vm12, $0xFF010000, v8;
	v19 =	vadd.s32 v22, v19;
	vm12 =	vlt.f32 v23, v18  }
0x164: {  	v18 =	vsel vm13, $0xFF001000, v8;
	vm13 =	vlt.f32 v23, v21;
	v22 =	vadd.s32 v61, v19;
	v19 =	vld.idx.msk [tilespmem:v0+s26+$0x0], $0xffff  }
0x165: {  	v62 =	vsel vm12, $0xF0000001, v8;
	vm12 =	vlt.f32 v23, v14;
	v14 =	vadd.s32 v18, v22;
	v18 =	vld.idx.msk [tilespmem:v1+s26+$0x0], $0xffff  }
0x166: {  	v22 =	vsel vm12, $0xF0000010, v8;
	vm12 =	vlt.f32 v23, v12;
	v12 =	vld.idx.msk [tilespmem:v2+s26+$0x0], $0xffff;
	v14 =	vadd.s32 v62, v14  }
0x167: {  	v63 =	vsel vm12, $0xF0010000, v8;
	vm12 =	vlt.f32 v23, v20;
	v20 =	vadd.s32 v22, v14  }
0x168: {  	v21 =	vsel vm12, $0xF1000000, v8;
	vm12 =	vlt.f32 v23, v15;
	v20 =	vadd.s32 v63, v20  }
0x169: {  	v15 =	vsel vm13, $0xF0100000, v8;
	v14 =	vand.u32 $0x4, v14;
	v20 =	vadd.s32 v21, v20  }
0x16a: {  	v21 =	vsel vm12, $0xF0000100, v8;
	vm12 =	vlt.f32 v23, v13;
	v13 =	vadd.s32 v15, v20  }
0x16b: {  	vm13 =	vlt.f32 v18, v19;
	v15 =	vsel vm12, $0xF0001000, v8;
	vm12 =	vlt.f32 v12, v19  }
0x16c: {  	vm14 =	vlt.f32 v12, v18;
	v20 =	vadd.s32 v21, v13;
	v21 =	vsel vm13, $0xFFFFFFF1, v8  }
0x16d: {  	v13 =	vld.idx.msk [tilespmem:v3+s26+$0x0], $0xffff;
	v15 =	vadd.s32 v15, v20;
	v20 =	vsel vm12, $0xFFFFFF01, v8;
	vm12 =	veq.s32 v14, $0x0  }
0x16e: {  	v15 =	vadd.s32 $0x76543210, v15;
	v20 =	vadd.s32 v21, v20;
	v21 =	vsel vm14, $0xFFFFFF10, v8  }
0x16f: {  	v14 =	vand.u32 $0x40, v15;
	v22 =	vand.u32 $0x4000, v15;
	v20 =	vadd.s32 v21, v20  }
0x170: {  	v21 =	vand.u32 $0x400000, v15;
	vm13 =	veq.s32 v14, $0x0;
	v14 =	vand.u32 $0x400, v15  }
0x171: {  	vm4 =	veq.s32 v22, $0x0;
	v22 =	vand.u32 $0x40000, v15;
	vm5 =	veq.s32 v14, $0x0;
	v14 =	vld.idx.msk [tilespmem:v4+s26+$0x0], $0xffff  }
0x172: {  	vm2 =	veq.s32 v21, $0x0;
	v21 =	vand.u32 $0x4000000, v15;
	vm14 =	vlt.f32 v13, v19  }
0x173: {  	vm3 =	veq.s32 v22, $0x0;
	vm1 =	veq.s32 v21, $0x0;
	v21 =	vand.u32 $0x40000000, v15  }
0x174: {  	v22 =	vsel vm14, $0xFFFFF001, v8;
	vm14 =	vlt.f32 v13, v18;
	vm0 =	veq.s32 v21, $0x0  }
0x175: {  	v15 =	vld.idx.msk [tilespmem:v5+s26+$0x0], $0xffff;
	v23 =	vsel vm14, $0xFFFFF010, v8;
	v20 =	vadd.s32 v22, v20;
	vm14 =	vlt.f32 v13, v12  }
0x176: {  	v21 =	vsel vm14, $0xFFFFF100, v8;
	v20 =	vadd.s32 v23, v20;
	vm15 =	vlt.f32 v14, v19  }
0x177: {  	[tilespmem:v7+s10+$0x0] =	vst.idx.msk vm10, v9;
	v20 =	vadd.s32 v21, v20;
	vm14 =	vlt.f32 v14, v18;
	v22 =	vsel vm15, $0xFFFF0001, v8  }
0x178: {  	[tilespmem:v1+s7+$0x0] =	vst.idx.msk vm11, v9;
	v17 =	vsel vm14, $0xFFFF0010, v8;
	vm15 =	vlt.f32 v14, v12;
	v20 =	vadd.s32 v22, v20  }
0x179: {  	[tilespmem:v2+s7+$0x0] =	vst.idx.msk vm9, v9;
	vm14 =	vlt.f32 v14, v13;
	v16 =	vsel vm15, $0xFFFF0100, v8;
	v20 =	vadd.s32 v17, v20  }
0x17a: {  	v21 =	vsel vm14, $0xFFFF1000, v8;
	vm15 =	vlt.f32 v15, v19;
	v17 =	vld.idx.msk [tilespmem:v6+s26+$0x0], $0xffff;
	v16 =	vadd.s32 v16, v20  }
0x17b: {  	s28 =	sor.u32 $0x10400, s8;
	[tilespmem:v3+s7+$0x0] =	vst.idx.msk vm6, v9;
	vm10 =	vlt.f32 v15, v18;
	v20 =	vsel vm15, $0xFFF00001, v8;
	v16 =	vadd.s32 v21, v16  }
0x17c: {  	[tilespmem:v0+s28+$0x0] =	vst.idx.msk vm12, v9;
	vm11 =	vlt.f32 v15, v12;
	v21 =	vsel vm10, $0xFFF00010, v8;
	v16 =	vadd.s32 v20, v16  }
0x17d: {  	[tilespmem:v1+s28+$0x0] =	vst.idx.msk vm13, v9;
	vm12 =	vlt.f32 v15, v13;
	v20 =	vsel vm11, $0xFFF00100, v8;
	v21 =	vadd.s32 v21, v16  }
0x17e: {  	vm13 =	vlt.f32 v15, v14;
	[tilespmem:v2+s28+$0x0] =	vst.idx.msk vm5, v9;
	v22 =	vsel vm12, $0xFFF01000, v8;
	v20 =	vadd.s32 v20, v21  }
0x17f: {  	[tilespmem:v3+s28+$0x0] =	vst.idx.msk vm4, v9;
	vm14 =	vlt.f32 v17, v19;
	v21 =	vsel vm13, $0xFFF10000, v8;
	v20 =	vadd.s32 v22, v20  }
0x180: {  	v16 =	vld.idx.msk [tilespmem:v7+s26+$0x0], $0xffff;
	vm15 =	vlt.f32 v17, v18;
	v22 =	vsel vm14, $0xFF000001, v8;
	v20 =	vadd.s32 v21, v20  }
0x181: {  	[tilespmem:v4+s28+$0x0] =	vst.idx.msk vm3, v9;
	vm3 =	vlt.f32 v17, v15;
	v21 =	vsel vm15, $0xFF000010, v8;
	v20 =	vadd.s32 v22, v20  }
0x182: {  	[tilespmem:v5+s28+$0x0] =	vst.idx.msk vm2, v9;
	vm2 =	vlt.f32 v17, v12;
	v22 =	vsel vm3, $0xFF100000, v8;
	v20 =	vadd.s32 v21, v20  }
0x183: {  	[tilespmem:v6+s28+$0x0] =	vst.idx.msk vm1, v9;
	vm1 =	vlt.f32 v17, v14;
	v21 =	vsel vm2, $0xFF000100, v8;
	v20 =	vadd.s32 v22, v20  }
0x184: {  	[tilespmem:v7+s28+$0x0] =	vst.idx.msk vm0, v9;
	vm0 =	vlt.f32 v17, v13;
	v22 =	vsel vm1, $0xFF010000, v8;
	v20 =	vadd.s32 v21, v20  }
0x185: {  	s11 =	simm.s32 $0x20;
	[tilespmem:v4+s7+$0x0] =	vst.idx.msk vm7, v9;
	vm1 =	vlt.f32 v16, v19;
	v19 =	vsel vm0, $0xFF001000, v8;
	v21 =	vadd.s32 v22, v20  }
0x186: {  	s8 =	sor.u32 $0x10000, s8;
	s10 =	simm.s32 $0x1000;
	[tilespmem:v5+s7+$0x0] =	vst.idx.msk vm8, v9;
	s9 =	simm.s32 $0x2;
	vm0 =	vlt.f32 v16, v18;
	v20 =	vsel vm1, $0xF0000001, v8;
	v18 =	vadd.s32 v19, v21  }
.LBB2_5:
0x187: {  	s12 =	sand.u32 $0x3800, s10;
	s15 =	sand.u32 $0x380, s11;
	v19 =	vsel vm0, $0xF0000010, v8;
	vm0 =	vlt.f32 v16, v14;
	v14 =	vadd.s32 v20, v18  }
0x188: {  	s12 =	sor.u32 s15, s12;
	v18 =	vsel vm0, $0xF0010000, v8;
	vm0 =	vlt.f32 v16, v17;
	v17 =	vadd.s32 v19, v14  }
0x189: {  	vm1 =	vlt.f32 v16, v15;
	s15 =	sor.u32 $0x4000, s12;
	s28 =	sor.u32 $0x10000, s12;
	s26 =	sor.u32 $0x4400, s12;
	v15 =	vsel vm0, $0xF1000000, v8;
	v17 =	vadd.s32 v18, v17  }
0x18a: {  	vm0 =	vlt.f32 v16, v12;
	v12 =	vsel vm1, $0xF0100000, v8;
	v24 =	vld.idx.msk [tilespmem:v0+s26+$0x0], $0xffff;
	v15 =	vadd.s32 v15, v17  }
0x18b: {  	v17 =	vsel vm0, $0xF0000100, v8;
	vm0 =	vlt.f32 v16, v13;
	v25 =	vld.idx.msk [tilespmem:v1+s26+$0x0], $0xffff;
	v12 =	vadd.s32 v12, v15  }
0x18c: {  	v14 =	vand.u32 $0x4, v14;
	v13 =	vsel vm0, $0xF0001000, v8;
	v22 =	vld.idx.msk [tilespmem:v2+s26+$0x0], $0xffff;
	v12 =	vadd.s32 v17, v12  }
0x18d: {  	vm5 =	veq.s32 v11, $0x0;
	vm0 =	veq.s32 v10, $0x0;
	v18 =	vld.idx.msk [tilespmem:v0+s15+$0x0], $0xffff;
	v12 =	vadd.s32 v13, v12  }
0x18e: {  	vm1 =	veq.s32 v14, $0x0;
	v23 =	vld.idx.msk [tilespmem:v3+s26+$0x0], $0xffff;
	v10 =	vadd.s32 $0x76543210, v12  }
0x18f: {  	s9 =	sadd.s32 $0x2, s9;
	v19 =	vld.idx.msk [tilespmem:v1+s15+$0x0], $0xffff;
	v13 =	vand.u32 $0x40, v10;
	v14 =	vand.u32 $0x400, v10;
	v15 =	vand.u32 $0x4000, v10  }
0x190: {  	p0 =	slt.u32 s9, $0x7E;
	v21 =	vand.u32 $0x40000, v10;
	v20 =	vand.u32 $0x400000, v10;
	v11 =	vand.u32 $0x4000000, v10;
	v12 =	vld.idx.msk [tilespmem:v2+s15+$0x0], $0xffff  }
0x191: {  	v10 =	vand.u32 $0x40000000, v10;
	vm4 =	veq.s32 v13, $0x0;
	vm2 =	veq.s32 v14, $0x0;
	v26 =	vld.idx.msk [tilespmem:v4+s26+$0x0], $0xffff  }
0x192: {  	vm6 =	vlt.f32 v25, v24;
	vm3 =	veq.s32 v15, $0x0;
	vm7 =	vlt.f32 v22, v24;
	v13 =	vld.idx.msk [tilespmem:v3+s15+$0x0], $0xffff  }
0x193: {  	v16 =	vsel vm6, $0xFFFFFFF1, v8;
	vm6 =	vlt.f32 v22, v25;
	v17 =	vsel vm7, $0xFFFFFF01, v8;
	v14 =	vld.idx.msk [tilespmem:v4+s15+$0x0], $0xffff;
	[tilespmem:v6+s7+$0x0] =	vst.idx.msk vm5, v9  }
0x194: {  	v27 =	vsel vm6, $0xFFFFFF10, v8;
	vm5 =	vlt.f32 v23, v24;
	v16 =	vadd.s32 v16, v17;
	v15 =	vld.idx.msk [tilespmem:v5+s15+$0x0], $0xffff  }
0x195: {  	v29 =	vsel vm5, $0xFFFFF001, v8;
	vm5 =	vlt.f32 v23, v25;
	v16 =	vadd.s32 v27, v16;
	v28 =	vld.idx.msk [tilespmem:v5+s26+$0x0], $0xffff  }
0x196: {  	v27 =	vsel vm5, $0xFFFFF010, v8;
	vm5 =	vlt.f32 v23, v22;
	v29 =	vadd.s32 v29, v16;
	v17 =	vld.idx.msk [tilespmem:v6+s15+$0x0], $0xffff  }
0x197: {  	vm6 =	vlt.f32 v26, v24;
	v30 =	vsel vm5, $0xFFFFF100, v8;
	v27 =	vadd.s32 v27, v29;
	v16 =	vld.idx.msk [tilespmem:v7+s15+$0x0], $0xffff  }
0x198: {  	vm5 =	vlt.f32 v26, v25;
	v29 =	vsel vm6, $0xFFFF0001, v8;
	v27 =	vadd.s32 v30, v27;
	[tilespmem:v0+s8+$0x0] =	vst.idx.msk vm1, v9  }
0x199: {  	v30 =	vsel vm5, $0xFFFF0010, v8;
	vm1 =	vlt.f32 v26, v22;
	v27 =	vadd.s32 v29, v27;
	[tilespmem:v1+s8+$0x0] =	vst.idx.msk vm4, v9  }
0x19a: {  	v31 =	vsel vm1, $0xFFFF0100, v8;
	vm1 =	vlt.f32 v26, v23;
	v27 =	vadd.s32 v30, v27;
	v29 =	vld.idx.msk [tilespmem:v6+s26+$0x0], $0xffff  }
0x19b: {  	vm4 =	vlt.f32 v28, v24;
	v30 =	vsel vm1, $0xFFFF1000, v8;
	v27 =	vadd.s32 v31, v27;
	[tilespmem:v2+s8+$0x0] =	vst.idx.msk vm2, v9  }
0x19c: {  	vm1 =	vlt.f32 v28, v25;
	v31 =	vsel vm4, $0xFFF00001, v8;
	v27 =	vadd.s32 v30, v27;
	[tilespmem:v3+s8+$0x0] =	vst.idx.msk vm3, v9  }
0x19d: {  	v30 =	vsel vm1, $0xFFF00010, v8;
	vm1 =	vlt.f32 v28, v22;
	v27 =	vadd.s32 v31, v27;
	[tilespmem:v7+s7+$0x0] =	vst.idx.msk vm0, v9;
	s7 =	smov.u32 s8;
	s8 =	smov.u32 s28  }
0x19e: {  	v31 =	vsel vm1, $0xFFF00100, v8;
	vm0 =	vlt.f32 v28, v23;
	v27 =	vadd.s32 v30, v27  }
0x19f: {  	v30 =	vsel vm0, $0xFFF01000, v8;
	vm0 =	vlt.f32 v28, v26;
	v27 =	vadd.s32 v31, v27  }
0x1a0: {  	vm1 =	vlt.f32 v29, v24;
	v32 =	vsel vm0, $0xFFF10000, v8;
	v27 =	vadd.s32 v30, v27;
	v31 =	vld.idx.msk [tilespmem:v7+s26+$0x0], $0xffff  }
0x1a1: {  	vm0 =	vlt.f32 v29, v25;
	v30 =	vsel vm1, $0xFF000001, v8;
	v27 =	vadd.s32 v32, v27  }
0x1a2: {  	v32 =	vsel vm0, $0xFF000010, v8;
	vm0 =	vlt.f32 v29, v28;
	v27 =	vadd.s32 v30, v27  }
0x1a3: {  	vm1 =	vlt.f32 v29, v22;
	v30 =	vsel vm0, $0xFF100000, v8;
	v27 =	vadd.s32 v32, v27  }
0x1a4: {  	vm0 =	vlt.f32 v29, v26;
	v32 =	vsel vm1, $0xFF000100, v8;
	v27 =	vadd.s32 v30, v27  }
0x1a5: {  	vm1 =	vlt.f32 v29, v23;
	v30 =	vsel vm0, $0xFF010000, v8;
	v27 =	vadd.s32 v32, v27  }
0x1a6: {  	vm0 =	vlt.f32 v31, v24;
	v24 =	vsel vm1, $0xFF001000, v8;
	v27 =	vadd.s32 v30, v27  }
0x1a7: {  	v30 =	vsel vm0, $0xF0000001, v8;
	vm0 =	vlt.f32 v31, v25;
	v24 =	vadd.s32 v24, v27  }
0x1a8: {  	v25 =	vsel vm0, $0xF0000010, v8;
	vm0 =	vlt.f32 v31, v26;
	v24 =	vadd.s32 v30, v24  }
0x1a9: {  	v26 =	vsel vm0, $0xF0010000, v8;
	vm0 =	vlt.f32 v31, v29;
	v25 =	vadd.s32 v25, v24  }
0x1aa: {  	vm1 =	vlt.f32 v31, v28;
	v27 =	vsel vm0, $0xF1000000, v8;
	v25 =	vadd.s32 v26, v25  }
0x1ab: {  	vm0 =	vlt.f32 v31, v22;
	v22 =	vsel vm1, $0xF0100000, v8;
	v25 =	vadd.s32 v27, v25  }
0x1ac: {  	v26 =	vsel vm0, $0xF0000100, v8;
	vm0 =	vlt.f32 v31, v23;
	v22 =	vadd.s32 v22, v25  }
0x1ad: {  	vm1 =	vlt.f32 v19, v18;
	v23 =	vsel vm0, $0xF0001000, v8;
	v22 =	vadd.s32 v26, v22  }
0x1ae: {  	v25 =	vsel vm1, $0xFFFFFFF1, v8;
	vm0 =	vlt.f32 v12, v18;
	v22 =	vadd.s32 v23, v22  }
0x1af: {  	v24 =	vand.u32 $0x4, v24;
	v23 =	vsel vm0, $0xFFFFFF01, v8;
	v22 =	vadd.s32 $0x76543210, v22  }
0x1b0: {  	vm1 =	veq.s32 v24, $0x0;
	vm0 =	vlt.f32 v12, v19;
	v24 =	vand.u32 $0x40, v22  }
0x1b1: {  	v23 =	vadd.s32 v25, v23;
	vm2 =	veq.s32 v24, $0x0;
	v24 =	vand.u32 $0x400, v22  }
0x1b2: {  	v25 =	vsel vm0, $0xFFFFFF10, v8;
	vm0 =	veq.s32 v24, $0x0;
	v24 =	vand.u32 $0x4000, v22  }
0x1b3: {  	vm3 =	vlt.f32 v13, v18;
	vm4 =	veq.s32 v24, $0x0;
	v24 =	vand.u32 $0x40000, v22  }
0x1b4: {  	v23 =	vadd.s32 v25, v23;
	vm5 =	veq.s32 v24, $0x0;
	v24 =	vand.u32 $0x400000, v22  }
0x1b5: {  	s12 =	sor.u32 $0x10400, s12;
	v25 =	vsel vm3, $0xFFFFF001, v8;
	vm3 =	veq.s32 v24, $0x0;
	v24 =	vand.u32 $0x4000000, v22  }
0x1b6: {  	vm6 =	vlt.f32 v13, v19;
	v22 =	vand.u32 $0x40000000, v22;
	[tilespmem:v0+s12+$0x0] =	vst.idx.msk vm1, v9;
	vm1 =	veq.s32 v24, $0x0  }
0x1b7: {  	v23 =	vadd.s32 v25, v23;
	v24 =	vsel vm6, $0xFFFFF010, v8;
	[tilespmem:v1+s12+$0x0] =	vst.idx.msk vm2, v9;
	vm2 =	veq.s32 v22, $0x0  }
0x1b8: {  	vm6 =	vlt.f32 v13, v12;
	v22 =	vadd.s32 v24, v23;
	[tilespmem:v2+s12+$0x0] =	vst.idx.msk vm0, v9;
	vm0 =	veq.s32 v21, $0x0  }
0x1b9: {  	vm7 =	vlt.f32 v14, v18;
	vm8 =	vlt.f32 v14, v19;
	v21 =	vsel vm6, $0xFFFFF100, v8;
	[tilespmem:v3+s12+$0x0] =	vst.idx.msk vm4, v9  }
0x1ba: {  	v23 =	vsel vm7, $0xFFFF0001, v8;
	v24 =	vsel vm8, $0xFFFF0010, v8;
	v21 =	vadd.s32 v21, v22;
	[tilespmem:v4+s12+$0x0] =	vst.idx.msk vm5, v9  }
0x1bb: {  	vm4 =	vlt.f32 v14, v12;
	v21 =	vadd.s32 v23, v21;
	[tilespmem:v5+s12+$0x0] =	vst.idx.msk vm3, v9;
	vm3 =	veq.s32 v20, $0x0  }
0x1bc: {  	v20 =	vsel vm4, $0xFFFF0100, v8;
	vm4 =	vlt.f32 v14, v13;
	v21 =	vadd.s32 v24, v21;
	[tilespmem:v6+s12+$0x0] =	vst.idx.msk vm1, v9  }
0x1bd: {  	vm1 =	vlt.f32 v15, v18;
	v22 =	vsel vm4, $0xFFFF1000, v8;
	v20 =	vadd.s32 v20, v21;
	[tilespmem:v7+s12+$0x0] =	vst.idx.msk vm2, v9  }
0x1be: {  	v21 =	vsel vm1, $0xFFF00001, v8;
	vm1 =	vlt.f32 v15, v19;
	v20 =	vadd.s32 v22, v20;
	[tilespmem:v4+s7+$0x0] =	vst.idx.msk vm0, v9  }
0x1bf: {  	v22 =	vsel vm1, $0xFFF00010, v8;
	vm0 =	vlt.f32 v15, v12;
	v20 =	vadd.s32 v21, v20  }
0x1c0: {  	v21 =	vsel vm0, $0xFFF00100, v8;
	vm0 =	vlt.f32 v15, v13;
	v20 =	vadd.s32 v22, v20  }
0x1c1: {  	v22 =	vsel vm0, $0xFFF01000, v8;
	vm0 =	vlt.f32 v15, v14;
	v20 =	vadd.s32 v21, v20;
	[tilespmem:v5+s7+$0x0] =	vst.idx.msk vm3, v9  }
0x1c2: {  	vm1 =	vlt.f32 v17, v18;
	v21 =	vsel vm0, $0xFFF10000, v8;
	v20 =	vadd.s32 v22, v20  }
0x1c3: {  	v22 =	vsel vm1, $0xFF000001, v8;
	vm0 =	vlt.f32 v17, v19;
	v20 =	vadd.s32 v21, v20  }
0x1c4: {  	v21 =	vsel vm0, $0xFF000010, v8;
	vm0 =	vlt.f32 v17, v15;
	v20 =	vadd.s32 v22, v20  }
.Ltmp1:
0x1c5: {  	vm1 =	vlt.f32 v17, v12;
	v22 =	vsel vm0, $0xFF100000, v8;
	v20 =	vadd.s32 v21, v20;
	(pc) =	sbr.rel @p0 .LBB2_5-.Ltmp1, $4  }
0x1c6: {  	vm0 =	vlt.f32 v17, v14;
	v21 =	vsel vm1, $0xFF000100, v8;
	v20 =	vadd.s32 v22, v20  }
0x1c7: {  	vm1 =	vlt.f32 v17, v13;
	v22 =	vsel vm0, $0xFF010000, v8;
	v20 =	vadd.s32 v21, v20  }
0x1c8: {  	vm0 =	vlt.f32 v16, v18;
	v18 =	vsel vm1, $0xFF001000, v8;
	v21 =	vadd.s32 v22, v20  }
0x1c9: {  	s10 =	sadd.s32 $0x800, s10;
	s11 =	sadd.s32 $0x10, s11;
	v20 =	vsel vm0, $0xF0000001, v8;
	vm0 =	vlt.f32 v16, v19;
	v18 =	vadd.s32 v18, v21  }
0x1ca: {  	v19 =	vsel vm0, $0xF0000010, v8;
	vm0 =	vlt.f32 v16, v14;
	v14 =	vadd.s32 v20, v18  }
0x1cb: {  	v18 =	vsel vm0, $0xF0010000, v8;
	vm0 =	vlt.f32 v16, v17;
	v17 =	vadd.s32 v19, v14  }
0x1cc: {  	vm1 =	vlt.f32 v16, v15;
	v15 =	vsel vm0, $0xF1000000, v8;
	v17 =	vadd.s32 v18, v17  }
0x1cd: {  	vm0 =	vlt.f32 v16, v12;
	v12 =	vsel vm1, $0xF0100000, v8;
	v15 =	vadd.s32 v15, v17  }
0x1ce: {  	v17 =	vsel vm0, $0xF0000100, v8;
	vm0 =	vlt.f32 v16, v13;
	v12 =	vadd.s32 v12, v15  }
0x1cf: {  	v13 =	vsel vm0, $0xF0001000, v8;
	v12 =	vadd.s32 v17, v12  }
0x1d0: {  	v12 =	vadd.s32 v13, v12  }
0x1d1: {  	vm0 =	veq.s32 v11, $0x0;
	v13 =	vand.u32 $0x4, v14;
	v11 =	vadd.s32 $0x76543210, v12  }
0x1d2: {  	vm1 =	veq.s32 v13, $0x0;
	v12 =	vand.u32 $0x40, v11  }
0x1d3: {  	v13 =	vand.u32 $0x400, v11;
	vm2 =	veq.s32 v12, $0x0  }
0x1d4: {  	vm3 =	veq.s32 v13, $0x0  }
0x1d5: {  	vm5 =	veq.s32 v10, $0x0;
	v12 =	vand.u32 $0x4000, v11  }
0x1d6: {  	v10 =	vand.u32 $0x40000, v11;
	vm4 =	veq.s32 v12, $0x0  }
0x1d7: {  	v12 =	vand.u32 $0x400000, v11;
	[tilespmem:v6+s7+$0x0] =	vst.idx.msk vm0, v9;
	vm0 =	veq.s32 v10, $0x0  }
0x1d8: {  	v10 =	vand.u32 $0x4000000, v11;
	[tilespmem:v0+s8+$0x0] =	vst.idx.msk vm1, v9;
	vm1 =	veq.s32 v12, $0x0  }
0x1d9: {  	v11 =	vand.u32 $0x40000000, v11;
	[tilespmem:v1+s8+$0x0] =	vst.idx.msk vm2, v9;
	vm2 =	veq.s32 v10, $0x0  }
0x1da: {  	[tilespmem:v2+s8+$0x0] =	vst.idx.msk vm3, v9;
	vm3 =	veq.s32 v11, $0x0  }
0x1db: {  	[tilespmem:v7+s7+$0x0] =	vst.idx.msk vm5, v9  }
0x1dc: {  	s12 =	sadd.s32 $0x1, s2;
	[tilespmem:v3+s8+$0x0] =	vst.idx.msk vm4, v9  }
0x1dd: {  	s9 =	sshrl.u32 s12, $0x1;
	s7 =	sshll.u32 s12, $0xB;
	[tilespmem:v4+s8+$0x0] =	vst.idx.msk vm0, v9  }
0x1de: {  	s9 =	sadd.s32 s6, s9;
	s7 =	sand.u32 $0x800, s7;
	[tilespmem:v5+s8+$0x0] =	vst.idx.msk vm1, v9  }
0x1df: {  	s26 =	sadd.s32 $0x3, s2;
	s9 =	sshll.u32 s9, $0xC;
	s7 =	sadd.s32 s4, s7;
	[tilespmem:v6+s8+$0x0] =	vst.idx.msk vm2, v9  }
0x1e0: {  	s15 =	simm.s32 $0x0;
	s28 =	sshrl.u32 s26, $0x1;
	s7 =	sadd.s32 s9, s7;
	[tilespmem:v7+s8+$0x0] =	vst.idx.msk vm3, v9  }
0x1e1: {  	[hbm4b:s7+s15] =	stream.linear.scatter [tilespmem:s14], [sflag:$0x8], $0x4000, $0x38;
	[tilespmem:$0x18000] =	vst v63  }
0x1e2: {  	s2 =	sshll.u32 s26, $0xB;
	s7 =	sadd.s32 s6, s28  }
0x1e3: {  	s2 =	sand.u32 $0x800, s2;
	_ =	swait.ge [sflag:s22], $0x4000;
	s7 =	sshll.u32 s7, $0xC  }
0x1e4: {  	[sflag:s22] =	ssyncset.done $0x0;
	s2 =	sor.u32 s2, s7  }
0x1e5: {  	[sflag:s22] =	ssyncadd.s32 $0xFFFFC000;
	s7 =	sadd.s32 s1, s2  }
0x1e6: {  	[tilespmem:s13], [sflag:$0x1] =	stream.linear.gather [hbm4b:s7+s15], $0x4000, $0x38;
	[tilespmem:$0x18000] =	vst v63  }
0x1e7: {  	s2 =	sadd.s32 s3, s2  }
0x1e8: {  	[tilespmem:s15], [sflag:$0x4] =	stream.linear.gather [hbm4b:s2+s15], $0x4000, $0x38;
	[tilespmem:$0x18000] =	vst v63  }
0x1e9: {  	_ =	swait.ge [sflag:s23], $0x4000  }
0x1ea: {  	[sflag:s23] =	ssyncset.done $0x0  }
0x1eb: {  	[sflag:s23] =	ssyncadd.s32 $0xFFFFC000  }
0x1ec: {  	s9 =	sand.u32 $0x380, s15;
	s7 =	sand.u32 $0x3800, s15;
	_ =	swait.ge [sflag:s24], $0x4000  }
0x1ed: {  	s2 =	sor.u32 s9, s7;
	[sflag:s24] =	ssyncset.done $0x0  }
0x1ee: {  	s7 =	sor.u32 $0x8400, s2;
	[sflag:s24] =	ssyncadd.s32 $0xFFFFC000  }
0x1ef: {  	v10 =	vld.idx.msk [tilespmem:v0+s7+$0x0], $0xffff  }
0x1f0: {  	v11 =	vld.idx.msk [tilespmem:v1+s7+$0x0], $0xffff  }
0x1f1: {  	v12 =	vld.idx.msk [tilespmem:v2+s7+$0x0], $0xffff  }
0x1f2: {  	v13 =	vld.idx.msk [tilespmem:v3+s7+$0x0], $0xffff;
	_ =	sdelay $0x1  }
0x1f3: {  	v14 =	vld.idx.msk [tilespmem:v4+s7+$0x0], $0xffff  }
0x1f4: {  	vm0 =	vlt.f32 v11, v10  }
0x1f5: {  	vm1 =	vlt.f32 v12, v10;
	v15 =	vsel vm0, $0xFFFFFFF1, v8  }
0x1f6: {  	v16 =	vsel vm1, $0xFFFFFF01, v8;
	vm0 =	vlt.f32 v12, v11;
	vm1 =	vlt.f32 v13, v10  }
0x1f7: {  	v17 =	vsel vm0, $0xFFFFFF10, v8;
	v15 =	vadd.s32 v15, v16;
	vm0 =	vlt.f32 v13, v11  }
0x1f8: {  	v16 =	vld.idx.msk [tilespmem:v5+s7+$0x0], $0xffff;
	v18 =	vsel vm1, $0xFFFFF001, v8;
	vm1 =	vlt.f32 v14, v10;
	v15 =	vadd.s32 v17, v15  }
0x1f9: {  	v17 =	vsel vm0, $0xFFFFF010, v8;
	vm0 =	vlt.f32 v13, v12;
	v15 =	vadd.s32 v18, v15  }
0x1fa: {  	v18 =	vsel vm0, $0xFFFFF100, v8;
	vm0 =	vlt.f32 v14, v11;
	v15 =	vadd.s32 v17, v15  }
0x1fb: {  	v17 =	vsel vm1, $0xFFFF0001, v8;
	vm1 =	vlt.f32 v14, v12;
	v15 =	vadd.s32 v18, v15  }
0x1fc: {  	v18 =	vsel vm0, $0xFFFF0010, v8;
	vm0 =	vlt.f32 v14, v13;
	v15 =	vadd.s32 v17, v15  }
0x1fd: {  	v19 =	vld.idx.msk [tilespmem:v6+s7+$0x0], $0xffff;
	v17 =	vsel vm1, $0xFFFF0100, v8;
	vm1 =	vlt.f32 v16, v10;
	v15 =	vadd.s32 v18, v15  }
0x1fe: {  	v18 =	vsel vm0, $0xFFFF1000, v8;
	vm0 =	vlt.f32 v16, v11;
	v15 =	vadd.s32 v17, v15  }
0x1ff: {  	v17 =	vsel vm1, $0xFFF00001, v8;
	vm1 =	vlt.f32 v16, v13;
	v15 =	vadd.s32 v18, v15  }
0x200: {  	v18 =	vsel vm0, $0xFFF00010, v8;
	vm0 =	vlt.f32 v16, v12;
	v15 =	vadd.s32 v17, v15  }
0x201: {  	v17 =	vsel vm0, $0xFFF00100, v8;
	vm0 =	vlt.f32 v16, v14;
	v15 =	vadd.s32 v18, v15  }
0x202: {  	v18 =	vsel vm1, $0xFFF01000, v8;
	vm1 =	vlt.f32 v19, v10;
	v15 =	vadd.s32 v17, v15  }
0x203: {  	v20 =	vsel vm0, $0xFFF10000, v8;
	vm0 =	vlt.f32 v19, v11;
	v17 =	vld.idx.msk [tilespmem:v7+s7+$0x0], $0xffff;
	v15 =	vadd.s32 v18, v15  }
0x204: {  	v18 =	vsel vm1, $0xFF000001, v8;
	vm1 =	vlt.f32 v19, v12;
	v15 =	vadd.s32 v20, v15  }
0x205: {  	v20 =	vsel vm0, $0xFF000010, v8;
	vm0 =	vlt.f32 v19, v16;
	v15 =	vadd.s32 v18, v15  }
0x206: {  	v18 =	vsel vm0, $0xFF100000, v8;
	vm0 =	vlt.f32 v19, v14;
	v15 =	vadd.s32 v20, v15  }
0x207: {  	s10 =	sor.u32 $0x8000, s2;
	v20 =	vsel vm1, $0xFF000100, v8;
	vm1 =	vlt.f32 v19, v13;
	v15 =	vadd.s32 v18, v15  }
0x208: {  	v21 =	vld.idx.msk [tilespmem:v1+s10+$0x0], $0xffff;
	v18 =	vsel vm0, $0xFF010000, v8;
	vm0 =	vlt.f32 v17, v10;
	v15 =	vadd.s32 v20, v15  }
0x209: {  	v10 =	vld.idx.msk [tilespmem:v0+s10+$0x0], $0xffff;
	v20 =	vsel vm1, $0xFF001000, v8;
	vm1 =	vlt.f32 v17, v14;
	v15 =	vadd.s32 v18, v15  }
0x20a: {  	v18 =	vsel vm0, $0xF0000001, v8;
	vm0 =	vlt.f32 v17, v11;
	v11 =	vadd.s32 v20, v15  }
0x20b: {  	v15 =	vsel vm0, $0xF0000010, v8;
	vm0 =	vlt.f32 v17, v19;
	v11 =	vadd.s32 v18, v11  }
0x20c: {  	v14 =	vld.idx.msk [tilespmem:v2+s10+$0x0], $0xffff;
	v18 =	vsel vm1, $0xF0010000, v8;
	vm1 =	vlt.f32 v17, v16;
	v16 =	vsel vm0, $0xF1000000, v8  }
0x20d: {  	vm0 =	vlt.f32 v17, v12;
	v15 =	vadd.s32 v15, v11;
	v12 =	vsel vm1, $0xF0100000, v8  }
0x20e: {  	vm1 =	vlt.f32 v21, v10;
	v11 =	vand.u32 $0x4, v11;
	v15 =	vadd.s32 v18, v15  }
0x20f: {  	v18 =	vld.idx.msk [tilespmem:v5+s10+$0x0], $0xffff;
	v15 =	vadd.s32 v16, v15;
	v16 =	vsel vm0, $0xF0000100, v8;
	vm0 =	vlt.f32 v17, v13  }
0x210: {  	vm5 =	veq.s32 v11, $0x0;
	v13 =	vld.idx.msk [tilespmem:v3+s10+$0x0], $0xffff;
	v12 =	vadd.s32 v12, v15;
	v15 =	vsel vm0, $0xF0001000, v8  }
0x211: {  	v17 =	vld.idx.msk [tilespmem:v4+s10+$0x0], $0xffff;
	vm0 =	vlt.f32 v14, v10;
	v12 =	vadd.s32 v16, v12;
	v16 =	vsel vm1, $0xFFFFFFF1, v8  }
0x212: {  	v12 =	vadd.s32 v15, v12;
	v15 =	vsel vm0, $0xFFFFFF01, v8;
	vm0 =	vlt.f32 v14, v21  }
0x213: {  	v12 =	vadd.s32 $0x76543210, v12;
	v15 =	vadd.s32 v16, v15;
	v16 =	vsel vm0, $0xFFFFFF10, v8  }
0x214: {  	vm11 =	vlt.f32 v18, v10;
	vm12 =	vlt.f32 v18, v21;
	vm13 =	vlt.f32 v18, v14  }
0x215: {  	v11 =	vand.u32 $0x40, v12;
	vm0 =	vlt.f32 v13, v10;
	v15 =	vadd.s32 v16, v15  }
0x216: {  	vm6 =	vlt.f32 v13, v21;
	vm14 =	vlt.f32 v13, v14;
	vm7 =	vlt.f32 v17, v10  }
0x217: {  	vm15 =	vlt.f32 v17, v21;
	vm9 =	vlt.f32 v17, v14;
	vm10 =	vlt.f32 v17, v13  }
0x218: {  	vm4 =	veq.s32 v11, $0x0;
	v11 =	vand.u32 $0x400, v12;
	v16 =	vsel vm0, $0xFFFFF001, v8  }
0x219: {  	v19 =	vsel vm6, $0xFFFFF010, v8;
	v20 =	vsel vm10, $0xFFFF1000, v8;
	v15 =	vadd.s32 v16, v15  }
0x21a: {  	vm3 =	veq.s32 v11, $0x0;
	v16 =	vsel vm14, $0xFFFFF100, v8;
	v15 =	vadd.s32 v19, v15  }
0x21b: {  	v11 =	vand.u32 $0x4000, v12;
	v19 =	vsel vm7, $0xFFFF0001, v8;
	v15 =	vadd.s32 v16, v15  }
0x21c: {  	vm2 =	veq.s32 v11, $0x0;
	v16 =	vsel vm15, $0xFFFF0010, v8;
	v15 =	vadd.s32 v19, v15  }
0x21d: {  	v11 =	vand.u32 $0x40000, v12;
	v19 =	vsel vm9, $0xFFFF0100, v8;
	v15 =	vadd.s32 v16, v15  }
0x21e: {  	vm14 =	vlt.f32 v18, v13;
	vm1 =	veq.s32 v11, $0x0;
	v16 =	vld.idx.msk [tilespmem:v6+s10+$0x0], $0xffff;
	v15 =	vadd.s32 v19, v15  }
0x21f: {  	v11 =	vand.u32 $0x400000, v12;
	v19 =	vsel vm11, $0xFFF00001, v8;
	v15 =	vadd.s32 v20, v15  }
0x220: {  	vm15 =	vlt.f32 v18, v17;
	v20 =	vsel vm12, $0xFFF00010, v8;
	v15 =	vadd.s32 v19, v15  }
0x221: {  	vm0 =	veq.s32 v11, $0x0;
	v19 =	vsel vm13, $0xFFF00100, v8;
	v15 =	vadd.s32 v20, v15  }
0x222: {  	v11 =	vand.u32 $0x4000000, v12;
	v20 =	vsel vm14, $0xFFF01000, v8;
	v15 =	vadd.s32 v19, v15  }
0x223: {  	vm9 =	vlt.f32 v16, v10;
	v19 =	vsel vm15, $0xFFF10000, v8;
	v15 =	vadd.s32 v20, v15  }
0x224: {  	vm10 =	vlt.f32 v16, v21;
	v20 =	vld.idx.msk [tilespmem:v7+s10+$0x0], $0xffff;
	v22 =	vsel vm9, $0xFF000001, v8;
	v15 =	vadd.s32 v19, v15  }
0x225: {  	vm11 =	vlt.f32 v16, v18;
	v19 =	vsel vm10, $0xFF000010, v8;
	v15 =	vadd.s32 v22, v15  }
0x226: {  	vm12 =	vlt.f32 v16, v14;
	v22 =	vsel vm11, $0xFF100000, v8;
	v15 =	vadd.s32 v19, v15  }
0x227: {  	vm13 =	vlt.f32 v16, v17;
	v19 =	vsel vm12, $0xFF000100, v8;
	v15 =	vadd.s32 v22, v15  }
0x228: {  	vm14 =	vlt.f32 v16, v13;
	v22 =	vsel vm13, $0xFF010000, v8;
	v15 =	vadd.s32 v19, v15  }
0x229: {  	vm15 =	vlt.f32 v20, v10;
	v10 =	vsel vm14, $0xFF001000, v8;
	v15 =	vadd.s32 v22, v15  }
0x22a: {  	vm9 =	vlt.f32 v20, v21;
	v19 =	vsel vm15, $0xF0000001, v8;
	v10 =	vadd.s32 v10, v15  }
0x22b: {  	s11 =	simm.s32 $0x800;
	s12 =	simm.s32 $0x10;
	vm10 =	vlt.f32 v20, v17;
	v15 =	vsel vm9, $0xF0000010, v8;
	v10 =	vadd.s32 v19, v10  }
0x22c: {  	s8 =	sand.u32 $0x380, s12;
	s7 =	sand.u32 $0x3800, s11;
	vm11 =	vlt.f32 v20, v16;
	v17 =	vsel vm10, $0xF0010000, v8;
	v15 =	vadd.s32 v15, v10  }
0x22d: {  	s7 =	sor.u32 s8, s7;
	vm12 =	vlt.f32 v20, v18;
	v16 =	vsel vm11, $0xF1000000, v8;
	v15 =	vadd.s32 v17, v15  }
0x22e: {  	s8 =	sor.u32 $0x8400, s7;
	vm13 =	vlt.f32 v20, v14;
	v14 =	vsel vm12, $0xF0100000, v8;
	v15 =	vadd.s32 v16, v15  }
0x22f: {  	s26 =	sor.u32 $0x14400, s2;
	v18 =	vld.idx.msk [tilespmem:v0+s8+$0x0], $0xffff;
	vm14 =	vlt.f32 v20, v13;
	v16 =	vsel vm13, $0xF0000100, v8;
	v13 =	vadd.s32 v14, v15  }
0x230: {  	[tilespmem:v0+s26+$0x0] =	vst.idx.msk vm5, v9;
	vm7 =	veq.s32 v11, $0x0;
	v11 =	vsel vm14, $0xF0001000, v8;
	v14 =	vld.idx.msk [tilespmem:v1+s8+$0x0], $0xffff;
	v13 =	vadd.s32 v16, v13  }
0x231: {  	v12 =	vand.u32 $0x40000000, v12;
	[tilespmem:v1+s26+$0x0] =	vst.idx.msk vm4, v9;
	v10 =	vand.u32 $0x4, v10;
	v15 =	vld.idx.msk [tilespmem:v2+s8+$0x0], $0xffff;
	v11 =	vadd.s32 v11, v13  }
0x232: {  	[tilespmem:v2+s26+$0x0] =	vst.idx.msk vm3, v9;
	vm10 =	veq.s32 v12, $0x0;
	vm8 =	veq.s32 v10, $0x0;
	v12 =	vadd.s32 $0x76543210, v11  }
0x233: {  	[tilespmem:v3+s26+$0x0] =	vst.idx.msk vm2, v9;
	v13 =	vld.idx.msk [tilespmem:v3+s8+$0x0], $0xffff;
	v10 =	vand.u32 $0x40, v12;
	v19 =	vand.u32 $0x400, v12;
	v20 =	vand.u32 $0x4000, v12  }
0x234: {  	[tilespmem:v4+s26+$0x0] =	vst.idx.msk vm1, v9;
	v17 =	vand.u32 $0x40000, v12;
	v16 =	vand.u32 $0x400000, v12;
	v11 =	vand.u32 $0x4000000, v12  }
0x235: {  	[tilespmem:v5+s26+$0x0] =	vst.idx.msk vm0, v9;
	vm11 =	veq.s32 v10, $0x0;
	vm9 =	veq.s32 v19, $0x0;
	v10 =	vand.u32 $0x40000000, v12  }
0x236: {  	v12 =	vld.idx.msk [tilespmem:v4+s8+$0x0], $0xffff;
	vm12 =	vlt.f32 v14, v18;
	vm13 =	vlt.f32 v15, v18;
	vm6 =	veq.s32 v20, $0x0  }
0x237: {  	[tilespmem:v6+s26+$0x0] =	vst.idx.msk vm7, v9;
	vm7 =	veq.s32 v17, $0x0;
	v19 =	vsel vm12, $0xFFFFFFF1, v8;
	vm12 =	vlt.f32 v15, v14  }
0x238: {  	v20 =	vsel vm13, $0xFFFFFF01, v8;
	vm13 =	vlt.f32 v13, v18;
	v21 =	vsel vm12, $0xFFFFFF10, v8  }
0x239: {  	v19 =	vadd.s32 v19, v20;
	vm12 =	vlt.f32 v13, v14;
	v20 =	vsel vm13, $0xFFFFF001, v8  }
0x23a: {  	v19 =	vadd.s32 v21, v19;
	v21 =	vld.idx.msk [tilespmem:v5+s8+$0x0], $0xffff;
	v22 =	vsel vm12, $0xFFFFF010, v8;
	vm12 =	vlt.f32 v13, v15  }
0x23b: {  	v19 =	vadd.s32 v20, v19;
	v20 =	vsel vm12, $0xFFFFF100, v8;
	vm13 =	vlt.f32 v12, v18  }
0x23c: {  	v19 =	vadd.s32 v22, v19;
	vm12 =	vlt.f32 v12, v14;
	v22 =	vsel vm13, $0xFFFF0001, v8  }
0x23d: {  	v19 =	vadd.s32 v20, v19;
	v20 =	vsel vm12, $0xFFFF0010, v8;
	vm12 =	vlt.f32 v12, v15  }
0x23e: {  	v19 =	vadd.s32 v22, v19;
	v22 =	vsel vm12, $0xFFFF0100, v8;
	vm12 =	vlt.f32 v12, v13  }
0x23f: {  	v19 =	vadd.s32 v20, v19;
	v20 =	vld.idx.msk [tilespmem:v6+s8+$0x0], $0xffff;
	vm13 =	vlt.f32 v21, v18;
	v23 =	vsel vm12, $0xFFFF1000, v8  }
0x240: {  	vm12 =	vlt.f32 v21, v14;
	v19 =	vadd.s32 v22, v19;
	v22 =	vsel vm13, $0xFFF00001, v8  }
0x241: {  	v19 =	vadd.s32 v23, v19;
	v23 =	vsel vm12, $0xFFF00010, v8;
	vm12 =	vlt.f32 v21, v15  }
0x242: {  	s2 =	sor.u32 $0x14000, s2;
	v19 =	vadd.s32 v22, v19;
	v22 =	vsel vm12, $0xFFF00100, v8;
	vm12 =	vlt.f32 v21, v13  }
0x243: {  	[tilespmem:v0+s2+$0x0] =	vst.idx.msk vm8, v9;
	vm8 =	veq.s32 v16, $0x0;
	v19 =	vadd.s32 v23, v19;
	v23 =	vsel vm12, $0xFFF01000, v8  }
0x244: {  	vm12 =	vlt.f32 v21, v12;
	v19 =	vadd.s32 v22, v19;
	vm13 =	vlt.f32 v20, v18  }
0x245: {  	v22 =	vsel vm12, $0xFFF10000, v8;
	vm12 =	vlt.f32 v20, v14;
	v19 =	vadd.s32 v23, v19;
	v23 =	vld.idx.msk [tilespmem:v7+s8+$0x0], $0xffff  }
0x246: {  	v24 =	vsel vm13, $0xFF000001, v8;
	vm13 =	vlt.f32 v20, v15;
	v19 =	vadd.s32 v22, v19  }
0x247: {  	v22 =	vsel vm12, $0xFF000010, v8;
	vm12 =	vlt.f32 v20, v21;
	v19 =	vadd.s32 v24, v19  }
0x248: {  	v60 =	vsel vm12, $0xFF100000, v8;
	vm12 =	vlt.f32 v20, v12;
	v19 =	vadd.s32 v22, v19  }
0x249: {  	v22 =	vsel vm13, $0xFF000100, v8;
	vm13 =	vlt.f32 v20, v13;
	v19 =	vadd.s32 v60, v19  }
0x24a: {  	s15 =	sor.u32 $0x8000, s7;
	v61 =	vsel vm12, $0xFF010000, v8;
	v19 =	vadd.s32 v22, v19;
	vm12 =	vlt.f32 v23, v18  }
0x24b: {  	v18 =	vsel vm13, $0xFF001000, v8;
	vm13 =	vlt.f32 v23, v21;
	v22 =	vadd.s32 v61, v19;
	v19 =	vld.idx.msk [tilespmem:v0+s15+$0x0], $0xffff  }
0x24c: {  	v62 =	vsel vm12, $0xF0000001, v8;
	vm12 =	vlt.f32 v23, v14;
	v14 =	vadd.s32 v18, v22;
	v18 =	vld.idx.msk [tilespmem:v1+s15+$0x0], $0xffff  }
0x24d: {  	v22 =	vsel vm12, $0xF0000010, v8;
	vm12 =	vlt.f32 v23, v12;
	v12 =	vld.idx.msk [tilespmem:v2+s15+$0x0], $0xffff;
	v14 =	vadd.s32 v62, v14  }
0x24e: {  	v63 =	vsel vm12, $0xF0010000, v8;
	vm12 =	vlt.f32 v23, v20;
	v20 =	vadd.s32 v22, v14  }
0x24f: {  	v21 =	vsel vm12, $0xF1000000, v8;
	vm12 =	vlt.f32 v23, v15;
	v20 =	vadd.s32 v63, v20  }
0x250: {  	v15 =	vsel vm13, $0xF0100000, v8;
	v14 =	vand.u32 $0x4, v14;
	v20 =	vadd.s32 v21, v20  }
0x251: {  	v21 =	vsel vm12, $0xF0000100, v8;
	vm12 =	vlt.f32 v23, v13;
	v13 =	vadd.s32 v15, v20  }
0x252: {  	vm13 =	vlt.f32 v18, v19;
	v15 =	vsel vm12, $0xF0001000, v8;
	vm12 =	vlt.f32 v12, v19  }
0x253: {  	vm14 =	vlt.f32 v12, v18;
	v20 =	vadd.s32 v21, v13;
	v21 =	vsel vm13, $0xFFFFFFF1, v8  }
0x254: {  	v13 =	vld.idx.msk [tilespmem:v3+s15+$0x0], $0xffff;
	v15 =	vadd.s32 v15, v20;
	v20 =	vsel vm12, $0xFFFFFF01, v8;
	vm12 =	veq.s32 v14, $0x0  }
0x255: {  	v15 =	vadd.s32 $0x76543210, v15;
	v20 =	vadd.s32 v21, v20;
	v21 =	vsel vm14, $0xFFFFFF10, v8  }
0x256: {  	v14 =	vand.u32 $0x40, v15;
	v22 =	vand.u32 $0x4000, v15;
	v20 =	vadd.s32 v21, v20  }
0x257: {  	v21 =	vand.u32 $0x400000, v15;
	vm13 =	veq.s32 v14, $0x0;
	v14 =	vand.u32 $0x400, v15  }
0x258: {  	vm4 =	veq.s32 v22, $0x0;
	v22 =	vand.u32 $0x40000, v15;
	vm5 =	veq.s32 v14, $0x0;
	v14 =	vld.idx.msk [tilespmem:v4+s15+$0x0], $0xffff  }
0x259: {  	vm2 =	veq.s32 v21, $0x0;
	v21 =	vand.u32 $0x4000000, v15;
	vm14 =	vlt.f32 v13, v19  }
0x25a: {  	vm3 =	veq.s32 v22, $0x0;
	vm1 =	veq.s32 v21, $0x0;
	v21 =	vand.u32 $0x40000000, v15  }
0x25b: {  	v22 =	vsel vm14, $0xFFFFF001, v8;
	vm14 =	vlt.f32 v13, v18;
	vm0 =	veq.s32 v21, $0x0  }
0x25c: {  	v15 =	vld.idx.msk [tilespmem:v5+s15+$0x0], $0xffff;
	v23 =	vsel vm14, $0xFFFFF010, v8;
	v20 =	vadd.s32 v22, v20;
	vm14 =	vlt.f32 v13, v12  }
0x25d: {  	v21 =	vsel vm14, $0xFFFFF100, v8;
	v20 =	vadd.s32 v23, v20;
	vm15 =	vlt.f32 v14, v19  }
0x25e: {  	[tilespmem:v7+s26+$0x0] =	vst.idx.msk vm10, v9;
	v20 =	vadd.s32 v21, v20;
	vm14 =	vlt.f32 v14, v18;
	v22 =	vsel vm15, $0xFFFF0001, v8  }
0x25f: {  	[tilespmem:v1+s2+$0x0] =	vst.idx.msk vm11, v9;
	v17 =	vsel vm14, $0xFFFF0010, v8;
	vm15 =	vlt.f32 v14, v12;
	v20 =	vadd.s32 v22, v20  }
0x260: {  	[tilespmem:v2+s2+$0x0] =	vst.idx.msk vm9, v9;
	vm14 =	vlt.f32 v14, v13;
	v16 =	vsel vm15, $0xFFFF0100, v8;
	v20 =	vadd.s32 v17, v20  }
0x261: {  	v21 =	vsel vm14, $0xFFFF1000, v8;
	vm15 =	vlt.f32 v15, v19;
	v17 =	vld.idx.msk [tilespmem:v6+s15+$0x0], $0xffff;
	v16 =	vadd.s32 v16, v20  }
0x262: {  	s28 =	sor.u32 $0x14400, s7;
	[tilespmem:v3+s2+$0x0] =	vst.idx.msk vm6, v9;
	vm10 =	vlt.f32 v15, v18;
	v20 =	vsel vm15, $0xFFF00001, v8;
	v16 =	vadd.s32 v21, v16  }
0x263: {  	[tilespmem:v0+s28+$0x0] =	vst.idx.msk vm12, v9;
	vm11 =	vlt.f32 v15, v12;
	v21 =	vsel vm10, $0xFFF00010, v8;
	v16 =	vadd.s32 v20, v16  }
0x264: {  	[tilespmem:v1+s28+$0x0] =	vst.idx.msk vm13, v9;
	vm12 =	vlt.f32 v15, v13;
	v20 =	vsel vm11, $0xFFF00100, v8;
	v21 =	vadd.s32 v21, v16  }
0x265: {  	vm13 =	vlt.f32 v15, v14;
	[tilespmem:v2+s28+$0x0] =	vst.idx.msk vm5, v9;
	v22 =	vsel vm12, $0xFFF01000, v8;
	v20 =	vadd.s32 v20, v21  }
0x266: {  	[tilespmem:v3+s28+$0x0] =	vst.idx.msk vm4, v9;
	vm14 =	vlt.f32 v17, v19;
	v21 =	vsel vm13, $0xFFF10000, v8;
	v20 =	vadd.s32 v22, v20  }
0x267: {  	v16 =	vld.idx.msk [tilespmem:v7+s15+$0x0], $0xffff;
	vm15 =	vlt.f32 v17, v18;
	v22 =	vsel vm14, $0xFF000001, v8;
	v20 =	vadd.s32 v21, v20  }
0x268: {  	[tilespmem:v4+s28+$0x0] =	vst.idx.msk vm3, v9;
	vm3 =	vlt.f32 v17, v15;
	v21 =	vsel vm15, $0xFF000010, v8;
	v20 =	vadd.s32 v22, v20  }
0x269: {  	[tilespmem:v5+s28+$0x0] =	vst.idx.msk vm2, v9;
	vm2 =	vlt.f32 v17, v12;
	v22 =	vsel vm3, $0xFF100000, v8;
	v20 =	vadd.s32 v21, v20  }
0x26a: {  	[tilespmem:v6+s28+$0x0] =	vst.idx.msk vm1, v9;
	vm1 =	vlt.f32 v17, v14;
	v21 =	vsel vm2, $0xFF000100, v8;
	v20 =	vadd.s32 v22, v20  }
0x26b: {  	[tilespmem:v7+s28+$0x0] =	vst.idx.msk vm0, v9;
	vm0 =	vlt.f32 v17, v13;
	v22 =	vsel vm1, $0xFF010000, v8;
	v20 =	vadd.s32 v21, v20  }
0x26c: {  	s9 =	simm.s32 $0x1000;
	[tilespmem:v4+s2+$0x0] =	vst.idx.msk vm7, v9;
	vm1 =	vlt.f32 v16, v19;
	v19 =	vsel vm0, $0xFF001000, v8;
	v21 =	vadd.s32 v22, v20  }
0x26d: {  	s7 =	sor.u32 $0x14000, s7;
	s10 =	simm.s32 $0x20;
	[tilespmem:v5+s2+$0x0] =	vst.idx.msk vm8, v9;
	s8 =	simm.s32 $0x2;
	vm0 =	vlt.f32 v16, v18;
	v20 =	vsel vm1, $0xF0000001, v8;
	v18 =	vadd.s32 v19, v21  }
.LBB2_7:
0x26e: {  	s11 =	sand.u32 $0x3800, s9;
	s12 =	sand.u32 $0x380, s10;
	v19 =	vsel vm0, $0xF0000010, v8;
	vm0 =	vlt.f32 v16, v14;
	v14 =	vadd.s32 v20, v18  }
0x26f: {  	s11 =	sor.u32 s12, s11;
	v18 =	vsel vm0, $0xF0010000, v8;
	vm0 =	vlt.f32 v16, v17;
	v17 =	vadd.s32 v19, v14  }
0x270: {  	vm1 =	vlt.f32 v16, v15;
	s15 =	sor.u32 $0x8000, s11;
	s26 =	sor.u32 $0x14000, s11;
	s12 =	sor.u32 $0x8400, s11;
	v15 =	vsel vm0, $0xF1000000, v8;
	v17 =	vadd.s32 v18, v17  }
0x271: {  	vm0 =	vlt.f32 v16, v12;
	v12 =	vsel vm1, $0xF0100000, v8;
	v24 =	vld.idx.msk [tilespmem:v0+s12+$0x0], $0xffff;
	v15 =	vadd.s32 v15, v17  }
0x272: {  	v17 =	vsel vm0, $0xF0000100, v8;
	vm0 =	vlt.f32 v16, v13;
	v25 =	vld.idx.msk [tilespmem:v1+s12+$0x0], $0xffff;
	v12 =	vadd.s32 v12, v15  }
0x273: {  	v14 =	vand.u32 $0x4, v14;
	v13 =	vsel vm0, $0xF0001000, v8;
	v22 =	vld.idx.msk [tilespmem:v2+s12+$0x0], $0xffff;
	v12 =	vadd.s32 v17, v12  }
0x274: {  	vm5 =	veq.s32 v11, $0x0;
	vm0 =	veq.s32 v10, $0x0;
	v18 =	vld.idx.msk [tilespmem:v0+s15+$0x0], $0xffff;
	v12 =	vadd.s32 v13, v12  }
0x275: {  	vm1 =	veq.s32 v14, $0x0;
	v23 =	vld.idx.msk [tilespmem:v3+s12+$0x0], $0xffff;
	v10 =	vadd.s32 $0x76543210, v12  }
0x276: {  	s8 =	sadd.s32 $0x2, s8;
	v19 =	vld.idx.msk [tilespmem:v1+s15+$0x0], $0xffff;
	v13 =	vand.u32 $0x40, v10;
	v14 =	vand.u32 $0x400, v10;
	v15 =	vand.u32 $0x4000, v10  }
0x277: {  	p0 =	slt.u32 s8, $0x7E;
	v21 =	vand.u32 $0x40000, v10;
	v20 =	vand.u32 $0x400000, v10;
	v11 =	vand.u32 $0x4000000, v10;
	v12 =	vld.idx.msk [tilespmem:v2+s15+$0x0], $0xffff  }
0x278: {  	v10 =	vand.u32 $0x40000000, v10;
	vm4 =	veq.s32 v13, $0x0;
	vm2 =	veq.s32 v14, $0x0;
	v26 =	vld.idx.msk [tilespmem:v4+s12+$0x0], $0xffff  }
0x279: {  	vm6 =	vlt.f32 v25, v24;
	vm3 =	veq.s32 v15, $0x0;
	vm7 =	vlt.f32 v22, v24;
	v13 =	vld.idx.msk [tilespmem:v3+s15+$0x0], $0xffff  }
0x27a: {  	v16 =	vsel vm6, $0xFFFFFFF1, v8;
	vm6 =	vlt.f32 v22, v25;
	v17 =	vsel vm7, $0xFFFFFF01, v8;
	v14 =	vld.idx.msk [tilespmem:v4+s15+$0x0], $0xffff;
	[tilespmem:v6+s2+$0x0] =	vst.idx.msk vm5, v9  }
0x27b: {  	v27 =	vsel vm6, $0xFFFFFF10, v8;
	vm5 =	vlt.f32 v23, v24;
	v16 =	vadd.s32 v16, v17;
	v15 =	vld.idx.msk [tilespmem:v5+s15+$0x0], $0xffff  }
0x27c: {  	v29 =	vsel vm5, $0xFFFFF001, v8;
	vm5 =	vlt.f32 v23, v25;
	v16 =	vadd.s32 v27, v16;
	v28 =	vld.idx.msk [tilespmem:v5+s12+$0x0], $0xffff  }
0x27d: {  	v27 =	vsel vm5, $0xFFFFF010, v8;
	vm5 =	vlt.f32 v23, v22;
	v29 =	vadd.s32 v29, v16;
	v17 =	vld.idx.msk [tilespmem:v6+s15+$0x0], $0xffff  }
0x27e: {  	vm6 =	vlt.f32 v26, v24;
	v30 =	vsel vm5, $0xFFFFF100, v8;
	v27 =	vadd.s32 v27, v29;
	v16 =	vld.idx.msk [tilespmem:v7+s15+$0x0], $0xffff  }
0x27f: {  	vm5 =	vlt.f32 v26, v25;
	v29 =	vsel vm6, $0xFFFF0001, v8;
	v27 =	vadd.s32 v30, v27;
	[tilespmem:v0+s7+$0x0] =	vst.idx.msk vm1, v9  }
0x280: {  	v30 =	vsel vm5, $0xFFFF0010, v8;
	vm1 =	vlt.f32 v26, v22;
	v27 =	vadd.s32 v29, v27;
	[tilespmem:v1+s7+$0x0] =	vst.idx.msk vm4, v9  }
0x281: {  	v31 =	vsel vm1, $0xFFFF0100, v8;
	vm1 =	vlt.f32 v26, v23;
	v27 =	vadd.s32 v30, v27;
	v29 =	vld.idx.msk [tilespmem:v6+s12+$0x0], $0xffff  }
0x282: {  	vm4 =	vlt.f32 v28, v24;
	v30 =	vsel vm1, $0xFFFF1000, v8;
	v27 =	vadd.s32 v31, v27;
	[tilespmem:v2+s7+$0x0] =	vst.idx.msk vm2, v9  }
0x283: {  	vm1 =	vlt.f32 v28, v25;
	v31 =	vsel vm4, $0xFFF00001, v8;
	v27 =	vadd.s32 v30, v27;
	[tilespmem:v3+s7+$0x0] =	vst.idx.msk vm3, v9  }
0x284: {  	v30 =	vsel vm1, $0xFFF00010, v8;
	vm1 =	vlt.f32 v28, v22;
	v27 =	vadd.s32 v31, v27;
	[tilespmem:v7+s2+$0x0] =	vst.idx.msk vm0, v9;
	s2 =	smov.u32 s7;
	s7 =	smov.u32 s26  }
0x285: {  	v31 =	vsel vm1, $0xFFF00100, v8;
	vm0 =	vlt.f32 v28, v23;
	v27 =	vadd.s32 v30, v27  }
0x286: {  	v30 =	vsel vm0, $0xFFF01000, v8;
	vm0 =	vlt.f32 v28, v26;
	v27 =	vadd.s32 v31, v27  }
0x287: {  	vm1 =	vlt.f32 v29, v24;
	v32 =	vsel vm0, $0xFFF10000, v8;
	v27 =	vadd.s32 v30, v27;
	v31 =	vld.idx.msk [tilespmem:v7+s12+$0x0], $0xffff  }
0x288: {  	vm0 =	vlt.f32 v29, v25;
	v30 =	vsel vm1, $0xFF000001, v8;
	v27 =	vadd.s32 v32, v27  }
0x289: {  	v32 =	vsel vm0, $0xFF000010, v8;
	vm0 =	vlt.f32 v29, v28;
	v27 =	vadd.s32 v30, v27  }
0x28a: {  	vm1 =	vlt.f32 v29, v22;
	v30 =	vsel vm0, $0xFF100000, v8;
	v27 =	vadd.s32 v32, v27  }
0x28b: {  	vm0 =	vlt.f32 v29, v26;
	v32 =	vsel vm1, $0xFF000100, v8;
	v27 =	vadd.s32 v30, v27  }
0x28c: {  	vm1 =	vlt.f32 v29, v23;
	v30 =	vsel vm0, $0xFF010000, v8;
	v27 =	vadd.s32 v32, v27  }
0x28d: {  	vm0 =	vlt.f32 v31, v24;
	v24 =	vsel vm1, $0xFF001000, v8;
	v27 =	vadd.s32 v30, v27  }
0x28e: {  	v30 =	vsel vm0, $0xF0000001, v8;
	vm0 =	vlt.f32 v31, v25;
	v24 =	vadd.s32 v24, v27  }
0x28f: {  	v25 =	vsel vm0, $0xF0000010, v8;
	vm0 =	vlt.f32 v31, v26;
	v24 =	vadd.s32 v30, v24  }
0x290: {  	v26 =	vsel vm0, $0xF0010000, v8;
	vm0 =	vlt.f32 v31, v29;
	v25 =	vadd.s32 v25, v24  }
0x291: {  	vm1 =	vlt.f32 v31, v28;
	v27 =	vsel vm0, $0xF1000000, v8;
	v25 =	vadd.s32 v26, v25  }
0x292: {  	vm0 =	vlt.f32 v31, v22;
	v22 =	vsel vm1, $0xF0100000, v8;
	v25 =	vadd.s32 v27, v25  }
0x293: {  	v26 =	vsel vm0, $0xF0000100, v8;
	vm0 =	vlt.f32 v31, v23;
	v22 =	vadd.s32 v22, v25  }
0x294: {  	vm1 =	vlt.f32 v19, v18;
	v23 =	vsel vm0, $0xF0001000, v8;
	v22 =	vadd.s32 v26, v22  }
0x295: {  	v25 =	vsel vm1, $0xFFFFFFF1, v8;
	vm0 =	vlt.f32 v12, v18;
	v22 =	vadd.s32 v23, v22  }
0x296: {  	v24 =	vand.u32 $0x4, v24;
	v23 =	vsel vm0, $0xFFFFFF01, v8;
	v22 =	vadd.s32 $0x76543210, v22  }
0x297: {  	vm1 =	veq.s32 v24, $0x0;
	vm0 =	vlt.f32 v12, v19;
	v24 =	vand.u32 $0x40, v22  }
0x298: {  	v23 =	vadd.s32 v25, v23;
	vm2 =	veq.s32 v24, $0x0;
	v24 =	vand.u32 $0x400, v22  }
0x299: {  	v25 =	vsel vm0, $0xFFFFFF10, v8;
	vm0 =	veq.s32 v24, $0x0;
	v24 =	vand.u32 $0x4000, v22  }
0x29a: {  	vm3 =	vlt.f32 v13, v18;
	vm4 =	veq.s32 v24, $0x0;
	v24 =	vand.u32 $0x40000, v22  }
0x29b: {  	v23 =	vadd.s32 v25, v23;
	vm5 =	veq.s32 v24, $0x0;
	v24 =	vand.u32 $0x400000, v22  }
0x29c: {  	s11 =	sor.u32 $0x14400, s11;
	v25 =	vsel vm3, $0xFFFFF001, v8;
	vm3 =	veq.s32 v24, $0x0;
	v24 =	vand.u32 $0x4000000, v22  }
0x29d: {  	vm6 =	vlt.f32 v13, v19;
	v22 =	vand.u32 $0x40000000, v22;
	[tilespmem:v0+s11+$0x0] =	vst.idx.msk vm1, v9;
	vm1 =	veq.s32 v24, $0x0  }
0x29e: {  	v23 =	vadd.s32 v25, v23;
	v24 =	vsel vm6, $0xFFFFF010, v8;
	[tilespmem:v1+s11+$0x0] =	vst.idx.msk vm2, v9;
	vm2 =	veq.s32 v22, $0x0  }
0x29f: {  	vm6 =	vlt.f32 v13, v12;
	v22 =	vadd.s32 v24, v23;
	[tilespmem:v2+s11+$0x0] =	vst.idx.msk vm0, v9;
	vm0 =	veq.s32 v21, $0x0  }
0x2a0: {  	vm7 =	vlt.f32 v14, v18;
	vm8 =	vlt.f32 v14, v19;
	v21 =	vsel vm6, $0xFFFFF100, v8;
	[tilespmem:v3+s11+$0x0] =	vst.idx.msk vm4, v9  }
0x2a1: {  	v23 =	vsel vm7, $0xFFFF0001, v8;
	v24 =	vsel vm8, $0xFFFF0010, v8;
	v21 =	vadd.s32 v21, v22;
	[tilespmem:v4+s11+$0x0] =	vst.idx.msk vm5, v9  }
0x2a2: {  	vm4 =	vlt.f32 v14, v12;
	v21 =	vadd.s32 v23, v21;
	[tilespmem:v5+s11+$0x0] =	vst.idx.msk vm3, v9;
	vm3 =	veq.s32 v20, $0x0  }
0x2a3: {  	v20 =	vsel vm4, $0xFFFF0100, v8;
	vm4 =	vlt.f32 v14, v13;
	v21 =	vadd.s32 v24, v21;
	[tilespmem:v6+s11+$0x0] =	vst.idx.msk vm1, v9  }
0x2a4: {  	vm1 =	vlt.f32 v15, v18;
	v22 =	vsel vm4, $0xFFFF1000, v8;
	v20 =	vadd.s32 v20, v21;
	[tilespmem:v7+s11+$0x0] =	vst.idx.msk vm2, v9  }
0x2a5: {  	v21 =	vsel vm1, $0xFFF00001, v8;
	vm1 =	vlt.f32 v15, v19;
	v20 =	vadd.s32 v22, v20;
	[tilespmem:v4+s2+$0x0] =	vst.idx.msk vm0, v9  }
0x2a6: {  	v22 =	vsel vm1, $0xFFF00010, v8;
	vm0 =	vlt.f32 v15, v12;
	v20 =	vadd.s32 v21, v20  }
0x2a7: {  	v21 =	vsel vm0, $0xFFF00100, v8;
	vm0 =	vlt.f32 v15, v13;
	v20 =	vadd.s32 v22, v20  }
0x2a8: {  	v22 =	vsel vm0, $0xFFF01000, v8;
	vm0 =	vlt.f32 v15, v14;
	v20 =	vadd.s32 v21, v20;
	[tilespmem:v5+s2+$0x0] =	vst.idx.msk vm3, v9  }
0x2a9: {  	vm1 =	vlt.f32 v17, v18;
	v21 =	vsel vm0, $0xFFF10000, v8;
	v20 =	vadd.s32 v22, v20  }
0x2aa: {  	v22 =	vsel vm1, $0xFF000001, v8;
	vm0 =	vlt.f32 v17, v19;
	v20 =	vadd.s32 v21, v20  }
0x2ab: {  	v21 =	vsel vm0, $0xFF000010, v8;
	vm0 =	vlt.f32 v17, v15;
	v20 =	vadd.s32 v22, v20  }
.Ltmp2:
0x2ac: {  	vm1 =	vlt.f32 v17, v12;
	v22 =	vsel vm0, $0xFF100000, v8;
	v20 =	vadd.s32 v21, v20;
	(pc) =	sbr.rel @p0 .LBB2_7-.Ltmp2, $4  }
0x2ad: {  	vm0 =	vlt.f32 v17, v14;
	v21 =	vsel vm1, $0xFF000100, v8;
	v20 =	vadd.s32 v22, v20  }
0x2ae: {  	vm1 =	vlt.f32 v17, v13;
	v22 =	vsel vm0, $0xFF010000, v8;
	v20 =	vadd.s32 v21, v20  }
0x2af: {  	vm0 =	vlt.f32 v16, v18;
	v18 =	vsel vm1, $0xFF001000, v8;
	v21 =	vadd.s32 v22, v20  }
0x2b0: {  	s9 =	sadd.s32 $0x800, s9;
	s10 =	sadd.s32 $0x10, s10;
	v20 =	vsel vm0, $0xF0000001, v8;
	vm0 =	vlt.f32 v16, v19;
	v18 =	vadd.s32 v18, v21  }
0x2b1: {  	v19 =	vsel vm0, $0xF0000010, v8;
	vm6 =	vlt.f32 v16, v14;
	v54 =	vadd.s32 v20, v18  }
0x2b2: {  	vm7 =	vlt.f32 v16, v17;
	v55 =	vsel vm6, $0xF0010000, v8;
	v56 =	vadd.s32 v19, v54  }
0x2b3: {  	vm1 =	vlt.f32 v16, v15;
	v57 =	vsel vm7, $0xF1000000, v8;
	v17 =	vadd.s32 v55, v56  }
0x2b4: {  	vm8 =	vlt.f32 v16, v12;
	v58 =	vsel vm1, $0xF0100000, v8;
	v15 =	vadd.s32 v57, v17  }
0x2b5: {  	vm9 =	vlt.f32 v16, v13;
	v59 =	vsel vm8, $0xF0000100, v8;
	v12 =	vadd.s32 v58, v15  }
0x2b6: {  	v13 =	vsel vm9, $0xF0001000, v8;
	v12 =	vadd.s32 v59, v12  }
0x2b7: {  	vm10 =	veq.s32 v11, $0x0;
	v12 =	vadd.s32 v13, v12  }
0x2b8: {  	vm5 =	veq.s32 v10, $0x0;
	v60 =	vand.u32 $0x4, v54;
	v11 =	vadd.s32 $0x76543210, v12  }
0x2b9: {  	vm11 =	veq.s32 v60, $0x0;
	v12 =	vand.u32 $0x40, v11  }
0x2ba: {  	v61 =	vand.u32 $0x400, v11;
	vm2 =	veq.s32 v12, $0x0  }
0x2bb: {  	v62 =	vand.u32 $0x4000, v11;
	vm3 =	veq.s32 v61, $0x0  }
0x2bc: {  	v10 =	vand.u32 $0x40000, v11;
	vm4 =	veq.s32 v62, $0x0  }
0x2bd: {  	[tilespmem:v6+s2+$0x0] =	vst.idx.msk vm10, v9;
	v63 =	vand.u32 $0x400000, v11;
	vm12 =	veq.s32 v10, $0x0  }
0x2be: {  	[tilespmem:v7+s2+$0x0] =	vst.idx.msk vm5, v9;
	v10 =	vand.u32 $0x4000000, v11;
	vm13 =	veq.s32 v63, $0x0  }
0x2bf: {  	[tilespmem:v0+s7+$0x0] =	vst.idx.msk vm11, v9;
	v11 =	vand.u32 $0x40000000, v11;
	vm14 =	veq.s32 v10, $0x0  }
0x2c0: {  	vm15 =	veq.s32 v11, $0x0;
	[tilespmem:v1+s7+$0x0] =	vst.idx.msk vm2, v9  }
0x2c1: {  	[tilespmem:v2+s7+$0x0] =	vst.idx.msk vm3, v9  }
0x2c2: {  	p0 =	seq.s32 s29, $0x14;
	[tilespmem:v3+s7+$0x0] =	vst.idx.msk vm4, v9  }
.Ltmp3:
0x2c3: {  	[tilespmem:v4+s7+$0x0] =	vst.idx.msk vm12, v9;
	(pc) =	sbr.rel @p0 .LBB2_10-.Ltmp3, $4  }
0x2c4: {  	[tilespmem:v5+s7+$0x0] =	vst.idx.msk vm13, v9  }
0x2c5: {  	[tilespmem:v6+s7+$0x0] =	vst.idx.msk vm14, v9  }
0x2c6: {  	s0 =	sadd.s32 s4, s0;
	[tilespmem:v7+s7+$0x0] =	vst.idx.msk vm15, v9  }
0x2c7: {  	[hbm4b:s0+s5] =	stream.linear.scatter [tilespmem:s18], [sflag:$0x9], $0x4000, $0x38;
	[tilespmem:$0x18000] =	vst v63  }
0x2c8: {  	_ =	swait.ge [sflag:s25], $0x4000;
	s0 =	sor.u32 s30, s31  }
.Ltmp4:
0x2c9: {  	[sflag:s25] =	ssyncset.done $0x0;
	s0 =	sadd.s32 $0x2000, s0;
	(pc) =	sbr.rel .LBB2_2-.Ltmp4, $4  }
0x2ca: {  	[sflag:s25] =	ssyncadd.s32 $0xFFFFC000;
	s2 =	sadd.s32 s1, s0  }
0x2cb: {  	[tilespmem:s14], [sflag:$0x2] =	stream.linear.gather [hbm4b:s2+s5], $0x4000, $0x38;
	[tilespmem:$0x18000] =	vst v63  }
0x2cc: {  	s31 =	simm.s32 $0x4000;
	s29 =	sadd.s32 $0x1, s29;
	s0 =	sadd.s32 s3, s0  }
0x2cd: {  	[tilespmem:s31], [sflag:$0x5] =	stream.linear.gather [hbm4b:s0+s5], $0x4000, $0x38;
	[tilespmem:$0x18000] =	vst v63  }
.LBB2_10:
0x2ce: {  	_ =	swait.ge [sflag:s16], $0x4000  }
0x2cf: {  	[sflag:s16] =	ssyncset.done $0x0  }
0x2d0: {  	s0 =	simm.s32 $0x0;
	[sflag:s16] =	ssyncadd.s32 $0xFFFFC000  }
0x2d1: {  	s2 =	sand.u32 $0x3800, s0;
	s0 =	sand.u32 $0x380, s0;
	_ =	swait.ge [sflag:s17], $0x4000  }
0x2d2: {  	s0 =	sor.u32 s0, s2;
	[sflag:s17] =	ssyncset.done $0x0  }
0x2d3: {  	s2 =	sor.u32 $0x400, s0;
	[sflag:s17] =	ssyncadd.s32 $0xFFFFC000  }
0x2d4: {  	v10 =	vld.idx.msk [tilespmem:v0+s2+$0x0], $0xffff  }
0x2d5: {  	v11 =	vld.idx.msk [tilespmem:v1+s2+$0x0], $0xffff  }
0x2d6: {  	v12 =	vld.idx.msk [tilespmem:v2+s2+$0x0], $0xffff  }
0x2d7: {  	v13 =	vld.idx.msk [tilespmem:v3+s2+$0x0], $0xffff;
	_ =	sdelay $0x1  }
0x2d8: {  	v14 =	vld.idx.msk [tilespmem:v4+s2+$0x0], $0xffff  }
0x2d9: {  	vm0 =	vlt.f32 v11, v10  }
0x2da: {  	vm1 =	vlt.f32 v12, v10;
	v15 =	vsel vm0, $0xFFFFFFF1, v8  }
0x2db: {  	v16 =	vsel vm1, $0xFFFFFF01, v8;
	vm0 =	vlt.f32 v12, v11;
	vm1 =	vlt.f32 v13, v10  }
0x2dc: {  	v17 =	vsel vm0, $0xFFFFFF10, v8;
	v15 =	vadd.s32 v15, v16;
	vm0 =	vlt.f32 v13, v11  }
0x2dd: {  	v16 =	vld.idx.msk [tilespmem:v5+s2+$0x0], $0xffff;
	v18 =	vsel vm1, $0xFFFFF001, v8;
	vm1 =	vlt.f32 v14, v10;
	v15 =	vadd.s32 v17, v15  }
0x2de: {  	v17 =	vsel vm0, $0xFFFFF010, v8;
	vm0 =	vlt.f32 v13, v12;
	v15 =	vadd.s32 v18, v15  }
0x2df: {  	v18 =	vsel vm0, $0xFFFFF100, v8;
	vm0 =	vlt.f32 v14, v11;
	v15 =	vadd.s32 v17, v15  }
0x2e0: {  	v17 =	vsel vm1, $0xFFFF0001, v8;
	vm1 =	vlt.f32 v14, v12;
	v15 =	vadd.s32 v18, v15  }
0x2e1: {  	v18 =	vsel vm0, $0xFFFF0010, v8;
	vm0 =	vlt.f32 v14, v13;
	v15 =	vadd.s32 v17, v15  }
0x2e2: {  	v19 =	vld.idx.msk [tilespmem:v6+s2+$0x0], $0xffff;
	v17 =	vsel vm1, $0xFFFF0100, v8;
	vm1 =	vlt.f32 v16, v10;
	v15 =	vadd.s32 v18, v15  }
0x2e3: {  	v18 =	vsel vm0, $0xFFFF1000, v8;
	vm0 =	vlt.f32 v16, v11;
	v15 =	vadd.s32 v17, v15  }
0x2e4: {  	v17 =	vsel vm1, $0xFFF00001, v8;
	vm1 =	vlt.f32 v16, v13;
	v15 =	vadd.s32 v18, v15  }
0x2e5: {  	v18 =	vsel vm0, $0xFFF00010, v8;
	vm0 =	vlt.f32 v16, v12;
	v15 =	vadd.s32 v17, v15  }
0x2e6: {  	v17 =	vsel vm0, $0xFFF00100, v8;
	vm0 =	vlt.f32 v16, v14;
	v15 =	vadd.s32 v18, v15  }
0x2e7: {  	v18 =	vsel vm1, $0xFFF01000, v8;
	vm1 =	vlt.f32 v19, v10;
	v15 =	vadd.s32 v17, v15  }
0x2e8: {  	v20 =	vsel vm0, $0xFFF10000, v8;
	vm0 =	vlt.f32 v19, v11;
	v17 =	vld.idx.msk [tilespmem:v7+s2+$0x0], $0xffff;
	v15 =	vadd.s32 v18, v15  }
0x2e9: {  	v18 =	vsel vm1, $0xFF000001, v8;
	vm1 =	vlt.f32 v19, v12;
	v15 =	vadd.s32 v20, v15  }
0x2ea: {  	v20 =	vsel vm0, $0xFF000010, v8;
	vm0 =	vlt.f32 v19, v16;
	v15 =	vadd.s32 v18, v15  }
0x2eb: {  	v18 =	vsel vm0, $0xFF100000, v8;
	vm0 =	vlt.f32 v19, v14;
	v15 =	vadd.s32 v20, v15  }
0x2ec: {  	v20 =	vsel vm1, $0xFF000100, v8;
	vm1 =	vlt.f32 v19, v13;
	v15 =	vadd.s32 v18, v15  }
0x2ed: {  	v21 =	vld.idx.msk [tilespmem:v1+s0+$0x0], $0xffff;
	v18 =	vsel vm0, $0xFF010000, v8;
	vm0 =	vlt.f32 v17, v10;
	v15 =	vadd.s32 v20, v15  }
0x2ee: {  	v10 =	vld.idx.msk [tilespmem:v0+s0+$0x0], $0xffff;
	v20 =	vsel vm1, $0xFF001000, v8;
	vm1 =	vlt.f32 v17, v14;
	v15 =	vadd.s32 v18, v15  }
0x2ef: {  	v18 =	vsel vm0, $0xF0000001, v8;
	vm0 =	vlt.f32 v17, v11;
	v11 =	vadd.s32 v20, v15  }
0x2f0: {  	v15 =	vsel vm0, $0xF0000010, v8;
	vm0 =	vlt.f32 v17, v19;
	v11 =	vadd.s32 v18, v11  }
0x2f1: {  	v14 =	vld.idx.msk [tilespmem:v2+s0+$0x0], $0xffff;
	v18 =	vsel vm1, $0xF0010000, v8;
	vm1 =	vlt.f32 v17, v16;
	v16 =	vsel vm0, $0xF1000000, v8  }
0x2f2: {  	vm0 =	vlt.f32 v17, v12;
	v15 =	vadd.s32 v15, v11;
	v12 =	vsel vm1, $0xF0100000, v8  }
0x2f3: {  	vm1 =	vlt.f32 v21, v10;
	v11 =	vand.u32 $0x4, v11;
	v15 =	vadd.s32 v18, v15  }
0x2f4: {  	v18 =	vld.idx.msk [tilespmem:v5+s0+$0x0], $0xffff;
	v15 =	vadd.s32 v16, v15;
	v16 =	vsel vm0, $0xF0000100, v8;
	vm0 =	vlt.f32 v17, v13  }
0x2f5: {  	vm5 =	veq.s32 v11, $0x0;
	v13 =	vld.idx.msk [tilespmem:v3+s0+$0x0], $0xffff;
	v12 =	vadd.s32 v12, v15;
	v15 =	vsel vm0, $0xF0001000, v8  }
0x2f6: {  	v17 =	vld.idx.msk [tilespmem:v4+s0+$0x0], $0xffff;
	vm0 =	vlt.f32 v14, v10;
	v12 =	vadd.s32 v16, v12;
	v16 =	vsel vm1, $0xFFFFFFF1, v8  }
0x2f7: {  	v12 =	vadd.s32 v15, v12;
	v15 =	vsel vm0, $0xFFFFFF01, v8;
	vm0 =	vlt.f32 v14, v21  }
0x2f8: {  	v12 =	vadd.s32 $0x76543210, v12;
	v15 =	vadd.s32 v16, v15;
	v16 =	vsel vm0, $0xFFFFFF10, v8  }
0x2f9: {  	vm11 =	vlt.f32 v18, v10;
	vm12 =	vlt.f32 v18, v21;
	vm13 =	vlt.f32 v18, v14  }
0x2fa: {  	v11 =	vand.u32 $0x40, v12;
	vm0 =	vlt.f32 v13, v10;
	v15 =	vadd.s32 v16, v15  }
0x2fb: {  	vm6 =	vlt.f32 v13, v21;
	vm14 =	vlt.f32 v13, v14;
	vm7 =	vlt.f32 v17, v10  }
0x2fc: {  	vm15 =	vlt.f32 v17, v21;
	vm9 =	vlt.f32 v17, v14;
	vm10 =	vlt.f32 v17, v13  }
0x2fd: {  	vm4 =	veq.s32 v11, $0x0;
	v11 =	vand.u32 $0x400, v12;
	v16 =	vsel vm0, $0xFFFFF001, v8  }
0x2fe: {  	v19 =	vsel vm6, $0xFFFFF010, v8;
	v20 =	vsel vm10, $0xFFFF1000, v8;
	v15 =	vadd.s32 v16, v15  }
0x2ff: {  	vm3 =	veq.s32 v11, $0x0;
	v16 =	vsel vm14, $0xFFFFF100, v8;
	v15 =	vadd.s32 v19, v15  }
0x300: {  	v11 =	vand.u32 $0x4000, v12;
	v19 =	vsel vm7, $0xFFFF0001, v8;
	v15 =	vadd.s32 v16, v15  }
0x301: {  	vm2 =	veq.s32 v11, $0x0;
	v16 =	vsel vm15, $0xFFFF0010, v8;
	v15 =	vadd.s32 v19, v15  }
0x302: {  	v11 =	vand.u32 $0x40000, v12;
	v19 =	vsel vm9, $0xFFFF0100, v8;
	v15 =	vadd.s32 v16, v15  }
0x303: {  	vm14 =	vlt.f32 v18, v13;
	vm1 =	veq.s32 v11, $0x0;
	v16 =	vld.idx.msk [tilespmem:v6+s0+$0x0], $0xffff;
	v15 =	vadd.s32 v19, v15  }
0x304: {  	v11 =	vand.u32 $0x400000, v12;
	v19 =	vsel vm11, $0xFFF00001, v8;
	v15 =	vadd.s32 v20, v15  }
0x305: {  	vm15 =	vlt.f32 v18, v17;
	v20 =	vsel vm12, $0xFFF00010, v8;
	v15 =	vadd.s32 v19, v15  }
0x306: {  	vm0 =	veq.s32 v11, $0x0;
	v19 =	vsel vm13, $0xFFF00100, v8;
	v15 =	vadd.s32 v20, v15  }
0x307: {  	v11 =	vand.u32 $0x4000000, v12;
	v20 =	vsel vm14, $0xFFF01000, v8;
	v15 =	vadd.s32 v19, v15  }
0x308: {  	vm9 =	vlt.f32 v16, v10;
	v19 =	vsel vm15, $0xFFF10000, v8;
	v15 =	vadd.s32 v20, v15  }
0x309: {  	vm10 =	vlt.f32 v16, v21;
	v20 =	vld.idx.msk [tilespmem:v7+s0+$0x0], $0xffff;
	v22 =	vsel vm9, $0xFF000001, v8;
	v15 =	vadd.s32 v19, v15  }
0x30a: {  	vm11 =	vlt.f32 v16, v18;
	v19 =	vsel vm10, $0xFF000010, v8;
	v15 =	vadd.s32 v22, v15  }
0x30b: {  	vm12 =	vlt.f32 v16, v14;
	v22 =	vsel vm11, $0xFF100000, v8;
	v15 =	vadd.s32 v19, v15  }
0x30c: {  	vm13 =	vlt.f32 v16, v17;
	v19 =	vsel vm12, $0xFF000100, v8;
	v15 =	vadd.s32 v22, v15  }
0x30d: {  	vm14 =	vlt.f32 v16, v13;
	v22 =	vsel vm13, $0xFF010000, v8;
	v15 =	vadd.s32 v19, v15  }
0x30e: {  	vm15 =	vlt.f32 v20, v10;
	v10 =	vsel vm14, $0xFF001000, v8;
	v15 =	vadd.s32 v22, v15  }
0x30f: {  	vm9 =	vlt.f32 v20, v21;
	v19 =	vsel vm15, $0xF0000001, v8;
	v10 =	vadd.s32 v10, v15  }
0x310: {  	s29 =	simm.s32 $0x800;
	s7 =	simm.s32 $0x10;
	vm10 =	vlt.f32 v20, v17;
	v15 =	vsel vm9, $0xF0000010, v8;
	v10 =	vadd.s32 v19, v10  }
0x311: {  	s7 =	sand.u32 $0x380, s7;
	s2 =	sand.u32 $0x3800, s29;
	vm11 =	vlt.f32 v20, v16;
	v17 =	vsel vm10, $0xF0010000, v8;
	v15 =	vadd.s32 v15, v10  }
0x312: {  	s2 =	sor.u32 s7, s2;
	vm12 =	vlt.f32 v20, v18;
	v16 =	vsel vm11, $0xF1000000, v8;
	v15 =	vadd.s32 v17, v15  }
0x313: {  	s7 =	sor.u32 $0x400, s2;
	vm13 =	vlt.f32 v20, v14;
	v14 =	vsel vm12, $0xF0100000, v8;
	v15 =	vadd.s32 v16, v15  }
0x314: {  	s30 =	sor.u32 $0xC400, s0;
	v18 =	vld.idx.msk [tilespmem:v0+s7+$0x0], $0xffff;
	vm14 =	vlt.f32 v20, v13;
	v16 =	vsel vm13, $0xF0000100, v8;
	v13 =	vadd.s32 v14, v15  }
0x315: {  	[tilespmem:v0+s30+$0x0] =	vst.idx.msk vm5, v9;
	vm7 =	veq.s32 v11, $0x0;
	v11 =	vsel vm14, $0xF0001000, v8;
	v14 =	vld.idx.msk [tilespmem:v1+s7+$0x0], $0xffff;
	v13 =	vadd.s32 v16, v13  }
0x316: {  	v12 =	vand.u32 $0x40000000, v12;
	[tilespmem:v1+s30+$0x0] =	vst.idx.msk vm4, v9;
	v10 =	vand.u32 $0x4, v10;
	v15 =	vld.idx.msk [tilespmem:v2+s7+$0x0], $0xffff;
	v11 =	vadd.s32 v11, v13  }
0x317: {  	[tilespmem:v2+s30+$0x0] =	vst.idx.msk vm3, v9;
	vm10 =	veq.s32 v12, $0x0;
	vm8 =	veq.s32 v10, $0x0;
	v12 =	vadd.s32 $0x76543210, v11  }
0x318: {  	[tilespmem:v3+s30+$0x0] =	vst.idx.msk vm2, v9;
	v13 =	vld.idx.msk [tilespmem:v3+s7+$0x0], $0xffff;
	v10 =	vand.u32 $0x40, v12;
	v19 =	vand.u32 $0x400, v12;
	v20 =	vand.u32 $0x4000, v12  }
0x319: {  	[tilespmem:v4+s30+$0x0] =	vst.idx.msk vm1, v9;
	v17 =	vand.u32 $0x40000, v12;
	v16 =	vand.u32 $0x400000, v12;
	v11 =	vand.u32 $0x4000000, v12  }
0x31a: {  	[tilespmem:v5+s30+$0x0] =	vst.idx.msk vm0, v9;
	vm11 =	veq.s32 v10, $0x0;
	vm9 =	veq.s32 v19, $0x0;
	v10 =	vand.u32 $0x40000000, v12  }
0x31b: {  	v12 =	vld.idx.msk [tilespmem:v4+s7+$0x0], $0xffff;
	vm12 =	vlt.f32 v14, v18;
	vm13 =	vlt.f32 v15, v18;
	vm6 =	veq.s32 v20, $0x0  }
0x31c: {  	[tilespmem:v6+s30+$0x0] =	vst.idx.msk vm7, v9;
	vm7 =	veq.s32 v17, $0x0;
	v19 =	vsel vm12, $0xFFFFFFF1, v8;
	vm12 =	vlt.f32 v15, v14  }
0x31d: {  	v20 =	vsel vm13, $0xFFFFFF01, v8;
	vm13 =	vlt.f32 v13, v18;
	v21 =	vsel vm12, $0xFFFFFF10, v8  }
0x31e: {  	v19 =	vadd.s32 v19, v20;
	vm12 =	vlt.f32 v13, v14;
	v20 =	vsel vm13, $0xFFFFF001, v8  }
0x31f: {  	v19 =	vadd.s32 v21, v19;
	v21 =	vld.idx.msk [tilespmem:v5+s7+$0x0], $0xffff;
	v22 =	vsel vm12, $0xFFFFF010, v8;
	vm12 =	vlt.f32 v13, v15  }
0x320: {  	v19 =	vadd.s32 v20, v19;
	v20 =	vsel vm12, $0xFFFFF100, v8;
	vm13 =	vlt.f32 v12, v18  }
0x321: {  	v19 =	vadd.s32 v22, v19;
	vm12 =	vlt.f32 v12, v14;
	v22 =	vsel vm13, $0xFFFF0001, v8  }
0x322: {  	v19 =	vadd.s32 v20, v19;
	v20 =	vsel vm12, $0xFFFF0010, v8;
	vm12 =	vlt.f32 v12, v15  }
0x323: {  	v19 =	vadd.s32 v22, v19;
	v22 =	vsel vm12, $0xFFFF0100, v8;
	vm12 =	vlt.f32 v12, v13  }
0x324: {  	v19 =	vadd.s32 v20, v19;
	v20 =	vld.idx.msk [tilespmem:v6+s7+$0x0], $0xffff;
	vm13 =	vlt.f32 v21, v18;
	v23 =	vsel vm12, $0xFFFF1000, v8  }
0x325: {  	vm12 =	vlt.f32 v21, v14;
	v19 =	vadd.s32 v22, v19;
	v22 =	vsel vm13, $0xFFF00001, v8  }
0x326: {  	v19 =	vadd.s32 v23, v19;
	v23 =	vsel vm12, $0xFFF00010, v8;
	vm12 =	vlt.f32 v21, v15  }
0x327: {  	s0 =	sor.u32 $0xC000, s0;
	v19 =	vadd.s32 v22, v19;
	v22 =	vsel vm12, $0xFFF00100, v8;
	vm12 =	vlt.f32 v21, v13  }
0x328: {  	[tilespmem:v0+s0+$0x0] =	vst.idx.msk vm8, v9;
	vm8 =	veq.s32 v16, $0x0;
	v19 =	vadd.s32 v23, v19;
	v23 =	vsel vm12, $0xFFF01000, v8  }
0x329: {  	vm12 =	vlt.f32 v21, v12;
	v19 =	vadd.s32 v22, v19;
	vm13 =	vlt.f32 v20, v18  }
0x32a: {  	v22 =	vsel vm12, $0xFFF10000, v8;
	vm12 =	vlt.f32 v20, v14;
	v19 =	vadd.s32 v23, v19;
	v23 =	vld.idx.msk [tilespmem:v7+s7+$0x0], $0xffff  }
0x32b: {  	v24 =	vsel vm13, $0xFF000001, v8;
	vm13 =	vlt.f32 v20, v15;
	v19 =	vadd.s32 v22, v19  }
0x32c: {  	v22 =	vsel vm12, $0xFF000010, v8;
	vm12 =	vlt.f32 v20, v21;
	v19 =	vadd.s32 v24, v19  }
0x32d: {  	v60 =	vsel vm12, $0xFF100000, v8;
	vm12 =	vlt.f32 v20, v12;
	v19 =	vadd.s32 v22, v19  }
0x32e: {  	v22 =	vsel vm13, $0xFF000100, v8;
	vm13 =	vlt.f32 v20, v13;
	v19 =	vadd.s32 v60, v19  }
0x32f: {  	v61 =	vsel vm12, $0xFF010000, v8;
	v19 =	vadd.s32 v22, v19;
	vm12 =	vlt.f32 v23, v18  }
0x330: {  	v18 =	vsel vm13, $0xFF001000, v8;
	vm13 =	vlt.f32 v23, v21;
	v22 =	vadd.s32 v61, v19;
	v19 =	vld.idx.msk [tilespmem:v0+s2+$0x0], $0xffff  }
0x331: {  	v62 =	vsel vm12, $0xF0000001, v8;
	vm12 =	vlt.f32 v23, v14;
	v14 =	vadd.s32 v18, v22;
	v18 =	vld.idx.msk [tilespmem:v1+s2+$0x0], $0xffff  }
0x332: {  	v22 =	vsel vm12, $0xF0000010, v8;
	vm12 =	vlt.f32 v23, v12;
	v12 =	vld.idx.msk [tilespmem:v2+s2+$0x0], $0xffff;
	v14 =	vadd.s32 v62, v14  }
0x333: {  	v63 =	vsel vm12, $0xF0010000, v8;
	vm12 =	vlt.f32 v23, v20;
	v20 =	vadd.s32 v22, v14  }
0x334: {  	v21 =	vsel vm12, $0xF1000000, v8;
	vm12 =	vlt.f32 v23, v15;
	v20 =	vadd.s32 v63, v20  }
0x335: {  	v15 =	vsel vm13, $0xF0100000, v8;
	v14 =	vand.u32 $0x4, v14;
	v20 =	vadd.s32 v21, v20  }
0x336: {  	v21 =	vsel vm12, $0xF0000100, v8;
	vm12 =	vlt.f32 v23, v13;
	v13 =	vadd.s32 v15, v20  }
0x337: {  	vm13 =	vlt.f32 v18, v19;
	v15 =	vsel vm12, $0xF0001000, v8;
	vm12 =	vlt.f32 v12, v19  }
0x338: {  	vm14 =	vlt.f32 v12, v18;
	v20 =	vadd.s32 v21, v13;
	v21 =	vsel vm13, $0xFFFFFFF1, v8  }
0x339: {  	v13 =	vld.idx.msk [tilespmem:v3+s2+$0x0], $0xffff;
	v15 =	vadd.s32 v15, v20;
	v20 =	vsel vm12, $0xFFFFFF01, v8;
	vm12 =	veq.s32 v14, $0x0  }
0x33a: {  	v15 =	vadd.s32 $0x76543210, v15;
	v20 =	vadd.s32 v21, v20;
	v21 =	vsel vm14, $0xFFFFFF10, v8  }
0x33b: {  	v14 =	vand.u32 $0x40, v15;
	v22 =	vand.u32 $0x4000, v15;
	v20 =	vadd.s32 v21, v20  }
0x33c: {  	v21 =	vand.u32 $0x400000, v15;
	vm13 =	veq.s32 v14, $0x0;
	v14 =	vand.u32 $0x400, v15  }
0x33d: {  	vm4 =	veq.s32 v22, $0x0;
	v22 =	vand.u32 $0x40000, v15;
	vm5 =	veq.s32 v14, $0x0;
	v14 =	vld.idx.msk [tilespmem:v4+s2+$0x0], $0xffff  }
0x33e: {  	vm2 =	veq.s32 v21, $0x0;
	v21 =	vand.u32 $0x4000000, v15;
	vm14 =	vlt.f32 v13, v19  }
0x33f: {  	vm3 =	veq.s32 v22, $0x0;
	vm1 =	veq.s32 v21, $0x0;
	v21 =	vand.u32 $0x40000000, v15  }
0x340: {  	v22 =	vsel vm14, $0xFFFFF001, v8;
	vm14 =	vlt.f32 v13, v18;
	vm0 =	veq.s32 v21, $0x0  }
0x341: {  	v15 =	vld.idx.msk [tilespmem:v5+s2+$0x0], $0xffff;
	v23 =	vsel vm14, $0xFFFFF010, v8;
	v20 =	vadd.s32 v22, v20;
	vm14 =	vlt.f32 v13, v12  }
0x342: {  	v21 =	vsel vm14, $0xFFFFF100, v8;
	v20 =	vadd.s32 v23, v20;
	vm15 =	vlt.f32 v14, v19  }
0x343: {  	[tilespmem:v7+s30+$0x0] =	vst.idx.msk vm10, v9;
	v20 =	vadd.s32 v21, v20;
	vm14 =	vlt.f32 v14, v18;
	v22 =	vsel vm15, $0xFFFF0001, v8  }
0x344: {  	v16 =	vld.idx.msk [tilespmem:v6+s2+$0x0], $0xffff;
	v17 =	vsel vm14, $0xFFFF0010, v8;
	vm15 =	vlt.f32 v14, v12;
	v20 =	vadd.s32 v22, v20  }
0x345: {  	[tilespmem:v1+s0+$0x0] =	vst.idx.msk vm11, v9;
	vm14 =	vlt.f32 v14, v13;
	v21 =	vsel vm15, $0xFFFF0100, v8;
	v17 =	vadd.s32 v17, v20  }
0x346: {  	[tilespmem:v2+s0+$0x0] =	vst.idx.msk vm9, v9;
	vm15 =	vlt.f32 v15, v19;
	v20 =	vsel vm14, $0xFFFF1000, v8;
	v17 =	vadd.s32 v21, v17  }
0x347: {  	s31 =	sor.u32 $0xC400, s2;
	[tilespmem:v3+s0+$0x0] =	vst.idx.msk vm6, v9;
	vm10 =	vlt.f32 v15, v18;
	v21 =	vsel vm15, $0xFFF00001, v8;
	v17 =	vadd.s32 v20, v17  }
0x348: {  	[tilespmem:v0+s31+$0x0] =	vst.idx.msk vm12, v9;
	vm11 =	vlt.f32 v15, v12;
	v20 =	vsel vm10, $0xFFF00010, v8;
	v17 =	vadd.s32 v21, v17  }
0x349: {  	[tilespmem:v1+s31+$0x0] =	vst.idx.msk vm13, v9;
	vm12 =	vlt.f32 v15, v13;
	v21 =	vsel vm11, $0xFFF00100, v8;
	v20 =	vadd.s32 v20, v17  }
0x34a: {  	vm13 =	vlt.f32 v15, v14;
	[tilespmem:v2+s31+$0x0] =	vst.idx.msk vm5, v9;
	v22 =	vsel vm12, $0xFFF01000, v8;
	v20 =	vadd.s32 v21, v20  }
0x34b: {  	[tilespmem:v3+s31+$0x0] =	vst.idx.msk vm4, v9;
	vm14 =	vlt.f32 v16, v19;
	v21 =	vsel vm13, $0xFFF10000, v8;
	v20 =	vadd.s32 v22, v20  }
0x34c: {  	vm15 =	vlt.f32 v16, v18;
	v17 =	vld.idx.msk [tilespmem:v7+s2+$0x0], $0xffff;
	v22 =	vsel vm14, $0xFF000001, v8;
	v20 =	vadd.s32 v21, v20  }
0x34d: {  	[tilespmem:v4+s31+$0x0] =	vst.idx.msk vm3, v9;
	vm3 =	vlt.f32 v16, v15;
	v21 =	vsel vm15, $0xFF000010, v8;
	v20 =	vadd.s32 v22, v20  }
0x34e: {  	[tilespmem:v5+s31+$0x0] =	vst.idx.msk vm2, v9;
	vm2 =	vlt.f32 v16, v12;
	v22 =	vsel vm3, $0xFF100000, v8;
	v20 =	vadd.s32 v21, v20  }
0x34f: {  	[tilespmem:v6+s31+$0x0] =	vst.idx.msk vm1, v9;
	vm1 =	vlt.f32 v16, v14;
	v21 =	vsel vm2, $0xFF000100, v8;
	v20 =	vadd.s32 v22, v20  }
0x350: {  	[tilespmem:v7+s31+$0x0] =	vst.idx.msk vm0, v9;
	vm0 =	vlt.f32 v16, v13;
	v22 =	vsel vm1, $0xFF010000, v8;
	v20 =	vadd.s32 v21, v20  }
0x351: {  	s8 =	simm.s32 $0x1000;
	[tilespmem:v4+s0+$0x0] =	vst.idx.msk vm7, v9;
	vm1 =	vlt.f32 v17, v19;
	v19 =	vsel vm0, $0xFF001000, v8;
	v21 =	vadd.s32 v22, v20  }
0x352: {  	s9 =	simm.s32 $0x20;
	[tilespmem:v5+s0+$0x0] =	vst.idx.msk vm8, v9;
	s7 =	simm.s32 $0x2;
	s2 =	sor.u32 $0xC000, s2;
	vm0 =	vlt.f32 v17, v18;
	v20 =	vsel vm1, $0xF0000001, v8;
	v18 =	vadd.s32 v19, v21  }
.LBB2_11:
0x353: {  	s10 =	sand.u32 $0x3800, s8;
	s11 =	sand.u32 $0x380, s9;
	v19 =	vsel vm0, $0xF0000010, v8;
	vm0 =	vlt.f32 v17, v14;
	v14 =	vadd.s32 v20, v18  }
0x354: {  	s10 =	sor.u32 s11, s10;
	v20 =	vsel vm0, $0xF0010000, v8;
	vm0 =	vlt.f32 v17, v16;
	v16 =	vadd.s32 v19, v14  }
0x355: {  	vm1 =	vlt.f32 v17, v15;
	v18 =	vld.idx.msk [tilespmem:v0+s10+$0x0], $0xffff;
	s12 =	sor.u32 $0xC000, s10;
	s11 =	sor.u32 $0x400, s10;
	v15 =	vsel vm0, $0xF1000000, v8;
	v16 =	vadd.s32 v20, v16  }
0x356: {  	vm0 =	vlt.f32 v17, v12;
	v12 =	vsel vm1, $0xF0100000, v8;
	v24 =	vld.idx.msk [tilespmem:v0+s11+$0x0], $0xffff;
	v15 =	vadd.s32 v15, v16  }
0x357: {  	v16 =	vsel vm0, $0xF0000100, v8;
	vm0 =	vlt.f32 v17, v13;
	v25 =	vld.idx.msk [tilespmem:v1+s11+$0x0], $0xffff;
	v12 =	vadd.s32 v12, v15  }
0x358: {  	v14 =	vand.u32 $0x4, v14;
	v13 =	vsel vm0, $0xF0001000, v8;
	v22 =	vld.idx.msk [tilespmem:v2+s11+$0x0], $0xffff;
	v12 =	vadd.s32 v16, v12  }
0x359: {  	vm5 =	veq.s32 v11, $0x0;
	vm0 =	veq.s32 v10, $0x0;
	v19 =	vld.idx.msk [tilespmem:v1+s10+$0x0], $0xffff;
	v12 =	vadd.s32 v13, v12  }
0x35a: {  	vm1 =	veq.s32 v14, $0x0;
	v23 =	vld.idx.msk [tilespmem:v3+s11+$0x0], $0xffff;
	v10 =	vadd.s32 $0x76543210, v12  }
0x35b: {  	s7 =	sadd.s32 $0x2, s7;
	v12 =	vld.idx.msk [tilespmem:v2+s10+$0x0], $0xffff;
	v14 =	vand.u32 $0x40, v10;
	v15 =	vand.u32 $0x400, v10;
	v16 =	vand.u32 $0x4000, v10  }
0x35c: {  	p0 =	slt.u32 s7, $0x7E;
	v21 =	vand.u32 $0x40000, v10;
	v20 =	vand.u32 $0x400000, v10;
	v11 =	vand.u32 $0x4000000, v10;
	v13 =	vld.idx.msk [tilespmem:v3+s10+$0x0], $0xffff  }
0x35d: {  	v10 =	vand.u32 $0x40000000, v10;
	vm4 =	veq.s32 v14, $0x0;
	vm3 =	veq.s32 v15, $0x0;
	v26 =	vld.idx.msk [tilespmem:v4+s11+$0x0], $0xffff  }
0x35e: {  	vm6 =	vlt.f32 v25, v24;
	vm2 =	veq.s32 v16, $0x0;
	vm7 =	vlt.f32 v22, v24;
	v14 =	vld.idx.msk [tilespmem:v4+s10+$0x0], $0xffff  }
0x35f: {  	v17 =	vsel vm6, $0xFFFFFFF1, v8;
	vm6 =	vlt.f32 v22, v25;
	v27 =	vsel vm7, $0xFFFFFF01, v8;
	v15 =	vld.idx.msk [tilespmem:v5+s10+$0x0], $0xffff;
	[tilespmem:v6+s0+$0x0] =	vst.idx.msk vm5, v9  }
0x360: {  	v28 =	vsel vm6, $0xFFFFFF10, v8;
	vm5 =	vlt.f32 v23, v24;
	v17 =	vadd.s32 v17, v27;
	v16 =	vld.idx.msk [tilespmem:v6+s10+$0x0], $0xffff  }
0x361: {  	v29 =	vsel vm5, $0xFFFFF001, v8;
	vm5 =	vlt.f32 v23, v25;
	v28 =	vadd.s32 v28, v17;
	v27 =	vld.idx.msk [tilespmem:v5+s11+$0x0], $0xffff  }
0x362: {  	v30 =	vsel vm5, $0xFFFFF010, v8;
	vm5 =	vlt.f32 v23, v22;
	v28 =	vadd.s32 v29, v28;
	v17 =	vld.idx.msk [tilespmem:v7+s10+$0x0], $0xffff  }
0x363: {  	vm6 =	vlt.f32 v26, v24;
	v29 =	vsel vm5, $0xFFFFF100, v8;
	v28 =	vadd.s32 v30, v28;
	[tilespmem:v0+s2+$0x0] =	vst.idx.msk vm1, v9  }
0x364: {  	v30 =	vsel vm6, $0xFFFF0001, v8;
	vm1 =	vlt.f32 v26, v25;
	v28 =	vadd.s32 v29, v28;
	[tilespmem:v1+s2+$0x0] =	vst.idx.msk vm4, v9  }
0x365: {  	v29 =	vsel vm1, $0xFFFF0010, v8;
	vm1 =	vlt.f32 v26, v22;
	v28 =	vadd.s32 v30, v28;
	[tilespmem:v2+s2+$0x0] =	vst.idx.msk vm3, v9  }
0x366: {  	v31 =	vsel vm1, $0xFFFF0100, v8;
	vm1 =	vlt.f32 v26, v23;
	v28 =	vadd.s32 v29, v28;
	v30 =	vld.idx.msk [tilespmem:v6+s11+$0x0], $0xffff  }
0x367: {  	vm3 =	vlt.f32 v27, v24;
	v29 =	vsel vm1, $0xFFFF1000, v8;
	v28 =	vadd.s32 v31, v28;
	[tilespmem:v3+s2+$0x0] =	vst.idx.msk vm2, v9  }
0x368: {  	vm1 =	vlt.f32 v27, v25;
	v31 =	vsel vm3, $0xFFF00001, v8;
	v28 =	vadd.s32 v29, v28;
	[tilespmem:v7+s0+$0x0] =	vst.idx.msk vm0, v9;
	s0 =	smov.u32 s2;
	s2 =	smov.u32 s12  }
0x369: {  	v29 =	vsel vm1, $0xFFF00010, v8;
	vm0 =	vlt.f32 v27, v22;
	v28 =	vadd.s32 v31, v28  }
0x36a: {  	v31 =	vsel vm0, $0xFFF00100, v8;
	vm0 =	vlt.f32 v27, v23;
	v28 =	vadd.s32 v29, v28  }
0x36b: {  	v29 =	vsel vm0, $0xFFF01000, v8;
	vm0 =	vlt.f32 v27, v26;
	v28 =	vadd.s32 v31, v28  }
0x36c: {  	vm1 =	vlt.f32 v30, v24;
	v32 =	vsel vm0, $0xFFF10000, v8;
	v28 =	vadd.s32 v29, v28;
	v31 =	vld.idx.msk [tilespmem:v7+s11+$0x0], $0xffff  }
0x36d: {  	vm0 =	vlt.f32 v30, v25;
	v29 =	vsel vm1, $0xFF000001, v8;
	v28 =	vadd.s32 v32, v28  }
0x36e: {  	v32 =	vsel vm0, $0xFF000010, v8;
	vm0 =	vlt.f32 v30, v27;
	v28 =	vadd.s32 v29, v28  }
0x36f: {  	vm1 =	vlt.f32 v30, v22;
	v29 =	vsel vm0, $0xFF100000, v8;
	v28 =	vadd.s32 v32, v28  }
0x370: {  	vm0 =	vlt.f32 v30, v26;
	v32 =	vsel vm1, $0xFF000100, v8;
	v28 =	vadd.s32 v29, v28  }
0x371: {  	vm1 =	vlt.f32 v30, v23;
	v29 =	vsel vm0, $0xFF010000, v8;
	v28 =	vadd.s32 v32, v28  }
0x372: {  	vm0 =	vlt.f32 v31, v24;
	v24 =	vsel vm1, $0xFF001000, v8;
	v28 =	vadd.s32 v29, v28  }
0x373: {  	v29 =	vsel vm0, $0xF0000001, v8;
	vm0 =	vlt.f32 v31, v25;
	v24 =	vadd.s32 v24, v28  }
0x374: {  	v25 =	vsel vm0, $0xF0000010, v8;
	vm0 =	vlt.f32 v31, v26;
	v24 =	vadd.s32 v29, v24  }
0x375: {  	v26 =	vsel vm0, $0xF0010000, v8;
	vm0 =	vlt.f32 v31, v30;
	v25 =	vadd.s32 v25, v24  }
0x376: {  	vm1 =	vlt.f32 v31, v27;
	v27 =	vsel vm0, $0xF1000000, v8;
	v25 =	vadd.s32 v26, v25  }
0x377: {  	vm0 =	vlt.f32 v31, v22;
	v22 =	vsel vm1, $0xF0100000, v8;
	v25 =	vadd.s32 v27, v25  }
0x378: {  	v26 =	vsel vm0, $0xF0000100, v8;
	vm0 =	vlt.f32 v31, v23;
	v22 =	vadd.s32 v22, v25  }
0x379: {  	vm1 =	vlt.f32 v19, v18;
	v23 =	vsel vm0, $0xF0001000, v8;
	v22 =	vadd.s32 v26, v22  }
0x37a: {  	v25 =	vsel vm1, $0xFFFFFFF1, v8;
	vm0 =	vlt.f32 v12, v18;
	v22 =	vadd.s32 v23, v22  }
0x37b: {  	v24 =	vand.u32 $0x4, v24;
	v23 =	vsel vm0, $0xFFFFFF01, v8;
	v22 =	vadd.s32 $0x76543210, v22  }
0x37c: {  	vm1 =	veq.s32 v24, $0x0;
	vm0 =	vlt.f32 v12, v19;
	v24 =	vand.u32 $0x40, v22  }
0x37d: {  	v23 =	vadd.s32 v25, v23;
	vm2 =	veq.s32 v24, $0x0;
	v24 =	vand.u32 $0x400, v22  }
0x37e: {  	v25 =	vsel vm0, $0xFFFFFF10, v8;
	vm0 =	veq.s32 v24, $0x0;
	v24 =	vand.u32 $0x4000, v22  }
0x37f: {  	vm3 =	vlt.f32 v13, v18;
	vm4 =	veq.s32 v24, $0x0;
	v24 =	vand.u32 $0x40000, v22  }
0x380: {  	v23 =	vadd.s32 v25, v23;
	vm5 =	veq.s32 v24, $0x0;
	v24 =	vand.u32 $0x400000, v22  }
0x381: {  	s10 =	sor.u32 $0xC400, s10;
	v25 =	vsel vm3, $0xFFFFF001, v8;
	vm3 =	veq.s32 v24, $0x0;
	v24 =	vand.u32 $0x4000000, v22  }
0x382: {  	vm6 =	vlt.f32 v13, v19;
	v22 =	vand.u32 $0x40000000, v22;
	[tilespmem:v0+s10+$0x0] =	vst.idx.msk vm1, v9;
	vm1 =	veq.s32 v24, $0x0  }
0x383: {  	v23 =	vadd.s32 v25, v23;
	v24 =	vsel vm6, $0xFFFFF010, v8;
	[tilespmem:v1+s10+$0x0] =	vst.idx.msk vm2, v9;
	vm2 =	veq.s32 v22, $0x0  }
0x384: {  	vm6 =	vlt.f32 v13, v12;
	v22 =	vadd.s32 v24, v23;
	[tilespmem:v2+s10+$0x0] =	vst.idx.msk vm0, v9;
	vm0 =	veq.s32 v21, $0x0  }
0x385: {  	vm7 =	vlt.f32 v14, v18;
	vm8 =	vlt.f32 v14, v19;
	v21 =	vsel vm6, $0xFFFFF100, v8;
	[tilespmem:v3+s10+$0x0] =	vst.idx.msk vm4, v9  }
0x386: {  	v23 =	vsel vm7, $0xFFFF0001, v8;
	v24 =	vsel vm8, $0xFFFF0010, v8;
	v21 =	vadd.s32 v21, v22;
	[tilespmem:v4+s10+$0x0] =	vst.idx.msk vm5, v9  }
0x387: {  	vm4 =	vlt.f32 v14, v12;
	v21 =	vadd.s32 v23, v21;
	[tilespmem:v5+s10+$0x0] =	vst.idx.msk vm3, v9;
	vm3 =	veq.s32 v20, $0x0  }
0x388: {  	v20 =	vsel vm4, $0xFFFF0100, v8;
	vm4 =	vlt.f32 v14, v13;
	v21 =	vadd.s32 v24, v21;
	[tilespmem:v6+s10+$0x0] =	vst.idx.msk vm1, v9  }
0x389: {  	vm1 =	vlt.f32 v15, v18;
	v22 =	vsel vm4, $0xFFFF1000, v8;
	v20 =	vadd.s32 v20, v21;
	[tilespmem:v7+s10+$0x0] =	vst.idx.msk vm2, v9  }
0x38a: {  	v21 =	vsel vm1, $0xFFF00001, v8;
	vm1 =	vlt.f32 v15, v19;
	v20 =	vadd.s32 v22, v20;
	[tilespmem:v4+s0+$0x0] =	vst.idx.msk vm0, v9  }
0x38b: {  	v22 =	vsel vm1, $0xFFF00010, v8;
	vm0 =	vlt.f32 v15, v12;
	v20 =	vadd.s32 v21, v20  }
0x38c: {  	v21 =	vsel vm0, $0xFFF00100, v8;
	vm0 =	vlt.f32 v15, v13;
	v20 =	vadd.s32 v22, v20  }
0x38d: {  	v22 =	vsel vm0, $0xFFF01000, v8;
	vm0 =	vlt.f32 v15, v14;
	v20 =	vadd.s32 v21, v20;
	[tilespmem:v5+s0+$0x0] =	vst.idx.msk vm3, v9  }
0x38e: {  	vm1 =	vlt.f32 v16, v18;
	v21 =	vsel vm0, $0xFFF10000, v8;
	v20 =	vadd.s32 v22, v20  }
0x38f: {  	v22 =	vsel vm1, $0xFF000001, v8;
	vm0 =	vlt.f32 v16, v19;
	v20 =	vadd.s32 v21, v20  }
0x390: {  	v21 =	vsel vm0, $0xFF000010, v8;
	vm0 =	vlt.f32 v16, v15;
	v20 =	vadd.s32 v22, v20  }
.Ltmp5:
0x391: {  	vm1 =	vlt.f32 v16, v12;
	v22 =	vsel vm0, $0xFF100000, v8;
	v20 =	vadd.s32 v21, v20;
	(pc) =	sbr.rel @p0 .LBB2_11-.Ltmp5, $4  }
0x392: {  	vm0 =	vlt.f32 v16, v14;
	v21 =	vsel vm1, $0xFF000100, v8;
	v20 =	vadd.s32 v22, v20  }
0x393: {  	vm1 =	vlt.f32 v16, v13;
	v22 =	vsel vm0, $0xFF010000, v8;
	v20 =	vadd.s32 v21, v20  }
0x394: {  	vm0 =	vlt.f32 v17, v18;
	v18 =	vsel vm1, $0xFF001000, v8;
	v21 =	vadd.s32 v22, v20  }
0x395: {  	s8 =	sadd.s32 $0x800, s8;
	s9 =	sadd.s32 $0x10, s9;
	v20 =	vsel vm0, $0xF0000001, v8;
	vm0 =	vlt.f32 v17, v19;
	v18 =	vadd.s32 v18, v21  }
0x396: {  	v19 =	vsel vm0, $0xF0000010, v8;
	vm6 =	vlt.f32 v17, v14;
	v54 =	vadd.s32 v20, v18  }
0x397: {  	vm7 =	vlt.f32 v17, v16;
	v55 =	vsel vm6, $0xF0010000, v8;
	v56 =	vadd.s32 v19, v54  }
0x398: {  	vm1 =	vlt.f32 v17, v15;
	v57 =	vsel vm7, $0xF1000000, v8;
	v16 =	vadd.s32 v55, v56  }
0x399: {  	vm8 =	vlt.f32 v17, v12;
	v58 =	vsel vm1, $0xF0100000, v8;
	v15 =	vadd.s32 v57, v16  }
0x39a: {  	vm9 =	vlt.f32 v17, v13;
	v59 =	vsel vm8, $0xF0000100, v8;
	v12 =	vadd.s32 v58, v15  }
0x39b: {  	v13 =	vsel vm9, $0xF0001000, v8;
	v12 =	vadd.s32 v59, v12  }
0x39c: {  	vm10 =	veq.s32 v11, $0x0;
	v12 =	vadd.s32 v13, v12  }
0x39d: {  	vm5 =	veq.s32 v10, $0x0;
	v60 =	vand.u32 $0x4, v54;
	v11 =	vadd.s32 $0x76543210, v12  }
0x39e: {  	vm11 =	veq.s32 v60, $0x0;
	v12 =	vand.u32 $0x40, v11  }
0x39f: {  	v61 =	vand.u32 $0x400, v11;
	vm2 =	veq.s32 v12, $0x0  }
0x3a0: {  	v62 =	vand.u32 $0x4000, v11;
	vm3 =	veq.s32 v61, $0x0  }
0x3a1: {  	v10 =	vand.u32 $0x40000, v11;
	vm4 =	veq.s32 v62, $0x0  }
0x3a2: {  	[tilespmem:v6+s0+$0x0] =	vst.idx.msk vm10, v9;
	v63 =	vand.u32 $0x400000, v11;
	vm12 =	veq.s32 v10, $0x0  }
0x3a3: {  	[tilespmem:v7+s0+$0x0] =	vst.idx.msk vm5, v9;
	v10 =	vand.u32 $0x4000000, v11;
	vm13 =	veq.s32 v63, $0x0  }
0x3a4: {  	[tilespmem:v0+s2+$0x0] =	vst.idx.msk vm11, v9;
	v11 =	vand.u32 $0x40000000, v11;
	vm14 =	veq.s32 v10, $0x0  }
0x3a5: {  	vm15 =	veq.s32 v11, $0x0;
	[tilespmem:v1+s2+$0x0] =	vst.idx.msk vm2, v9  }
0x3a6: {  	[tilespmem:v2+s2+$0x0] =	vst.idx.msk vm3, v9  }
0x3a7: {  	[tilespmem:v3+s2+$0x0] =	vst.idx.msk vm4, v9  }
0x3a8: {  	[tilespmem:v4+s2+$0x0] =	vst.idx.msk vm12, v9  }
0x3a9: {  	[tilespmem:v5+s2+$0x0] =	vst.idx.msk vm13, v9  }
0x3aa: {  	[tilespmem:v6+s2+$0x0] =	vst.idx.msk vm14, v9  }
0x3ab: {  	[tilespmem:v7+s2+$0x0] =	vst.idx.msk vm15, v9  }
0x3ac: {  	s0 =	rddreg [dreg:$0x8]  }
0x3ad: {  	[hbm4b:s0+s5] =	stream.linear.scatter [tilespmem:s13], [sflag:$0x7], $0x4000, $0x38;
	[tilespmem:$0x18000] =	vst v63  }
0x3ae: {  	_ =	swait.ge [sflag:s25], $0x4000  }
0x3af: {  	[sflag:s25] =	ssyncset.done $0x0  }
0x3b0: {  	s29 =	simm.s32 $0x9;
	[sflag:s25] =	ssyncadd.s32 $0xFFFFC000  }
0x3b1: {  	_ =	swait.ge [sflag:s29], $0x4000  }
0x3b2: {  	[sflag:s29] =	ssyncset.done $0x0  }
0x3b3: {  	[sflag:s29] =	ssyncadd.s32 $0xFFFFC000  }
0x3b4: {  	_ =	swait.ge [sflag:s22], $0x4000  }
0x3b5: {  	s30 =	rddreg [dreg:$0xa]  }
0x3b6: {  	s31 =	rddreg [dreg:$0x9];
	s2 =	sadd.s32 $0x1, s30  }
0x3b7: {  	p0 =	sne.s32 s2, s31  }
.Ltmp6:
0x3b8: {  	_ = 	snop;
	(pc) =	sbr.rel @p0 .LBB2_1-.Ltmp6, $3  }
0x3b9: {  	_ =	sdelay $0x1  }
0x3ba: {  	[sflag:s22] =	ssyncset.done $0x0  }
0x3bb: {  	[sflag:s22] =	ssyncadd.s32 $0xFFFFC000  }
0x3bc: {  	_ =	sfence.sel $0x180000  }
0x3bd: {  	[bflag:$0x0] =	sbarrier.arrive $0xFFFF  }
0x3be: {  	_ =	strace $0x90000047  }
0x3bf: {  	s0 =	stileid.u32;
	[bflag:$0x2] =	sbarrier.arrive $0xFFFF  }
0x3c0: {  	p0 =	sne.s32 s0, $0x0;
	s0 =	rddreg [dreg:$0x3]  }
0x3c1: {  	s0 =	sadd.s32 @!p0 $0x100000, s0  }
0x3c2: {  	[sflag:s0] =	ssyncadd.tile.s32 @!p0 $0x1;
	_ =	shalt  }
.Lfunc_end2:
_tile_overlayer_lowered:
.L_overlay_start_2:
0x3c3: {  	(tag) =	ssettag $0x2  }
0x3c4: {  	s0 =	rddreg [dreg:$0x0];
	s2 =	stileid.u32  }
0x3c5: {  	s1 =	rddreg [dreg:$0x1];
	p0 =	sne.s32 s2, $0x0  }
0x3c6: {  	s3 =	rddreg [dreg:$0x2];
	[bflag:$0x3] =	sbarrier.arrive $0xFFFF;
	s2 =	simm.s32 @!p0 $0x1C0A  }
0x3c7: {  	[timem:s3], [sflag:s2] =	dma.local @!p0 [hbm:s0], s1  }
0x3c8: {  	s0 =	simm.s32 @!p0 $0xA  }
0x3c9: {  	_ =	swait.ge @!p0 [sflag:s0], s1  }
0x3ca: {  	s1 =	ssub.s32 @!p0 $0x0, s1;
	[sflag:s0] =	ssyncset.done @!p0 $0x0  }
0x3cb: {  	[sflag:s0] =	ssyncadd.s32 @!p0 s1  }
0x3cc: {  	[bflag:$0x3] =	sbarrier.arrive $0xFFFF  }
0x3cd: {  	_ =	shalt  }

</sc_bundles>
